<compile_context>
chip_gen: v7x
topology: tpu7x:2x2x1
jax: 0.10.2.dev20260603
libtpu: 0.0.44.dev20260713+nightly
codegen_flags: <defaults>
</compile_context>

<pallas_src>
import functools

import jax
import jax.numpy as jnp
from jax import lax
from jax.experimental import pallas as pl
from jax.experimental.pallas import tpu as pltpu
from jax.experimental.pallas import tpu_sc as plsc

_BN = 2000
_CH = 400
_SCALE = 512.0


def _leaky(v):
    return jnp.where(v > 0, v, 0.2 * v)



def _enc_body(x_ref, t_ref, W1_ref, b1_ref, W2_ref, b2_ref,
              eh_ref, ehs_ref, tw_ref):
    h = _leaky(jnp.dot(x_ref[...], W1_ref[...],
                       preferred_element_type=jnp.float32) + b1_ref[...])
    e = _leaky(jnp.dot(h, W2_ref[...],
                       preferred_element_type=jnp.float32) + b2_ref[...])
    eh_ref[0] = e[:, :128]
    eh_ref[1] = e[:, 128:]
    q = jnp.clip(jnp.round(e * _SCALE), -32767.0, 32767.0).astype(jnp.int16)
    ehs_ref[0] = q[:, :128]
    ehs_ref[1] = q[:, 128:]
    tw_ref[...] = jnp.broadcast_to(t_ref[...], (t_ref.shape[0], 16))


def _encoder(x, t2d, We1, be1, We2, be2):
    n, d = x.shape
    grid = (n // _BN,)
    full = lambda a: pl.BlockSpec(a.shape, lambda i: (0,) * a.ndim)
    return pl.pallas_call(
        _enc_body,
        grid=grid,
        in_specs=[
            pl.BlockSpec((_BN, d), lambda i: (i, 0)),
            pl.BlockSpec((_BN, 1), lambda i: (i, 0)),
            full(We1), full(be1), full(We2), full(be2),
        ],
        out_specs=[
            pl.BlockSpec((2, _BN, 128), lambda i: (0, i, 0)),
            pl.BlockSpec((2, _BN, 128), lambda i: (0, i, 0)),
            pl.BlockSpec((_BN, 16), lambda i: (i, 0)),
        ],
        out_shape=[
            jax.ShapeDtypeStruct((2, n, 128), jnp.float32),
            jax.ShapeDtypeStruct((2, n, 128), jnp.int16),
            jax.ShapeDtypeStruct((n, 16), jnp.float32),
        ],
    )(x, t2d, We1, be1, We2, be2)



def _sc_aggregate(eh, tw, edge_index):
    n = tw.shape[0]
    e = edge_index.shape[1]
    ns = 16
    ept = e // ns
    nchunk = ept // _CH
    zr = 632
    zr_last = n - zr * (ns - 1)
    mesh = plsc.VectorSubcoreMesh(core_axis_name="c", subcore_axis_name="s")

    @functools.partial(
        pl.kernel,
        out_type=(
            jax.ShapeDtypeStruct((2, n, 128), jnp.int16),
            jax.ShapeDtypeStruct((2, n, 16), jnp.float32),
        ),
        mesh=mesh,
        compiler_params=pltpu.CompilerParams(use_tc_tiling_on_sc=False),
        scratch_types=[
            pltpu.VMEM((2, _CH), jnp.int32),
            pltpu.VMEM((4, _CH), jnp.int32),
            pltpu.VMEM((2, _CH, 128), jnp.int16),
            pltpu.VMEM((2, _CH, 16), jnp.float32),
            pltpu.VMEM_SHARED((n, 128), jnp.int16),
            pltpu.VMEM_SHARED((n, 16), jnp.float32),
            pltpu.SemaphoreType.DMA((2,)),
            pltpu.SemaphoreType.DMA((2,)),
            pltpu.SemaphoreType.DMA((2,)),
            pltpu.SemaphoreType.DMA((4,)),
            pltpu.SemaphoreType.DMA((2,)),
            pltpu.SemaphoreType.DMA((2,)),
        ],
    )
    def k(eh_hbm, tw_hbm, ei_hbm, agg_hbm, tagg_hbm,
          sidx, didx, rows, trows, acc, tacc,
          gsem, tgsem, isem, dsem, ssem, tssem):
        c = lax.axis_index("c")
        s = lax.axis_index("s")
        src_hbm = ei_hbm.at[0]
        dst_hbm = ei_hbm.at[1]
        eh0_hbm = eh_hbm.at[0]
        eh1_hbm = eh_hbm.at[1]

        def chunk_slice(jv):
            return pl.ds(pl.multiple_of(s * ept + jv * _CH, 8), _CH)

        def per_tile_rows(fn):
            off = pl.multiple_of(s * zr, 8)

            @pl.when(s < ns - 1)
            def _():
                fn(pl.ds(off, zr))

            @pl.when(s == ns - 1)
            def _():
                fn(pl.ds(off, zr_last))

        @pl.loop(0, _CH)
        def _(r):
            for q in range(4):
                rows[0, r, pl.ds(q * 32, 32)] = jnp.zeros((32,), jnp.int16)
            trows[0, r] = jnp.zeros((16,), jnp.float32)

        def zero_acc(sl):
            cnt = sl.size
            rest = cnt - _CH
            off = sl.start
            pltpu.sync_copy(rows.at[0], acc.at[pl.ds(off, _CH)])
            pltpu.sync_copy(trows.at[0], tacc.at[pl.ds(off, _CH)])
            off2 = pl.multiple_of(off + _CH, 8)
            pltpu.sync_copy(rows.at[0, pl.ds(0, rest)],
                            acc.at[pl.ds(off2, rest)])
            pltpu.sync_copy(trows.at[0, pl.ds(0, rest)],
                            tacc.at[pl.ds(off2, rest)])

        per_tile_rows(zero_acc)
        plsc.subcore_barrier()

        def pipeline(table, tlo, thi):
            def twhen(jv, body):
                def run():
                    body()
                if isinstance(jv, int):
                    if tlo <= jv < thi:
                        run()
                    return
                pl.when(jnp.logical_and(jv >= tlo, jv < thi))(run)

            for jj in (0, 1):
                pltpu.sync_copy(src_hbm.at[chunk_slice(jj)], sidx.at[jj])
            for jj in (0, 1, 2, 3):
                pltpu.async_copy(dst_hbm.at[chunk_slice(jj)], didx.at[jj],
                                 dsem.at[jj])
            for jj in (0, 1):
                pltpu.async_copy(table.at[sidx.at[jj]], rows.at[jj],
                                 gsem.at[jj])
                twhen(jj, lambda jj=jj: pltpu.async_copy(
                    tw_hbm.at[sidx.at[jj]], trows.at[jj], tgsem.at[jj]))

            def stage(j, br, bd):
                pltpu.make_async_copy(table.at[sidx.at[br]], rows.at[br],
                                      gsem.at[br]).wait()
                twhen(j, lambda: pltpu.make_async_copy(
                    tw_hbm.at[sidx.at[br]], trows.at[br],
                    tgsem.at[br]).wait())

                @pl.when(j + 2 < nchunk)
                def _():
                    pltpu.async_copy(src_hbm.at[chunk_slice(j + 2)],
                                     sidx.at[br], isem.at[br])

                pltpu.make_async_copy(dst_hbm.at[chunk_slice(j)],
                                      didx.at[bd], dsem.at[bd]).wait()

                sdesc = pltpu.async_copy(rows.at[br], acc.at[didx.at[bd]],
                                         ssem.at[br], add=True)

                def tscat():
                    pltpu.async_copy(trows.at[br], tacc.at[didx.at[bd]],
                                     tssem.at[br], add=True).wait()

                twhen(j, tscat)
                sdesc.wait()

                @pl.when(j + 4 < nchunk)
                def _():
                    pltpu.async_copy(dst_hbm.at[chunk_slice(j + 4)],
                                     didx.at[bd], dsem.at[bd])

                @pl.when(j + 2 < nchunk)
                def _():
                    pltpu.make_async_copy(src_hbm.at[chunk_slice(j + 2)],
                                          sidx.at[br], isem.at[br]).wait()
                    pltpu.async_copy(table.at[sidx.at[br]], rows.at[br],
                                     gsem.at[br])
                    twhen(j + 2, lambda: pltpu.async_copy(
                        tw_hbm.at[sidx.at[br]], trows.at[br], tgsem.at[br]))

            @pl.loop(0, (nchunk - 1) // 4)
            def _(i):
                j0 = i * 4
                stage(j0, 0, 0)
                stage(j0 + 1, 1, 1)
                stage(j0 + 2, 0, 2)
                stage(j0 + 3, 1, 3)
            stage(jnp.int32(nchunk - 1), (nchunk - 1) % 2, (nchunk - 1) % 4)

        tsplit = (nchunk // 2) + 1

        @pl.when(c == 0)
        def _():
            pipeline(eh0_hbm, 0, tsplit)

        @pl.when(c == 1)
        def _():
            pipeline(eh1_hbm, tsplit, nchunk)

        plsc.subcore_barrier()

        def write_out(sl):
            pltpu.sync_copy(acc.at[sl], agg_hbm.at[c, sl])
            pltpu.sync_copy(tacc.at[sl], tagg_hbm.at[c, sl])

        per_tile_rows(write_out)

    return k(eh, tw, edge_index)



def _heads_body(eh_ref, agg_ref, t_ref, tagg_ref,
                Wg1_ref, bg1_ref, Wg2_ref, bg2_ref,
                Wd1_ref, bd1_ref, Wd2_ref, bd2_ref, Wd3_ref, bd3_ref,
                Wy1_ref, by1_ref, Wy2_ref, by2_ref,
                Wp1_ref, bp1_ref, Wp2_ref, bp2_ref, Wp3_ref, bp3_ref,
                tp_ref, y_ref):
    f32 = jnp.float32
    dot = lambda a, b: jnp.dot(a, b, preferred_element_type=f32)
    embed = jnp.concatenate([eh_ref[0], eh_ref[1]], axis=1)
    g = embed + jnp.concatenate([agg_ref[0], agg_ref[1]],
                                axis=1).astype(f32) * (1.0 / _SCALE)

    tpe = jnp.tanh(dot(_leaky_relu0(dot(g, Wg1_ref[...]) + bg1_ref[...]),
                       Wg2_ref[...]) + bg2_ref[...])
    h = _leaky(dot(tpe, Wd1_ref[0:256, :]) + dot(embed, Wd1_ref[256:512, :])
               + bd1_ref[...])
    h = _leaky(dot(h, Wd2_ref[...]) + bd2_ref[...])
    tp_ref[...] = jax.nn.sigmoid(dot(h, Wd3_ref[...]) + bd3_ref[...])

    tv = t_ref[...]
    t2 = tv + (tagg_ref[0, :, 0:1] + tagg_ref[1, :, 0:1])
    ry = dot(g, Wy1_ref[0:256, :]) + t2 * Wy1_ref[256:257, :] + by1_ref[...]
    ey = jnp.tanh(dot(_leaky_relu0(ry), Wy2_ref[...]) + by2_ref[...])
    h2 = _leaky(dot(ey, Wp1_ref[0:256, :]) + dot(embed, Wp1_ref[256:512, :])
                + tv * Wp1_ref[512:513, :] + bp1_ref[...])
    h2 = _leaky(dot(h2, Wp2_ref[...]) + bp2_ref[...])
    y_ref[...] = dot(h2, Wp3_ref[...]) + bp3_ref[...]


def _leaky_relu0(v):
    return jnp.maximum(v, 0.0)


def _heads(eh, agg, t2d, tagg16, weights):
    n = t2d.shape[0]
    grid = (n // _BN,)
    full = lambda a: pl.BlockSpec(a.shape, lambda i: (0,) * a.ndim)
    return pl.pallas_call(
        _heads_body,
        grid=grid,
        in_specs=[
            pl.BlockSpec((2, _BN, 128), lambda i: (0, i, 0)),
            pl.BlockSpec((2, _BN, 128), lambda i: (0, i, 0)),
            pl.BlockSpec((_BN, 1), lambda i: (i, 0)),
            pl.BlockSpec((2, _BN, 16), lambda i: (0, i, 0)),
        ] + [full(w) for w in weights],
        out_specs=[
            pl.BlockSpec((_BN, 1), lambda i: (i, 0)),
            pl.BlockSpec((_BN, 1), lambda i: (i, 0)),
        ],
        out_shape=[
            jax.ShapeDtypeStruct((n, 1), jnp.float32),
            jax.ShapeDtypeStruct((n, 1), jnp.float32),
        ],
    )(eh, agg, t2d, tagg16, *weights)



def kernel(x, t, z, edge_index, We1, be1, We2, be2, Wg1, bg1, Wg2, bg2,
           Wd1, bd1, Wd2, bd2, Wd3, bd3, Wy1, by1, Wy2, by2,
           Wp1, bp1, Wp2, bp2, Wp3, bp3):
    n = x.shape[0]
    t2d = t[:, None]

    eh, ehs, tw = _encoder(x, t2d, We1, be1[None, :], We2, be2[None, :])

    agg, tagg16 = _sc_aggregate(ehs, tw, edge_index)

    weights = (Wg1, bg1[None, :], Wg2, bg2[None, :],
               Wd1, bd1[None, :], Wd2, bd2[None, :], Wd3, bd3[None, :],
               Wy1, by1[None, :], Wy2, by2[None, :],
               Wp1, bp1[None, :], Wp2, bp2[None, :], Wp3, bp3[None, :])
    t_pred, y = _heads(eh, agg, t2d, tagg16, weights)
    return (t_pred, y)

# --- scband reference (transcript-rebuilt; emitter-appended) ---
"""Pipeline reference for scband-hinet-48704929137149 (READ-ONLY COPY).

The authoritative reference and input builder live on the scoring server;
editing this copy changes nothing except your own understanding.
"""

import jax, jax.numpy as jnp
import numpy as np

N = 10000
E = 160000
D = 256
H = 256


def _leaky(v):
    return jnp.where(v > 0, v, 0.2 * v)


def _lin_init(key, fan_in, fan_out):
    k1, k2 = jax.random.split(key)
    bound = 1.0 / np.sqrt(fan_in)
    W = jax.random.uniform(k1, (fan_in, fan_out), jnp.float32, -bound, bound)
    b = jax.random.uniform(k2, (fan_out,), jnp.float32, -bound, bound)
    return W, b


def setup_inputs(seed: int = 0):
    key = jax.random.key(seed)
    ks = jax.random.split(key, 20)
    inp = {}
    inp["x"] = jax.random.normal(ks[0], (N, D), jnp.float32)
    inp["t"] = jax.random.uniform(ks[1], (N,), jnp.float32)
    inp["z"] = jax.random.normal(ks[2], (N, 16), jnp.float32)
    inp["edge_index"] = jax.random.randint(ks[3], (2, E), 0, N, jnp.int32)
    inp["We1"], inp["be1"] = _lin_init(ks[4], D, H)
    inp["We2"], inp["be2"] = _lin_init(ks[5], H, H)
    inp["Wg1"], inp["bg1"] = _lin_init(ks[6], H, H)
    inp["Wg2"], inp["bg2"] = _lin_init(ks[7], H, H)
    inp["Wd1"], inp["bd1"] = _lin_init(ks[8], 2 * H, H)
    inp["Wd2"], inp["bd2"] = _lin_init(ks[9], H, H)
    inp["Wd3"], inp["bd3"] = _lin_init(ks[10], H, 1)
    inp["Wy1"], inp["by1"] = _lin_init(ks[11], H + 1, H)
    inp["Wy2"], inp["by2"] = _lin_init(ks[12], H, H)
    inp["Wp1"], inp["bp1"] = _lin_init(ks[13], 2 * H + 1, H)
    inp["Wp2"], inp["bp2"] = _lin_init(ks[14], H, H)
    inp["Wp3"], inp["bp3"] = _lin_init(ks[15], H, 1)
    return inp


def _gin(h, src, dst, W1, b1, W2, b2):
    # GINConv with eps=0: mlp(x + sum_{j in N(i)} x_j); mlp = Linear->ReLU->Linear->Tanh (dropout=0)
    agg = jnp.zeros_like(h).at[dst].add(h[src])
    out = h + agg
    out = jnp.maximum(out @ W1 + b1, 0.0)
    out = jnp.tanh(out @ W2 + b2)
    return out


def reference(x, t, z, edge_index, We1, be1, We2, be2, Wg1, bg1, Wg2, bg2, Wd1, bd1, Wd2, bd2, Wd3, bd3, Wy1, by1, Wy2, by2, Wp1, bp1, Wp2, bp2, Wp3, bp3):
    src, dst = edge_index[0], edge_index[1]
    # Encoder: Linear->LeakyReLU(0.2)->Linear->LeakyReLU(0.2)
    embed = _leaky(_leaky(x @ We1 + be1) @ We2 + be2)
    # Gradient reversal layer: identity in forward
    rev = embed
    # gin_predict branch
    tpe = _gin(rev, src, dst, Wg1, bg1, Wg2, bg2)
    tpe = jnp.concatenate([tpe, rev], axis=1)
    h = _leaky(tpe @ Wd1 + bd1)
    h = _leaky(h @ Wd2 + bd2)
    t_pred = jax.nn.sigmoid(h @ Wd3 + bd3)
    # gin_y branch
    ey_in = jnp.concatenate([embed, t[:, None]], axis=1)
    ey = _gin(ey_in, src, dst, Wy1, by1, Wy2, by2)
    ey = jnp.concatenate([ey, embed, t[:, None]], axis=1)
    h2 = _leaky(ey @ Wp1 + bp1)
    h2 = _leaky(h2 @ Wp2 + bp2)
    y = h2 @ Wp3 + bp3
    return (t_pred, y)

if __name__ == "__main__":
    import jax
    _d = setup_inputs()
    print(jax.jit(kernel)(*tuple(_d.values())))

</pallas_src>

<mosaic_0001>
#map = affine_map<(d0, d1) -> (0, 0, 0)>
#map1 = affine_map<(d0, d1) -> (0, 0)>
module attributes {stable_mosaic.version = 14 : i64} {
  func.func @k(%arg0: i32, %arg1: i32, %arg2: memref<2x10000x128xi16, #tpu.memory_space<hbm>>, %arg3: memref<10000x16xf32, #tpu.memory_space<hbm>>, %arg4: memref<2x160000xi32, #tpu.memory_space<hbm>>, %arg5: memref<2x10000x128xi16, #tpu.memory_space<hbm>>, %arg6: memref<2x10000x16xf32, #tpu.memory_space<hbm>>, %arg7: memref<2x400xi32, #tpu.memory_space<vmem>>, %arg8: memref<4x400xi32, #tpu.memory_space<vmem>>, %arg9: memref<2x400x128xi16, #tpu.memory_space<vmem>>, %arg10: memref<2x400x16xf32, #tpu.memory_space<vmem>>, %arg11: memref<10000x128xi16, #tpu.memory_space<vmem_shared>>, %arg12: memref<10000x16xf32, #tpu.memory_space<vmem_shared>>, %arg13: memref<2x!tpu.dma_semaphore, #tpu.memory_space<semaphore_mem>>, %arg14: memref<2x!tpu.dma_semaphore, #tpu.memory_space<semaphore_mem>>, %arg15: memref<2x!tpu.dma_semaphore, #tpu.memory_space<semaphore_mem>>, %arg16: memref<4x!tpu.dma_semaphore, #tpu.memory_space<semaphore_mem>>, %arg17: memref<2x!tpu.dma_semaphore, #tpu.memory_space<semaphore_mem>>, %arg18: memref<2x!tpu.dma_semaphore, #tpu.memory_space<semaphore_mem>>) attributes {dimension_semantics = [#tpu.dimension_semantics<core_parallel>, #tpu.dimension_semantics<subcore_parallel>], iteration_bounds = array<i64: 2, 16>, scalar_prefetch = 0 : i64, scratch_operands = 12 : i64, tpu.core_type = #tpu.core_type<sc_vector_subcore>, window_params = [{transform_indices = #map}, {transform_indices = #map1}, {transform_indices = #map1}, {transform_indices = #map}, {transform_indices = #map}]} {
    %scan3A = arith.constant 0 : i32
    %scan3A_0 = arith.constant 400 : i32
    %scan3A_1 = arith.addi %scan3A, %scan3A_0 : i32
    %scan3A_2 = arith.constant 1 : i32
    scf.for %scan3A_41 = %scan3A to %scan3A_1 step %scan3A_2  : i32 {
      %mul3A_42 = arith.constant 1 : i32
      %mul3A_43 = arith.muli %scan3A_41, %mul3A_42 : i32
      %add3A = arith.constant 0 : i32
      %add3A_44 = arith.addi %add3A, %mul3A_43 : i32
      %broadcast_in_dim3A = arith.constant 0 : i16
      %broadcast_in_dim3A_45 = vector.broadcast %broadcast_in_dim3A : i16 to vector<32xi16>
      %swap3A = arith.constant 0 : i32
      %swap3A_46 = arith.index_cast %swap3A : i32 to index
      %swap3A_47 = arith.index_cast %add3A_44 : i32 to index
      %swap3A_48 = arith.constant 0 : index
      %swap3A_49 = tpu.vector_load %arg9[%swap3A_46, %swap3A_47, %swap3A_48] {strides = array<i32>} : memref<2x400x128xi16, #tpu.memory_space<vmem>>, vector<1x1x32xi16>,
      %swap3A_50 = vector.shape_cast %swap3A_49 : vector<1x1x32xi16> to vector<32xi16>
      %swap3A_51 = vector.shape_cast %broadcast_in_dim3A_45 : vector<32xi16> to vector<1x1x32xi16>
      tpu.vector_store %arg9[%swap3A_46, %swap3A_47, %swap3A_48], %swap3A_51 {strides = array<i32>} : memref<2x400x128xi16, #tpu.memory_space<vmem>>, vector<1x1x32xi16>,
      %broadcast_in_dim3A_52 = arith.constant 0 : i16
      %broadcast_in_dim3A_53 = vector.broadcast %broadcast_in_dim3A_52 : i16 to vector<32xi16>
      %swap3A_54 = arith.constant 0 : i32
      %swap3A_55 = arith.index_cast %swap3A_54 : i32 to index
      %swap3A_56 = arith.index_cast %add3A_44 : i32 to index
      %swap3A_57 = arith.constant 32 : index
      %swap3A_58 = tpu.vector_load %arg9[%swap3A_55, %swap3A_56, %swap3A_57] {strides = array<i32>} : memref<2x400x128xi16, #tpu.memory_space<vmem>>, vector<1x1x32xi16>,
      %swap3A_59 = vector.shape_cast %swap3A_58 : vector<1x1x32xi16> to vector<32xi16>
      %swap3A_60 = vector.shape_cast %broadcast_in_dim3A_53 : vector<32xi16> to vector<1x1x32xi16>
      tpu.vector_store %arg9[%swap3A_55, %swap3A_56, %swap3A_57], %swap3A_60 {strides = array<i32>} : memref<2x400x128xi16, #tpu.memory_space<vmem>>, vector<1x1x32xi16>,
      %broadcast_in_dim3A_61 = arith.constant 0 : i16
      %broadcast_in_dim3A_62 = vector.broadcast %broadcast_in_dim3A_61 : i16 to vector<32xi16>
      %swap3A_63 = arith.constant 0 : i32
      %swap3A_64 = arith.index_cast %swap3A_63 : i32 to index
      %swap3A_65 = arith.index_cast %add3A_44 : i32 to index
      %swap3A_66 = arith.constant 64 : index
      %swap3A_67 = tpu.vector_load %arg9[%swap3A_64, %swap3A_65, %swap3A_66] {strides = array<i32>} : memref<2x400x128xi16, #tpu.memory_space<vmem>>, vector<1x1x32xi16>,
      %swap3A_68 = vector.shape_cast %swap3A_67 : vector<1x1x32xi16> to vector<32xi16>
      %swap3A_69 = vector.shape_cast %broadcast_in_dim3A_62 : vector<32xi16> to vector<1x1x32xi16>
      tpu.vector_store %arg9[%swap3A_64, %swap3A_65, %swap3A_66], %swap3A_69 {strides = array<i32>} : memref<2x400x128xi16, #tpu.memory_space<vmem>>, vector<1x1x32xi16>,
      %broadcast_in_dim3A_70 = arith.constant 0 : i16
      %broadcast_in_dim3A_71 = vector.broadcast %broadcast_in_dim3A_70 : i16 to vector<32xi16>
      %swap3A_72 = arith.constant 0 : i32
      %swap3A_73 = arith.index_cast %swap3A_72 : i32 to index
      %swap3A_74 = arith.index_cast %add3A_44 : i32 to index
      %swap3A_75 = arith.constant 96 : index
      %swap3A_76 = tpu.vector_load %arg9[%swap3A_73, %swap3A_74, %swap3A_75] {strides = array<i32>} : memref<2x400x128xi16, #tpu.memory_space<vmem>>, vector<1x1x32xi16>,
      %swap3A_77 = vector.shape_cast %swap3A_76 : vector<1x1x32xi16> to vector<32xi16>
      %swap3A_78 = vector.shape_cast %broadcast_in_dim3A_71 : vector<32xi16> to vector<1x1x32xi16>
      tpu.vector_store %arg9[%swap3A_73, %swap3A_74, %swap3A_75], %swap3A_78 {strides = array<i32>} : memref<2x400x128xi16, #tpu.memory_space<vmem>>, vector<1x1x32xi16>,
      %broadcast_in_dim3A_79 = arith.constant 0.000000e+00 : f32
      %broadcast_in_dim3A_80 = vector.broadcast %broadcast_in_dim3A_79 : f32 to vector<16xf32>
      %swap3A_81 = arith.constant 0 : i32
      %swap3A_82 = arith.index_cast %swap3A_81 : i32 to index
      %swap3A_83 = arith.index_cast %add3A_44 : i32 to index
      %swap3A_84 = arith.constant 0 : index
      %swap3A_85 = tpu.vector_load %arg10[%swap3A_82, %swap3A_83, %swap3A_84] {strides = array<i32>} : memref<2x400x16xf32, #tpu.memory_space<vmem>>, vector<1x1x16xf32>,
      %swap3A_86 = vector.shape_cast %swap3A_85 : vector<1x1x16xf32> to vector<16xf32>
      %swap3A_87 = vector.shape_cast %broadcast_in_dim3A_80 : vector<16xf32> to vector<1x1x16xf32>
      tpu.vector_store %arg10[%swap3A_82, %swap3A_83, %swap3A_84], %swap3A_87 {strides = array<i32>} : memref<2x400x16xf32, #tpu.memory_space<vmem>>, vector<1x1x16xf32>,
    }
    %scan3A_3 = arith.constant 400 : i32
    %mul3A = arith.constant 632 : i32
    %mul3A_4 = arith.muli %arg1, %mul3A : i32
    %multiple_of3A = tpu.assume_multiple %mul3A_4, 8 : i32
    %lt3A = arith.constant 15 : i32
    %lt3A_5 = arith.cmpi slt, %arg1, %lt3A : i32
    %convert_element_type3A = arith.extui %lt3A_5 : i1 to i32
    %cond3A = arith.constant 0 : i32
    %cond3A_6 = arith.cmpi ne, %convert_element_type3A, %cond3A : i32
    scf.if %cond3A_6 {
      %run_scoped3A = arith.constant 0 : i32
      "tpu.region"() ({
        %run_scoped3A_46 = tpu.sem_alloc : memref<!tpu.dma_semaphore, #tpu.memory_space<semaphore_mem>>
        %dma_start3A = arith.constant 0 : i32
        %dma_start3A_47 = arith.constant 0 : i32
        %dma_start3A_48 = tpu.memref_slice %arg9[%run_scoped3A, %dma_start3A, %dma_start3A_47] : memref<2x400x128xi16, #tpu.memory_space<vmem>> -> memref<1x400x128xi16, #tpu.memory_space<vmem>>
        %dma_start3A_49 = tpu.memref_squeeze %dma_start3A_48 : memref<1x400x128xi16, #tpu.memory_space<vmem>> -> memref<400x128xi16, #tpu.memory_space<vmem>>
        %dma_start3A_50 = arith.constant 0 : i32
        %dma_start3A_51 = tpu.memref_slice %arg11[%multiple_of3A, %dma_start3A_50] : memref<10000x128xi16, #tpu.memory_space<vmem_shared>> -> memref<400x128xi16, #tpu.memory_space<vmem_shared>>
        %dma_start3A_52 = arith.constant 0 : i32
        %dma_start3A_53 = tpu.memref_slice %arg11[%multiple_of3A, %dma_start3A_52] : memref<10000x128xi16, #tpu.memory_space<vmem_shared>> -> memref<400x128xi16, #tpu.memory_space<vmem_shared>>
        %dma_start3A_54 = arith.constant 0 : i32
        %dma_start3A_55 = arith.constant 0 : i32
        %dma_start3A_56 = tpu.memref_slice %arg9[%run_scoped3A, %dma_start3A_54, %dma_start3A_55] : memref<2x400x128xi16, #tpu.memory_space<vmem>> -> memref<1x400x128xi16, #tpu.memory_space<vmem>>
        %dma_start3A_57 = tpu.memref_squeeze %dma_start3A_56 : memref<1x400x128xi16, #tpu.memory_space<vmem>> -> memref<400x128xi16, #tpu.memory_space<vmem>>
        tpu.enqueue_dma source(%dma_start3A_57 : memref<400x128xi16, #tpu.memory_space<vmem>>) target(%dma_start3A_53 : memref<400x128xi16, #tpu.memory_space<vmem_shared>>) target_semaphore(%run_scoped3A_46 : memref<!tpu.dma_semaphore, #tpu.memory_space<semaphore_mem>>)
        %dma_wait3A = arith.constant 0 : i32
        %dma_wait3A_58 = arith.constant 0 : i32
        %dma_wait3A_59 = tpu.memref_slice %arg9[%run_scoped3A, %dma_wait3A, %dma_wait3A_58] : memref<2x400x128xi16, #tpu.memory_space<vmem>> -> memref<1x400x128xi16, #tpu.memory_space<vmem>>
        %dma_wait3A_60 = tpu.memref_squeeze %dma_wait3A_59 : memref<1x400x128xi16, #tpu.memory_space<vmem>> -> memref<400x128xi16, #tpu.memory_space<vmem>>
        %dma_wait3A_61 = arith.constant 0 : i32
        %dma_wait3A_62 = tpu.memref_slice %arg11[%multiple_of3A, %dma_wait3A_61] : memref<10000x128xi16, #tpu.memory_space<vmem_shared>> -> memref<400x128xi16, #tpu.memory_space<vmem_shared>>
        %dma_wait3A_63 = arith.constant 0 : i32
        %dma_wait3A_64 = tpu.memref_slice %arg11[%multiple_of3A, %dma_wait3A_63] : memref<10000x128xi16, #tpu.memory_space<vmem_shared>> -> memref<400x128xi16, #tpu.memory_space<vmem_shared>>
        %dma_wait3A_65 = arith.constant 0 : i32
        %dma_wait3A_66 = arith.constant 0 : i32
        %dma_wait3A_67 = tpu.memref_slice %arg9[%run_scoped3A, %dma_wait3A_65, %dma_wait3A_66] : memref<2x400x128xi16, #tpu.memory_space<vmem>> -> memref<1x400x128xi16, #tpu.memory_space<vmem>>
        %dma_wait3A_68 = tpu.memref_squeeze %dma_wait3A_67 : memref<1x400x128xi16, #tpu.memory_space<vmem>> -> memref<400x128xi16, #tpu.memory_space<vmem>>
        tpu.wait_dma2 semaphore(%run_scoped3A_46 : memref<!tpu.dma_semaphore, #tpu.memory_space<semaphore_mem>>) src(%dma_wait3A_68 : memref<400x128xi16, #tpu.memory_space<vmem>>) dst(%dma_wait3A_64 : memref<400x128xi16, #tpu.memory_space<vmem_shared>>)
        tpu.yield
      }) : () -> ()
      %run_scoped3A_41 = arith.constant 0 : i32
      "tpu.region"() ({
        %run_scoped3A_46 = tpu.sem_alloc : memref<!tpu.dma_semaphore, #tpu.memory_space<semaphore_mem>>
        %dma_start3A = arith.constant 0 : i32
        %dma_start3A_47 = arith.constant 0 : i32
        %dma_start3A_48 = tpu.memref_slice %arg10[%run_scoped3A_41, %dma_start3A, %dma_start3A_47] : memref<2x400x16xf32, #tpu.memory_space<vmem>> -> memref<1x400x16xf32, #tpu.memory_space<vmem>>
        %dma_start3A_49 = tpu.memref_squeeze %dma_start3A_48 : memref<1x400x16xf32, #tpu.memory_space<vmem>> -> memref<400x16xf32, #tpu.memory_space<vmem>>
        %dma_start3A_50 = arith.constant 0 : i32
        %dma_start3A_51 = tpu.memref_slice %arg12[%multiple_of3A, %dma_start3A_50] : memref<10000x16xf32, #tpu.memory_space<vmem_shared>> -> memref<400x16xf32, #tpu.memory_space<vmem_shared>>
        %dma_start3A_52 = arith.constant 0 : i32
        %dma_start3A_53 = tpu.memref_slice %arg12[%multiple_of3A, %dma_start3A_52] : memref<10000x16xf32, #tpu.memory_space<vmem_shared>> -> memref<400x16xf32, #tpu.memory_space<vmem_shared>>
        %dma_start3A_54 = arith.constant 0 : i32
        %dma_start3A_55 = arith.constant 0 : i32
        %dma_start3A_56 = tpu.memref_slice %arg10[%run_scoped3A_41, %dma_start3A_54, %dma_start3A_55] : memref<2x400x16xf32, #tpu.memory_space<vmem>> -> memref<1x400x16xf32, #tpu.memory_space<vmem>>
        %dma_start3A_57 = tpu.memref_squeeze %dma_start3A_56 : memref<1x400x16xf32, #tpu.memory_space<vmem>> -> memref<400x16xf32, #tpu.memory_space<vmem>>
        tpu.enqueue_dma source(%dma_start3A_57 : memref<400x16xf32, #tpu.memory_space<vmem>>) target(%dma_start3A_53 : memref<400x16xf32, #tpu.memory_space<vmem_shared>>) target_semaphore(%run_scoped3A_46 : memref<!tpu.dma_semaphore, #tpu.memory_space<semaphore_mem>>)
        %dma_wait3A = arith.constant 0 : i32
        %dma_wait3A_58 = arith.constant 0 : i32
        %dma_wait3A_59 = tpu.memref_slice %arg10[%run_scoped3A_41, %dma_wait3A, %dma_wait3A_58] : memref<2x400x16xf32, #tpu.memory_space<vmem>> -> memref<1x400x16xf32, #tpu.memory_space<vmem>>
        %dma_wait3A_60 = tpu.memref_squeeze %dma_wait3A_59 : memref<1x400x16xf32, #tpu.memory_space<vmem>> -> memref<400x16xf32, #tpu.memory_space<vmem>>
        %dma_wait3A_61 = arith.constant 0 : i32
        %dma_wait3A_62 = tpu.memref_slice %arg12[%multiple_of3A, %dma_wait3A_61] : memref<10000x16xf32, #tpu.memory_space<vmem_shared>> -> memref<400x16xf32, #tpu.memory_space<vmem_shared>>
        %dma_wait3A_63 = arith.constant 0 : i32
        %dma_wait3A_64 = tpu.memref_slice %arg12[%multiple_of3A, %dma_wait3A_63] : memref<10000x16xf32, #tpu.memory_space<vmem_shared>> -> memref<400x16xf32, #tpu.memory_space<vmem_shared>>
        %dma_wait3A_65 = arith.constant 0 : i32
        %dma_wait3A_66 = arith.constant 0 : i32
        %dma_wait3A_67 = tpu.memref_slice %arg10[%run_scoped3A_41, %dma_wait3A_65, %dma_wait3A_66] : memref<2x400x16xf32, #tpu.memory_space<vmem>> -> memref<1x400x16xf32, #tpu.memory_space<vmem>>
        %dma_wait3A_68 = tpu.memref_squeeze %dma_wait3A_67 : memref<1x400x16xf32, #tpu.memory_space<vmem>> -> memref<400x16xf32, #tpu.memory_space<vmem>>
        tpu.wait_dma2 semaphore(%run_scoped3A_46 : memref<!tpu.dma_semaphore, #tpu.memory_space<semaphore_mem>>) src(%dma_wait3A_68 : memref<400x16xf32, #tpu.memory_space<vmem>>) dst(%dma_wait3A_64 : memref<400x16xf32, #tpu.memory_space<vmem_shared>>)
        tpu.yield
      }) : () -> ()
      %add3A = arith.constant 400 : i32
      %add3A_42 = arith.addi %multiple_of3A, %add3A : i32
      %multiple_of3A_43 = tpu.assume_multiple %add3A_42, 8 : i32
      %run_scoped3A_44 = arith.constant 0 : i32
      "tpu.region"() ({
        %run_scoped3A_46 = tpu.sem_alloc : memref<!tpu.dma_semaphore, #tpu.memory_space<semaphore_mem>>
        %dma_start3A = arith.constant 0 : i32
        %dma_start3A_47 = arith.constant 0 : i32
        %dma_start3A_48 = tpu.memref_slice %arg9[%run_scoped3A_44, %dma_start3A, %dma_start3A_47] : memref<2x400x128xi16, #tpu.memory_space<vmem>> -> memref<1x232x128xi16, #tpu.memory_space<vmem>>
        %dma_start3A_49 = tpu.memref_squeeze %dma_start3A_48 : memref<1x232x128xi16, #tpu.memory_space<vmem>> -> memref<232x128xi16, #tpu.memory_space<vmem>>
        %dma_start3A_50 = arith.constant 0 : i32
        %dma_start3A_51 = tpu.memref_slice %arg11[%multiple_of3A_43, %dma_start3A_50] : memref<10000x128xi16, #tpu.memory_space<vmem_shared>> -> memref<232x128xi16, #tpu.memory_space<vmem_shared>>
        %dma_start3A_52 = arith.constant 0 : i32
        %dma_start3A_53 = tpu.memref_slice %arg11[%multiple_of3A_43, %dma_start3A_52] : memref<10000x128xi16, #tpu.memory_space<vmem_shared>> -> memref<232x128xi16, #tpu.memory_space<vmem_shared>>
        %dma_start3A_54 = arith.constant 0 : i32
        %dma_start3A_55 = arith.constant 0 : i32
        %dma_start3A_56 = tpu.memref_slice %arg9[%run_scoped3A_44, %dma_start3A_54, %dma_start3A_55] : memref<2x400x128xi16, #tpu.memory_space<vmem>> -> memref<1x232x128xi16, #tpu.memory_space<vmem>>
        %dma_start3A_57 = tpu.memref_squeeze %dma_start3A_56 : memref<1x232x128xi16, #tpu.memory_space<vmem>> -> memref<232x128xi16, #tpu.memory_space<vmem>>
        tpu.enqueue_dma source(%dma_start3A_57 : memref<232x128xi16, #tpu.memory_space<vmem>>) target(%dma_start3A_53 : memref<232x128xi16, #tpu.memory_space<vmem_shared>>) target_semaphore(%run_scoped3A_46 : memref<!tpu.dma_semaphore, #tpu.memory_space<semaphore_mem>>)
        %dma_wait3A = arith.constant 0 : i32
        %dma_wait3A_58 = arith.constant 0 : i32
        %dma_wait3A_59 = tpu.memref_slice %arg9[%run_scoped3A_44, %dma_wait3A, %dma_wait3A_58] : memref<2x400x128xi16, #tpu.memory_space<vmem>> -> memref<1x232x128xi16, #tpu.memory_space<vmem>>
        %dma_wait3A_60 = tpu.memref_squeeze %dma_wait3A_59 : memref<1x232x128xi16, #tpu.memory_space<vmem>> -> memref<232x128xi16, #tpu.memory_space<vmem>>
        %dma_wait3A_61 = arith.constant 0 : i32
        %dma_wait3A_62 = tpu.memref_slice %arg11[%multiple_of3A_43, %dma_wait3A_61] : memref<10000x128xi16, #tpu.memory_space<vmem_shared>> -> memref<232x128xi16, #tpu.memory_space<vmem_shared>>
        %dma_wait3A_63 = arith.constant 0 : i32
        %dma_wait3A_64 = tpu.memref_slice %arg11[%multiple_of3A_43, %dma_wait3A_63] : memref<10000x128xi16, #tpu.memory_space<vmem_shared>> -> memref<232x128xi16, #tpu.memory_space<vmem_shared>>
        %dma_wait3A_65 = arith.constant 0 : i32
        %dma_wait3A_66 = arith.constant 0 : i32
        %dma_wait3A_67 = tpu.memref_slice %arg9[%run_scoped3A_44, %dma_wait3A_65, %dma_wait3A_66] : memref<2x400x128xi16, #tpu.memory_space<vmem>> -> memref<1x232x128xi16, #tpu.memory_space<vmem>>
        %dma_wait3A_68 = tpu.memref_squeeze %dma_wait3A_67 : memref<1x232x128xi16, #tpu.memory_space<vmem>> -> memref<232x128xi16, #tpu.memory_space<vmem>>
        tpu.wait_dma2 semaphore(%run_scoped3A_46 : memref<!tpu.dma_semaphore, #tpu.memory_space<semaphore_mem>>) src(%dma_wait3A_68 : memref<232x128xi16, #tpu.memory_space<vmem>>) dst(%dma_wait3A_64 : memref<232x128xi16, #tpu.memory_space<vmem_shared>>)
        tpu.yield
      }) : () -> ()
      %run_scoped3A_45 = arith.constant 0 : i32
      "tpu.region"() ({
        %run_scoped3A_46 = tpu.sem_alloc : memref<!tpu.dma_semaphore, #tpu.memory_space<semaphore_mem>>
        %dma_start3A = arith.constant 0 : i32
        %dma_start3A_47 = arith.constant 0 : i32
        %dma_start3A_48 = tpu.memref_slice %arg10[%run_scoped3A_45, %dma_start3A, %dma_start3A_47] : memref<2x400x16xf32, #tpu.memory_space<vmem>> -> memref<1x232x16xf32, #tpu.memory_space<vmem>>
        %dma_start3A_49 = tpu.memref_squeeze %dma_start3A_48 : memref<1x232x16xf32, #tpu.memory_space<vmem>> -> memref<232x16xf32, #tpu.memory_space<vmem>>
        %dma_start3A_50 = arith.constant 0 : i32
        %dma_start3A_51 = tpu.memref_slice %arg12[%multiple_of3A_43, %dma_start3A_50] : memref<10000x16xf32, #tpu.memory_space<vmem_shared>> -> memref<232x16xf32, #tpu.memory_space<vmem_shared>>
        %dma_start3A_52 = arith.constant 0 : i32
        %dma_start3A_53 = tpu.memref_slice %arg12[%multiple_of3A_43, %dma_start3A_52] : memref<10000x16xf32, #tpu.memory_space<vmem_shared>> -> memref<232x16xf32, #tpu.memory_space<vmem_shared>>
        %dma_start3A_54 = arith.constant 0 : i32
        %dma_start3A_55 = arith.constant 0 : i32
        %dma_start3A_56 = tpu.memref_slice %arg10[%run_scoped3A_45, %dma_start3A_54, %dma_start3A_55] : memref<2x400x16xf32, #tpu.memory_space<vmem>> -> memref<1x232x16xf32, #tpu.memory_space<vmem>>
        %dma_start3A_57 = tpu.memref_squeeze %dma_start3A_56 : memref<1x232x16xf32, #tpu.memory_space<vmem>> -> memref<232x16xf32, #tpu.memory_space<vmem>>
        tpu.enqueue_dma source(%dma_start3A_57 : memref<232x16xf32, #tpu.memory_space<vmem>>) target(%dma_start3A_53 : memref<232x16xf32, #tpu.memory_space<vmem_shared>>) target_semaphore(%run_scoped3A_46 : memref<!tpu.dma_semaphore, #tpu.memory_space<semaphore_mem>>)
        %dma_wait3A = arith.constant 0 : i32
        %dma_wait3A_58 = arith.constant 0 : i32
        %dma_wait3A_59 = tpu.memref_slice %arg10[%run_scoped3A_45, %dma_wait3A, %dma_wait3A_58] : memref<2x400x16xf32, #tpu.memory_space<vmem>> -> memref<1x232x16xf32, #tpu.memory_space<vmem>>
        %dma_wait3A_60 = tpu.memref_squeeze %dma_wait3A_59 : memref<1x232x16xf32, #tpu.memory_space<vmem>> -> memref<232x16xf32, #tpu.memory_space<vmem>>
        %dma_wait3A_61 = arith.constant 0 : i32
        %dma_wait3A_62 = tpu.memref_slice %arg12[%multiple_of3A_43, %dma_wait3A_61] : memref<10000x16xf32, #tpu.memory_space<vmem_shared>> -> memref<232x16xf32, #tpu.memory_space<vmem_shared>>
        %dma_wait3A_63 = arith.constant 0 : i32
        %dma_wait3A_64 = tpu.memref_slice %arg12[%multiple_of3A_43, %dma_wait3A_63] : memref<10000x16xf32, #tpu.memory_space<vmem_shared>> -> memref<232x16xf32, #tpu.memory_space<vmem_shared>>
        %dma_wait3A_65 = arith.constant 0 : i32
        %dma_wait3A_66 = arith.constant 0 : i32
        %dma_wait3A_67 = tpu.memref_slice %arg10[%run_scoped3A_45, %dma_wait3A_65, %dma_wait3A_66] : memref<2x400x16xf32, #tpu.memory_space<vmem>> -> memref<1x232x16xf32, #tpu.memory_space<vmem>>
        %dma_wait3A_68 = tpu.memref_squeeze %dma_wait3A_67 : memref<1x232x16xf32, #tpu.memory_space<vmem>> -> memref<232x16xf32, #tpu.memory_space<vmem>>
        tpu.wait_dma2 semaphore(%run_scoped3A_46 : memref<!tpu.dma_semaphore, #tpu.memory_space<semaphore_mem>>) src(%dma_wait3A_68 : memref<232x16xf32, #tpu.memory_space<vmem>>) dst(%dma_wait3A_64 : memref<232x16xf32, #tpu.memory_space<vmem_shared>>)
        tpu.yield
      }) : () -> ()
    } else {
    }
    %eq3A = arith.constant 15 : i32
    %eq3A_7 = arith.cmpi eq, %arg1, %eq3A : i32
    %convert_element_type3A_8 = arith.extui %eq3A_7 : i1 to i32
    %cond3A_9 = arith.constant 0 : i32
    %cond3A_10 = arith.cmpi ne, %convert_element_type3A_8, %cond3A_9 : i32
    scf.if %cond3A_10 {
      %run_scoped3A = arith.constant 0 : i32
      "tpu.region"() ({
        %run_scoped3A_46 = tpu.sem_alloc : memref<!tpu.dma_semaphore, #tpu.memory_space<semaphore_mem>>
        %dma_start3A = arith.constant 0 : i32
        %dma_start3A_47 = arith.constant 0 : i32
        %dma_start3A_48 = tpu.memref_slice %arg9[%run_scoped3A, %dma_start3A, %dma_start3A_47] : memref<2x400x128xi16, #tpu.memory_space<vmem>> -> memref<1x400x128xi16, #tpu.memory_space<vmem>>
        %dma_start3A_49 = tpu.memref_squeeze %dma_start3A_48 : memref<1x400x128xi16, #tpu.memory_space<vmem>> -> memref<400x128xi16, #tpu.memory_space<vmem>>
        %dma_start3A_50 = arith.constant 0 : i32
        %dma_start3A_51 = tpu.memref_slice %arg11[%multiple_of3A, %dma_start3A_50] : memref<10000x128xi16, #tpu.memory_space<vmem_shared>> -> memref<400x128xi16, #tpu.memory_space<vmem_shared>>
        %dma_start3A_52 = arith.constant 0 : i32
        %dma_start3A_53 = tpu.memref_slice %arg11[%multiple_of3A, %dma_start3A_52] : memref<10000x128xi16, #tpu.memory_space<vmem_shared>> -> memref<400x128xi16, #tpu.memory_space<vmem_shared>>
        %dma_start3A_54 = arith.constant 0 : i32
        %dma_start3A_55 = arith.constant 0 : i32
        %dma_start3A_56 = tpu.memref_slice %arg9[%run_scoped3A, %dma_start3A_54, %dma_start3A_55] : memref<2x400x128xi16, #tpu.memory_space<vmem>> -> memref<1x400x128xi16, #tpu.memory_space<vmem>>
        %dma_start3A_57 = tpu.memref_squeeze %dma_start3A_56 : memref<1x400x128xi16, #tpu.memory_space<vmem>> -> memref<400x128xi16, #tpu.memory_space<vmem>>
        tpu.enqueue_dma source(%dma_start3A_57 : memref<400x128xi16, #tpu.memory_space<vmem>>) target(%dma_start3A_53 : memref<400x128xi16, #tpu.memory_space<vmem_shared>>) target_semaphore(%run_scoped3A_46 : memref<!tpu.dma_semaphore, #tpu.memory_space<semaphore_mem>>)
        %dma_wait3A = arith.constant 0 : i32
        %dma_wait3A_58 = arith.constant 0 : i32
        %dma_wait3A_59 = tpu.memref_slice %arg9[%run_scoped3A, %dma_wait3A, %dma_wait3A_58] : memref<2x400x128xi16, #tpu.memory_space<vmem>> -> memref<1x400x128xi16, #tpu.memory_space<vmem>>
        %dma_wait3A_60 = tpu.memref_squeeze %dma_wait3A_59 : memref<1x400x128xi16, #tpu.memory_space<vmem>> -> memref<400x128xi16, #tpu.memory_space<vmem>>
        %dma_wait3A_61 = arith.constant 0 : i32
        %dma_wait3A_62 = tpu.memref_slice %arg11[%multiple_of3A, %dma_wait3A_61] : memref<10000x128xi16, #tpu.memory_space<vmem_shared>> -> memref<400x128xi16, #tpu.memory_space<vmem_shared>>
        %dma_wait3A_63 = arith.constant 0 : i32
        %dma_wait3A_64 = tpu.memref_slice %arg11[%multiple_of3A, %dma_wait3A_63] : memref<10000x128xi16, #tpu.memory_space<vmem_shared>> -> memref<400x128xi16, #tpu.memory_space<vmem_shared>>
        %dma_wait3A_65 = arith.constant 0 : i32
        %dma_wait3A_66 = arith.constant 0 : i32
        %dma_wait3A_67 = tpu.memref_slice %arg9[%run_scoped3A, %dma_wait3A_65, %dma_wait3A_66] : memref<2x400x128xi16, #tpu.memory_space<vmem>> -> memref<1x400x128xi16, #tpu.memory_space<vmem>>
        %dma_wait3A_68 = tpu.memref_squeeze %dma_wait3A_67 : memref<1x400x128xi16, #tpu.memory_space<vmem>> -> memref<400x128xi16, #tpu.memory_space<vmem>>
        tpu.wait_dma2 semaphore(%run_scoped3A_46 : memref<!tpu.dma_semaphore, #tpu.memory_space<semaphore_mem>>) src(%dma_wait3A_68 : memref<400x128xi16, #tpu.memory_space<vmem>>) dst(%dma_wait3A_64 : memref<400x128xi16, #tpu.memory_space<vmem_shared>>)
        tpu.yield
      }) : () -> ()
      %run_scoped3A_41 = arith.constant 0 : i32
      "tpu.region"() ({
        %run_scoped3A_46 = tpu.sem_alloc : memref<!tpu.dma_semaphore, #tpu.memory_space<semaphore_mem>>
        %dma_start3A = arith.constant 0 : i32
        %dma_start3A_47 = arith.constant 0 : i32
        %dma_start3A_48 = tpu.memref_slice %arg10[%run_scoped3A_41, %dma_start3A, %dma_start3A_47] : memref<2x400x16xf32, #tpu.memory_space<vmem>> -> memref<1x400x16xf32, #tpu.memory_space<vmem>>
        %dma_start3A_49 = tpu.memref_squeeze %dma_start3A_48 : memref<1x400x16xf32, #tpu.memory_space<vmem>> -> memref<400x16xf32, #tpu.memory_space<vmem>>
        %dma_start3A_50 = arith.constant 0 : i32
        %dma_start3A_51 = tpu.memref_slice %arg12[%multiple_of3A, %dma_start3A_50] : memref<10000x16xf32, #tpu.memory_space<vmem_shared>> -> memref<400x16xf32, #tpu.memory_space<vmem_shared>>
        %dma_start3A_52 = arith.constant 0 : i32
        %dma_start3A_53 = tpu.memref_slice %arg12[%multiple_of3A, %dma_start3A_52] : memref<10000x16xf32, #tpu.memory_space<vmem_shared>> -> memref<400x16xf32, #tpu.memory_space<vmem_shared>>
        %dma_start3A_54 = arith.constant 0 : i32
        %dma_start3A_55 = arith.constant 0 : i32
        %dma_start3A_56 = tpu.memref_slice %arg10[%run_scoped3A_41, %dma_start3A_54, %dma_start3A_55] : memref<2x400x16xf32, #tpu.memory_space<vmem>> -> memref<1x400x16xf32, #tpu.memory_space<vmem>>
        %dma_start3A_57 = tpu.memref_squeeze %dma_start3A_56 : memref<1x400x16xf32, #tpu.memory_space<vmem>> -> memref<400x16xf32, #tpu.memory_space<vmem>>
        tpu.enqueue_dma source(%dma_start3A_57 : memref<400x16xf32, #tpu.memory_space<vmem>>) target(%dma_start3A_53 : memref<400x16xf32, #tpu.memory_space<vmem_shared>>) target_semaphore(%run_scoped3A_46 : memref<!tpu.dma_semaphore, #tpu.memory_space<semaphore_mem>>)
        %dma_wait3A = arith.constant 0 : i32
        %dma_wait3A_58 = arith.constant 0 : i32
        %dma_wait3A_59 = tpu.memref_slice %arg10[%run_scoped3A_41, %dma_wait3A, %dma_wait3A_58] : memref<2x400x16xf32, #tpu.memory_space<vmem>> -> memref<1x400x16xf32, #tpu.memory_space<vmem>>
        %dma_wait3A_60 = tpu.memref_squeeze %dma_wait3A_59 : memref<1x400x16xf32, #tpu.memory_space<vmem>> -> memref<400x16xf32, #tpu.memory_space<vmem>>
        %dma_wait3A_61 = arith.constant 0 : i32
        %dma_wait3A_62 = tpu.memref_slice %arg12[%multiple_of3A, %dma_wait3A_61] : memref<10000x16xf32, #tpu.memory_space<vmem_shared>> -> memref<400x16xf32, #tpu.memory_space<vmem_shared>>
        %dma_wait3A_63 = arith.constant 0 : i32
        %dma_wait3A_64 = tpu.memref_slice %arg12[%multiple_of3A, %dma_wait3A_63] : memref<10000x16xf32, #tpu.memory_space<vmem_shared>> -> memref<400x16xf32, #tpu.memory_space<vmem_shared>>
        %dma_wait3A_65 = arith.constant 0 : i32
        %dma_wait3A_66 = arith.constant 0 : i32
        %dma_wait3A_67 = tpu.memref_slice %arg10[%run_scoped3A_41, %dma_wait3A_65, %dma_wait3A_66] : memref<2x400x16xf32, #tpu.memory_space<vmem>> -> memref<1x400x16xf32, #tpu.memory_space<vmem>>
        %dma_wait3A_68 = tpu.memref_squeeze %dma_wait3A_67 : memref<1x400x16xf32, #tpu.memory_space<vmem>> -> memref<400x16xf32, #tpu.memory_space<vmem>>
        tpu.wait_dma2 semaphore(%run_scoped3A_46 : memref<!tpu.dma_semaphore, #tpu.memory_space<semaphore_mem>>) src(%dma_wait3A_68 : memref<400x16xf32, #tpu.memory_space<vmem>>) dst(%dma_wait3A_64 : memref<400x16xf32, #tpu.memory_space<vmem_shared>>)
        tpu.yield
      }) : () -> ()
      %add3A = arith.constant 400 : i32
      %add3A_42 = arith.addi %multiple_of3A, %add3A : i32
      %multiple_of3A_43 = tpu.assume_multiple %add3A_42, 8 : i32
      %run_scoped3A_44 = arith.constant 0 : i32
      "tpu.region"() ({
        %run_scoped3A_46 = tpu.sem_alloc : memref<!tpu.dma_semaphore, #tpu.memory_space<semaphore_mem>>
        %dma_start3A = arith.constant 0 : i32
        %dma_start3A_47 = arith.constant 0 : i32
        %dma_start3A_48 = tpu.memref_slice %arg9[%run_scoped3A_44, %dma_start3A, %dma_start3A_47] : memref<2x400x128xi16, #tpu.memory_space<vmem>> -> memref<1x120x128xi16, #tpu.memory_space<vmem>>
        %dma_start3A_49 = tpu.memref_squeeze %dma_start3A_48 : memref<1x120x128xi16, #tpu.memory_space<vmem>> -> memref<120x128xi16, #tpu.memory_space<vmem>>
        %dma_start3A_50 = arith.constant 0 : i32
        %dma_start3A_51 = tpu.memref_slice %arg11[%multiple_of3A_43, %dma_start3A_50] : memref<10000x128xi16, #tpu.memory_space<vmem_shared>> -> memref<120x128xi16, #tpu.memory_space<vmem_shared>>
        %dma_start3A_52 = arith.constant 0 : i32
        %dma_start3A_53 = tpu.memref_slice %arg11[%multiple_of3A_43, %dma_start3A_52] : memref<10000x128xi16, #tpu.memory_space<vmem_shared>> -> memref<120x128xi16, #tpu.memory_space<vmem_shared>>
        %dma_start3A_54 = arith.constant 0 : i32
        %dma_start3A_55 = arith.constant 0 : i32
        %dma_start3A_56 = tpu.memref_slice %arg9[%run_scoped3A_44, %dma_start3A_54, %dma_start3A_55] : memref<2x400x128xi16, #tpu.memory_space<vmem>> -> memref<1x120x128xi16, #tpu.memory_space<vmem>>
        %dma_start3A_57 = tpu.memref_squeeze %dma_start3A_56 : memref<1x120x128xi16, #tpu.memory_space<vmem>> -> memref<120x128xi16, #tpu.memory_space<vmem>>
        tpu.enqueue_dma source(%dma_start3A_57 : memref<120x128xi16, #tpu.memory_space<vmem>>) target(%dma_start3A_53 : memref<120x128xi16, #tpu.memory_space<vmem_shared>>) target_semaphore(%run_scoped3A_46 : memref<!tpu.dma_semaphore, #tpu.memory_space<semaphore_mem>>)
        %dma_wait3A = arith.constant 0 : i32
        %dma_wait3A_58 = arith.constant 0 : i32
        %dma_wait3A_59 = tpu.memref_slice %arg9[%run_scoped3A_44, %dma_wait3A, %dma_wait3A_58] : memref<2x400x128xi16, #tpu.memory_space<vmem>> -> memref<1x120x128xi16, #tpu.memory_space<vmem>>
        %dma_wait3A_60 = tpu.memref_squeeze %dma_wait3A_59 : memref<1x120x128xi16, #tpu.memory_space<vmem>> -> memref<120x128xi16, #tpu.memory_space<vmem>>
        %dma_wait3A_61 = arith.constant 0 : i32
        %dma_wait3A_62 = tpu.memref_slice %arg11[%multiple_of3A_43, %dma_wait3A_61] : memref<10000x128xi16, #tpu.memory_space<vmem_shared>> -> memref<120x128xi16, #tpu.memory_space<vmem_shared>>
        %dma_wait3A_63 = arith.constant 0 : i32
        %dma_wait3A_64 = tpu.memref_slice %arg11[%multiple_of3A_43, %dma_wait3A_63] : memref<10000x128xi16, #tpu.memory_space<vmem_shared>> -> memref<120x128xi16, #tpu.memory_space<vmem_shared>>
        %dma_wait3A_65 = arith.constant 0 : i32
        %dma_wait3A_66 = arith.constant 0 : i32
        %dma_wait3A_67 = tpu.memref_slice %arg9[%run_scoped3A_44, %dma_wait3A_65, %dma_wait3A_66] : memref<2x400x128xi16, #tpu.memory_space<vmem>> -> memref<1x120x128xi16, #tpu.memory_space<vmem>>
        %dma_wait3A_68 = tpu.memref_squeeze %dma_wait3A_67 : memref<1x120x128xi16, #tpu.memory_space<vmem>> -> memref<120x128xi16, #tpu.memory_space<vmem>>
        tpu.wait_dma2 semaphore(%run_scoped3A_46 : memref<!tpu.dma_semaphore, #tpu.memory_space<semaphore_mem>>) src(%dma_wait3A_68 : memref<120x128xi16, #tpu.memory_space<vmem>>) dst(%dma_wait3A_64 : memref<120x128xi16, #tpu.memory_space<vmem_shared>>)
        tpu.yield
      }) : () -> ()
      %run_scoped3A_45 = arith.constant 0 : i32
      "tpu.region"() ({
        %run_scoped3A_46 = tpu.sem_alloc : memref<!tpu.dma_semaphore, #tpu.memory_space<semaphore_mem>>
        %dma_start3A = arith.constant 0 : i32
        %dma_start3A_47 = arith.constant 0 : i32
        %dma_start3A_48 = tpu.memref_slice %arg10[%run_scoped3A_45, %dma_start3A, %dma_start3A_47] : memref<2x400x16xf32, #tpu.memory_space<vmem>> -> memref<1x120x16xf32, #tpu.memory_space<vmem>>
        %dma_start3A_49 = tpu.memref_squeeze %dma_start3A_48 : memref<1x120x16xf32, #tpu.memory_space<vmem>> -> memref<120x16xf32, #tpu.memory_space<vmem>>
        %dma_start3A_50 = arith.constant 0 : i32
        %dma_start3A_51 = tpu.memref_slice %arg12[%multiple_of3A_43, %dma_start3A_50] : memref<10000x16xf32, #tpu.memory_space<vmem_shared>> -> memref<120x16xf32, #tpu.memory_space<vmem_shared>>
        %dma_start3A_52 = arith.constant 0 : i32
        %dma_start3A_53 = tpu.memref_slice %arg12[%multiple_of3A_43, %dma_start3A_52] : memref<10000x16xf32, #tpu.memory_space<vmem_shared>> -> memref<120x16xf32, #tpu.memory_space<vmem_shared>>
        %dma_start3A_54 = arith.constant 0 : i32
        %dma_start3A_55 = arith.constant 0 : i32
        %dma_start3A_56 = tpu.memref_slice %arg10[%run_scoped3A_45, %dma_start3A_54, %dma_start3A_55] : memref<2x400x16xf32, #tpu.memory_space<vmem>> -> memref<1x120x16xf32, #tpu.memory_space<vmem>>
        %dma_start3A_57 = tpu.memref_squeeze %dma_start3A_56 : memref<1x120x16xf32, #tpu.memory_space<vmem>> -> memref<120x16xf32, #tpu.memory_space<vmem>>
        tpu.enqueue_dma source(%dma_start3A_57 : memref<120x16xf32, #tpu.memory_space<vmem>>) target(%dma_start3A_53 : memref<120x16xf32, #tpu.memory_space<vmem_shared>>) target_semaphore(%run_scoped3A_46 : memref<!tpu.dma_semaphore, #tpu.memory_space<semaphore_mem>>)
        %dma_wait3A = arith.constant 0 : i32
        %dma_wait3A_58 = arith.constant 0 : i32
        %dma_wait3A_59 = tpu.memref_slice %arg10[%run_scoped3A_45, %dma_wait3A, %dma_wait3A_58] : memref<2x400x16xf32, #tpu.memory_space<vmem>> -> memref<1x120x16xf32, #tpu.memory_space<vmem>>
        %dma_wait3A_60 = tpu.memref_squeeze %dma_wait3A_59 : memref<1x120x16xf32, #tpu.memory_space<vmem>> -> memref<120x16xf32, #tpu.memory_space<vmem>>
        %dma_wait3A_61 = arith.constant 0 : i32
        %dma_wait3A_62 = tpu.memref_slice %arg12[%multiple_of3A_43, %dma_wait3A_61] : memref<10000x16xf32, #tpu.memory_space<vmem_shared>> -> memref<120x16xf32, #tpu.memory_space<vmem_shared>>
        %dma_wait3A_63 = arith.constant 0 : i32
        %dma_wait3A_64 = tpu.memref_slice %arg12[%multiple_of3A_43, %dma_wait3A_63] : memref<10000x16xf32, #tpu.memory_space<vmem_shared>> -> memref<120x16xf32, #tpu.memory_space<vmem_shared>>
        %dma_wait3A_65 = arith.constant 0 : i32
        %dma_wait3A_66 = arith.constant 0 : i32
        %dma_wait3A_67 = tpu.memref_slice %arg10[%run_scoped3A_45, %dma_wait3A_65, %dma_wait3A_66] : memref<2x400x16xf32, #tpu.memory_space<vmem>> -> memref<1x120x16xf32, #tpu.memory_space<vmem>>
        %dma_wait3A_68 = tpu.memref_squeeze %dma_wait3A_67 : memref<1x120x16xf32, #tpu.memory_space<vmem>> -> memref<120x16xf32, #tpu.memory_space<vmem>>
        tpu.wait_dma2 semaphore(%run_scoped3A_46 : memref<!tpu.dma_semaphore, #tpu.memory_space<semaphore_mem>>) src(%dma_wait3A_68 : memref<120x16xf32, #tpu.memory_space<vmem>>) dst(%dma_wait3A_64 : memref<120x16xf32, #tpu.memory_space<vmem_shared>>)
        tpu.yield
      }) : () -> ()
    } else {
    }
    %barrier3A = arith.constant 0 : index
    tpu.barrier barrier_id(%barrier3A)
    %eq3A_11 = arith.constant 0 : i32
    %eq3A_12 = arith.cmpi eq, %arg0, %eq3A_11 : i32
    %convert_element_type3A_13 = arith.extui %eq3A_12 : i1 to i32
    %cond3A_14 = arith.constant 0 : i32
    %cond3A_15 = arith.constant 1 : i32
    %cond3A_16 = arith.constant 0 : i32
    %cond3A_17 = arith.constant 0 : i32
    %cond3A_18 = arith.cmpi ne, %convert_element_type3A_13, %cond3A_17 : i32
    scf.if %cond3A_18 {
      %mul3A_41 = arith.constant 10000 : i32
      %mul3A_42 = arith.muli %arg1, %mul3A_41 : i32
      %add3A = arith.constant 0 : i32
      %add3A_43 = arith.addi %mul3A_42, %add3A : i32
      %multiple_of3A_44 = tpu.assume_multiple %add3A_43, 8 : i32
      %run_scoped3A = arith.constant 0 : i32
      "tpu.region"() ({
        %run_scoped3A_333 = tpu.sem_alloc : memref<!tpu.dma_semaphore, #tpu.memory_space<semaphore_mem>>
        %dma_start3A_334 = arith.constant 0 : i32
        %dma_start3A_335 = tpu.memref_slice %arg7[%run_scoped3A, %dma_start3A_334] : memref<2x400xi32, #tpu.memory_space<vmem>> -> memref<1x400xi32, #tpu.memory_space<vmem>>
        %dma_start3A_336 = tpu.memref_squeeze %dma_start3A_335 : memref<1x400xi32, #tpu.memory_space<vmem>> -> memref<400xi32, #tpu.memory_space<vmem>>
        %dma_start3A_337 = arith.constant 0 : i32
        %dma_start3A_338 = tpu.memref_slice %arg4[%cond3A_14, %dma_start3A_337] : memref<2x160000xi32, #tpu.memory_space<hbm>> -> memref<1x160000xi32, #tpu.memory_space<hbm>>
        %dma_start3A_339 = tpu.memref_squeeze %dma_start3A_338 : memref<1x160000xi32, #tpu.memory_space<hbm>> -> memref<160000xi32, #tpu.memory_space<hbm>>
        %dma_start3A_340 = tpu.memref_slice %dma_start3A_339[%multiple_of3A_44] : memref<160000xi32, #tpu.memory_space<hbm>> -> memref<400xi32, #tpu.memory_space<hbm>>
        %dma_start3A_341 = arith.constant 0 : i32
        %dma_start3A_342 = tpu.memref_slice %arg7[%run_scoped3A, %dma_start3A_341] : memref<2x400xi32, #tpu.memory_space<vmem>> -> memref<1x400xi32, #tpu.memory_space<vmem>>
        %dma_start3A_343 = tpu.memref_squeeze %dma_start3A_342 : memref<1x400xi32, #tpu.memory_space<vmem>> -> memref<400xi32, #tpu.memory_space<vmem>>
        %dma_start3A_344 = arith.constant 0 : i32
        %dma_start3A_345 = tpu.memref_slice %arg4[%cond3A_14, %dma_start3A_344] : memref<2x160000xi32, #tpu.memory_space<hbm>> -> memref<1x160000xi32, #tpu.memory_space<hbm>>
        %dma_start3A_346 = tpu.memref_squeeze %dma_start3A_345 : memref<1x160000xi32, #tpu.memory_space<hbm>> -> memref<160000xi32, #tpu.memory_space<hbm>>
        %dma_start3A_347 = tpu.memref_slice %dma_start3A_346[%multiple_of3A_44] : memref<160000xi32, #tpu.memory_space<hbm>> -> memref<400xi32, #tpu.memory_space<hbm>>
        tpu.enqueue_dma source(%dma_start3A_347 : memref<400xi32, #tpu.memory_space<hbm>>) target(%dma_start3A_343 : memref<400xi32, #tpu.memory_space<vmem>>) target_semaphore(%run_scoped3A_333 : memref<!tpu.dma_semaphore, #tpu.memory_space<semaphore_mem>>)
        %dma_wait3A_348 = arith.constant 0 : i32
        %dma_wait3A_349 = tpu.memref_slice %arg7[%run_scoped3A, %dma_wait3A_348] : memref<2x400xi32, #tpu.memory_space<vmem>> -> memref<1x400xi32, #tpu.memory_space<vmem>>
        %dma_wait3A_350 = tpu.memref_squeeze %dma_wait3A_349 : memref<1x400xi32, #tpu.memory_space<vmem>> -> memref<400xi32, #tpu.memory_space<vmem>>
        %dma_wait3A_351 = arith.constant 0 : i32
        %dma_wait3A_352 = tpu.memref_slice %arg4[%cond3A_14, %dma_wait3A_351] : memref<2x160000xi32, #tpu.memory_space<hbm>> -> memref<1x160000xi32, #tpu.memory_space<hbm>>
        %dma_wait3A_353 = tpu.memref_squeeze %dma_wait3A_352 : memref<1x160000xi32, #tpu.memory_space<hbm>> -> memref<160000xi32, #tpu.memory_space<hbm>>
        %dma_wait3A_354 = tpu.memref_slice %dma_wait3A_353[%multiple_of3A_44] : memref<160000xi32, #tpu.memory_space<hbm>> -> memref<400xi32, #tpu.memory_space<hbm>>
        %dma_wait3A_355 = arith.constant 0 : i32
        %dma_wait3A_356 = tpu.memref_slice %arg7[%run_scoped3A, %dma_wait3A_355] : memref<2x400xi32, #tpu.memory_space<vmem>> -> memref<1x400xi32, #tpu.memory_space<vmem>>
        %dma_wait3A_357 = tpu.memref_squeeze %dma_wait3A_356 : memref<1x400xi32, #tpu.memory_space<vmem>> -> memref<400xi32, #tpu.memory_space<vmem>>
        %dma_wait3A_358 = arith.constant 0 : i32
        %dma_wait3A_359 = tpu.memref_slice %arg4[%cond3A_14, %dma_wait3A_358] : memref<2x160000xi32, #tpu.memory_space<hbm>> -> memref<1x160000xi32, #tpu.memory_space<hbm>>
        %dma_wait3A_360 = tpu.memref_squeeze %dma_wait3A_359 : memref<1x160000xi32, #tpu.memory_space<hbm>> -> memref<160000xi32, #tpu.memory_space<hbm>>
        %dma_wait3A_361 = tpu.memref_slice %dma_wait3A_360[%multiple_of3A_44] : memref<160000xi32, #tpu.memory_space<hbm>> -> memref<400xi32, #tpu.memory_space<hbm>>
        tpu.wait_dma2 semaphore(%run_scoped3A_333 : memref<!tpu.dma_semaphore, #tpu.memory_space<semaphore_mem>>) src(%dma_wait3A_361 : memref<400xi32, #tpu.memory_space<hbm>>) dst(%dma_wait3A_357 : memref<400xi32, #tpu.memory_space<vmem>>)
        tpu.yield
      }) : () -> ()
      %mul3A_45 = arith.constant 10000 : i32
      %mul3A_46 = arith.muli %arg1, %mul3A_45 : i32
      %add3A_47 = arith.constant 400 : i32
      %add3A_48 = arith.addi %mul3A_46, %add3A_47 : i32
      %multiple_of3A_49 = tpu.assume_multiple %add3A_48, 8 : i32
      %run_scoped3A_50 = arith.constant 1 : i32
      "tpu.region"() ({
        %run_scoped3A_333 = tpu.sem_alloc : memref<!tpu.dma_semaphore, #tpu.memory_space<semaphore_mem>>
        %dma_start3A_334 = arith.constant 0 : i32
        %dma_start3A_335 = tpu.memref_slice %arg7[%run_scoped3A_50, %dma_start3A_334] : memref<2x400xi32, #tpu.memory_space<vmem>> -> memref<1x400xi32, #tpu.memory_space<vmem>>
        %dma_start3A_336 = tpu.memref_squeeze %dma_start3A_335 : memref<1x400xi32, #tpu.memory_space<vmem>> -> memref<400xi32, #tpu.memory_space<vmem>>
        %dma_start3A_337 = arith.constant 0 : i32
        %dma_start3A_338 = tpu.memref_slice %arg4[%cond3A_14, %dma_start3A_337] : memref<2x160000xi32, #tpu.memory_space<hbm>> -> memref<1x160000xi32, #tpu.memory_space<hbm>>
        %dma_start3A_339 = tpu.memref_squeeze %dma_start3A_338 : memref<1x160000xi32, #tpu.memory_space<hbm>> -> memref<160000xi32, #tpu.memory_space<hbm>>
        %dma_start3A_340 = tpu.memref_slice %dma_start3A_339[%multiple_of3A_49] : memref<160000xi32, #tpu.memory_space<hbm>> -> memref<400xi32, #tpu.memory_space<hbm>>
        %dma_start3A_341 = arith.constant 0 : i32
        %dma_start3A_342 = tpu.memref_slice %arg7[%run_scoped3A_50, %dma_start3A_341] : memref<2x400xi32, #tpu.memory_space<vmem>> -> memref<1x400xi32, #tpu.memory_space<vmem>>
        %dma_start3A_343 = tpu.memref_squeeze %dma_start3A_342 : memref<1x400xi32, #tpu.memory_space<vmem>> -> memref<400xi32, #tpu.memory_space<vmem>>
        %dma_start3A_344 = arith.constant 0 : i32
        %dma_start3A_345 = tpu.memref_slice %arg4[%cond3A_14, %dma_start3A_344] : memref<2x160000xi32, #tpu.memory_space<hbm>> -> memref<1x160000xi32, #tpu.memory_space<hbm>>
        %dma_start3A_346 = tpu.memref_squeeze %dma_start3A_345 : memref<1x160000xi32, #tpu.memory_space<hbm>> -> memref<160000xi32, #tpu.memory_space<hbm>>
        %dma_start3A_347 = tpu.memref_slice %dma_start3A_346[%multiple_of3A_49] : memref<160000xi32, #tpu.memory_space<hbm>> -> memref<400xi32, #tpu.memory_space<hbm>>
        tpu.enqueue_dma source(%dma_start3A_347 : memref<400xi32, #tpu.memory_space<hbm>>) target(%dma_start3A_343 : memref<400xi32, #tpu.memory_space<vmem>>) target_semaphore(%run_scoped3A_333 : memref<!tpu.dma_semaphore, #tpu.memory_space<semaphore_mem>>)
        %dma_wait3A_348 = arith.constant 0 : i32
        %dma_wait3A_349 = tpu.memref_slice %arg7[%run_scoped3A_50, %dma_wait3A_348] : memref<2x400xi32, #tpu.memory_space<vmem>> -> memref<1x400xi32, #tpu.memory_space<vmem>>
        %dma_wait3A_350 = tpu.memref_squeeze %dma_wait3A_349 : memref<1x400xi32, #tpu.memory_space<vmem>> -> memref<400xi32, #tpu.memory_space<vmem>>
        %dma_wait3A_351 = arith.constant 0 : i32
        %dma_wait3A_352 = tpu.memref_slice %arg4[%cond3A_14, %dma_wait3A_351] : memref<2x160000xi32, #tpu.memory_space<hbm>> -> memref<1x160000xi32, #tpu.memory_space<hbm>>
        %dma_wait3A_353 = tpu.memref_squeeze %dma_wait3A_352 : memref<1x160000xi32, #tpu.memory_space<hbm>> -> memref<160000xi32, #tpu.memory_space<hbm>>
        %dma_wait3A_354 = tpu.memref_slice %dma_wait3A_353[%multiple_of3A_49] : memref<160000xi32, #tpu.memory_space<hbm>> -> memref<400xi32, #tpu.memory_space<hbm>>
        %dma_wait3A_355 = arith.constant 0 : i32
        %dma_wait3A_356 = tpu.memref_slice %arg7[%run_scoped3A_50, %dma_wait3A_355] : memref<2x400xi32, #tpu.memory_space<vmem>> -> memref<1x400xi32, #tpu.memory_space<vmem>>
        %dma_wait3A_357 = tpu.memref_squeeze %dma_wait3A_356 : memref<1x400xi32, #tpu.memory_space<vmem>> -> memref<400xi32, #tpu.memory_space<vmem>>
        %dma_wait3A_358 = arith.constant 0 : i32
        %dma_wait3A_359 = tpu.memref_slice %arg4[%cond3A_14, %dma_wait3A_358] : memref<2x160000xi32, #tpu.memory_space<hbm>> -> memref<1x160000xi32, #tpu.memory_space<hbm>>
        %dma_wait3A_360 = tpu.memref_squeeze %dma_wait3A_359 : memref<1x160000xi32, #tpu.memory_space<hbm>> -> memref<160000xi32, #tpu.memory_space<hbm>>
        %dma_wait3A_361 = tpu.memref_slice %dma_wait3A_360[%multiple_of3A_49] : memref<160000xi32, #tpu.memory_space<hbm>> -> memref<400xi32, #tpu.memory_space<hbm>>
        tpu.wait_dma2 semaphore(%run_scoped3A_333 : memref<!tpu.dma_semaphore, #tpu.memory_space<semaphore_mem>>) src(%dma_wait3A_361 : memref<400xi32, #tpu.memory_space<hbm>>) dst(%dma_wait3A_357 : memref<400xi32, #tpu.memory_space<vmem>>)
        tpu.yield
      }) : () -> ()
      %mul3A_51 = arith.constant 10000 : i32
      %mul3A_52 = arith.muli %arg1, %mul3A_51 : i32
      %add3A_53 = arith.constant 0 : i32
      %add3A_54 = arith.addi %mul3A_52, %add3A_53 : i32
      %multiple_of3A_55 = tpu.assume_multiple %add3A_54, 8 : i32
      %dma_start3A = arith.constant 0 : i32
      %dma_start3A_56 = arith.constant 0 : i32
      %dma_start3A_57 = arith.constant 0 : i32
      %dma_start3A_58 = tpu.memref_slice %arg8[%dma_start3A, %dma_start3A_57] : memref<4x400xi32, #tpu.memory_space<vmem>> -> memref<1x400xi32, #tpu.memory_space<vmem>>
      %dma_start3A_59 = tpu.memref_squeeze %dma_start3A_58 : memref<1x400xi32, #tpu.memory_space<vmem>> -> memref<400xi32, #tpu.memory_space<vmem>>
      %dma_start3A_60 = arith.constant 0 : i32
      %dma_start3A_61 = tpu.memref_slice %arg4[%cond3A_15, %dma_start3A_60] : memref<2x160000xi32, #tpu.memory_space<hbm>> -> memref<1x160000xi32, #tpu.memory_space<hbm>>
      %dma_start3A_62 = tpu.memref_squeeze %dma_start3A_61 : memref<1x160000xi32, #tpu.memory_space<hbm>> -> memref<160000xi32, #tpu.memory_space<hbm>>
      %dma_start3A_63 = tpu.memref_slice %dma_start3A_62[%multiple_of3A_55] : memref<160000xi32, #tpu.memory_space<hbm>> -> memref<400xi32, #tpu.memory_space<hbm>>
      %dma_start3A_64 = tpu.memref_slice %arg16[%dma_start3A_56] : memref<4x!tpu.dma_semaphore, #tpu.memory_space<semaphore_mem>> -> memref<1x!tpu.dma_semaphore, #tpu.memory_space<semaphore_mem>>
      %dma_start3A_65 = tpu.memref_squeeze %dma_start3A_64 : memref<1x!tpu.dma_semaphore, #tpu.memory_space<semaphore_mem>> -> memref<!tpu.dma_semaphore, #tpu.memory_space<semaphore_mem>>
      %dma_start3A_66 = arith.constant 0 : i32
      %dma_start3A_67 = tpu.memref_slice %arg8[%dma_start3A, %dma_start3A_66] : memref<4x400xi32, #tpu.memory_space<vmem>> -> memref<1x400xi32, #tpu.memory_space<vmem>>
      %dma_start3A_68 = tpu.memref_squeeze %dma_start3A_67 : memref<1x400xi32, #tpu.memory_space<vmem>> -> memref<400xi32, #tpu.memory_space<vmem>>
      %dma_start3A_69 = arith.constant 0 : i32
      %dma_start3A_70 = tpu.memref_slice %arg4[%cond3A_15, %dma_start3A_69] : memref<2x160000xi32, #tpu.memory_space<hbm>> -> memref<1x160000xi32, #tpu.memory_space<hbm>>
      %dma_start3A_71 = tpu.memref_squeeze %dma_start3A_70 : memref<1x160000xi32, #tpu.memory_space<hbm>> -> memref<160000xi32, #tpu.memory_space<hbm>>
      %dma_start3A_72 = tpu.memref_slice %dma_start3A_71[%multiple_of3A_55] : memref<160000xi32, #tpu.memory_space<hbm>> -> memref<400xi32, #tpu.memory_space<hbm>>
      tpu.enqueue_dma source(%dma_start3A_72 : memref<400xi32, #tpu.memory_space<hbm>>) target(%dma_start3A_68 : memref<400xi32, #tpu.memory_space<vmem>>) target_semaphore(%dma_start3A_65 : memref<!tpu.dma_semaphore, #tpu.memory_space<semaphore_mem>>)
      %mul3A_73 = arith.constant 10000 : i32
      %mul3A_74 = arith.muli %arg1, %mul3A_73 : i32
      %add3A_75 = arith.constant 400 : i32
      %add3A_76 = arith.addi %mul3A_74, %add3A_75 : i32
      %multiple_of3A_77 = tpu.assume_multiple %add3A_76, 8 : i32
      %dma_start3A_78 = arith.constant 1 : i32
      %dma_start3A_79 = arith.constant 1 : i32
      %dma_start3A_80 = arith.constant 0 : i32
      %dma_start3A_81 = tpu.memref_slice %arg8[%dma_start3A_78, %dma_start3A_80] : memref<4x400xi32, #tpu.memory_space<vmem>> -> memref<1x400xi32, #tpu.memory_space<vmem>>
      %dma_start3A_82 = tpu.memref_squeeze %dma_start3A_81 : memref<1x400xi32, #tpu.memory_space<vmem>> -> memref<400xi32, #tpu.memory_space<vmem>>
      %dma_start3A_83 = arith.constant 0 : i32
      %dma_start3A_84 = tpu.memref_slice %arg4[%cond3A_15, %dma_start3A_83] : memref<2x160000xi32, #tpu.memory_space<hbm>> -> memref<1x160000xi32, #tpu.memory_space<hbm>>
      %dma_start3A_85 = tpu.memref_squeeze %dma_start3A_84 : memref<1x160000xi32, #tpu.memory_space<hbm>> -> memref<160000xi32, #tpu.memory_space<hbm>>
      %dma_start3A_86 = tpu.memref_slice %dma_start3A_85[%multiple_of3A_77] : memref<160000xi32, #tpu.memory_space<hbm>> -> memref<400xi32, #tpu.memory_space<hbm>>
      %dma_start3A_87 = tpu.memref_slice %arg16[%dma_start3A_79] : memref<4x!tpu.dma_semaphore, #tpu.memory_space<semaphore_mem>> -> memref<1x!tpu.dma_semaphore, #tpu.memory_space<semaphore_mem>>
      %dma_start3A_88 = tpu.memref_squeeze %dma_start3A_87 : memref<1x!tpu.dma_semaphore, #tpu.memory_space<semaphore_mem>> -> memref<!tpu.dma_semaphore, #tpu.memory_space<semaphore_mem>>
      %dma_start3A_89 = arith.constant 0 : i32
      %dma_start3A_90 = tpu.memref_slice %arg8[%dma_start3A_78, %dma_start3A_89] : memref<4x400xi32, #tpu.memory_space<vmem>> -> memref<1x400xi32, #tpu.memory_space<vmem>>
      %dma_start3A_91 = tpu.memref_squeeze %dma_start3A_90 : memref<1x400xi32, #tpu.memory_space<vmem>> -> memref<400xi32, #tpu.memory_space<vmem>>
      %dma_start3A_92 = arith.constant 0 : i32
      %dma_start3A_93 = tpu.memref_slice %arg4[%cond3A_15, %dma_start3A_92] : memref<2x160000xi32, #tpu.memory_space<hbm>> -> memref<1x160000xi32, #tpu.memory_space<hbm>>
      %dma_start3A_94 = tpu.memref_squeeze %dma_start3A_93 : memref<1x160000xi32, #tpu.memory_space<hbm>> -> memref<160000xi32, #tpu.memory_space<hbm>>
      %dma_start3A_95 = tpu.memref_slice %dma_start3A_94[%multiple_of3A_77] : memref<160000xi32, #tpu.memory_space<hbm>> -> memref<400xi32, #tpu.memory_space<hbm>>
      tpu.enqueue_dma source(%dma_start3A_95 : memref<400xi32, #tpu.memory_space<hbm>>) target(%dma_start3A_91 : memref<400xi32, #tpu.memory_space<vmem>>) target_semaphore(%dma_start3A_88 : memref<!tpu.dma_semaphore, #tpu.memory_space<semaphore_mem>>)
      %mul3A_96 = arith.constant 10000 : i32
      %mul3A_97 = arith.muli %arg1, %mul3A_96 : i32
      %add3A_98 = arith.constant 800 : i32
      %add3A_99 = arith.addi %mul3A_97, %add3A_98 : i32
      %multiple_of3A_100 = tpu.assume_multiple %add3A_99, 8 : i32
      %dma_start3A_101 = arith.constant 2 : i32
      %dma_start3A_102 = arith.constant 2 : i32
      %dma_start3A_103 = arith.constant 0 : i32
      %dma_start3A_104 = tpu.memref_slice %arg8[%dma_start3A_101, %dma_start3A_103] : memref<4x400xi32, #tpu.memory_space<vmem>> -> memref<1x400xi32, #tpu.memory_space<vmem>>
      %dma_start3A_105 = tpu.memref_squeeze %dma_start3A_104 : memref<1x400xi32, #tpu.memory_space<vmem>> -> memref<400xi32, #tpu.memory_space<vmem>>
      %dma_start3A_106 = arith.constant 0 : i32
      %dma_start3A_107 = tpu.memref_slice %arg4[%cond3A_15, %dma_start3A_106] : memref<2x160000xi32, #tpu.memory_space<hbm>> -> memref<1x160000xi32, #tpu.memory_space<hbm>>
      %dma_start3A_108 = tpu.memref_squeeze %dma_start3A_107 : memref<1x160000xi32, #tpu.memory_space<hbm>> -> memref<160000xi32, #tpu.memory_space<hbm>>
      %dma_start3A_109 = tpu.memref_slice %dma_start3A_108[%multiple_of3A_100] : memref<160000xi32, #tpu.memory_space<hbm>> -> memref<400xi32, #tpu.memory_space<hbm>>
      %dma_start3A_110 = tpu.memref_slice %arg16[%dma_start3A_102] : memref<4x!tpu.dma_semaphore, #tpu.memory_space<semaphore_mem>> -> memref<1x!tpu.dma_semaphore, #tpu.memory_space<semaphore_mem>>
      %dma_start3A_111 = tpu.memref_squeeze %dma_start3A_110 : memref<1x!tpu.dma_semaphore, #tpu.memory_space<semaphore_mem>> -> memref<!tpu.dma_semaphore, #tpu.memory_space<semaphore_mem>>
      %dma_start3A_112 = arith.constant 0 : i32
      %dma_start3A_113 = tpu.memref_slice %arg8[%dma_start3A_101, %dma_start3A_112] : memref<4x400xi32, #tpu.memory_space<vmem>> -> memref<1x400xi32, #tpu.memory_space<vmem>>
      %dma_start3A_114 = tpu.memref_squeeze %dma_start3A_113 : memref<1x400xi32, #tpu.memory_space<vmem>> -> memref<400xi32, #tpu.memory_space<vmem>>
      %dma_start3A_115 = arith.constant 0 : i32
      %dma_start3A_116 = tpu.memref_slice %arg4[%cond3A_15, %dma_start3A_115] : memref<2x160000xi32, #tpu.memory_space<hbm>> -> memref<1x160000xi32, #tpu.memory_space<hbm>>
      %dma_start3A_117 = tpu.memref_squeeze %dma_start3A_116 : memref<1x160000xi32, #tpu.memory_space<hbm>> -> memref<160000xi32, #tpu.memory_space<hbm>>
      %dma_start3A_118 = tpu.memref_slice %dma_start3A_117[%multiple_of3A_100] : memref<160000xi32, #tpu.memory_space<hbm>> -> memref<400xi32, #tpu.memory_space<hbm>>
      tpu.enqueue_dma source(%dma_start3A_118 : memref<400xi32, #tpu.memory_space<hbm>>) target(%dma_start3A_114 : memref<400xi32, #tpu.memory_space<vmem>>) target_semaphore(%dma_start3A_111 : memref<!tpu.dma_semaphore, #tpu.memory_space<semaphore_mem>>)
      %mul3A_119 = arith.constant 10000 : i32
      %mul3A_120 = arith.muli %arg1, %mul3A_119 : i32
      %add3A_121 = arith.constant 1200 : i32
      %add3A_122 = arith.addi %mul3A_120, %add3A_121 : i32
      %multiple_of3A_123 = tpu.assume_multiple %add3A_122, 8 : i32
      %dma_start3A_124 = arith.constant 3 : i32
      %dma_start3A_125 = arith.constant 3 : i32
      %dma_start3A_126 = arith.constant 0 : i32
      %dma_start3A_127 = tpu.memref_slice %arg8[%dma_start3A_124, %dma_start3A_126] : memref<4x400xi32, #tpu.memory_space<vmem>> -> memref<1x400xi32, #tpu.memory_space<vmem>>
      %dma_start3A_128 = tpu.memref_squeeze %dma_start3A_127 : memref<1x400xi32, #tpu.memory_space<vmem>> -> memref<400xi32, #tpu.memory_space<vmem>>
      %dma_start3A_129 = arith.constant 0 : i32
      %dma_start3A_130 = tpu.memref_slice %arg4[%cond3A_15, %dma_start3A_129] : memref<2x160000xi32, #tpu.memory_space<hbm>> -> memref<1x160000xi32, #tpu.memory_space<hbm>>
      %dma_start3A_131 = tpu.memref_squeeze %dma_start3A_130 : memref<1x160000xi32, #tpu.memory_space<hbm>> -> memref<160000xi32, #tpu.memory_space<hbm>>
      %dma_start3A_132 = tpu.memref_slice %dma_start3A_131[%multiple_of3A_123] : memref<160000xi32, #tpu.memory_space<hbm>> -> memref<400xi32, #tpu.memory_space<hbm>>
      %dma_start3A_133 = tpu.memref_slice %arg16[%dma_start3A_125] : memref<4x!tpu.dma_semaphore, #tpu.memory_space<semaphore_mem>> -> memref<1x!tpu.dma_semaphore, #tpu.memory_space<semaphore_mem>>
      %dma_start3A_134 = tpu.memref_squeeze %dma_start3A_133 : memref<1x!tpu.dma_semaphore, #tpu.memory_space<semaphore_mem>> -> memref<!tpu.dma_semaphore, #tpu.memory_space<semaphore_mem>>
      %dma_start3A_135 = arith.constant 0 : i32
      %dma_start3A_136 = tpu.memref_slice %arg8[%dma_start3A_124, %dma_start3A_135] : memref<4x400xi32, #tpu.memory_space<vmem>> -> memref<1x400xi32, #tpu.memory_space<vmem>>
      %dma_start3A_137 = tpu.memref_squeeze %dma_start3A_136 : memref<1x400xi32, #tpu.memory_space<vmem>> -> memref<400xi32, #tpu.memory_space<vmem>>
      %dma_start3A_138 = arith.constant 0 : i32
      %dma_start3A_139 = tpu.memref_slice %arg4[%cond3A_15, %dma_start3A_138] : memref<2x160000xi32, #tpu.memory_space<hbm>> -> memref<1x160000xi32, #tpu.memory_space<hbm>>
      %dma_start3A_140 = tpu.memref_squeeze %dma_start3A_139 : memref<1x160000xi32, #tpu.memory_space<hbm>> -> memref<160000xi32, #tpu.memory_space<hbm>>
      %dma_start3A_141 = tpu.memref_slice %dma_start3A_140[%multiple_of3A_123] : memref<160000xi32, #tpu.memory_space<hbm>> -> memref<400xi32, #tpu.memory_space<hbm>>
      tpu.enqueue_dma source(%dma_start3A_141 : memref<400xi32, #tpu.memory_space<hbm>>) target(%dma_start3A_137 : memref<400xi32, #tpu.memory_space<vmem>>) target_semaphore(%dma_start3A_134 : memref<!tpu.dma_semaphore, #tpu.memory_space<semaphore_mem>>)
      %dma_start3A_142 = arith.constant 0 : i32
      %dma_start3A_143 = arith.constant 0 : i32
      %dma_start3A_144 = arith.constant 0 : i32
      %dma_start3A_145 = arith.constant 0 : i32
      %dma_start3A_146 = arith.constant 0 : i32
      %dma_start3A_147 = tpu.memref_slice %arg9[%dma_start3A_143, %dma_start3A_145, %dma_start3A_146] : memref<2x400x128xi16, #tpu.memory_space<vmem>> -> memref<1x400x128xi16, #tpu.memory_space<vmem>>
      %dma_start3A_148 = tpu.memref_squeeze %dma_start3A_147 : memref<1x400x128xi16, #tpu.memory_space<vmem>> -> memref<400x128xi16, #tpu.memory_space<vmem>>
      %dma_start3A_149 = arith.constant 0 : i32
      %dma_start3A_150 = tpu.memref_slice %arg7[%dma_start3A_142, %dma_start3A_149] : memref<2x400xi32, #tpu.memory_space<vmem>> -> memref<1x400xi32, #tpu.memory_space<vmem>>
      %dma_start3A_151 = tpu.memref_squeeze %dma_start3A_150 : memref<1x400xi32, #tpu.memory_space<vmem>> -> memref<400xi32, #tpu.memory_space<vmem>>
      %dma_start3A_152 = arith.constant 0 : i32
      %dma_start3A_153 = arith.constant 0 : i32
      %dma_start3A_154 = tpu.memref_slice %arg2[%cond3A_16, %dma_start3A_152, %dma_start3A_153] : memref<2x10000x128xi16, #tpu.memory_space<hbm>> -> memref<1x10000x128xi16, #tpu.memory_space<hbm>>
      %dma_start3A_155 = tpu.memref_squeeze %dma_start3A_154 : memref<1x10000x128xi16, #tpu.memory_space<hbm>> -> memref<10000x128xi16, #tpu.memory_space<hbm>>
      %dma_start3A_156 = arith.constant 0 : i32
      %dma_start3A_157 = arith.constant 0 : i32
      %dma_start3A_158 = tpu.memref_slice %dma_start3A_155[%dma_start3A_156, %dma_start3A_157] : memref<10000x128xi16, #tpu.memory_space<hbm>> -> memref<10000x128xi16, #tpu.memory_space<hbm>>
      %dma_start3A_159 = tpu.memref_slice %arg13[%dma_start3A_144] : memref<2x!tpu.dma_semaphore, #tpu.memory_space<semaphore_mem>> -> memref<1x!tpu.dma_semaphore, #tpu.memory_space<semaphore_mem>>
      %dma_start3A_160 = tpu.memref_squeeze %dma_start3A_159 : memref<1x!tpu.dma_semaphore, #tpu.memory_space<semaphore_mem>> -> memref<!tpu.dma_semaphore, #tpu.memory_space<semaphore_mem>>
      tpu.enqueue_indirect_dma source(%dma_start3A_158 : memref<10000x128xi16, #tpu.memory_space<hbm>>) target(%dma_start3A_148 : memref<400x128xi16, #tpu.memory_space<vmem>>) offsets(%dma_start3A_151 : memref<400xi32, #tpu.memory_space<vmem>>) semaphore(%dma_start3A_160 : memref<!tpu.dma_semaphore, #tpu.memory_space<semaphore_mem>>)
      %dma_start3A_161 = arith.constant 0 : i32
      %dma_start3A_162 = arith.constant 0 : i32
      %dma_start3A_163 = arith.constant 0 : i32
      %dma_start3A_164 = arith.constant 0 : i32
      %dma_start3A_165 = arith.constant 0 : i32
      %dma_start3A_166 = tpu.memref_slice %arg10[%dma_start3A_162, %dma_start3A_164, %dma_start3A_165] : memref<2x400x16xf32, #tpu.memory_space<vmem>> -> memref<1x400x16xf32, #tpu.memory_space<vmem>>
      %dma_start3A_167 = tpu.memref_squeeze %dma_start3A_166 : memref<1x400x16xf32, #tpu.memory_space<vmem>> -> memref<400x16xf32, #tpu.memory_space<vmem>>
      %dma_start3A_168 = arith.constant 0 : i32
      %dma_start3A_169 = tpu.memref_slice %arg7[%dma_start3A_161, %dma_start3A_168] : memref<2x400xi32, #tpu.memory_space<vmem>> -> memref<1x400xi32, #tpu.memory_space<vmem>>
      %dma_start3A_170 = tpu.memref_squeeze %dma_start3A_169 : memref<1x400xi32, #tpu.memory_space<vmem>> -> memref<400xi32, #tpu.memory_space<vmem>>
      %dma_start3A_171 = arith.constant 0 : i32
      %dma_start3A_172 = arith.constant 0 : i32
      %dma_start3A_173 = tpu.memref_slice %arg3[%dma_start3A_171, %dma_start3A_172] : memref<10000x16xf32, #tpu.memory_space<hbm>> -> memref<10000x16xf32, #tpu.memory_space<hbm>>
      %dma_start3A_174 = tpu.memref_slice %arg14[%dma_start3A_163] : memref<2x!tpu.dma_semaphore, #tpu.memory_space<semaphore_mem>> -> memref<1x!tpu.dma_semaphore, #tpu.memory_space<semaphore_mem>>
      %dma_start3A_175 = tpu.memref_squeeze %dma_start3A_174 : memref<1x!tpu.dma_semaphore, #tpu.memory_space<semaphore_mem>> -> memref<!tpu.dma_semaphore, #tpu.memory_space<semaphore_mem>>
      tpu.enqueue_indirect_dma source(%dma_start3A_173 : memref<10000x16xf32, #tpu.memory_space<hbm>>) target(%dma_start3A_167 : memref<400x16xf32, #tpu.memory_space<vmem>>) offsets(%dma_start3A_170 : memref<400xi32, #tpu.memory_space<vmem>>) semaphore(%dma_start3A_175 : memref<!tpu.dma_semaphore, #tpu.memory_space<semaphore_mem>>)
      %dma_start3A_176 = arith.constant 1 : i32
      %dma_start3A_177 = arith.constant 1 : i32
      %dma_start3A_178 = arith.constant 1 : i32
      %dma_start3A_179 = arith.constant 0 : i32
      %dma_start3A_180 = arith.constant 0 : i32
      %dma_start3A_181 = tpu.memref_slice %arg9[%dma_start3A_177, %dma_start3A_179, %dma_start3A_180] : memref<2x400x128xi16, #tpu.memory_space<vmem>> -> memref<1x400x128xi16, #tpu.memory_space<vmem>>
      %dma_start3A_182 = tpu.memref_squeeze %dma_start3A_181 : memref<1x400x128xi16, #tpu.memory_space<vmem>> -> memref<400x128xi16, #tpu.memory_space<vmem>>
      %dma_start3A_183 = arith.constant 0 : i32
      %dma_start3A_184 = tpu.memref_slice %arg7[%dma_start3A_176, %dma_start3A_183] : memref<2x400xi32, #tpu.memory_space<vmem>> -> memref<1x400xi32, #tpu.memory_space<vmem>>
      %dma_start3A_185 = tpu.memref_squeeze %dma_start3A_184 : memref<1x400xi32, #tpu.memory_space<vmem>> -> memref<400xi32, #tpu.memory_space<vmem>>
      %dma_start3A_186 = arith.constant 0 : i32
      %dma_start3A_187 = arith.constant 0 : i32
      %dma_start3A_188 = tpu.memref_slice %arg2[%cond3A_16, %dma_start3A_186, %dma_start3A_187] : memref<2x10000x128xi16, #tpu.memory_space<hbm>> -> memref<1x10000x128xi16, #tpu.memory_space<hbm>>
      %dma_start3A_189 = tpu.memref_squeeze %dma_start3A_188 : memref<1x10000x128xi16, #tpu.memory_space<hbm>> -> memref<10000x128xi16, #tpu.memory_space<hbm>>
      %dma_start3A_190 = arith.constant 0 : i32
      %dma_start3A_191 = arith.constant 0 : i32
      %dma_start3A_192 = tpu.memref_slice %dma_start3A_189[%dma_start3A_190, %dma_start3A_191] : memref<10000x128xi16, #tpu.memory_space<hbm>> -> memref<10000x128xi16, #tpu.memory_space<hbm>>
      %dma_start3A_193 = tpu.memref_slice %arg13[%dma_start3A_178] : memref<2x!tpu.dma_semaphore, #tpu.memory_space<semaphore_mem>> -> memref<1x!tpu.dma_semaphore, #tpu.memory_space<semaphore_mem>>
      %dma_start3A_194 = tpu.memref_squeeze %dma_start3A_193 : memref<1x!tpu.dma_semaphore, #tpu.memory_space<semaphore_mem>> -> memref<!tpu.dma_semaphore, #tpu.memory_space<semaphore_mem>>
      tpu.enqueue_indirect_dma source(%dma_start3A_192 : memref<10000x128xi16, #tpu.memory_space<hbm>>) target(%dma_start3A_182 : memref<400x128xi16, #tpu.memory_space<vmem>>) offsets(%dma_start3A_185 : memref<400xi32, #tpu.memory_space<vmem>>) semaphore(%dma_start3A_194 : memref<!tpu.dma_semaphore, #tpu.memory_space<semaphore_mem>>)
      %dma_start3A_195 = arith.constant 1 : i32
      %dma_start3A_196 = arith.constant 1 : i32
      %dma_start3A_197 = arith.constant 1 : i32
      %dma_start3A_198 = arith.constant 0 : i32
      %dma_start3A_199 = arith.constant 0 : i32
      %dma_start3A_200 = tpu.memref_slice %arg10[%dma_start3A_196, %dma_start3A_198, %dma_start3A_199] : memref<2x400x16xf32, #tpu.memory_space<vmem>> -> memref<1x400x16xf32, #tpu.memory_space<vmem>>
      %dma_start3A_201 = tpu.memref_squeeze %dma_start3A_200 : memref<1x400x16xf32, #tpu.memory_space<vmem>> -> memref<400x16xf32, #tpu.memory_space<vmem>>
      %dma_start3A_202 = arith.constant 0 : i32
      %dma_start3A_203 = tpu.memref_slice %arg7[%dma_start3A_195, %dma_start3A_202] : memref<2x400xi32, #tpu.memory_space<vmem>> -> memref<1x400xi32, #tpu.memory_space<vmem>>
      %dma_start3A_204 = tpu.memref_squeeze %dma_start3A_203 : memref<1x400xi32, #tpu.memory_space<vmem>> -> memref<400xi32, #tpu.memory_space<vmem>>
      %dma_start3A_205 = arith.constant 0 : i32
      %dma_start3A_206 = arith.constant 0 : i32
      %dma_start3A_207 = tpu.memref_slice %arg3[%dma_start3A_205, %dma_start3A_206] : memref<10000x16xf32, #tpu.memory_space<hbm>> -> memref<10000x16xf32, #tpu.memory_space<hbm>>
      %dma_start3A_208 = tpu.memref_slice %arg14[%dma_start3A_197] : memref<2x!tpu.dma_semaphore, #tpu.memory_space<semaphore_mem>> -> memref<1x!tpu.dma_semaphore, #tpu.memory_space<semaphore_mem>>
      %dma_start3A_209 = tpu.memref_squeeze %dma_start3A_208 : memref<1x!tpu.dma_semaphore, #tpu.memory_space<semaphore_mem>> -> memref<!tpu.dma_semaphore, #tpu.memory_space<semaphore_mem>>
      tpu.enqueue_indirect_dma source(%dma_start3A_207 : memref<10000x16xf32, #tpu.memory_space<hbm>>) target(%dma_start3A_201 : memref<400x16xf32, #tpu.memory_space<vmem>>) offsets(%dma_start3A_204 : memref<400xi32, #tpu.memory_space<vmem>>) semaphore(%dma_start3A_209 : memref<!tpu.dma_semaphore, #tpu.memory_space<semaphore_mem>>)
      %scan3A_210 = arith.constant 0 : i32
      %scan3A_211 = arith.constant 6 : i32
      %scan3A_212 = arith.addi %scan3A_210, %scan3A_211 : i32
      %scan3A_213 = arith.constant 1 : i32
      scf.for %scan3A_333 = %scan3A_210 to %scan3A_212 step %scan3A_213  : i32 {
        %mul3A_334 = arith.constant 1 : i32
        %mul3A_335 = arith.muli %scan3A_333, %mul3A_334 : i32
        %add3A_336 = arith.constant 0 : i32
        %add3A_337 = arith.addi %add3A_336, %mul3A_335 : i32
        %mul3A_338 = arith.constant 4 : i32
        %mul3A_339 = arith.muli %add3A_337, %mul3A_338 : i32
        %dma_wait3A_340 = arith.constant 0 : i32
        %dma_wait3A_341 = arith.constant 0 : i32
        %dma_wait3A_342 = arith.constant 0 : i32
        %dma_wait3A_343 = arith.constant 0 : i32
        %dma_wait3A_344 = arith.constant 0 : i32
        %dma_wait3A_345 = tpu.memref_slice %arg9[%dma_wait3A_341, %dma_wait3A_343, %dma_wait3A_344] : memref<2x400x128xi16, #tpu.memory_space<vmem>> -> memref<1x400x128xi16, #tpu.memory_space<vmem>>
        %dma_wait3A_346 = tpu.memref_squeeze %dma_wait3A_345 : memref<1x400x128xi16, #tpu.memory_space<vmem>> -> memref<400x128xi16, #tpu.memory_space<vmem>>
        %dma_wait3A_347 = arith.constant 0 : i32
        %dma_wait3A_348 = tpu.memref_slice %arg7[%dma_wait3A_340, %dma_wait3A_347] : memref<2x400xi32, #tpu.memory_space<vmem>> -> memref<1x400xi32, #tpu.memory_space<vmem>>
        %dma_wait3A_349 = tpu.memref_squeeze %dma_wait3A_348 : memref<1x400xi32, #tpu.memory_space<vmem>> -> memref<400xi32, #tpu.memory_space<vmem>>
        %dma_wait3A_350 = arith.constant 0 : i32
        %dma_wait3A_351 = arith.constant 0 : i32
        %dma_wait3A_352 = tpu.memref_slice %arg2[%cond3A_16, %dma_wait3A_350, %dma_wait3A_351] : memref<2x10000x128xi16, #tpu.memory_space<hbm>> -> memref<1x10000x128xi16, #tpu.memory_space<hbm>>
        %dma_wait3A_353 = tpu.memref_squeeze %dma_wait3A_352 : memref<1x10000x128xi16, #tpu.memory_space<hbm>> -> memref<10000x128xi16, #tpu.memory_space<hbm>>
        %dma_wait3A_354 = arith.constant 0 : i32
        %dma_wait3A_355 = arith.constant 0 : i32
        %dma_wait3A_356 = tpu.memref_slice %dma_wait3A_353[%dma_wait3A_354, %dma_wait3A_355] : memref<10000x128xi16, #tpu.memory_space<hbm>> -> memref<10000x128xi16, #tpu.memory_space<hbm>>
        %dma_wait3A_357 = tpu.memref_slice %arg13[%dma_wait3A_342] : memref<2x!tpu.dma_semaphore, #tpu.memory_space<semaphore_mem>> -> memref<1x!tpu.dma_semaphore, #tpu.memory_space<semaphore_mem>>
        %dma_wait3A_358 = tpu.memref_squeeze %dma_wait3A_357 : memref<1x!tpu.dma_semaphore, #tpu.memory_space<semaphore_mem>> -> memref<!tpu.dma_semaphore, #tpu.memory_space<semaphore_mem>>
        tpu.wait_indirect_dma semaphore(%dma_wait3A_358 : memref<!tpu.dma_semaphore, #tpu.memory_space<semaphore_mem>>) src(%dma_wait3A_356 : memref<10000x128xi16, #tpu.memory_space<hbm>>) dst(%dma_wait3A_346 : memref<400x128xi16, #tpu.memory_space<vmem>>)
        %ge3A_359 = arith.constant 0 : i32
        %ge3A_360 = arith.cmpi sge, %mul3A_339, %ge3A_359 : i32
        %lt3A_361 = arith.constant 13 : i32
        %lt3A_362 = arith.cmpi slt, %mul3A_339, %lt3A_361 : i32
        %and3A_363 = arith.andi %ge3A_360, %lt3A_362 : i1
        %convert_element_type3A_364 = arith.extui %and3A_363 : i1 to i32
        %cond3A_365 = arith.constant 0 : i32
        %cond3A_366 = arith.cmpi ne, %convert_element_type3A_364, %cond3A_365 : i32
        scf.if %cond3A_366 {
          %dma_wait3A_786 = arith.constant 0 : i32
          %dma_wait3A_787 = arith.constant 0 : i32
          %dma_wait3A_788 = arith.constant 0 : i32
          %dma_wait3A_789 = arith.constant 0 : i32
          %dma_wait3A_790 = arith.constant 0 : i32
          %dma_wait3A_791 = tpu.memref_slice %arg10[%dma_wait3A_787, %dma_wait3A_789, %dma_wait3A_790] : memref<2x400x16xf32, #tpu.memory_space<vmem>> -> memref<1x400x16xf32, #tpu.memory_space<vmem>>
          %dma_wait3A_792 = tpu.memref_squeeze %dma_wait3A_791 : memref<1x400x16xf32, #tpu.memory_space<vmem>> -> memref<400x16xf32, #tpu.memory_space<vmem>>
          %dma_wait3A_793 = arith.constant 0 : i32
          %dma_wait3A_794 = tpu.memref_slice %arg7[%dma_wait3A_786, %dma_wait3A_793] : memref<2x400xi32, #tpu.memory_space<vmem>> -> memref<1x400xi32, #tpu.memory_space<vmem>>
          %dma_wait3A_795 = tpu.memref_squeeze %dma_wait3A_794 : memref<1x400xi32, #tpu.memory_space<vmem>> -> memref<400xi32, #tpu.memory_space<vmem>>
          %dma_wait3A_796 = arith.constant 0 : i32
          %dma_wait3A_797 = arith.constant 0 : i32
          %dma_wait3A_798 = tpu.memref_slice %arg3[%dma_wait3A_796, %dma_wait3A_797] : memref<10000x16xf32, #tpu.memory_space<hbm>> -> memref<10000x16xf32, #tpu.memory_space<hbm>>
          %dma_wait3A_799 = tpu.memref_slice %arg14[%dma_wait3A_788] : memref<2x!tpu.dma_semaphore, #tpu.memory_space<semaphore_mem>> -> memref<1x!tpu.dma_semaphore, #tpu.memory_space<semaphore_mem>>
          %dma_wait3A_800 = tpu.memref_squeeze %dma_wait3A_799 : memref<1x!tpu.dma_semaphore, #tpu.memory_space<semaphore_mem>> -> memref<!tpu.dma_semaphore, #tpu.memory_space<semaphore_mem>>
          tpu.wait_indirect_dma semaphore(%dma_wait3A_800 : memref<!tpu.dma_semaphore, #tpu.memory_space<semaphore_mem>>) src(%dma_wait3A_798 : memref<10000x16xf32, #tpu.memory_space<hbm>>) dst(%dma_wait3A_792 : memref<400x16xf32, #tpu.memory_space<vmem>>)
        } else {
        }
        %add3A_367 = arith.constant 2 : i32
        %add3A_368 = arith.addi %mul3A_339, %add3A_367 : i32
        %lt3A_369 = arith.constant 25 : i32
        %lt3A_370 = arith.cmpi slt, %add3A_368, %lt3A_369 : i32
        %convert_element_type3A_371 = arith.extui %lt3A_370 : i1 to i32
        %cond3A_372 = arith.constant 0 : i32
        %cond3A_373 = arith.cmpi ne, %convert_element_type3A_371, %cond3A_372 : i32
        scf.if %cond3A_373 {
          %add3A_786 = arith.constant 2 : i32
          %add3A_787 = arith.addi %mul3A_339, %add3A_786 : i32
          %mul3A_788 = arith.constant 10000 : i32
          %mul3A_789 = arith.muli %arg1, %mul3A_788 : i32
          %mul3A_790 = arith.constant 400 : i32
          %mul3A_791 = arith.muli %add3A_787, %mul3A_790 : i32
          %add3A_792 = arith.addi %mul3A_789, %mul3A_791 : i32
          %multiple_of3A_793 = tpu.assume_multiple %add3A_792, 8 : i32
          %dma_start3A_794 = arith.constant 0 : i32
          %dma_start3A_795 = arith.constant 0 : i32
          %dma_start3A_796 = arith.constant 0 : i32
          %dma_start3A_797 = tpu.memref_slice %arg7[%dma_start3A_794, %dma_start3A_796] : memref<2x400xi32, #tpu.memory_space<vmem>> -> memref<1x400xi32, #tpu.memory_space<vmem>>
          %dma_start3A_798 = tpu.memref_squeeze %dma_start3A_797 : memref<1x400xi32, #tpu.memory_space<vmem>> -> memref<400xi32, #tpu.memory_space<vmem>>
          %dma_start3A_799 = arith.constant 0 : i32
          %dma_start3A_800 = tpu.memref_slice %arg4[%cond3A_14, %dma_start3A_799] : memref<2x160000xi32, #tpu.memory_space<hbm>> -> memref<1x160000xi32, #tpu.memory_space<hbm>>
          %dma_start3A_801 = tpu.memref_squeeze %dma_start3A_800 : memref<1x160000xi32, #tpu.memory_space<hbm>> -> memref<160000xi32, #tpu.memory_space<hbm>>
          %dma_start3A_802 = tpu.memref_slice %dma_start3A_801[%multiple_of3A_793] : memref<160000xi32, #tpu.memory_space<hbm>> -> memref<400xi32, #tpu.memory_space<hbm>>
          %dma_start3A_803 = tpu.memref_slice %arg15[%dma_start3A_795] : memref<2x!tpu.dma_semaphore, #tpu.memory_space<semaphore_mem>> -> memref<1x!tpu.dma_semaphore, #tpu.memory_space<semaphore_mem>>
          %dma_start3A_804 = tpu.memref_squeeze %dma_start3A_803 : memref<1x!tpu.dma_semaphore, #tpu.memory_space<semaphore_mem>> -> memref<!tpu.dma_semaphore, #tpu.memory_space<semaphore_mem>>
          %dma_start3A_805 = arith.constant 0 : i32
          %dma_start3A_806 = tpu.memref_slice %arg7[%dma_start3A_794, %dma_start3A_805] : memref<2x400xi32, #tpu.memory_space<vmem>> -> memref<1x400xi32, #tpu.memory_space<vmem>>
          %dma_start3A_807 = tpu.memref_squeeze %dma_start3A_806 : memref<1x400xi32, #tpu.memory_space<vmem>> -> memref<400xi32, #tpu.memory_space<vmem>>
          %dma_start3A_808 = arith.constant 0 : i32
          %dma_start3A_809 = tpu.memref_slice %arg4[%cond3A_14, %dma_start3A_808] : memref<2x160000xi32, #tpu.memory_space<hbm>> -> memref<1x160000xi32, #tpu.memory_space<hbm>>
          %dma_start3A_810 = tpu.memref_squeeze %dma_start3A_809 : memref<1x160000xi32, #tpu.memory_space<hbm>> -> memref<160000xi32, #tpu.memory_space<hbm>>
          %dma_start3A_811 = tpu.memref_slice %dma_start3A_810[%multiple_of3A_793] : memref<160000xi32, #tpu.memory_space<hbm>> -> memref<400xi32, #tpu.memory_space<hbm>>
          tpu.enqueue_dma source(%dma_start3A_811 : memref<400xi32, #tpu.memory_space<hbm>>) target(%dma_start3A_807 : memref<400xi32, #tpu.memory_space<vmem>>) target_semaphore(%dma_start3A_804 : memref<!tpu.dma_semaphore, #tpu.memory_space<semaphore_mem>>)
        } else {
        }
        %mul3A_374 = arith.constant 10000 : i32
        %mul3A_375 = arith.muli %arg1, %mul3A_374 : i32
        %mul3A_376 = arith.constant 400 : i32
        %mul3A_377 = arith.muli %mul3A_339, %mul3A_376 : i32
        %add3A_378 = arith.addi %mul3A_375, %mul3A_377 : i32
        %multiple_of3A_379 = tpu.assume_multiple %add3A_378, 8 : i32
        %dma_wait3A_380 = arith.constant 0 : i32
        %dma_wait3A_381 = arith.constant 0 : i32
        %dma_wait3A_382 = arith.constant 0 : i32
        %dma_wait3A_383 = tpu.memref_slice %arg8[%dma_wait3A_380, %dma_wait3A_382] : memref<4x400xi32, #tpu.memory_space<vmem>> -> memref<1x400xi32, #tpu.memory_space<vmem>>
        %dma_wait3A_384 = tpu.memref_squeeze %dma_wait3A_383 : memref<1x400xi32, #tpu.memory_space<vmem>> -> memref<400xi32, #tpu.memory_space<vmem>>
        %dma_wait3A_385 = arith.constant 0 : i32
        %dma_wait3A_386 = tpu.memref_slice %arg4[%cond3A_15, %dma_wait3A_385] : memref<2x160000xi32, #tpu.memory_space<hbm>> -> memref<1x160000xi32, #tpu.memory_space<hbm>>
        %dma_wait3A_387 = tpu.memref_squeeze %dma_wait3A_386 : memref<1x160000xi32, #tpu.memory_space<hbm>> -> memref<160000xi32, #tpu.memory_space<hbm>>
        %dma_wait3A_388 = tpu.memref_slice %dma_wait3A_387[%multiple_of3A_379] : memref<160000xi32, #tpu.memory_space<hbm>> -> memref<400xi32, #tpu.memory_space<hbm>>
        %dma_wait3A_389 = tpu.memref_slice %arg16[%dma_wait3A_381] : memref<4x!tpu.dma_semaphore, #tpu.memory_space<semaphore_mem>> -> memref<1x!tpu.dma_semaphore, #tpu.memory_space<semaphore_mem>>
        %dma_wait3A_390 = tpu.memref_squeeze %dma_wait3A_389 : memref<1x!tpu.dma_semaphore, #tpu.memory_space<semaphore_mem>> -> memref<!tpu.dma_semaphore, #tpu.memory_space<semaphore_mem>>
        %dma_wait3A_391 = arith.constant 0 : i32
        %dma_wait3A_392 = tpu.memref_slice %arg8[%dma_wait3A_380, %dma_wait3A_391] : memref<4x400xi32, #tpu.memory_space<vmem>> -> memref<1x400xi32, #tpu.memory_space<vmem>>
        %dma_wait3A_393 = tpu.memref_squeeze %dma_wait3A_392 : memref<1x400xi32, #tpu.memory_space<vmem>> -> memref<400xi32, #tpu.memory_space<vmem>>
        %dma_wait3A_394 = arith.constant 0 : i32
        %dma_wait3A_395 = tpu.memref_slice %arg4[%cond3A_15, %dma_wait3A_394] : memref<2x160000xi32, #tpu.memory_space<hbm>> -> memref<1x160000xi32, #tpu.memory_space<hbm>>
        %dma_wait3A_396 = tpu.memref_squeeze %dma_wait3A_395 : memref<1x160000xi32, #tpu.memory_space<hbm>> -> memref<160000xi32, #tpu.memory_space<hbm>>
        %dma_wait3A_397 = tpu.memref_slice %dma_wait3A_396[%multiple_of3A_379] : memref<160000xi32, #tpu.memory_space<hbm>> -> memref<400xi32, #tpu.memory_space<hbm>>
        tpu.wait_dma2 semaphore(%dma_wait3A_390 : memref<!tpu.dma_semaphore, #tpu.memory_space<semaphore_mem>>) src(%dma_wait3A_397 : memref<400xi32, #tpu.memory_space<hbm>>) dst(%dma_wait3A_393 : memref<400xi32, #tpu.memory_space<vmem>>)
        %dma_start3A_398 = arith.constant 0 : i32
        %dma_start3A_399 = arith.constant 0 : i32
        %dma_start3A_400 = arith.constant 0 : i32
        %dma_start3A_401 = arith.constant 0 : i32
        %dma_start3A_402 = arith.constant 0 : i32
        %dma_start3A_403 = tpu.memref_slice %arg9[%dma_start3A_398, %dma_start3A_401, %dma_start3A_402] : memref<2x400x128xi16, #tpu.memory_space<vmem>> -> memref<1x400x128xi16, #tpu.memory_space<vmem>>
        %dma_start3A_404 = tpu.memref_squeeze %dma_start3A_403 : memref<1x400x128xi16, #tpu.memory_space<vmem>> -> memref<400x128xi16, #tpu.memory_space<vmem>>
        %dma_start3A_405 = arith.constant 0 : i32
        %dma_start3A_406 = tpu.memref_slice %arg8[%dma_start3A_399, %dma_start3A_405] : memref<4x400xi32, #tpu.memory_space<vmem>> -> memref<1x400xi32, #tpu.memory_space<vmem>>
        %dma_start3A_407 = tpu.memref_squeeze %dma_start3A_406 : memref<1x400xi32, #tpu.memory_space<vmem>> -> memref<400xi32, #tpu.memory_space<vmem>>
        %dma_start3A_408 = arith.constant 0 : i32
        %dma_start3A_409 = arith.constant 0 : i32
        %dma_start3A_410 = tpu.memref_slice %arg11[%dma_start3A_408, %dma_start3A_409] : memref<10000x128xi16, #tpu.memory_space<vmem_shared>> -> memref<10000x128xi16, #tpu.memory_space<vmem_shared>>
        %dma_start3A_411 = tpu.memref_slice %arg17[%dma_start3A_400] : memref<2x!tpu.dma_semaphore, #tpu.memory_space<semaphore_mem>> -> memref<1x!tpu.dma_semaphore, #tpu.memory_space<semaphore_mem>>
        %dma_start3A_412 = tpu.memref_squeeze %dma_start3A_411 : memref<1x!tpu.dma_semaphore, #tpu.memory_space<semaphore_mem>> -> memref<!tpu.dma_semaphore, #tpu.memory_space<semaphore_mem>>
        tpu.enqueue_indirect_dma source(%dma_start3A_404 : memref<400x128xi16, #tpu.memory_space<vmem>>) target(%dma_start3A_410 : memref<10000x128xi16, #tpu.memory_space<vmem_shared>>) offsets(%dma_start3A_407 : memref<400xi32, #tpu.memory_space<vmem>>) semaphore(%dma_start3A_412 : memref<!tpu.dma_semaphore, #tpu.memory_space<semaphore_mem>>) {add = true}
        %ge3A_413 = arith.constant 0 : i32
        %ge3A_414 = arith.cmpi sge, %mul3A_339, %ge3A_413 : i32
        %lt3A_415 = arith.constant 13 : i32
        %lt3A_416 = arith.cmpi slt, %mul3A_339, %lt3A_415 : i32
        %and3A_417 = arith.andi %ge3A_414, %lt3A_416 : i1
        %convert_element_type3A_418 = arith.extui %and3A_417 : i1 to i32
        %cond3A_419 = arith.constant 0 : i32
        %cond3A_420 = arith.cmpi ne, %convert_element_type3A_418, %cond3A_419 : i32
        scf.if %cond3A_420 {
          %dma_start3A_786 = arith.constant 0 : i32
          %dma_start3A_787 = arith.constant 0 : i32
          %dma_start3A_788 = arith.constant 0 : i32
          %dma_start3A_789 = arith.constant 0 : i32
          %dma_start3A_790 = arith.constant 0 : i32
          %dma_start3A_791 = tpu.memref_slice %arg10[%dma_start3A_786, %dma_start3A_789, %dma_start3A_790] : memref<2x400x16xf32, #tpu.memory_space<vmem>> -> memref<1x400x16xf32, #tpu.memory_space<vmem>>
          %dma_start3A_792 = tpu.memref_squeeze %dma_start3A_791 : memref<1x400x16xf32, #tpu.memory_space<vmem>> -> memref<400x16xf32, #tpu.memory_space<vmem>>
          %dma_start3A_793 = arith.constant 0 : i32
          %dma_start3A_794 = tpu.memref_slice %arg8[%dma_start3A_787, %dma_start3A_793] : memref<4x400xi32, #tpu.memory_space<vmem>> -> memref<1x400xi32, #tpu.memory_space<vmem>>
          %dma_start3A_795 = tpu.memref_squeeze %dma_start3A_794 : memref<1x400xi32, #tpu.memory_space<vmem>> -> memref<400xi32, #tpu.memory_space<vmem>>
          %dma_start3A_796 = arith.constant 0 : i32
          %dma_start3A_797 = arith.constant 0 : i32
          %dma_start3A_798 = tpu.memref_slice %arg12[%dma_start3A_796, %dma_start3A_797] : memref<10000x16xf32, #tpu.memory_space<vmem_shared>> -> memref<10000x16xf32, #tpu.memory_space<vmem_shared>>
          %dma_start3A_799 = tpu.memref_slice %arg18[%dma_start3A_788] : memref<2x!tpu.dma_semaphore, #tpu.memory_space<semaphore_mem>> -> memref<1x!tpu.dma_semaphore, #tpu.memory_space<semaphore_mem>>
          %dma_start3A_800 = tpu.memref_squeeze %dma_start3A_799 : memref<1x!tpu.dma_semaphore, #tpu.memory_space<semaphore_mem>> -> memref<!tpu.dma_semaphore, #tpu.memory_space<semaphore_mem>>
          tpu.enqueue_indirect_dma source(%dma_start3A_792 : memref<400x16xf32, #tpu.memory_space<vmem>>) target(%dma_start3A_798 : memref<10000x16xf32, #tpu.memory_space<vmem_shared>>) offsets(%dma_start3A_795 : memref<400xi32, #tpu.memory_space<vmem>>) semaphore(%dma_start3A_800 : memref<!tpu.dma_semaphore, #tpu.memory_space<semaphore_mem>>) {add = true}
          %dma_wait3A_801 = arith.constant 0 : i32
          %dma_wait3A_802 = arith.constant 0 : i32
          %dma_wait3A_803 = arith.constant 0 : i32
          %dma_wait3A_804 = arith.constant 0 : i32
          %dma_wait3A_805 = arith.constant 0 : i32
          %dma_wait3A_806 = tpu.memref_slice %arg10[%dma_wait3A_801, %dma_wait3A_804, %dma_wait3A_805] : memref<2x400x16xf32, #tpu.memory_space<vmem>> -> memref<1x400x16xf32, #tpu.memory_space<vmem>>
          %dma_wait3A_807 = tpu.memref_squeeze %dma_wait3A_806 : memref<1x400x16xf32, #tpu.memory_space<vmem>> -> memref<400x16xf32, #tpu.memory_space<vmem>>
          %dma_wait3A_808 = arith.constant 0 : i32
          %dma_wait3A_809 = tpu.memref_slice %arg8[%dma_wait3A_802, %dma_wait3A_808] : memref<4x400xi32, #tpu.memory_space<vmem>> -> memref<1x400xi32, #tpu.memory_space<vmem>>
          %dma_wait3A_810 = tpu.memref_squeeze %dma_wait3A_809 : memref<1x400xi32, #tpu.memory_space<vmem>> -> memref<400xi32, #tpu.memory_space<vmem>>
          %dma_wait3A_811 = arith.constant 0 : i32
          %dma_wait3A_812 = arith.constant 0 : i32
          %dma_wait3A_813 = tpu.memref_slice %arg12[%dma_wait3A_811, %dma_wait3A_812] : memref<10000x16xf32, #tpu.memory_space<vmem_shared>> -> memref<10000x16xf32, #tpu.memory_space<vmem_shared>>
          %dma_wait3A_814 = tpu.memref_slice %arg18[%dma_wait3A_803] : memref<2x!tpu.dma_semaphore, #tpu.memory_space<semaphore_mem>> -> memref<1x!tpu.dma_semaphore, #tpu.memory_space<semaphore_mem>>
          %dma_wait3A_815 = tpu.memref_squeeze %dma_wait3A_814 : memref<1x!tpu.dma_semaphore, #tpu.memory_space<semaphore_mem>> -> memref<!tpu.dma_semaphore, #tpu.memory_space<semaphore_mem>>
          tpu.wait_indirect_dma semaphore(%dma_wait3A_815 : memref<!tpu.dma_semaphore, #tpu.memory_space<semaphore_mem>>) src(%dma_wait3A_807 : memref<400x16xf32, #tpu.memory_space<vmem>>) dst(%dma_wait3A_813 : memref<10000x16xf32, #tpu.memory_space<vmem_shared>>)
        } else {
        }
        %dma_wait3A_421 = arith.constant 0 : i32
        %dma_wait3A_422 = arith.constant 0 : i32
        %dma_wait3A_423 = arith.constant 0 : i32
        %dma_wait3A_424 = arith.constant 0 : i32
        %dma_wait3A_425 = arith.constant 0 : i32
        %dma_wait3A_426 = tpu.memref_slice %arg9[%dma_wait3A_421, %dma_wait3A_424, %dma_wait3A_425] : memref<2x400x128xi16, #tpu.memory_space<vmem>> -> memref<1x400x128xi16, #tpu.memory_space<vmem>>
        %dma_wait3A_427 = tpu.memref_squeeze %dma_wait3A_426 : memref<1x400x128xi16, #tpu.memory_space<vmem>> -> memref<400x128xi16, #tpu.memory_space<vmem>>
        %dma_wait3A_428 = arith.constant 0 : i32
        %dma_wait3A_429 = tpu.memref_slice %arg8[%dma_wait3A_422, %dma_wait3A_428] : memref<4x400xi32, #tpu.memory_space<vmem>> -> memref<1x400xi32, #tpu.memory_space<vmem>>
        %dma_wait3A_430 = tpu.memref_squeeze %dma_wait3A_429 : memref<1x400xi32, #tpu.memory_space<vmem>> -> memref<400xi32, #tpu.memory_space<vmem>>
        %dma_wait3A_431 = arith.constant 0 : i32
        %dma_wait3A_432 = arith.constant 0 : i32
        %dma_wait3A_433 = tpu.memref_slice %arg11[%dma_wait3A_431, %dma_wait3A_432] : memref<10000x128xi16, #tpu.memory_space<vmem_shared>> -> memref<10000x128xi16, #tpu.memory_space<vmem_shared>>
        %dma_wait3A_434 = tpu.memref_slice %arg17[%dma_wait3A_423] : memref<2x!tpu.dma_semaphore, #tpu.memory_space<semaphore_mem>> -> memref<1x!tpu.dma_semaphore, #tpu.memory_space<semaphore_mem>>
        %dma_wait3A_435 = tpu.memref_squeeze %dma_wait3A_434 : memref<1x!tpu.dma_semaphore, #tpu.memory_space<semaphore_mem>> -> memref<!tpu.dma_semaphore, #tpu.memory_space<semaphore_mem>>
        tpu.wait_indirect_dma semaphore(%dma_wait3A_435 : memref<!tpu.dma_semaphore, #tpu.memory_space<semaphore_mem>>) src(%dma_wait3A_427 : memref<400x128xi16, #tpu.memory_space<vmem>>) dst(%dma_wait3A_433 : memref<10000x128xi16, #tpu.memory_space<vmem_shared>>)
        %add3A_436 = arith.constant 4 : i32
        %add3A_437 = arith.addi %mul3A_339, %add3A_436 : i32
        %lt3A_438 = arith.constant 25 : i32
        %lt3A_439 = arith.cmpi slt, %add3A_437, %lt3A_438 : i32
        %convert_element_type3A_440 = arith.extui %lt3A_439 : i1 to i32
        %cond3A_441 = arith.constant 0 : i32
        %cond3A_442 = arith.cmpi ne, %convert_element_type3A_440, %cond3A_441 : i32
        scf.if %cond3A_442 {
          %add3A_786 = arith.constant 4 : i32
          %add3A_787 = arith.addi %mul3A_339, %add3A_786 : i32
          %mul3A_788 = arith.constant 10000 : i32
          %mul3A_789 = arith.muli %arg1, %mul3A_788 : i32
          %mul3A_790 = arith.constant 400 : i32
          %mul3A_791 = arith.muli %add3A_787, %mul3A_790 : i32
          %add3A_792 = arith.addi %mul3A_789, %mul3A_791 : i32
          %multiple_of3A_793 = tpu.assume_multiple %add3A_792, 8 : i32
          %dma_start3A_794 = arith.constant 0 : i32
          %dma_start3A_795 = arith.constant 0 : i32
          %dma_start3A_796 = arith.constant 0 : i32
          %dma_start3A_797 = tpu.memref_slice %arg8[%dma_start3A_794, %dma_start3A_796] : memref<4x400xi32, #tpu.memory_space<vmem>> -> memref<1x400xi32, #tpu.memory_space<vmem>>
          %dma_start3A_798 = tpu.memref_squeeze %dma_start3A_797 : memref<1x400xi32, #tpu.memory_space<vmem>> -> memref<400xi32, #tpu.memory_space<vmem>>
          %dma_start3A_799 = arith.constant 0 : i32
          %dma_start3A_800 = tpu.memref_slice %arg4[%cond3A_15, %dma_start3A_799] : memref<2x160000xi32, #tpu.memory_space<hbm>> -> memref<1x160000xi32, #tpu.memory_space<hbm>>
          %dma_start3A_801 = tpu.memref_squeeze %dma_start3A_800 : memref<1x160000xi32, #tpu.memory_space<hbm>> -> memref<160000xi32, #tpu.memory_space<hbm>>
          %dma_start3A_802 = tpu.memref_slice %dma_start3A_801[%multiple_of3A_793] : memref<160000xi32, #tpu.memory_space<hbm>> -> memref<400xi32, #tpu.memory_space<hbm>>
          %dma_start3A_803 = tpu.memref_slice %arg16[%dma_start3A_795] : memref<4x!tpu.dma_semaphore, #tpu.memory_space<semaphore_mem>> -> memref<1x!tpu.dma_semaphore, #tpu.memory_space<semaphore_mem>>
          %dma_start3A_804 = tpu.memref_squeeze %dma_start3A_803 : memref<1x!tpu.dma_semaphore, #tpu.memory_space<semaphore_mem>> -> memref<!tpu.dma_semaphore, #tpu.memory_space<semaphore_mem>>
          %dma_start3A_805 = arith.constant 0 : i32
          %dma_start3A_806 = tpu.memref_slice %arg8[%dma_start3A_794, %dma_start3A_805] : memref<4x400xi32, #tpu.memory_space<vmem>> -> memref<1x400xi32, #tpu.memory_space<vmem>>
          %dma_start3A_807 = tpu.memref_squeeze %dma_start3A_806 : memref<1x400xi32, #tpu.memory_space<vmem>> -> memref<400xi32, #tpu.memory_space<vmem>>
          %dma_start3A_808 = arith.constant 0 : i32
          %dma_start3A_809 = tpu.memref_slice %arg4[%cond3A_15, %dma_start3A_808] : memref<2x160000xi32, #tpu.memory_space<hbm>> -> memref<1x160000xi32, #tpu.memory_space<hbm>>
          %dma_start3A_810 = tpu.memref_squeeze %dma_start3A_809 : memref<1x160000xi32, #tpu.memory_space<hbm>> -> memref<160000xi32, #tpu.memory_space<hbm>>
          %dma_start3A_811 = tpu.memref_slice %dma_start3A_810[%multiple_of3A_793] : memref<160000xi32, #tpu.memory_space<hbm>> -> memref<400xi32, #tpu.memory_space<hbm>>
          tpu.enqueue_dma source(%dma_start3A_811 : memref<400xi32, #tpu.memory_space<hbm>>) target(%dma_start3A_807 : memref<400xi32, #tpu.memory_space<vmem>>) target_semaphore(%dma_start3A_804 : memref<!tpu.dma_semaphore, #tpu.memory_space<semaphore_mem>>)
        } else {
        }
        %add3A_443 = arith.constant 2 : i32
        %add3A_444 = arith.addi %mul3A_339, %add3A_443 : i32
        %lt3A_445 = arith.constant 25 : i32
        %lt3A_446 = arith.cmpi slt, %add3A_444, %lt3A_445 : i32
        %convert_element_type3A_447 = arith.extui %lt3A_446 : i1 to i32
        %cond3A_448 = arith.constant 0 : i32
        %cond3A_449 = arith.cmpi ne, %convert_element_type3A_447, %cond3A_448 : i32
        scf.if %cond3A_449 {
          %add3A_786 = arith.constant 2 : i32
          %add3A_787 = arith.addi %mul3A_339, %add3A_786 : i32
          %mul3A_788 = arith.constant 10000 : i32
          %mul3A_789 = arith.muli %arg1, %mul3A_788 : i32
          %mul3A_790 = arith.constant 400 : i32
          %mul3A_791 = arith.muli %add3A_787, %mul3A_790 : i32
          %add3A_792 = arith.addi %mul3A_789, %mul3A_791 : i32
          %multiple_of3A_793 = tpu.assume_multiple %add3A_792, 8 : i32
          %dma_wait3A_794 = arith.constant 0 : i32
          %dma_wait3A_795 = arith.constant 0 : i32
          %dma_wait3A_796 = arith.constant 0 : i32
          %dma_wait3A_797 = tpu.memref_slice %arg7[%dma_wait3A_794, %dma_wait3A_796] : memref<2x400xi32, #tpu.memory_space<vmem>> -> memref<1x400xi32, #tpu.memory_space<vmem>>
          %dma_wait3A_798 = tpu.memref_squeeze %dma_wait3A_797 : memref<1x400xi32, #tpu.memory_space<vmem>> -> memref<400xi32, #tpu.memory_space<vmem>>
          %dma_wait3A_799 = arith.constant 0 : i32
          %dma_wait3A_800 = tpu.memref_slice %arg4[%cond3A_14, %dma_wait3A_799] : memref<2x160000xi32, #tpu.memory_space<hbm>> -> memref<1x160000xi32, #tpu.memory_space<hbm>>
          %dma_wait3A_801 = tpu.memref_squeeze %dma_wait3A_800 : memref<1x160000xi32, #tpu.memory_space<hbm>> -> memref<160000xi32, #tpu.memory_space<hbm>>
          %dma_wait3A_802 = tpu.memref_slice %dma_wait3A_801[%multiple_of3A_793] : memref<160000xi32, #tpu.memory_space<hbm>> -> memref<400xi32, #tpu.memory_space<hbm>>
          %dma_wait3A_803 = tpu.memref_slice %arg15[%dma_wait3A_795] : memref<2x!tpu.dma_semaphore, #tpu.memory_space<semaphore_mem>> -> memref<1x!tpu.dma_semaphore, #tpu.memory_space<semaphore_mem>>
          %dma_wait3A_804 = tpu.memref_squeeze %dma_wait3A_803 : memref<1x!tpu.dma_semaphore, #tpu.memory_space<semaphore_mem>> -> memref<!tpu.dma_semaphore, #tpu.memory_space<semaphore_mem>>
          %dma_wait3A_805 = arith.constant 0 : i32
          %dma_wait3A_806 = tpu.memref_slice %arg7[%dma_wait3A_794, %dma_wait3A_805] : memref<2x400xi32, #tpu.memory_space<vmem>> -> memref<1x400xi32, #tpu.memory_space<vmem>>
          %dma_wait3A_807 = tpu.memref_squeeze %dma_wait3A_806 : memref<1x400xi32, #tpu.memory_space<vmem>> -> memref<400xi32, #tpu.memory_space<vmem>>
          %dma_wait3A_808 = arith.constant 0 : i32
          %dma_wait3A_809 = tpu.memref_slice %arg4[%cond3A_14, %dma_wait3A_808] : memref<2x160000xi32, #tpu.memory_space<hbm>> -> memref<1x160000xi32, #tpu.memory_space<hbm>>
          %dma_wait3A_810 = tpu.memref_squeeze %dma_wait3A_809 : memref<1x160000xi32, #tpu.memory_space<hbm>> -> memref<160000xi32, #tpu.memory_space<hbm>>
          %dma_wait3A_811 = tpu.memref_slice %dma_wait3A_810[%multiple_of3A_793] : memref<160000xi32, #tpu.memory_space<hbm>> -> memref<400xi32, #tpu.memory_space<hbm>>
          tpu.wait_dma2 semaphore(%dma_wait3A_804 : memref<!tpu.dma_semaphore, #tpu.memory_space<semaphore_mem>>) src(%dma_wait3A_811 : memref<400xi32, #tpu.memory_space<hbm>>) dst(%dma_wait3A_807 : memref<400xi32, #tpu.memory_space<vmem>>)
          %dma_start3A_812 = arith.constant 0 : i32
          %dma_start3A_813 = arith.constant 0 : i32
          %dma_start3A_814 = arith.constant 0 : i32
          %dma_start3A_815 = arith.constant 0 : i32
          %dma_start3A_816 = arith.constant 0 : i32
          %dma_start3A_817 = tpu.memref_slice %arg9[%dma_start3A_813, %dma_start3A_815, %dma_start3A_816] : memref<2x400x128xi16, #tpu.memory_space<vmem>> -> memref<1x400x128xi16, #tpu.memory_space<vmem>>
          %dma_start3A_818 = tpu.memref_squeeze %dma_start3A_817 : memref<1x400x128xi16, #tpu.memory_space<vmem>> -> memref<400x128xi16, #tpu.memory_space<vmem>>
          %dma_start3A_819 = arith.constant 0 : i32
          %dma_start3A_820 = tpu.memref_slice %arg7[%dma_start3A_812, %dma_start3A_819] : memref<2x400xi32, #tpu.memory_space<vmem>> -> memref<1x400xi32, #tpu.memory_space<vmem>>
          %dma_start3A_821 = tpu.memref_squeeze %dma_start3A_820 : memref<1x400xi32, #tpu.memory_space<vmem>> -> memref<400xi32, #tpu.memory_space<vmem>>
          %dma_start3A_822 = arith.constant 0 : i32
          %dma_start3A_823 = arith.constant 0 : i32
          %dma_start3A_824 = tpu.memref_slice %arg2[%cond3A_16, %dma_start3A_822, %dma_start3A_823] : memref<2x10000x128xi16, #tpu.memory_space<hbm>> -> memref<1x10000x128xi16, #tpu.memory_space<hbm>>
          %dma_start3A_825 = tpu.memref_squeeze %dma_start3A_824 : memref<1x10000x128xi16, #tpu.memory_space<hbm>> -> memref<10000x128xi16, #tpu.memory_space<hbm>>
          %dma_start3A_826 = arith.constant 0 : i32
          %dma_start3A_827 = arith.constant 0 : i32
          %dma_start3A_828 = tpu.memref_slice %dma_start3A_825[%dma_start3A_826, %dma_start3A_827] : memref<10000x128xi16, #tpu.memory_space<hbm>> -> memref<10000x128xi16, #tpu.memory_space<hbm>>
          %dma_start3A_829 = tpu.memref_slice %arg13[%dma_start3A_814] : memref<2x!tpu.dma_semaphore, #tpu.memory_space<semaphore_mem>> -> memref<1x!tpu.dma_semaphore, #tpu.memory_space<semaphore_mem>>
          %dma_start3A_830 = tpu.memref_squeeze %dma_start3A_829 : memref<1x!tpu.dma_semaphore, #tpu.memory_space<semaphore_mem>> -> memref<!tpu.dma_semaphore, #tpu.memory_space<semaphore_mem>>
          tpu.enqueue_indirect_dma source(%dma_start3A_828 : memref<10000x128xi16, #tpu.memory_space<hbm>>) target(%dma_start3A_818 : memref<400x128xi16, #tpu.memory_space<vmem>>) offsets(%dma_start3A_821 : memref<400xi32, #tpu.memory_space<vmem>>) semaphore(%dma_start3A_830 : memref<!tpu.dma_semaphore, #tpu.memory_space<semaphore_mem>>)
          %add3A_831 = arith.constant 2 : i32
          %add3A_832 = arith.addi %mul3A_339, %add3A_831 : i32
          %ge3A_833 = arith.constant 0 : i32
          %ge3A_834 = arith.cmpi sge, %add3A_832, %ge3A_833 : i32
          %lt3A_835 = arith.constant 13 : i32
          %lt3A_836 = arith.cmpi slt, %add3A_832, %lt3A_835 : i32
          %and3A_837 = arith.andi %ge3A_834, %lt3A_836 : i1
          %convert_element_type3A_838 = arith.extui %and3A_837 : i1 to i32
          %cond3A_839 = arith.constant 0 : i32
          %cond3A_840 = arith.cmpi ne, %convert_element_type3A_838, %cond3A_839 : i32
          scf.if %cond3A_840 {
            %dma_start3A_841 = arith.constant 0 : i32
            %dma_start3A_842 = arith.constant 0 : i32
            %dma_start3A_843 = arith.constant 0 : i32
            %dma_start3A_844 = arith.constant 0 : i32
            %dma_start3A_845 = arith.constant 0 : i32
            %dma_start3A_846 = tpu.memref_slice %arg10[%dma_start3A_842, %dma_start3A_844, %dma_start3A_845] : memref<2x400x16xf32, #tpu.memory_space<vmem>> -> memref<1x400x16xf32, #tpu.memory_space<vmem>>
            %dma_start3A_847 = tpu.memref_squeeze %dma_start3A_846 : memref<1x400x16xf32, #tpu.memory_space<vmem>> -> memref<400x16xf32, #tpu.memory_space<vmem>>
            %dma_start3A_848 = arith.constant 0 : i32
            %dma_start3A_849 = tpu.memref_slice %arg7[%dma_start3A_841, %dma_start3A_848] : memref<2x400xi32, #tpu.memory_space<vmem>> -> memref<1x400xi32, #tpu.memory_space<vmem>>
            %dma_start3A_850 = tpu.memref_squeeze %dma_start3A_849 : memref<1x400xi32, #tpu.memory_space<vmem>> -> memref<400xi32, #tpu.memory_space<vmem>>
            %dma_start3A_851 = arith.constant 0 : i32
            %dma_start3A_852 = arith.constant 0 : i32
            %dma_start3A_853 = tpu.memref_slice %arg3[%dma_start3A_851, %dma_start3A_852] : memref<10000x16xf32, #tpu.memory_space<hbm>> -> memref<10000x16xf32, #tpu.memory_space<hbm>>
            %dma_start3A_854 = tpu.memref_slice %arg14[%dma_start3A_843] : memref<2x!tpu.dma_semaphore, #tpu.memory_space<semaphore_mem>> -> memref<1x!tpu.dma_semaphore, #tpu.memory_space<semaphore_mem>>
            %dma_start3A_855 = tpu.memref_squeeze %dma_start3A_854 : memref<1x!tpu.dma_semaphore, #tpu.memory_space<semaphore_mem>> -> memref<!tpu.dma_semaphore, #tpu.memory_space<semaphore_mem>>
            tpu.enqueue_indirect_dma source(%dma_start3A_853 : memref<10000x16xf32, #tpu.memory_space<hbm>>) target(%dma_start3A_847 : memref<400x16xf32, #tpu.memory_space<vmem>>) offsets(%dma_start3A_850 : memref<400xi32, #tpu.memory_space<vmem>>) semaphore(%dma_start3A_855 : memref<!tpu.dma_semaphore, #tpu.memory_space<semaphore_mem>>)
          } else {
          }
        } else {
        }
        %add3A_450 = arith.constant 1 : i32
        %add3A_451 = arith.addi %mul3A_339, %add3A_450 : i32
        %dma_wait3A_452 = arith.constant 1 : i32
        %dma_wait3A_453 = arith.constant 1 : i32
        %dma_wait3A_454 = arith.constant 1 : i32
        %dma_wait3A_455 = arith.constant 0 : i32
        %dma_wait3A_456 = arith.constant 0 : i32
        %dma_wait3A_457 = tpu.memref_slice %arg9[%dma_wait3A_453, %dma_wait3A_455, %dma_wait3A_456] : memref<2x400x128xi16, #tpu.memory_space<vmem>> -> memref<1x400x128xi16, #tpu.memory_space<vmem>>
        %dma_wait3A_458 = tpu.memref_squeeze %dma_wait3A_457 : memref<1x400x128xi16, #tpu.memory_space<vmem>> -> memref<400x128xi16, #tpu.memory_space<vmem>>
        %dma_wait3A_459 = arith.constant 0 : i32
        %dma_wait3A_460 = tpu.memref_slice %arg7[%dma_wait3A_452, %dma_wait3A_459] : memref<2x400xi32, #tpu.memory_space<vmem>> -> memref<1x400xi32, #tpu.memory_space<vmem>>
        %dma_wait3A_461 = tpu.memref_squeeze %dma_wait3A_460 : memref<1x400xi32, #tpu.memory_space<vmem>> -> memref<400xi32, #tpu.memory_space<vmem>>
        %dma_wait3A_462 = arith.constant 0 : i32
        %dma_wait3A_463 = arith.constant 0 : i32
        %dma_wait3A_464 = tpu.memref_slice %arg2[%cond3A_16, %dma_wait3A_462, %dma_wait3A_463] : memref<2x10000x128xi16, #tpu.memory_space<hbm>> -> memref<1x10000x128xi16, #tpu.memory_space<hbm>>
        %dma_wait3A_465 = tpu.memref_squeeze %dma_wait3A_464 : memref<1x10000x128xi16, #tpu.memory_space<hbm>> -> memref<10000x128xi16, #tpu.memory_space<hbm>>
        %dma_wait3A_466 = arith.constant 0 : i32
        %dma_wait3A_467 = arith.constant 0 : i32
        %dma_wait3A_468 = tpu.memref_slice %dma_wait3A_465[%dma_wait3A_466, %dma_wait3A_467] : memref<10000x128xi16, #tpu.memory_space<hbm>> -> memref<10000x128xi16, #tpu.memory_space<hbm>>
        %dma_wait3A_469 = tpu.memref_slice %arg13[%dma_wait3A_454] : memref<2x!tpu.dma_semaphore, #tpu.memory_space<semaphore_mem>> -> memref<1x!tpu.dma_semaphore, #tpu.memory_space<semaphore_mem>>
        %dma_wait3A_470 = tpu.memref_squeeze %dma_wait3A_469 : memref<1x!tpu.dma_semaphore, #tpu.memory_space<semaphore_mem>> -> memref<!tpu.dma_semaphore, #tpu.memory_space<semaphore_mem>>
        tpu.wait_indirect_dma semaphore(%dma_wait3A_470 : memref<!tpu.dma_semaphore, #tpu.memory_space<semaphore_mem>>) src(%dma_wait3A_468 : memref<10000x128xi16, #tpu.memory_space<hbm>>) dst(%dma_wait3A_458 : memref<400x128xi16, #tpu.memory_space<vmem>>)
        %ge3A_471 = arith.constant 0 : i32
        %ge3A_472 = arith.cmpi sge, %add3A_451, %ge3A_471 : i32
        %lt3A_473 = arith.constant 13 : i32
        %lt3A_474 = arith.cmpi slt, %add3A_451, %lt3A_473 : i32
        %and3A_475 = arith.andi %ge3A_472, %lt3A_474 : i1
        %convert_element_type3A_476 = arith.extui %and3A_475 : i1 to i32
        %cond3A_477 = arith.constant 0 : i32
        %cond3A_478 = arith.cmpi ne, %convert_element_type3A_476, %cond3A_477 : i32
        scf.if %cond3A_478 {
          %dma_wait3A_786 = arith.constant 1 : i32
          %dma_wait3A_787 = arith.constant 1 : i32
          %dma_wait3A_788 = arith.constant 1 : i32
          %dma_wait3A_789 = arith.constant 0 : i32
          %dma_wait3A_790 = arith.constant 0 : i32
          %dma_wait3A_791 = tpu.memref_slice %arg10[%dma_wait3A_787, %dma_wait3A_789, %dma_wait3A_790] : memref<2x400x16xf32, #tpu.memory_space<vmem>> -> memref<1x400x16xf32, #tpu.memory_space<vmem>>
          %dma_wait3A_792 = tpu.memref_squeeze %dma_wait3A_791 : memref<1x400x16xf32, #tpu.memory_space<vmem>> -> memref<400x16xf32, #tpu.memory_space<vmem>>
          %dma_wait3A_793 = arith.constant 0 : i32
          %dma_wait3A_794 = tpu.memref_slice %arg7[%dma_wait3A_786, %dma_wait3A_793] : memref<2x400xi32, #tpu.memory_space<vmem>> -> memref<1x400xi32, #tpu.memory_space<vmem>>
          %dma_wait3A_795 = tpu.memref_squeeze %dma_wait3A_794 : memref<1x400xi32, #tpu.memory_space<vmem>> -> memref<400xi32, #tpu.memory_space<vmem>>
          %dma_wait3A_796 = arith.constant 0 : i32
          %dma_wait3A_797 = arith.constant 0 : i32
          %dma_wait3A_798 = tpu.memref_slice %arg3[%dma_wait3A_796, %dma_wait3A_797] : memref<10000x16xf32, #tpu.memory_space<hbm>> -> memref<10000x16xf32, #tpu.memory_space<hbm>>
          %dma_wait3A_799 = tpu.memref_slice %arg14[%dma_wait3A_788] : memref<2x!tpu.dma_semaphore, #tpu.memory_space<semaphore_mem>> -> memref<1x!tpu.dma_semaphore, #tpu.memory_space<semaphore_mem>>
          %dma_wait3A_800 = tpu.memref_squeeze %dma_wait3A_799 : memref<1x!tpu.dma_semaphore, #tpu.memory_space<semaphore_mem>> -> memref<!tpu.dma_semaphore, #tpu.memory_space<semaphore_mem>>
          tpu.wait_indirect_dma semaphore(%dma_wait3A_800 : memref<!tpu.dma_semaphore, #tpu.memory_space<semaphore_mem>>) src(%dma_wait3A_798 : memref<10000x16xf32, #tpu.memory_space<hbm>>) dst(%dma_wait3A_792 : memref<400x16xf32, #tpu.memory_space<vmem>>)
        } else {
        }
        %add3A_479 = arith.constant 2 : i32
        %add3A_480 = arith.addi %add3A_451, %add3A_479 : i32
        %lt3A_481 = arith.constant 25 : i32
        %lt3A_482 = arith.cmpi slt, %add3A_480, %lt3A_481 : i32
        %convert_element_type3A_483 = arith.extui %lt3A_482 : i1 to i32
        %cond3A_484 = arith.constant 0 : i32
        %cond3A_485 = arith.cmpi ne, %convert_element_type3A_483, %cond3A_484 : i32
        scf.if %cond3A_485 {
          %add3A_786 = arith.constant 2 : i32
          %add3A_787 = arith.addi %add3A_451, %add3A_786 : i32
          %mul3A_788 = arith.constant 10000 : i32
          %mul3A_789 = arith.muli %arg1, %mul3A_788 : i32
          %mul3A_790 = arith.constant 400 : i32
          %mul3A_791 = arith.muli %add3A_787, %mul3A_790 : i32
          %add3A_792 = arith.addi %mul3A_789, %mul3A_791 : i32
          %multiple_of3A_793 = tpu.assume_multiple %add3A_792, 8 : i32
          %dma_start3A_794 = arith.constant 1 : i32
          %dma_start3A_795 = arith.constant 1 : i32
          %dma_start3A_796 = arith.constant 0 : i32
          %dma_start3A_797 = tpu.memref_slice %arg7[%dma_start3A_794, %dma_start3A_796] : memref<2x400xi32, #tpu.memory_space<vmem>> -> memref<1x400xi32, #tpu.memory_space<vmem>>
          %dma_start3A_798 = tpu.memref_squeeze %dma_start3A_797 : memref<1x400xi32, #tpu.memory_space<vmem>> -> memref<400xi32, #tpu.memory_space<vmem>>
          %dma_start3A_799 = arith.constant 0 : i32
          %dma_start3A_800 = tpu.memref_slice %arg4[%cond3A_14, %dma_start3A_799] : memref<2x160000xi32, #tpu.memory_space<hbm>> -> memref<1x160000xi32, #tpu.memory_space<hbm>>
          %dma_start3A_801 = tpu.memref_squeeze %dma_start3A_800 : memref<1x160000xi32, #tpu.memory_space<hbm>> -> memref<160000xi32, #tpu.memory_space<hbm>>
          %dma_start3A_802 = tpu.memref_slice %dma_start3A_801[%multiple_of3A_793] : memref<160000xi32, #tpu.memory_space<hbm>> -> memref<400xi32, #tpu.memory_space<hbm>>
          %dma_start3A_803 = tpu.memref_slice %arg15[%dma_start3A_795] : memref<2x!tpu.dma_semaphore, #tpu.memory_space<semaphore_mem>> -> memref<1x!tpu.dma_semaphore, #tpu.memory_space<semaphore_mem>>
          %dma_start3A_804 = tpu.memref_squeeze %dma_start3A_803 : memref<1x!tpu.dma_semaphore, #tpu.memory_space<semaphore_mem>> -> memref<!tpu.dma_semaphore, #tpu.memory_space<semaphore_mem>>
          %dma_start3A_805 = arith.constant 0 : i32
          %dma_start3A_806 = tpu.memref_slice %arg7[%dma_start3A_794, %dma_start3A_805] : memref<2x400xi32, #tpu.memory_space<vmem>> -> memref<1x400xi32, #tpu.memory_space<vmem>>
          %dma_start3A_807 = tpu.memref_squeeze %dma_start3A_806 : memref<1x400xi32, #tpu.memory_space<vmem>> -> memref<400xi32, #tpu.memory_space<vmem>>
          %dma_start3A_808 = arith.constant 0 : i32
          %dma_start3A_809 = tpu.memref_slice %arg4[%cond3A_14, %dma_start3A_808] : memref<2x160000xi32, #tpu.memory_space<hbm>> -> memref<1x160000xi32, #tpu.memory_space<hbm>>
          %dma_start3A_810 = tpu.memref_squeeze %dma_start3A_809 : memref<1x160000xi32, #tpu.memory_space<hbm>> -> memref<160000xi32, #tpu.memory_space<hbm>>
          %dma_start3A_811 = tpu.memref_slice %dma_start3A_810[%multiple_of3A_793] : memref<160000xi32, #tpu.memory_space<hbm>> -> memref<400xi32, #tpu.memory_space<hbm>>
          tpu.enqueue_dma source(%dma_start3A_811 : memref<400xi32, #tpu.memory_space<hbm>>) target(%dma_start3A_807 : memref<400xi32, #tpu.memory_space<vmem>>) target_semaphore(%dma_start3A_804 : memref<!tpu.dma_semaphore, #tpu.memory_space<semaphore_mem>>)
        } else {
        }
        %mul3A_486 = arith.constant 10000 : i32
        %mul3A_487 = arith.muli %arg1, %mul3A_486 : i32
        %mul3A_488 = arith.constant 400 : i32
        %mul3A_489 = arith.muli %add3A_451, %mul3A_488 : i32
        %add3A_490 = arith.addi %mul3A_487, %mul3A_489 : i32
        %multiple_of3A_491 = tpu.assume_multiple %add3A_490, 8 : i32
        %dma_wait3A_492 = arith.constant 1 : i32
        %dma_wait3A_493 = arith.constant 1 : i32
        %dma_wait3A_494 = arith.constant 0 : i32
        %dma_wait3A_495 = tpu.memref_slice %arg8[%dma_wait3A_492, %dma_wait3A_494] : memref<4x400xi32, #tpu.memory_space<vmem>> -> memref<1x400xi32, #tpu.memory_space<vmem>>
        %dma_wait3A_496 = tpu.memref_squeeze %dma_wait3A_495 : memref<1x400xi32, #tpu.memory_space<vmem>> -> memref<400xi32, #tpu.memory_space<vmem>>
        %dma_wait3A_497 = arith.constant 0 : i32
        %dma_wait3A_498 = tpu.memref_slice %arg4[%cond3A_15, %dma_wait3A_497] : memref<2x160000xi32, #tpu.memory_space<hbm>> -> memref<1x160000xi32, #tpu.memory_space<hbm>>
        %dma_wait3A_499 = tpu.memref_squeeze %dma_wait3A_498 : memref<1x160000xi32, #tpu.memory_space<hbm>> -> memref<160000xi32, #tpu.memory_space<hbm>>
        %dma_wait3A_500 = tpu.memref_slice %dma_wait3A_499[%multiple_of3A_491] : memref<160000xi32, #tpu.memory_space<hbm>> -> memref<400xi32, #tpu.memory_space<hbm>>
        %dma_wait3A_501 = tpu.memref_slice %arg16[%dma_wait3A_493] : memref<4x!tpu.dma_semaphore, #tpu.memory_space<semaphore_mem>> -> memref<1x!tpu.dma_semaphore, #tpu.memory_space<semaphore_mem>>
        %dma_wait3A_502 = tpu.memref_squeeze %dma_wait3A_501 : memref<1x!tpu.dma_semaphore, #tpu.memory_space<semaphore_mem>> -> memref<!tpu.dma_semaphore, #tpu.memory_space<semaphore_mem>>
        %dma_wait3A_503 = arith.constant 0 : i32
        %dma_wait3A_504 = tpu.memref_slice %arg8[%dma_wait3A_492, %dma_wait3A_503] : memref<4x400xi32, #tpu.memory_space<vmem>> -> memref<1x400xi32, #tpu.memory_space<vmem>>
        %dma_wait3A_505 = tpu.memref_squeeze %dma_wait3A_504 : memref<1x400xi32, #tpu.memory_space<vmem>> -> memref<400xi32, #tpu.memory_space<vmem>>
        %dma_wait3A_506 = arith.constant 0 : i32
        %dma_wait3A_507 = tpu.memref_slice %arg4[%cond3A_15, %dma_wait3A_506] : memref<2x160000xi32, #tpu.memory_space<hbm>> -> memref<1x160000xi32, #tpu.memory_space<hbm>>
        %dma_wait3A_508 = tpu.memref_squeeze %dma_wait3A_507 : memref<1x160000xi32, #tpu.memory_space<hbm>> -> memref<160000xi32, #tpu.memory_space<hbm>>
        %dma_wait3A_509 = tpu.memref_slice %dma_wait3A_508[%multiple_of3A_491] : memref<160000xi32, #tpu.memory_space<hbm>> -> memref<400xi32, #tpu.memory_space<hbm>>
        tpu.wait_dma2 semaphore(%dma_wait3A_502 : memref<!tpu.dma_semaphore, #tpu.memory_space<semaphore_mem>>) src(%dma_wait3A_509 : memref<400xi32, #tpu.memory_space<hbm>>) dst(%dma_wait3A_505 : memref<400xi32, #tpu.memory_space<vmem>>)
        %dma_start3A_510 = arith.constant 1 : i32
        %dma_start3A_511 = arith.constant 1 : i32
        %dma_start3A_512 = arith.constant 1 : i32
        %dma_start3A_513 = arith.constant 0 : i32
        %dma_start3A_514 = arith.constant 0 : i32
        %dma_start3A_515 = tpu.memref_slice %arg9[%dma_start3A_510, %dma_start3A_513, %dma_start3A_514] : memref<2x400x128xi16, #tpu.memory_space<vmem>> -> memref<1x400x128xi16, #tpu.memory_space<vmem>>
        %dma_start3A_516 = tpu.memref_squeeze %dma_start3A_515 : memref<1x400x128xi16, #tpu.memory_space<vmem>> -> memref<400x128xi16, #tpu.memory_space<vmem>>
        %dma_start3A_517 = arith.constant 0 : i32
        %dma_start3A_518 = tpu.memref_slice %arg8[%dma_start3A_511, %dma_start3A_517] : memref<4x400xi32, #tpu.memory_space<vmem>> -> memref<1x400xi32, #tpu.memory_space<vmem>>
        %dma_start3A_519 = tpu.memref_squeeze %dma_start3A_518 : memref<1x400xi32, #tpu.memory_space<vmem>> -> memref<400xi32, #tpu.memory_space<vmem>>
        %dma_start3A_520 = arith.constant 0 : i32
        %dma_start3A_521 = arith.constant 0 : i32
        %dma_start3A_522 = tpu.memref_slice %arg11[%dma_start3A_520, %dma_start3A_521] : memref<10000x128xi16, #tpu.memory_space<vmem_shared>> -> memref<10000x128xi16, #tpu.memory_space<vmem_shared>>
        %dma_start3A_523 = tpu.memref_slice %arg17[%dma_start3A_512] : memref<2x!tpu.dma_semaphore, #tpu.memory_space<semaphore_mem>> -> memref<1x!tpu.dma_semaphore, #tpu.memory_space<semaphore_mem>>
        %dma_start3A_524 = tpu.memref_squeeze %dma_start3A_523 : memref<1x!tpu.dma_semaphore, #tpu.memory_space<semaphore_mem>> -> memref<!tpu.dma_semaphore, #tpu.memory_space<semaphore_mem>>
        tpu.enqueue_indirect_dma source(%dma_start3A_516 : memref<400x128xi16, #tpu.memory_space<vmem>>) target(%dma_start3A_522 : memref<10000x128xi16, #tpu.memory_space<vmem_shared>>) offsets(%dma_start3A_519 : memref<400xi32, #tpu.memory_space<vmem>>) semaphore(%dma_start3A_524 : memref<!tpu.dma_semaphore, #tpu.memory_space<semaphore_mem>>) {add = true}
        %ge3A_525 = arith.constant 0 : i32
        %ge3A_526 = arith.cmpi sge, %add3A_451, %ge3A_525 : i32
        %lt3A_527 = arith.constant 13 : i32
        %lt3A_528 = arith.cmpi slt, %add3A_451, %lt3A_527 : i32
        %and3A_529 = arith.andi %ge3A_526, %lt3A_528 : i1
        %convert_element_type3A_530 = arith.extui %and3A_529 : i1 to i32
        %cond3A_531 = arith.constant 0 : i32
        %cond3A_532 = arith.cmpi ne, %convert_element_type3A_530, %cond3A_531 : i32
        scf.if %cond3A_532 {
          %dma_start3A_786 = arith.constant 1 : i32
          %dma_start3A_787 = arith.constant 1 : i32
          %dma_start3A_788 = arith.constant 1 : i32
          %dma_start3A_789 = arith.constant 0 : i32
          %dma_start3A_790 = arith.constant 0 : i32
          %dma_start3A_791 = tpu.memref_slice %arg10[%dma_start3A_786, %dma_start3A_789, %dma_start3A_790] : memref<2x400x16xf32, #tpu.memory_space<vmem>> -> memref<1x400x16xf32, #tpu.memory_space<vmem>>
          %dma_start3A_792 = tpu.memref_squeeze %dma_start3A_791 : memref<1x400x16xf32, #tpu.memory_space<vmem>> -> memref<400x16xf32, #tpu.memory_space<vmem>>
          %dma_start3A_793 = arith.constant 0 : i32
          %dma_start3A_794 = tpu.memref_slice %arg8[%dma_start3A_787, %dma_start3A_793] : memref<4x400xi32, #tpu.memory_space<vmem>> -> memref<1x400xi32, #tpu.memory_space<vmem>>
          %dma_start3A_795 = tpu.memref_squeeze %dma_start3A_794 : memref<1x400xi32, #tpu.memory_space<vmem>> -> memref<400xi32, #tpu.memory_space<vmem>>
          %dma_start3A_796 = arith.constant 0 : i32
          %dma_start3A_797 = arith.constant 0 : i32
          %dma_start3A_798 = tpu.memref_slice %arg12[%dma_start3A_796, %dma_start3A_797] : memref<10000x16xf32, #tpu.memory_space<vmem_shared>> -> memref<10000x16xf32, #tpu.memory_space<vmem_shared>>
          %dma_start3A_799 = tpu.memref_slice %arg18[%dma_start3A_788] : memref<2x!tpu.dma_semaphore, #tpu.memory_space<semaphore_mem>> -> memref<1x!tpu.dma_semaphore, #tpu.memory_space<semaphore_mem>>
          %dma_start3A_800 = tpu.memref_squeeze %dma_start3A_799 : memref<1x!tpu.dma_semaphore, #tpu.memory_space<semaphore_mem>> -> memref<!tpu.dma_semaphore, #tpu.memory_space<semaphore_mem>>
          tpu.enqueue_indirect_dma source(%dma_start3A_792 : memref<400x16xf32, #tpu.memory_space<vmem>>) target(%dma_start3A_798 : memref<10000x16xf32, #tpu.memory_space<vmem_shared>>) offsets(%dma_start3A_795 : memref<400xi32, #tpu.memory_space<vmem>>) semaphore(%dma_start3A_800 : memref<!tpu.dma_semaphore, #tpu.memory_space<semaphore_mem>>) {add = true}
          %dma_wait3A_801 = arith.constant 1 : i32
          %dma_wait3A_802 = arith.constant 1 : i32
          %dma_wait3A_803 = arith.constant 1 : i32
          %dma_wait3A_804 = arith.constant 0 : i32
          %dma_wait3A_805 = arith.constant 0 : i32
          %dma_wait3A_806 = tpu.memref_slice %arg10[%dma_wait3A_801, %dma_wait3A_804, %dma_wait3A_805] : memref<2x400x16xf32, #tpu.memory_space<vmem>> -> memref<1x400x16xf32, #tpu.memory_space<vmem>>
          %dma_wait3A_807 = tpu.memref_squeeze %dma_wait3A_806 : memref<1x400x16xf32, #tpu.memory_space<vmem>> -> memref<400x16xf32, #tpu.memory_space<vmem>>
          %dma_wait3A_808 = arith.constant 0 : i32
          %dma_wait3A_809 = tpu.memref_slice %arg8[%dma_wait3A_802, %dma_wait3A_808] : memref<4x400xi32, #tpu.memory_space<vmem>> -> memref<1x400xi32, #tpu.memory_space<vmem>>
          %dma_wait3A_810 = tpu.memref_squeeze %dma_wait3A_809 : memref<1x400xi32, #tpu.memory_space<vmem>> -> memref<400xi32, #tpu.memory_space<vmem>>
          %dma_wait3A_811 = arith.constant 0 : i32
          %dma_wait3A_812 = arith.constant 0 : i32
          %dma_wait3A_813 = tpu.memref_slice %arg12[%dma_wait3A_811, %dma_wait3A_812] : memref<10000x16xf32, #tpu.memory_space<vmem_shared>> -> memref<10000x16xf32, #tpu.memory_space<vmem_shared>>
          %dma_wait3A_814 = tpu.memref_slice %arg18[%dma_wait3A_803] : memref<2x!tpu.dma_semaphore, #tpu.memory_space<semaphore_mem>> -> memref<1x!tpu.dma_semaphore, #tpu.memory_space<semaphore_mem>>
          %dma_wait3A_815 = tpu.memref_squeeze %dma_wait3A_814 : memref<1x!tpu.dma_semaphore, #tpu.memory_space<semaphore_mem>> -> memref<!tpu.dma_semaphore, #tpu.memory_space<semaphore_mem>>
          tpu.wait_indirect_dma semaphore(%dma_wait3A_815 : memref<!tpu.dma_semaphore, #tpu.memory_space<semaphore_mem>>) src(%dma_wait3A_807 : memref<400x16xf32, #tpu.memory_space<vmem>>) dst(%dma_wait3A_813 : memref<10000x16xf32, #tpu.memory_space<vmem_shared>>)
        } else {
        }
        %dma_wait3A_533 = arith.constant 1 : i32
        %dma_wait3A_534 = arith.constant 1 : i32
        %dma_wait3A_535 = arith.constant 1 : i32
        %dma_wait3A_536 = arith.constant 0 : i32
        %dma_wait3A_537 = arith.constant 0 : i32
        %dma_wait3A_538 = tpu.memref_slice %arg9[%dma_wait3A_533, %dma_wait3A_536, %dma_wait3A_537] : memref<2x400x128xi16, #tpu.memory_space<vmem>> -> memref<1x400x128xi16, #tpu.memory_space<vmem>>
        %dma_wait3A_539 = tpu.memref_squeeze %dma_wait3A_538 : memref<1x400x128xi16, #tpu.memory_space<vmem>> -> memref<400x128xi16, #tpu.memory_space<vmem>>
        %dma_wait3A_540 = arith.constant 0 : i32
        %dma_wait3A_541 = tpu.memref_slice %arg8[%dma_wait3A_534, %dma_wait3A_540] : memref<4x400xi32, #tpu.memory_space<vmem>> -> memref<1x400xi32, #tpu.memory_space<vmem>>
        %dma_wait3A_542 = tpu.memref_squeeze %dma_wait3A_541 : memref<1x400xi32, #tpu.memory_space<vmem>> -> memref<400xi32, #tpu.memory_space<vmem>>
        %dma_wait3A_543 = arith.constant 0 : i32
        %dma_wait3A_544 = arith.constant 0 : i32
        %dma_wait3A_545 = tpu.memref_slice %arg11[%dma_wait3A_543, %dma_wait3A_544] : memref<10000x128xi16, #tpu.memory_space<vmem_shared>> -> memref<10000x128xi16, #tpu.memory_space<vmem_shared>>
        %dma_wait3A_546 = tpu.memref_slice %arg17[%dma_wait3A_535] : memref<2x!tpu.dma_semaphore, #tpu.memory_space<semaphore_mem>> -> memref<1x!tpu.dma_semaphore, #tpu.memory_space<semaphore_mem>>
        %dma_wait3A_547 = tpu.memref_squeeze %dma_wait3A_546 : memref<1x!tpu.dma_semaphore, #tpu.memory_space<semaphore_mem>> -> memref<!tpu.dma_semaphore, #tpu.memory_space<semaphore_mem>>
        tpu.wait_indirect_dma semaphore(%dma_wait3A_547 : memref<!tpu.dma_semaphore, #tpu.memory_space<semaphore_mem>>) src(%dma_wait3A_539 : memref<400x128xi16, #tpu.memory_space<vmem>>) dst(%dma_wait3A_545 : memref<10000x128xi16, #tpu.memory_space<vmem_shared>>)
        %add3A_548 = arith.constant 4 : i32
        %add3A_549 = arith.addi %add3A_451, %add3A_548 : i32
        %lt3A_550 = arith.constant 25 : i32
        %lt3A_551 = arith.cmpi slt, %add3A_549, %lt3A_550 : i32
        %convert_element_type3A_552 = arith.extui %lt3A_551 : i1 to i32
        %cond3A_553 = arith.constant 0 : i32
        %cond3A_554 = arith.cmpi ne, %convert_element_type3A_552, %cond3A_553 : i32
        scf.if %cond3A_554 {
          %add3A_786 = arith.constant 4 : i32
          %add3A_787 = arith.addi %add3A_451, %add3A_786 : i32
          %mul3A_788 = arith.constant 10000 : i32
          %mul3A_789 = arith.muli %arg1, %mul3A_788 : i32
          %mul3A_790 = arith.constant 400 : i32
          %mul3A_791 = arith.muli %add3A_787, %mul3A_790 : i32
          %add3A_792 = arith.addi %mul3A_789, %mul3A_791 : i32
          %multiple_of3A_793 = tpu.assume_multiple %add3A_792, 8 : i32
          %dma_start3A_794 = arith.constant 1 : i32
          %dma_start3A_795 = arith.constant 1 : i32
          %dma_start3A_796 = arith.constant 0 : i32
          %dma_start3A_797 = tpu.memref_slice %arg8[%dma_start3A_794, %dma_start3A_796] : memref<4x400xi32, #tpu.memory_space<vmem>> -> memref<1x400xi32, #tpu.memory_space<vmem>>
          %dma_start3A_798 = tpu.memref_squeeze %dma_start3A_797 : memref<1x400xi32, #tpu.memory_space<vmem>> -> memref<400xi32, #tpu.memory_space<vmem>>
          %dma_start3A_799 = arith.constant 0 : i32
          %dma_start3A_800 = tpu.memref_slice %arg4[%cond3A_15, %dma_start3A_799] : memref<2x160000xi32, #tpu.memory_space<hbm>> -> memref<1x160000xi32, #tpu.memory_space<hbm>>
          %dma_start3A_801 = tpu.memref_squeeze %dma_start3A_800 : memref<1x160000xi32, #tpu.memory_space<hbm>> -> memref<160000xi32, #tpu.memory_space<hbm>>
          %dma_start3A_802 = tpu.memref_slice %dma_start3A_801[%multiple_of3A_793] : memref<160000xi32, #tpu.memory_space<hbm>> -> memref<400xi32, #tpu.memory_space<hbm>>
          %dma_start3A_803 = tpu.memref_slice %arg16[%dma_start3A_795] : memref<4x!tpu.dma_semaphore, #tpu.memory_space<semaphore_mem>> -> memref<1x!tpu.dma_semaphore, #tpu.memory_space<semaphore_mem>>
          %dma_start3A_804 = tpu.memref_squeeze %dma_start3A_803 : memref<1x!tpu.dma_semaphore, #tpu.memory_space<semaphore_mem>> -> memref<!tpu.dma_semaphore, #tpu.memory_space<semaphore_mem>>
          %dma_start3A_805 = arith.constant 0 : i32
          %dma_start3A_806 = tpu.memref_slice %arg8[%dma_start3A_794, %dma_start3A_805] : memref<4x400xi32, #tpu.memory_space<vmem>> -> memref<1x400xi32, #tpu.memory_space<vmem>>
          %dma_start3A_807 = tpu.memref_squeeze %dma_start3A_806 : memref<1x400xi32, #tpu.memory_space<vmem>> -> memref<400xi32, #tpu.memory_space<vmem>>
          %dma_start3A_808 = arith.constant 0 : i32
          %dma_start3A_809 = tpu.memref_slice %arg4[%cond3A_15, %dma_start3A_808] : memref<2x160000xi32, #tpu.memory_space<hbm>> -> memref<1x160000xi32, #tpu.memory_space<hbm>>
          %dma_start3A_810 = tpu.memref_squeeze %dma_start3A_809 : memref<1x160000xi32, #tpu.memory_space<hbm>> -> memref<160000xi32, #tpu.memory_space<hbm>>
          %dma_start3A_811 = tpu.memref_slice %dma_start3A_810[%multiple_of3A_793] : memref<160000xi32, #tpu.memory_space<hbm>> -> memref<400xi32, #tpu.memory_space<hbm>>
          tpu.enqueue_dma source(%dma_start3A_811 : memref<400xi32, #tpu.memory_space<hbm>>) target(%dma_start3A_807 : memref<400xi32, #tpu.memory_space<vmem>>) target_semaphore(%dma_start3A_804 : memref<!tpu.dma_semaphore, #tpu.memory_space<semaphore_mem>>)
        } else {
        }
        %add3A_555 = arith.constant 2 : i32
        %add3A_556 = arith.addi %add3A_451, %add3A_555 : i32
        %lt3A_557 = arith.constant 25 : i32
        %lt3A_558 = arith.cmpi slt, %add3A_556, %lt3A_557 : i32
        %convert_element_type3A_559 = arith.extui %lt3A_558 : i1 to i32
        %cond3A_560 = arith.constant 0 : i32
        %cond3A_561 = arith.cmpi ne, %convert_element_type3A_559, %cond3A_560 : i32
        scf.if %cond3A_561 {
          %add3A_786 = arith.constant 2 : i32
          %add3A_787 = arith.addi %add3A_451, %add3A_786 : i32
          %mul3A_788 = arith.constant 10000 : i32
          %mul3A_789 = arith.muli %arg1, %mul3A_788 : i32
          %mul3A_790 = arith.constant 400 : i32
          %mul3A_791 = arith.muli %add3A_787, %mul3A_790 : i32
          %add3A_792 = arith.addi %mul3A_789, %mul3A_791 : i32
          %multiple_of3A_793 = tpu.assume_multiple %add3A_792, 8 : i32
          %dma_wait3A_794 = arith.constant 1 : i32
          %dma_wait3A_795 = arith.constant 1 : i32
          %dma_wait3A_796 = arith.constant 0 : i32
          %dma_wait3A_797 = tpu.memref_slice %arg7[%dma_wait3A_794, %dma_wait3A_796] : memref<2x400xi32, #tpu.memory_space<vmem>> -> memref<1x400xi32, #tpu.memory_space<vmem>>
          %dma_wait3A_798 = tpu.memref_squeeze %dma_wait3A_797 : memref<1x400xi32, #tpu.memory_space<vmem>> -> memref<400xi32, #tpu.memory_space<vmem>>
          %dma_wait3A_799 = arith.constant 0 : i32
          %dma_wait3A_800 = tpu.memref_slice %arg4[%cond3A_14, %dma_wait3A_799] : memref<2x160000xi32, #tpu.memory_space<hbm>> -> memref<1x160000xi32, #tpu.memory_space<hbm>>
          %dma_wait3A_801 = tpu.memref_squeeze %dma_wait3A_800 : memref<1x160000xi32, #tpu.memory_space<hbm>> -> memref<160000xi32, #tpu.memory_space<hbm>>
          %dma_wait3A_802 = tpu.memref_slice %dma_wait3A_801[%multiple_of3A_793] : memref<160000xi32, #tpu.memory_space<hbm>> -> memref<400xi32, #tpu.memory_space<hbm>>
          %dma_wait3A_803 = tpu.memref_slice %arg15[%dma_wait3A_795] : memref<2x!tpu.dma_semaphore, #tpu.memory_space<semaphore_mem>> -> memref<1x!tpu.dma_semaphore, #tpu.memory_space<semaphore_mem>>
          %dma_wait3A_804 = tpu.memref_squeeze %dma_wait3A_803 : memref<1x!tpu.dma_semaphore, #tpu.memory_space<semaphore_mem>> -> memref<!tpu.dma_semaphore, #tpu.memory_space<semaphore_mem>>
          %dma_wait3A_805 = arith.constant 0 : i32
          %dma_wait3A_806 = tpu.memref_slice %arg7[%dma_wait3A_794, %dma_wait3A_805] : memref<2x400xi32, #tpu.memory_space<vmem>> -> memref<1x400xi32, #tpu.memory_space<vmem>>
          %dma_wait3A_807 = tpu.memref_squeeze %dma_wait3A_806 : memref<1x400xi32, #tpu.memory_space<vmem>> -> memref<400xi32, #tpu.memory_space<vmem>>
          %dma_wait3A_808 = arith.constant 0 : i32
          %dma_wait3A_809 = tpu.memref_slice %arg4[%cond3A_14, %dma_wait3A_808] : memref<2x160000xi32, #tpu.memory_space<hbm>> -> memref<1x160000xi32, #tpu.memory_space<hbm>>
          %dma_wait3A_810 = tpu.memref_squeeze %dma_wait3A_809 : memref<1x160000xi32, #tpu.memory_space<hbm>> -> memref<160000xi32, #tpu.memory_space<hbm>>
          %dma_wait3A_811 = tpu.memref_slice %dma_wait3A_810[%multiple_of3A_793] : memref<160000xi32, #tpu.memory_space<hbm>> -> memref<400xi32, #tpu.memory_space<hbm>>
          tpu.wait_dma2 semaphore(%dma_wait3A_804 : memref<!tpu.dma_semaphore, #tpu.memory_space<semaphore_mem>>) src(%dma_wait3A_811 : memref<400xi32, #tpu.memory_space<hbm>>) dst(%dma_wait3A_807 : memref<400xi32, #tpu.memory_space<vmem>>)
          %dma_start3A_812 = arith.constant 1 : i32
          %dma_start3A_813 = arith.constant 1 : i32
          %dma_start3A_814 = arith.constant 1 : i32
          %dma_start3A_815 = arith.constant 0 : i32
          %dma_start3A_816 = arith.constant 0 : i32
          %dma_start3A_817 = tpu.memref_slice %arg9[%dma_start3A_813, %dma_start3A_815, %dma_start3A_816] : memref<2x400x128xi16, #tpu.memory_space<vmem>> -> memref<1x400x128xi16, #tpu.memory_space<vmem>>
          %dma_start3A_818 = tpu.memref_squeeze %dma_start3A_817 : memref<1x400x128xi16, #tpu.memory_space<vmem>> -> memref<400x128xi16, #tpu.memory_space<vmem>>
          %dma_start3A_819 = arith.constant 0 : i32
          %dma_start3A_820 = tpu.memref_slice %arg7[%dma_start3A_812, %dma_start3A_819] : memref<2x400xi32, #tpu.memory_space<vmem>> -> memref<1x400xi32, #tpu.memory_space<vmem>>
          %dma_start3A_821 = tpu.memref_squeeze %dma_start3A_820 : memref<1x400xi32, #tpu.memory_space<vmem>> -> memref<400xi32, #tpu.memory_space<vmem>>
          %dma_start3A_822 = arith.constant 0 : i32
          %dma_start3A_823 = arith.constant 0 : i32
          %dma_start3A_824 = tpu.memref_slice %arg2[%cond3A_16, %dma_start3A_822, %dma_start3A_823] : memref<2x10000x128xi16, #tpu.memory_space<hbm>> -> memref<1x10000x128xi16, #tpu.memory_space<hbm>>
          %dma_start3A_825 = tpu.memref_squeeze %dma_start3A_824 : memref<1x10000x128xi16, #tpu.memory_space<hbm>> -> memref<10000x128xi16, #tpu.memory_space<hbm>>
          %dma_start3A_826 = arith.constant 0 : i32
          %dma_start3A_827 = arith.constant 0 : i32
          %dma_start3A_828 = tpu.memref_slice %dma_start3A_825[%dma_start3A_826, %dma_start3A_827] : memref<10000x128xi16, #tpu.memory_space<hbm>> -> memref<10000x128xi16, #tpu.memory_space<hbm>>
          %dma_start3A_829 = tpu.memref_slice %arg13[%dma_start3A_814] : memref<2x!tpu.dma_semaphore, #tpu.memory_space<semaphore_mem>> -> memref<1x!tpu.dma_semaphore, #tpu.memory_space<semaphore_mem>>
          %dma_start3A_830 = tpu.memref_squeeze %dma_start3A_829 : memref<1x!tpu.dma_semaphore, #tpu.memory_space<semaphore_mem>> -> memref<!tpu.dma_semaphore, #tpu.memory_space<semaphore_mem>>
          tpu.enqueue_indirect_dma source(%dma_start3A_828 : memref<10000x128xi16, #tpu.memory_space<hbm>>) target(%dma_start3A_818 : memref<400x128xi16, #tpu.memory_space<vmem>>) offsets(%dma_start3A_821 : memref<400xi32, #tpu.memory_space<vmem>>) semaphore(%dma_start3A_830 : memref<!tpu.dma_semaphore, #tpu.memory_space<semaphore_mem>>)
          %add3A_831 = arith.constant 2 : i32
          %add3A_832 = arith.addi %add3A_451, %add3A_831 : i32
          %ge3A_833 = arith.constant 0 : i32
          %ge3A_834 = arith.cmpi sge, %add3A_832, %ge3A_833 : i32
          %lt3A_835 = arith.constant 13 : i32
          %lt3A_836 = arith.cmpi slt, %add3A_832, %lt3A_835 : i32
          %and3A_837 = arith.andi %ge3A_834, %lt3A_836 : i1
          %convert_element_type3A_838 = arith.extui %and3A_837 : i1 to i32
          %cond3A_839 = arith.constant 0 : i32
          %cond3A_840 = arith.cmpi ne, %convert_element_type3A_838, %cond3A_839 : i32
          scf.if %cond3A_840 {
            %dma_start3A_841 = arith.constant 1 : i32
            %dma_start3A_842 = arith.constant 1 : i32
            %dma_start3A_843 = arith.constant 1 : i32
            %dma_start3A_844 = arith.constant 0 : i32
            %dma_start3A_845 = arith.constant 0 : i32
            %dma_start3A_846 = tpu.memref_slice %arg10[%dma_start3A_842, %dma_start3A_844, %dma_start3A_845] : memref<2x400x16xf32, #tpu.memory_space<vmem>> -> memref<1x400x16xf32, #tpu.memory_space<vmem>>
            %dma_start3A_847 = tpu.memref_squeeze %dma_start3A_846 : memref<1x400x16xf32, #tpu.memory_space<vmem>> -> memref<400x16xf32, #tpu.memory_space<vmem>>
            %dma_start3A_848 = arith.constant 0 : i32
            %dma_start3A_849 = tpu.memref_slice %arg7[%dma_start3A_841, %dma_start3A_848] : memref<2x400xi32, #tpu.memory_space<vmem>> -> memref<1x400xi32, #tpu.memory_space<vmem>>
            %dma_start3A_850 = tpu.memref_squeeze %dma_start3A_849 : memref<1x400xi32, #tpu.memory_space<vmem>> -> memref<400xi32, #tpu.memory_space<vmem>>
            %dma_start3A_851 = arith.constant 0 : i32
            %dma_start3A_852 = arith.constant 0 : i32
            %dma_start3A_853 = tpu.memref_slice %arg3[%dma_start3A_851, %dma_start3A_852] : memref<10000x16xf32, #tpu.memory_space<hbm>> -> memref<10000x16xf32, #tpu.memory_space<hbm>>
            %dma_start3A_854 = tpu.memref_slice %arg14[%dma_start3A_843] : memref<2x!tpu.dma_semaphore, #tpu.memory_space<semaphore_mem>> -> memref<1x!tpu.dma_semaphore, #tpu.memory_space<semaphore_mem>>
            %dma_start3A_855 = tpu.memref_squeeze %dma_start3A_854 : memref<1x!tpu.dma_semaphore, #tpu.memory_space<semaphore_mem>> -> memref<!tpu.dma_semaphore, #tpu.memory_space<semaphore_mem>>
            tpu.enqueue_indirect_dma source(%dma_start3A_853 : memref<10000x16xf32, #tpu.memory_space<hbm>>) target(%dma_start3A_847 : memref<400x16xf32, #tpu.memory_space<vmem>>) offsets(%dma_start3A_850 : memref<400xi32, #tpu.memory_space<vmem>>) semaphore(%dma_start3A_855 : memref<!tpu.dma_semaphore, #tpu.memory_space<semaphore_mem>>)
          } else {
          }
        } else {
        }
        %add3A_562 = arith.constant 2 : i32
        %add3A_563 = arith.addi %mul3A_339, %add3A_562 : i32
        %dma_wait3A_564 = arith.constant 0 : i32
        %dma_wait3A_565 = arith.constant 0 : i32
        %dma_wait3A_566 = arith.constant 0 : i32
        %dma_wait3A_567 = arith.constant 0 : i32
        %dma_wait3A_568 = arith.constant 0 : i32
        %dma_wait3A_569 = tpu.memref_slice %arg9[%dma_wait3A_565, %dma_wait3A_567, %dma_wait3A_568] : memref<2x400x128xi16, #tpu.memory_space<vmem>> -> memref<1x400x128xi16, #tpu.memory_space<vmem>>
        %dma_wait3A_570 = tpu.memref_squeeze %dma_wait3A_569 : memref<1x400x128xi16, #tpu.memory_space<vmem>> -> memref<400x128xi16, #tpu.memory_space<vmem>>
        %dma_wait3A_571 = arith.constant 0 : i32
        %dma_wait3A_572 = tpu.memref_slice %arg7[%dma_wait3A_564, %dma_wait3A_571] : memref<2x400xi32, #tpu.memory_space<vmem>> -> memref<1x400xi32, #tpu.memory_space<vmem>>
        %dma_wait3A_573 = tpu.memref_squeeze %dma_wait3A_572 : memref<1x400xi32, #tpu.memory_space<vmem>> -> memref<400xi32, #tpu.memory_space<vmem>>
        %dma_wait3A_574 = arith.constant 0 : i32
        %dma_wait3A_575 = arith.constant 0 : i32
        %dma_wait3A_576 = tpu.memref_slice %arg2[%cond3A_16, %dma_wait3A_574, %dma_wait3A_575] : memref<2x10000x128xi16, #tpu.memory_space<hbm>> -> memref<1x10000x128xi16, #tpu.memory_space<hbm>>
        %dma_wait3A_577 = tpu.memref_squeeze %dma_wait3A_576 : memref<1x10000x128xi16, #tpu.memory_space<hbm>> -> memref<10000x128xi16, #tpu.memory_space<hbm>>
        %dma_wait3A_578 = arith.constant 0 : i32
        %dma_wait3A_579 = arith.constant 0 : i32
        %dma_wait3A_580 = tpu.memref_slice %dma_wait3A_577[%dma_wait3A_578, %dma_wait3A_579] : memref<10000x128xi16, #tpu.memory_space<hbm>> -> memref<10000x128xi16, #tpu.memory_space<hbm>>
        %dma_wait3A_581 = tpu.memref_slice %arg13[%dma_wait3A_566] : memref<2x!tpu.dma_semaphore, #tpu.memory_space<semaphore_mem>> -> memref<1x!tpu.dma_semaphore, #tpu.memory_space<semaphore_mem>>
        %dma_wait3A_582 = tpu.memref_squeeze %dma_wait3A_581 : memref<1x!tpu.dma_semaphore, #tpu.memory_space<semaphore_mem>> -> memref<!tpu.dma_semaphore, #tpu.memory_space<semaphore_mem>>
        tpu.wait_indirect_dma semaphore(%dma_wait3A_582 : memref<!tpu.dma_semaphore, #tpu.memory_space<semaphore_mem>>) src(%dma_wait3A_580 : memref<10000x128xi16, #tpu.memory_space<hbm>>) dst(%dma_wait3A_570 : memref<400x128xi16, #tpu.memory_space<vmem>>)
        %ge3A_583 = arith.constant 0 : i32
        %ge3A_584 = arith.cmpi sge, %add3A_563, %ge3A_583 : i32
        %lt3A_585 = arith.constant 13 : i32
        %lt3A_586 = arith.cmpi slt, %add3A_563, %lt3A_585 : i32
        %and3A_587 = arith.andi %ge3A_584, %lt3A_586 : i1
        %convert_element_type3A_588 = arith.extui %and3A_587 : i1 to i32
        %cond3A_589 = arith.constant 0 : i32
        %cond3A_590 = arith.cmpi ne, %convert_element_type3A_588, %cond3A_589 : i32
        scf.if %cond3A_590 {
          %dma_wait3A_786 = arith.constant 0 : i32
          %dma_wait3A_787 = arith.constant 0 : i32
          %dma_wait3A_788 = arith.constant 0 : i32
          %dma_wait3A_789 = arith.constant 0 : i32
          %dma_wait3A_790 = arith.constant 0 : i32
          %dma_wait3A_791 = tpu.memref_slice %arg10[%dma_wait3A_787, %dma_wait3A_789, %dma_wait3A_790] : memref<2x400x16xf32, #tpu.memory_space<vmem>> -> memref<1x400x16xf32, #tpu.memory_space<vmem>>
          %dma_wait3A_792 = tpu.memref_squeeze %dma_wait3A_791 : memref<1x400x16xf32, #tpu.memory_space<vmem>> -> memref<400x16xf32, #tpu.memory_space<vmem>>
          %dma_wait3A_793 = arith.constant 0 : i32
          %dma_wait3A_794 = tpu.memref_slice %arg7[%dma_wait3A_786, %dma_wait3A_793] : memref<2x400xi32, #tpu.memory_space<vmem>> -> memref<1x400xi32, #tpu.memory_space<vmem>>
          %dma_wait3A_795 = tpu.memref_squeeze %dma_wait3A_794 : memref<1x400xi32, #tpu.memory_space<vmem>> -> memref<400xi32, #tpu.memory_space<vmem>>
          %dma_wait3A_796 = arith.constant 0 : i32
          %dma_wait3A_797 = arith.constant 0 : i32
          %dma_wait3A_798 = tpu.memref_slice %arg3[%dma_wait3A_796, %dma_wait3A_797] : memref<10000x16xf32, #tpu.memory_space<hbm>> -> memref<10000x16xf32, #tpu.memory_space<hbm>>
          %dma_wait3A_799 = tpu.memref_slice %arg14[%dma_wait3A_788] : memref<2x!tpu.dma_semaphore, #tpu.memory_space<semaphore_mem>> -> memref<1x!tpu.dma_semaphore, #tpu.memory_space<semaphore_mem>>
          %dma_wait3A_800 = tpu.memref_squeeze %dma_wait3A_799 : memref<1x!tpu.dma_semaphore, #tpu.memory_space<semaphore_mem>> -> memref<!tpu.dma_semaphore, #tpu.memory_space<semaphore_mem>>
          tpu.wait_indirect_dma semaphore(%dma_wait3A_800 : memref<!tpu.dma_semaphore, #tpu.memory_space<semaphore_mem>>) src(%dma_wait3A_798 : memref<10000x16xf32, #tpu.memory_space<hbm>>) dst(%dma_wait3A_792 : memref<400x16xf32, #tpu.memory_space<vmem>>)
        } else {
        }
        %add3A_591 = arith.constant 2 : i32
        %add3A_592 = arith.addi %add3A_563, %add3A_591 : i32
        %lt3A_593 = arith.constant 25 : i32
        %lt3A_594 = arith.cmpi slt, %add3A_592, %lt3A_593 : i32
        %convert_element_type3A_595 = arith.extui %lt3A_594 : i1 to i32
        %cond3A_596 = arith.constant 0 : i32
        %cond3A_597 = arith.cmpi ne, %convert_element_type3A_595, %cond3A_596 : i32
        scf.if %cond3A_597 {
          %add3A_786 = arith.constant 2 : i32
          %add3A_787 = arith.addi %add3A_563, %add3A_786 : i32
          %mul3A_788 = arith.constant 10000 : i32
          %mul3A_789 = arith.muli %arg1, %mul3A_788 : i32
          %mul3A_790 = arith.constant 400 : i32
          %mul3A_791 = arith.muli %add3A_787, %mul3A_790 : i32
          %add3A_792 = arith.addi %mul3A_789, %mul3A_791 : i32
          %multiple_of3A_793 = tpu.assume_multiple %add3A_792, 8 : i32
          %dma_start3A_794 = arith.constant 0 : i32
          %dma_start3A_795 = arith.constant 0 : i32
          %dma_start3A_796 = arith.constant 0 : i32
          %dma_start3A_797 = tpu.memref_slice %arg7[%dma_start3A_794, %dma_start3A_796] : memref<2x400xi32, #tpu.memory_space<vmem>> -> memref<1x400xi32, #tpu.memory_space<vmem>>
          %dma_start3A_798 = tpu.memref_squeeze %dma_start3A_797 : memref<1x400xi32, #tpu.memory_space<vmem>> -> memref<400xi32, #tpu.memory_space<vmem>>
          %dma_start3A_799 = arith.constant 0 : i32
          %dma_start3A_800 = tpu.memref_slice %arg4[%cond3A_14, %dma_start3A_799] : memref<2x160000xi32, #tpu.memory_space<hbm>> -> memref<1x160000xi32, #tpu.memory_space<hbm>>
          %dma_start3A_801 = tpu.memref_squeeze %dma_start3A_800 : memref<1x160000xi32, #tpu.memory_space<hbm>> -> memref<160000xi32, #tpu.memory_space<hbm>>
          %dma_start3A_802 = tpu.memref_slice %dma_start3A_801[%multiple_of3A_793] : memref<160000xi32, #tpu.memory_space<hbm>> -> memref<400xi32, #tpu.memory_space<hbm>>
          %dma_start3A_803 = tpu.memref_slice %arg15[%dma_start3A_795] : memref<2x!tpu.dma_semaphore, #tpu.memory_space<semaphore_mem>> -> memref<1x!tpu.dma_semaphore, #tpu.memory_space<semaphore_mem>>
          %dma_start3A_804 = tpu.memref_squeeze %dma_start3A_803 : memref<1x!tpu.dma_semaphore, #tpu.memory_space<semaphore_mem>> -> memref<!tpu.dma_semaphore, #tpu.memory_space<semaphore_mem>>
          %dma_start3A_805 = arith.constant 0 : i32
          %dma_start3A_806 = tpu.memref_slice %arg7[%dma_start3A_794, %dma_start3A_805] : memref<2x400xi32, #tpu.memory_space<vmem>> -> memref<1x400xi32, #tpu.memory_space<vmem>>
          %dma_start3A_807 = tpu.memref_squeeze %dma_start3A_806 : memref<1x400xi32, #tpu.memory_space<vmem>> -> memref<400xi32, #tpu.memory_space<vmem>>
          %dma_start3A_808 = arith.constant 0 : i32
          %dma_start3A_809 = tpu.memref_slice %arg4[%cond3A_14, %dma_start3A_808] : memref<2x160000xi32, #tpu.memory_space<hbm>> -> memref<1x160000xi32, #tpu.memory_space<hbm>>
          %dma_start3A_810 = tpu.memref_squeeze %dma_start3A_809 : memref<1x160000xi32, #tpu.memory_space<hbm>> -> memref<160000xi32, #tpu.memory_space<hbm>>
          %dma_start3A_811 = tpu.memref_slice %dma_start3A_810[%multiple_of3A_793] : memref<160000xi32, #tpu.memory_space<hbm>> -> memref<400xi32, #tpu.memory_space<hbm>>
          tpu.enqueue_dma source(%dma_start3A_811 : memref<400xi32, #tpu.memory_space<hbm>>) target(%dma_start3A_807 : memref<400xi32, #tpu.memory_space<vmem>>) target_semaphore(%dma_start3A_804 : memref<!tpu.dma_semaphore, #tpu.memory_space<semaphore_mem>>)
        } else {
        }
        %mul3A_598 = arith.constant 10000 : i32
        %mul3A_599 = arith.muli %arg1, %mul3A_598 : i32
        %mul3A_600 = arith.constant 400 : i32
        %mul3A_601 = arith.muli %add3A_563, %mul3A_600 : i32
        %add3A_602 = arith.addi %mul3A_599, %mul3A_601 : i32
        %multiple_of3A_603 = tpu.assume_multiple %add3A_602, 8 : i32
        %dma_wait3A_604 = arith.constant 2 : i32
        %dma_wait3A_605 = arith.constant 2 : i32
        %dma_wait3A_606 = arith.constant 0 : i32
        %dma_wait3A_607 = tpu.memref_slice %arg8[%dma_wait3A_604, %dma_wait3A_606] : memref<4x400xi32, #tpu.memory_space<vmem>> -> memref<1x400xi32, #tpu.memory_space<vmem>>
        %dma_wait3A_608 = tpu.memref_squeeze %dma_wait3A_607 : memref<1x400xi32, #tpu.memory_space<vmem>> -> memref<400xi32, #tpu.memory_space<vmem>>
        %dma_wait3A_609 = arith.constant 0 : i32
        %dma_wait3A_610 = tpu.memref_slice %arg4[%cond3A_15, %dma_wait3A_609] : memref<2x160000xi32, #tpu.memory_space<hbm>> -> memref<1x160000xi32, #tpu.memory_space<hbm>>
        %dma_wait3A_611 = tpu.memref_squeeze %dma_wait3A_610 : memref<1x160000xi32, #tpu.memory_space<hbm>> -> memref<160000xi32, #tpu.memory_space<hbm>>
        %dma_wait3A_612 = tpu.memref_slice %dma_wait3A_611[%multiple_of3A_603] : memref<160000xi32, #tpu.memory_space<hbm>> -> memref<400xi32, #tpu.memory_space<hbm>>
        %dma_wait3A_613 = tpu.memref_slice %arg16[%dma_wait3A_605] : memref<4x!tpu.dma_semaphore, #tpu.memory_space<semaphore_mem>> -> memref<1x!tpu.dma_semaphore, #tpu.memory_space<semaphore_mem>>
        %dma_wait3A_614 = tpu.memref_squeeze %dma_wait3A_613 : memref<1x!tpu.dma_semaphore, #tpu.memory_space<semaphore_mem>> -> memref<!tpu.dma_semaphore, #tpu.memory_space<semaphore_mem>>
        %dma_wait3A_615 = arith.constant 0 : i32
        %dma_wait3A_616 = tpu.memref_slice %arg8[%dma_wait3A_604, %dma_wait3A_615] : memref<4x400xi32, #tpu.memory_space<vmem>> -> memref<1x400xi32, #tpu.memory_space<vmem>>
        %dma_wait3A_617 = tpu.memref_squeeze %dma_wait3A_616 : memref<1x400xi32, #tpu.memory_space<vmem>> -> memref<400xi32, #tpu.memory_space<vmem>>
        %dma_wait3A_618 = arith.constant 0 : i32
        %dma_wait3A_619 = tpu.memref_slice %arg4[%cond3A_15, %dma_wait3A_618] : memref<2x160000xi32, #tpu.memory_space<hbm>> -> memref<1x160000xi32, #tpu.memory_space<hbm>>
        %dma_wait3A_620 = tpu.memref_squeeze %dma_wait3A_619 : memref<1x160000xi32, #tpu.memory_space<hbm>> -> memref<160000xi32, #tpu.memory_space<hbm>>
        %dma_wait3A_621 = tpu.memref_slice %dma_wait3A_620[%multiple_of3A_603] : memref<160000xi32, #tpu.memory_space<hbm>> -> memref<400xi32, #tpu.memory_space<hbm>>
        tpu.wait_dma2 semaphore(%dma_wait3A_614 : memref<!tpu.dma_semaphore, #tpu.memory_space<semaphore_mem>>) src(%dma_wait3A_621 : memref<400xi32, #tpu.memory_space<hbm>>) dst(%dma_wait3A_617 : memref<400xi32, #tpu.memory_space<vmem>>)
        %dma_start3A_622 = arith.constant 0 : i32
        %dma_start3A_623 = arith.constant 2 : i32
        %dma_start3A_624 = arith.constant 0 : i32
        %dma_start3A_625 = arith.constant 0 : i32
        %dma_start3A_626 = arith.constant 0 : i32
        %dma_start3A_627 = tpu.memref_slice %arg9[%dma_start3A_622, %dma_start3A_625, %dma_start3A_626] : memref<2x400x128xi16, #tpu.memory_space<vmem>> -> memref<1x400x128xi16, #tpu.memory_space<vmem>>
        %dma_start3A_628 = tpu.memref_squeeze %dma_start3A_627 : memref<1x400x128xi16, #tpu.memory_space<vmem>> -> memref<400x128xi16, #tpu.memory_space<vmem>>
        %dma_start3A_629 = arith.constant 0 : i32
        %dma_start3A_630 = tpu.memref_slice %arg8[%dma_start3A_623, %dma_start3A_629] : memref<4x400xi32, #tpu.memory_space<vmem>> -> memref<1x400xi32, #tpu.memory_space<vmem>>
        %dma_start3A_631 = tpu.memref_squeeze %dma_start3A_630 : memref<1x400xi32, #tpu.memory_space<vmem>> -> memref<400xi32, #tpu.memory_space<vmem>>
        %dma_start3A_632 = arith.constant 0 : i32
        %dma_start3A_633 = arith.constant 0 : i32
        %dma_start3A_634 = tpu.memref_slice %arg11[%dma_start3A_632, %dma_start3A_633] : memref<10000x128xi16, #tpu.memory_space<vmem_shared>> -> memref<10000x128xi16, #tpu.memory_space<vmem_shared>>
        %dma_start3A_635 = tpu.memref_slice %arg17[%dma_start3A_624] : memref<2x!tpu.dma_semaphore, #tpu.memory_space<semaphore_mem>> -> memref<1x!tpu.dma_semaphore, #tpu.memory_space<semaphore_mem>>
        %dma_start3A_636 = tpu.memref_squeeze %dma_start3A_635 : memref<1x!tpu.dma_semaphore, #tpu.memory_space<semaphore_mem>> -> memref<!tpu.dma_semaphore, #tpu.memory_space<semaphore_mem>>
        tpu.enqueue_indirect_dma source(%dma_start3A_628 : memref<400x128xi16, #tpu.memory_space<vmem>>) target(%dma_start3A_634 : memref<10000x128xi16, #tpu.memory_space<vmem_shared>>) offsets(%dma_start3A_631 : memref<400xi32, #tpu.memory_space<vmem>>) semaphore(%dma_start3A_636 : memref<!tpu.dma_semaphore, #tpu.memory_space<semaphore_mem>>) {add = true}
        %ge3A_637 = arith.constant 0 : i32
        %ge3A_638 = arith.cmpi sge, %add3A_563, %ge3A_637 : i32
        %lt3A_639 = arith.constant 13 : i32
        %lt3A_640 = arith.cmpi slt, %add3A_563, %lt3A_639 : i32
        %and3A_641 = arith.andi %ge3A_638, %lt3A_640 : i1
        %convert_element_type3A_642 = arith.extui %and3A_641 : i1 to i32
        %cond3A_643 = arith.constant 0 : i32
        %cond3A_644 = arith.cmpi ne, %convert_element_type3A_642, %cond3A_643 : i32
        scf.if %cond3A_644 {
          %dma_start3A_786 = arith.constant 0 : i32
          %dma_start3A_787 = arith.constant 2 : i32
          %dma_start3A_788 = arith.constant 0 : i32
          %dma_start3A_789 = arith.constant 0 : i32
          %dma_start3A_790 = arith.constant 0 : i32
          %dma_start3A_791 = tpu.memref_slice %arg10[%dma_start3A_786, %dma_start3A_789, %dma_start3A_790] : memref<2x400x16xf32, #tpu.memory_space<vmem>> -> memref<1x400x16xf32, #tpu.memory_space<vmem>>
          %dma_start3A_792 = tpu.memref_squeeze %dma_start3A_791 : memref<1x400x16xf32, #tpu.memory_space<vmem>> -> memref<400x16xf32, #tpu.memory_space<vmem>>
          %dma_start3A_793 = arith.constant 0 : i32
          %dma_start3A_794 = tpu.memref_slice %arg8[%dma_start3A_787, %dma_start3A_793] : memref<4x400xi32, #tpu.memory_space<vmem>> -> memref<1x400xi32, #tpu.memory_space<vmem>>
          %dma_start3A_795 = tpu.memref_squeeze %dma_start3A_794 : memref<1x400xi32, #tpu.memory_space<vmem>> -> memref<400xi32, #tpu.memory_space<vmem>>
          %dma_start3A_796 = arith.constant 0 : i32
          %dma_start3A_797 = arith.constant 0 : i32
          %dma_start3A_798 = tpu.memref_slice %arg12[%dma_start3A_796, %dma_start3A_797] : memref<10000x16xf32, #tpu.memory_space<vmem_shared>> -> memref<10000x16xf32, #tpu.memory_space<vmem_shared>>
          %dma_start3A_799 = tpu.memref_slice %arg18[%dma_start3A_788] : memref<2x!tpu.dma_semaphore, #tpu.memory_space<semaphore_mem>> -> memref<1x!tpu.dma_semaphore, #tpu.memory_space<semaphore_mem>>
          %dma_start3A_800 = tpu.memref_squeeze %dma_start3A_799 : memref<1x!tpu.dma_semaphore, #tpu.memory_space<semaphore_mem>> -> memref<!tpu.dma_semaphore, #tpu.memory_space<semaphore_mem>>
          tpu.enqueue_indirect_dma source(%dma_start3A_792 : memref<400x16xf32, #tpu.memory_space<vmem>>) target(%dma_start3A_798 : memref<10000x16xf32, #tpu.memory_space<vmem_shared>>) offsets(%dma_start3A_795 : memref<400xi32, #tpu.memory_space<vmem>>) semaphore(%dma_start3A_800 : memref<!tpu.dma_semaphore, #tpu.memory_space<semaphore_mem>>) {add = true}
          %dma_wait3A_801 = arith.constant 0 : i32
          %dma_wait3A_802 = arith.constant 2 : i32
          %dma_wait3A_803 = arith.constant 0 : i32
          %dma_wait3A_804 = arith.constant 0 : i32
          %dma_wait3A_805 = arith.constant 0 : i32
          %dma_wait3A_806 = tpu.memref_slice %arg10[%dma_wait3A_801, %dma_wait3A_804, %dma_wait3A_805] : memref<2x400x16xf32, #tpu.memory_space<vmem>> -> memref<1x400x16xf32, #tpu.memory_space<vmem>>
          %dma_wait3A_807 = tpu.memref_squeeze %dma_wait3A_806 : memref<1x400x16xf32, #tpu.memory_space<vmem>> -> memref<400x16xf32, #tpu.memory_space<vmem>>
          %dma_wait3A_808 = arith.constant 0 : i32
          %dma_wait3A_809 = tpu.memref_slice %arg8[%dma_wait3A_802, %dma_wait3A_808] : memref<4x400xi32, #tpu.memory_space<vmem>> -> memref<1x400xi32, #tpu.memory_space<vmem>>
          %dma_wait3A_810 = tpu.memref_squeeze %dma_wait3A_809 : memref<1x400xi32, #tpu.memory_space<vmem>> -> memref<400xi32, #tpu.memory_space<vmem>>
          %dma_wait3A_811 = arith.constant 0 : i32
          %dma_wait3A_812 = arith.constant 0 : i32
          %dma_wait3A_813 = tpu.memref_slice %arg12[%dma_wait3A_811, %dma_wait3A_812] : memref<10000x16xf32, #tpu.memory_space<vmem_shared>> -> memref<10000x16xf32, #tpu.memory_space<vmem_shared>>
          %dma_wait3A_814 = tpu.memref_slice %arg18[%dma_wait3A_803] : memref<2x!tpu.dma_semaphore, #tpu.memory_space<semaphore_mem>> -> memref<1x!tpu.dma_semaphore, #tpu.memory_space<semaphore_mem>>
          %dma_wait3A_815 = tpu.memref_squeeze %dma_wait3A_814 : memref<1x!tpu.dma_semaphore, #tpu.memory_space<semaphore_mem>> -> memref<!tpu.dma_semaphore, #tpu.memory_space<semaphore_mem>>
          tpu.wait_indirect_dma semaphore(%dma_wait3A_815 : memref<!tpu.dma_semaphore, #tpu.memory_space<semaphore_mem>>) src(%dma_wait3A_807 : memref<400x16xf32, #tpu.memory_space<vmem>>) dst(%dma_wait3A_813 : memref<10000x16xf32, #tpu.memory_space<vmem_shared>>)
        } else {
        }
        %dma_wait3A_645 = arith.constant 0 : i32
        %dma_wait3A_646 = arith.constant 2 : i32
        %dma_wait3A_647 = arith.constant 0 : i32
        %dma_wait3A_648 = arith.constant 0 : i32
        %dma_wait3A_649 = arith.constant 0 : i32
        %dma_wait3A_650 = tpu.memref_slice %arg9[%dma_wait3A_645, %dma_wait3A_648, %dma_wait3A_649] : memref<2x400x128xi16, #tpu.memory_space<vmem>> -> memref<1x400x128xi16, #tpu.memory_space<vmem>>
        %dma_wait3A_651 = tpu.memref_squeeze %dma_wait3A_650 : memref<1x400x128xi16, #tpu.memory_space<vmem>> -> memref<400x128xi16, #tpu.memory_space<vmem>>
        %dma_wait3A_652 = arith.constant 0 : i32
        %dma_wait3A_653 = tpu.memref_slice %arg8[%dma_wait3A_646, %dma_wait3A_652] : memref<4x400xi32, #tpu.memory_space<vmem>> -> memref<1x400xi32, #tpu.memory_space<vmem>>
        %dma_wait3A_654 = tpu.memref_squeeze %dma_wait3A_653 : memref<1x400xi32, #tpu.memory_space<vmem>> -> memref<400xi32, #tpu.memory_space<vmem>>
        %dma_wait3A_655 = arith.constant 0 : i32
        %dma_wait3A_656 = arith.constant 0 : i32
        %dma_wait3A_657 = tpu.memref_slice %arg11[%dma_wait3A_655, %dma_wait3A_656] : memref<10000x128xi16, #tpu.memory_space<vmem_shared>> -> memref<10000x128xi16, #tpu.memory_space<vmem_shared>>
        %dma_wait3A_658 = tpu.memref_slice %arg17[%dma_wait3A_647] : memref<2x!tpu.dma_semaphore, #tpu.memory_space<semaphore_mem>> -> memref<1x!tpu.dma_semaphore, #tpu.memory_space<semaphore_mem>>
        %dma_wait3A_659 = tpu.memref_squeeze %dma_wait3A_658 : memref<1x!tpu.dma_semaphore, #tpu.memory_space<semaphore_mem>> -> memref<!tpu.dma_semaphore, #tpu.memory_space<semaphore_mem>>
        tpu.wait_indirect_dma semaphore(%dma_wait3A_659 : memref<!tpu.dma_semaphore, #tpu.memory_space<semaphore_mem>>) src(%dma_wait3A_651 : memref<400x128xi16, #tpu.memory_space<vmem>>) dst(%dma_wait3A_657 : memref<10000x128xi16, #tpu.memory_space<vmem_shared>>)
        %add3A_660 = arith.constant 4 : i32
        %add3A_661 = arith.addi %add3A_563, %add3A_660 : i32
        %lt3A_662 = arith.constant 25 : i32
        %lt3A_663 = arith.cmpi slt, %add3A_661, %lt3A_662 : i32
        %convert_element_type3A_664 = arith.extui %lt3A_663 : i1 to i32
        %cond3A_665 = arith.constant 0 : i32
        %cond3A_666 = arith.cmpi ne, %convert_element_type3A_664, %cond3A_665 : i32
        scf.if %cond3A_666 {
          %add3A_786 = arith.constant 4 : i32
          %add3A_787 = arith.addi %add3A_563, %add3A_786 : i32
          %mul3A_788 = arith.constant 10000 : i32
          %mul3A_789 = arith.muli %arg1, %mul3A_788 : i32
          %mul3A_790 = arith.constant 400 : i32
          %mul3A_791 = arith.muli %add3A_787, %mul3A_790 : i32
          %add3A_792 = arith.addi %mul3A_789, %mul3A_791 : i32
          %multiple_of3A_793 = tpu.assume_multiple %add3A_792, 8 : i32
          %dma_start3A_794 = arith.constant 2 : i32
          %dma_start3A_795 = arith.constant 2 : i32
          %dma_start3A_796 = arith.constant 0 : i32
          %dma_start3A_797 = tpu.memref_slice %arg8[%dma_start3A_794, %dma_start3A_796] : memref<4x400xi32, #tpu.memory_space<vmem>> -> memref<1x400xi32, #tpu.memory_space<vmem>>
          %dma_start3A_798 = tpu.memref_squeeze %dma_start3A_797 : memref<1x400xi32, #tpu.memory_space<vmem>> -> memref<400xi32, #tpu.memory_space<vmem>>
          %dma_start3A_799 = arith.constant 0 : i32
          %dma_start3A_800 = tpu.memref_slice %arg4[%cond3A_15, %dma_start3A_799] : memref<2x160000xi32, #tpu.memory_space<hbm>> -> memref<1x160000xi32, #tpu.memory_space<hbm>>
          %dma_start3A_801 = tpu.memref_squeeze %dma_start3A_800 : memref<1x160000xi32, #tpu.memory_space<hbm>> -> memref<160000xi32, #tpu.memory_space<hbm>>
          %dma_start3A_802 = tpu.memref_slice %dma_start3A_801[%multiple_of3A_793] : memref<160000xi32, #tpu.memory_space<hbm>> -> memref<400xi32, #tpu.memory_space<hbm>>
          %dma_start3A_803 = tpu.memref_slice %arg16[%dma_start3A_795] : memref<4x!tpu.dma_semaphore, #tpu.memory_space<semaphore_mem>> -> memref<1x!tpu.dma_semaphore, #tpu.memory_space<semaphore_mem>>
          %dma_start3A_804 = tpu.memref_squeeze %dma_start3A_803 : memref<1x!tpu.dma_semaphore, #tpu.memory_space<semaphore_mem>> -> memref<!tpu.dma_semaphore, #tpu.memory_space<semaphore_mem>>
          %dma_start3A_805 = arith.constant 0 : i32
          %dma_start3A_806 = tpu.memref_slice %arg8[%dma_start3A_794, %dma_start3A_805] : memref<4x400xi32, #tpu.memory_space<vmem>> -> memref<1x400xi32, #tpu.memory_space<vmem>>
          %dma_start3A_807 = tpu.memref_squeeze %dma_start3A_806 : memref<1x400xi32, #tpu.memory_space<vmem>> -> memref<400xi32, #tpu.memory_space<vmem>>
          %dma_start3A_808 = arith.constant 0 : i32
          %dma_start3A_809 = tpu.memref_slice %arg4[%cond3A_15, %dma_start3A_808] : memref<2x160000xi32, #tpu.memory_space<hbm>> -> memref<1x160000xi32, #tpu.memory_space<hbm>>
          %dma_start3A_810 = tpu.memref_squeeze %dma_start3A_809 : memref<1x160000xi32, #tpu.memory_space<hbm>> -> memref<160000xi32, #tpu.memory_space<hbm>>
          %dma_start3A_811 = tpu.memref_slice %dma_start3A_810[%multiple_of3A_793] : memref<160000xi32, #tpu.memory_space<hbm>> -> memref<400xi32, #tpu.memory_space<hbm>>
          tpu.enqueue_dma source(%dma_start3A_811 : memref<400xi32, #tpu.memory_space<hbm>>) target(%dma_start3A_807 : memref<400xi32, #tpu.memory_space<vmem>>) target_semaphore(%dma_start3A_804 : memref<!tpu.dma_semaphore, #tpu.memory_space<semaphore_mem>>)
        } else {
        }
        %add3A_667 = arith.constant 2 : i32
        %add3A_668 = arith.addi %add3A_563, %add3A_667 : i32
        %lt3A_669 = arith.constant 25 : i32
        %lt3A_670 = arith.cmpi slt, %add3A_668, %lt3A_669 : i32
        %convert_element_type3A_671 = arith.extui %lt3A_670 : i1 to i32
        %cond3A_672 = arith.constant 0 : i32
        %cond3A_673 = arith.cmpi ne, %convert_element_type3A_671, %cond3A_672 : i32
        scf.if %cond3A_673 {
          %add3A_786 = arith.constant 2 : i32
          %add3A_787 = arith.addi %add3A_563, %add3A_786 : i32
          %mul3A_788 = arith.constant 10000 : i32
          %mul3A_789 = arith.muli %arg1, %mul3A_788 : i32
          %mul3A_790 = arith.constant 400 : i32
          %mul3A_791 = arith.muli %add3A_787, %mul3A_790 : i32
          %add3A_792 = arith.addi %mul3A_789, %mul3A_791 : i32
          %multiple_of3A_793 = tpu.assume_multiple %add3A_792, 8 : i32
          %dma_wait3A_794 = arith.constant 0 : i32
          %dma_wait3A_795 = arith.constant 0 : i32
          %dma_wait3A_796 = arith.constant 0 : i32
          %dma_wait3A_797 = tpu.memref_slice %arg7[%dma_wait3A_794, %dma_wait3A_796] : memref<2x400xi32, #tpu.memory_space<vmem>> -> memref<1x400xi32, #tpu.memory_space<vmem>>
          %dma_wait3A_798 = tpu.memref_squeeze %dma_wait3A_797 : memref<1x400xi32, #tpu.memory_space<vmem>> -> memref<400xi32, #tpu.memory_space<vmem>>
          %dma_wait3A_799 = arith.constant 0 : i32
          %dma_wait3A_800 = tpu.memref_slice %arg4[%cond3A_14, %dma_wait3A_799] : memref<2x160000xi32, #tpu.memory_space<hbm>> -> memref<1x160000xi32, #tpu.memory_space<hbm>>
          %dma_wait3A_801 = tpu.memref_squeeze %dma_wait3A_800 : memref<1x160000xi32, #tpu.memory_space<hbm>> -> memref<160000xi32, #tpu.memory_space<hbm>>
          %dma_wait3A_802 = tpu.memref_slice %dma_wait3A_801[%multiple_of3A_793] : memref<160000xi32, #tpu.memory_space<hbm>> -> memref<400xi32, #tpu.memory_space<hbm>>
          %dma_wait3A_803 = tpu.memref_slice %arg15[%dma_wait3A_795] : memref<2x!tpu.dma_semaphore, #tpu.memory_space<semaphore_mem>> -> memref<1x!tpu.dma_semaphore, #tpu.memory_space<semaphore_mem>>
          %dma_wait3A_804 = tpu.memref_squeeze %dma_wait3A_803 : memref<1x!tpu.dma_semaphore, #tpu.memory_space<semaphore_mem>> -> memref<!tpu.dma_semaphore, #tpu.memory_space<semaphore_mem>>
          %dma_wait3A_805 = arith.constant 0 : i32
          %dma_wait3A_806 = tpu.memref_slice %arg7[%dma_wait3A_794, %dma_wait3A_805] : memref<2x400xi32, #tpu.memory_space<vmem>> -> memref<1x400xi32, #tpu.memory_space<vmem>>
          %dma_wait3A_807 = tpu.memref_squeeze %dma_wait3A_806 : memref<1x400xi32, #tpu.memory_space<vmem>> -> memref<400xi32, #tpu.memory_space<vmem>>
          %dma_wait3A_808 = arith.constant 0 : i32
          %dma_wait3A_809 = tpu.memref_slice %arg4[%cond3A_14, %dma_wait3A_808] : memref<2x160000xi32, #tpu.memory_space<hbm>> -> memref<1x160000xi32, #tpu.memory_space<hbm>>
          %dma_wait3A_810 = tpu.memref_squeeze %dma_wait3A_809 : memref<1x160000xi32, #tpu.memory_space<hbm>> -> memref<160000xi32, #tpu.memory_space<hbm>>
          %dma_wait3A_811 = tpu.memref_slice %dma_wait3A_810[%multiple_of3A_793] : memref<160000xi32, #tpu.memory_space<hbm>> -> memref<400xi32, #tpu.memory_space<hbm>>
          tpu.wait_dma2 semaphore(%dma_wait3A_804 : memref<!tpu.dma_semaphore, #tpu.memory_space<semaphore_mem>>) src(%dma_wait3A_811 : memref<400xi32, #tpu.memory_space<hbm>>) dst(%dma_wait3A_807 : memref<400xi32, #tpu.memory_space<vmem>>)
          %dma_start3A_812 = arith.constant 0 : i32
          %dma_start3A_813 = arith.constant 0 : i32
          %dma_start3A_814 = arith.constant 0 : i32
          %dma_start3A_815 = arith.constant 0 : i32
          %dma_start3A_816 = arith.constant 0 : i32
          %dma_start3A_817 = tpu.memref_slice %arg9[%dma_start3A_813, %dma_start3A_815, %dma_start3A_816] : memref<2x400x128xi16, #tpu.memory_space<vmem>> -> memref<1x400x128xi16, #tpu.memory_space<vmem>>
          %dma_start3A_818 = tpu.memref_squeeze %dma_start3A_817 : memref<1x400x128xi16, #tpu.memory_space<vmem>> -> memref<400x128xi16, #tpu.memory_space<vmem>>
          %dma_start3A_819 = arith.constant 0 : i32
          %dma_start3A_820 = tpu.memref_slice %arg7[%dma_start3A_812, %dma_start3A_819] : memref<2x400xi32, #tpu.memory_space<vmem>> -> memref<1x400xi32, #tpu.memory_space<vmem>>
          %dma_start3A_821 = tpu.memref_squeeze %dma_start3A_820 : memref<1x400xi32, #tpu.memory_space<vmem>> -> memref<400xi32, #tpu.memory_space<vmem>>
          %dma_start3A_822 = arith.constant 0 : i32
          %dma_start3A_823 = arith.constant 0 : i32
          %dma_start3A_824 = tpu.memref_slice %arg2[%cond3A_16, %dma_start3A_822, %dma_start3A_823] : memref<2x10000x128xi16, #tpu.memory_space<hbm>> -> memref<1x10000x128xi16, #tpu.memory_space<hbm>>
          %dma_start3A_825 = tpu.memref_squeeze %dma_start3A_824 : memref<1x10000x128xi16, #tpu.memory_space<hbm>> -> memref<10000x128xi16, #tpu.memory_space<hbm>>
          %dma_start3A_826 = arith.constant 0 : i32
          %dma_start3A_827 = arith.constant 0 : i32
          %dma_start3A_828 = tpu.memref_slice %dma_start3A_825[%dma_start3A_826, %dma_start3A_827] : memref<10000x128xi16, #tpu.memory_space<hbm>> -> memref<10000x128xi16, #tpu.memory_space<hbm>>
          %dma_start3A_829 = tpu.memref_slice %arg13[%dma_start3A_814] : memref<2x!tpu.dma_semaphore, #tpu.memory_space<semaphore_mem>> -> memref<1x!tpu.dma_semaphore, #tpu.memory_space<semaphore_mem>>
          %dma_start3A_830 = tpu.memref_squeeze %dma_start3A_829 : memref<1x!tpu.dma_semaphore, #tpu.memory_space<semaphore_mem>> -> memref<!tpu.dma_semaphore, #tpu.memory_space<semaphore_mem>>
          tpu.enqueue_indirect_dma source(%dma_start3A_828 : memref<10000x128xi16, #tpu.memory_space<hbm>>) target(%dma_start3A_818 : memref<400x128xi16, #tpu.memory_space<vmem>>) offsets(%dma_start3A_821 : memref<400xi32, #tpu.memory_space<vmem>>) semaphore(%dma_start3A_830 : memref<!tpu.dma_semaphore, #tpu.memory_space<semaphore_mem>>)
          %add3A_831 = arith.constant 2 : i32
          %add3A_832 = arith.addi %add3A_563, %add3A_831 : i32
          %ge3A_833 = arith.constant 0 : i32
          %ge3A_834 = arith.cmpi sge, %add3A_832, %ge3A_833 : i32
          %lt3A_835 = arith.constant 13 : i32
          %lt3A_836 = arith.cmpi slt, %add3A_832, %lt3A_835 : i32
          %and3A_837 = arith.andi %ge3A_834, %lt3A_836 : i1
          %convert_element_type3A_838 = arith.extui %and3A_837 : i1 to i32
          %cond3A_839 = arith.constant 0 : i32
          %cond3A_840 = arith.cmpi ne, %convert_element_type3A_838, %cond3A_839 : i32
          scf.if %cond3A_840 {
            %dma_start3A_841 = arith.constant 0 : i32
            %dma_start3A_842 = arith.constant 0 : i32
            %dma_start3A_843 = arith.constant 0 : i32
            %dma_start3A_844 = arith.constant 0 : i32
            %dma_start3A_845 = arith.constant 0 : i32
            %dma_start3A_846 = tpu.memref_slice %arg10[%dma_start3A_842, %dma_start3A_844, %dma_start3A_845] : memref<2x400x16xf32, #tpu.memory_space<vmem>> -> memref<1x400x16xf32, #tpu.memory_space<vmem>>
            %dma_start3A_847 = tpu.memref_squeeze %dma_start3A_846 : memref<1x400x16xf32, #tpu.memory_space<vmem>> -> memref<400x16xf32, #tpu.memory_space<vmem>>
            %dma_start3A_848 = arith.constant 0 : i32
            %dma_start3A_849 = tpu.memref_slice %arg7[%dma_start3A_841, %dma_start3A_848] : memref<2x400xi32, #tpu.memory_space<vmem>> -> memref<1x400xi32, #tpu.memory_space<vmem>>
            %dma_start3A_850 = tpu.memref_squeeze %dma_start3A_849 : memref<1x400xi32, #tpu.memory_space<vmem>> -> memref<400xi32, #tpu.memory_space<vmem>>
            %dma_start3A_851 = arith.constant 0 : i32
            %dma_start3A_852 = arith.constant 0 : i32
            %dma_start3A_853 = tpu.memref_slice %arg3[%dma_start3A_851, %dma_start3A_852] : memref<10000x16xf32, #tpu.memory_space<hbm>> -> memref<10000x16xf32, #tpu.memory_space<hbm>>
            %dma_start3A_854 = tpu.memref_slice %arg14[%dma_start3A_843] : memref<2x!tpu.dma_semaphore, #tpu.memory_space<semaphore_mem>> -> memref<1x!tpu.dma_semaphore, #tpu.memory_space<semaphore_mem>>
            %dma_start3A_855 = tpu.memref_squeeze %dma_start3A_854 : memref<1x!tpu.dma_semaphore, #tpu.memory_space<semaphore_mem>> -> memref<!tpu.dma_semaphore, #tpu.memory_space<semaphore_mem>>
            tpu.enqueue_indirect_dma source(%dma_start3A_853 : memref<10000x16xf32, #tpu.memory_space<hbm>>) target(%dma_start3A_847 : memref<400x16xf32, #tpu.memory_space<vmem>>) offsets(%dma_start3A_850 : memref<400xi32, #tpu.memory_space<vmem>>) semaphore(%dma_start3A_855 : memref<!tpu.dma_semaphore, #tpu.memory_space<semaphore_mem>>)
          } else {
          }
        } else {
        }
        %add3A_674 = arith.constant 3 : i32
        %add3A_675 = arith.addi %mul3A_339, %add3A_674 : i32
        %dma_wait3A_676 = arith.constant 1 : i32
        %dma_wait3A_677 = arith.constant 1 : i32
        %dma_wait3A_678 = arith.constant 1 : i32
        %dma_wait3A_679 = arith.constant 0 : i32
        %dma_wait3A_680 = arith.constant 0 : i32
        %dma_wait3A_681 = tpu.memref_slice %arg9[%dma_wait3A_677, %dma_wait3A_679, %dma_wait3A_680] : memref<2x400x128xi16, #tpu.memory_space<vmem>> -> memref<1x400x128xi16, #tpu.memory_space<vmem>>
        %dma_wait3A_682 = tpu.memref_squeeze %dma_wait3A_681 : memref<1x400x128xi16, #tpu.memory_space<vmem>> -> memref<400x128xi16, #tpu.memory_space<vmem>>
        %dma_wait3A_683 = arith.constant 0 : i32
        %dma_wait3A_684 = tpu.memref_slice %arg7[%dma_wait3A_676, %dma_wait3A_683] : memref<2x400xi32, #tpu.memory_space<vmem>> -> memref<1x400xi32, #tpu.memory_space<vmem>>
        %dma_wait3A_685 = tpu.memref_squeeze %dma_wait3A_684 : memref<1x400xi32, #tpu.memory_space<vmem>> -> memref<400xi32, #tpu.memory_space<vmem>>
        %dma_wait3A_686 = arith.constant 0 : i32
        %dma_wait3A_687 = arith.constant 0 : i32
        %dma_wait3A_688 = tpu.memref_slice %arg2[%cond3A_16, %dma_wait3A_686, %dma_wait3A_687] : memref<2x10000x128xi16, #tpu.memory_space<hbm>> -> memref<1x10000x128xi16, #tpu.memory_space<hbm>>
        %dma_wait3A_689 = tpu.memref_squeeze %dma_wait3A_688 : memref<1x10000x128xi16, #tpu.memory_space<hbm>> -> memref<10000x128xi16, #tpu.memory_space<hbm>>
        %dma_wait3A_690 = arith.constant 0 : i32
        %dma_wait3A_691 = arith.constant 0 : i32
        %dma_wait3A_692 = tpu.memref_slice %dma_wait3A_689[%dma_wait3A_690, %dma_wait3A_691] : memref<10000x128xi16, #tpu.memory_space<hbm>> -> memref<10000x128xi16, #tpu.memory_space<hbm>>
        %dma_wait3A_693 = tpu.memref_slice %arg13[%dma_wait3A_678] : memref<2x!tpu.dma_semaphore, #tpu.memory_space<semaphore_mem>> -> memref<1x!tpu.dma_semaphore, #tpu.memory_space<semaphore_mem>>
        %dma_wait3A_694 = tpu.memref_squeeze %dma_wait3A_693 : memref<1x!tpu.dma_semaphore, #tpu.memory_space<semaphore_mem>> -> memref<!tpu.dma_semaphore, #tpu.memory_space<semaphore_mem>>
        tpu.wait_indirect_dma semaphore(%dma_wait3A_694 : memref<!tpu.dma_semaphore, #tpu.memory_space<semaphore_mem>>) src(%dma_wait3A_692 : memref<10000x128xi16, #tpu.memory_space<hbm>>) dst(%dma_wait3A_682 : memref<400x128xi16, #tpu.memory_space<vmem>>)
        %ge3A_695 = arith.constant 0 : i32
        %ge3A_696 = arith.cmpi sge, %add3A_675, %ge3A_695 : i32
        %lt3A_697 = arith.constant 13 : i32
        %lt3A_698 = arith.cmpi slt, %add3A_675, %lt3A_697 : i32
        %and3A_699 = arith.andi %ge3A_696, %lt3A_698 : i1
        %convert_element_type3A_700 = arith.extui %and3A_699 : i1 to i32
        %cond3A_701 = arith.constant 0 : i32
        %cond3A_702 = arith.cmpi ne, %convert_element_type3A_700, %cond3A_701 : i32
        scf.if %cond3A_702 {
          %dma_wait3A_786 = arith.constant 1 : i32
          %dma_wait3A_787 = arith.constant 1 : i32
          %dma_wait3A_788 = arith.constant 1 : i32
          %dma_wait3A_789 = arith.constant 0 : i32
          %dma_wait3A_790 = arith.constant 0 : i32
          %dma_wait3A_791 = tpu.memref_slice %arg10[%dma_wait3A_787, %dma_wait3A_789, %dma_wait3A_790] : memref<2x400x16xf32, #tpu.memory_space<vmem>> -> memref<1x400x16xf32, #tpu.memory_space<vmem>>
          %dma_wait3A_792 = tpu.memref_squeeze %dma_wait3A_791 : memref<1x400x16xf32, #tpu.memory_space<vmem>> -> memref<400x16xf32, #tpu.memory_space<vmem>>
          %dma_wait3A_793 = arith.constant 0 : i32
          %dma_wait3A_794 = tpu.memref_slice %arg7[%dma_wait3A_786, %dma_wait3A_793] : memref<2x400xi32, #tpu.memory_space<vmem>> -> memref<1x400xi32, #tpu.memory_space<vmem>>
          %dma_wait3A_795 = tpu.memref_squeeze %dma_wait3A_794 : memref<1x400xi32, #tpu.memory_space<vmem>> -> memref<400xi32, #tpu.memory_space<vmem>>
          %dma_wait3A_796 = arith.constant 0 : i32
          %dma_wait3A_797 = arith.constant 0 : i32
          %dma_wait3A_798 = tpu.memref_slice %arg3[%dma_wait3A_796, %dma_wait3A_797] : memref<10000x16xf32, #tpu.memory_space<hbm>> -> memref<10000x16xf32, #tpu.memory_space<hbm>>
          %dma_wait3A_799 = tpu.memref_slice %arg14[%dma_wait3A_788] : memref<2x!tpu.dma_semaphore, #tpu.memory_space<semaphore_mem>> -> memref<1x!tpu.dma_semaphore, #tpu.memory_space<semaphore_mem>>
          %dma_wait3A_800 = tpu.memref_squeeze %dma_wait3A_799 : memref<1x!tpu.dma_semaphore, #tpu.memory_space<semaphore_mem>> -> memref<!tpu.dma_semaphore, #tpu.memory_space<semaphore_mem>>
          tpu.wait_indirect_dma semaphore(%dma_wait3A_800 : memref<!tpu.dma_semaphore, #tpu.memory_space<semaphore_mem>>) src(%dma_wait3A_798 : memref<10000x16xf32, #tpu.memory_space<hbm>>) dst(%dma_wait3A_792 : memref<400x16xf32, #tpu.memory_space<vmem>>)
        } else {
        }
        %add3A_703 = arith.constant 2 : i32
        %add3A_704 = arith.addi %add3A_675, %add3A_703 : i32
        %lt3A_705 = arith.constant 25 : i32
        %lt3A_706 = arith.cmpi slt, %add3A_704, %lt3A_705 : i32
        %convert_element_type3A_707 = arith.extui %lt3A_706 : i1 to i32
        %cond3A_708 = arith.constant 0 : i32
        %cond3A_709 = arith.cmpi ne, %convert_element_type3A_707, %cond3A_708 : i32
        scf.if %cond3A_709 {
          %add3A_786 = arith.constant 2 : i32
          %add3A_787 = arith.addi %add3A_675, %add3A_786 : i32
          %mul3A_788 = arith.constant 10000 : i32
          %mul3A_789 = arith.muli %arg1, %mul3A_788 : i32
          %mul3A_790 = arith.constant 400 : i32
          %mul3A_791 = arith.muli %add3A_787, %mul3A_790 : i32
          %add3A_792 = arith.addi %mul3A_789, %mul3A_791 : i32
          %multiple_of3A_793 = tpu.assume_multiple %add3A_792, 8 : i32
          %dma_start3A_794 = arith.constant 1 : i32
          %dma_start3A_795 = arith.constant 1 : i32
          %dma_start3A_796 = arith.constant 0 : i32
          %dma_start3A_797 = tpu.memref_slice %arg7[%dma_start3A_794, %dma_start3A_796] : memref<2x400xi32, #tpu.memory_space<vmem>> -> memref<1x400xi32, #tpu.memory_space<vmem>>
          %dma_start3A_798 = tpu.memref_squeeze %dma_start3A_797 : memref<1x400xi32, #tpu.memory_space<vmem>> -> memref<400xi32, #tpu.memory_space<vmem>>
          %dma_start3A_799 = arith.constant 0 : i32
          %dma_start3A_800 = tpu.memref_slice %arg4[%cond3A_14, %dma_start3A_799] : memref<2x160000xi32, #tpu.memory_space<hbm>> -> memref<1x160000xi32, #tpu.memory_space<hbm>>
          %dma_start3A_801 = tpu.memref_squeeze %dma_start3A_800 : memref<1x160000xi32, #tpu.memory_space<hbm>> -> memref<160000xi32, #tpu.memory_space<hbm>>
          %dma_start3A_802 = tpu.memref_slice %dma_start3A_801[%multiple_of3A_793] : memref<160000xi32, #tpu.memory_space<hbm>> -> memref<400xi32, #tpu.memory_space<hbm>>
          %dma_start3A_803 = tpu.memref_slice %arg15[%dma_start3A_795] : memref<2x!tpu.dma_semaphore, #tpu.memory_space<semaphore_mem>> -> memref<1x!tpu.dma_semaphore, #tpu.memory_space<semaphore_mem>>
          %dma_start3A_804 = tpu.memref_squeeze %dma_start3A_803 : memref<1x!tpu.dma_semaphore, #tpu.memory_space<semaphore_mem>> -> memref<!tpu.dma_semaphore, #tpu.memory_space<semaphore_mem>>
          %dma_start3A_805 = arith.constant 0 : i32
          %dma_start3A_806 = tpu.memref_slice %arg7[%dma_start3A_794, %dma_start3A_805] : memref<2x400xi32, #tpu.memory_space<vmem>> -> memref<1x400xi32, #tpu.memory_space<vmem>>
          %dma_start3A_807 = tpu.memref_squeeze %dma_start3A_806 : memref<1x400xi32, #tpu.memory_space<vmem>> -> memref<400xi32, #tpu.memory_space<vmem>>
          %dma_start3A_808 = arith.constant 0 : i32
          %dma_start3A_809 = tpu.memref_slice %arg4[%cond3A_14, %dma_start3A_808] : memref<2x160000xi32, #tpu.memory_space<hbm>> -> memref<1x160000xi32, #tpu.memory_space<hbm>>
          %dma_start3A_810 = tpu.memref_squeeze %dma_start3A_809 : memref<1x160000xi32, #tpu.memory_space<hbm>> -> memref<160000xi32, #tpu.memory_space<hbm>>
          %dma_start3A_811 = tpu.memref_slice %dma_start3A_810[%multiple_of3A_793] : memref<160000xi32, #tpu.memory_space<hbm>> -> memref<400xi32, #tpu.memory_space<hbm>>
          tpu.enqueue_dma source(%dma_start3A_811 : memref<400xi32, #tpu.memory_space<hbm>>) target(%dma_start3A_807 : memref<400xi32, #tpu.memory_space<vmem>>) target_semaphore(%dma_start3A_804 : memref<!tpu.dma_semaphore, #tpu.memory_space<semaphore_mem>>)
        } else {
        }
        %mul3A_710 = arith.constant 10000 : i32
        %mul3A_711 = arith.muli %arg1, %mul3A_710 : i32
        %mul3A_712 = arith.constant 400 : i32
        %mul3A_713 = arith.muli %add3A_675, %mul3A_712 : i32
        %add3A_714 = arith.addi %mul3A_711, %mul3A_713 : i32
        %multiple_of3A_715 = tpu.assume_multiple %add3A_714, 8 : i32
        %dma_wait3A_716 = arith.constant 3 : i32
        %dma_wait3A_717 = arith.constant 3 : i32
        %dma_wait3A_718 = arith.constant 0 : i32
        %dma_wait3A_719 = tpu.memref_slice %arg8[%dma_wait3A_716, %dma_wait3A_718] : memref<4x400xi32, #tpu.memory_space<vmem>> -> memref<1x400xi32, #tpu.memory_space<vmem>>
        %dma_wait3A_720 = tpu.memref_squeeze %dma_wait3A_719 : memref<1x400xi32, #tpu.memory_space<vmem>> -> memref<400xi32, #tpu.memory_space<vmem>>
        %dma_wait3A_721 = arith.constant 0 : i32
        %dma_wait3A_722 = tpu.memref_slice %arg4[%cond3A_15, %dma_wait3A_721] : memref<2x160000xi32, #tpu.memory_space<hbm>> -> memref<1x160000xi32, #tpu.memory_space<hbm>>
        %dma_wait3A_723 = tpu.memref_squeeze %dma_wait3A_722 : memref<1x160000xi32, #tpu.memory_space<hbm>> -> memref<160000xi32, #tpu.memory_space<hbm>>
        %dma_wait3A_724 = tpu.memref_slice %dma_wait3A_723[%multiple_of3A_715] : memref<160000xi32, #tpu.memory_space<hbm>> -> memref<400xi32, #tpu.memory_space<hbm>>
        %dma_wait3A_725 = tpu.memref_slice %arg16[%dma_wait3A_717] : memref<4x!tpu.dma_semaphore, #tpu.memory_space<semaphore_mem>> -> memref<1x!tpu.dma_semaphore, #tpu.memory_space<semaphore_mem>>
        %dma_wait3A_726 = tpu.memref_squeeze %dma_wait3A_725 : memref<1x!tpu.dma_semaphore, #tpu.memory_space<semaphore_mem>> -> memref<!tpu.dma_semaphore, #tpu.memory_space<semaphore_mem>>
        %dma_wait3A_727 = arith.constant 0 : i32
        %dma_wait3A_728 = tpu.memref_slice %arg8[%dma_wait3A_716, %dma_wait3A_727] : memref<4x400xi32, #tpu.memory_space<vmem>> -> memref<1x400xi32, #tpu.memory_space<vmem>>
        %dma_wait3A_729 = tpu.memref_squeeze %dma_wait3A_728 : memref<1x400xi32, #tpu.memory_space<vmem>> -> memref<400xi32, #tpu.memory_space<vmem>>
        %dma_wait3A_730 = arith.constant 0 : i32
        %dma_wait3A_731 = tpu.memref_slice %arg4[%cond3A_15, %dma_wait3A_730] : memref<2x160000xi32, #tpu.memory_space<hbm>> -> memref<1x160000xi32, #tpu.memory_space<hbm>>
        %dma_wait3A_732 = tpu.memref_squeeze %dma_wait3A_731 : memref<1x160000xi32, #tpu.memory_space<hbm>> -> memref<160000xi32, #tpu.memory_space<hbm>>
        %dma_wait3A_733 = tpu.memref_slice %dma_wait3A_732[%multiple_of3A_715] : memref<160000xi32, #tpu.memory_space<hbm>> -> memref<400xi32, #tpu.memory_space<hbm>>
        tpu.wait_dma2 semaphore(%dma_wait3A_726 : memref<!tpu.dma_semaphore, #tpu.memory_space<semaphore_mem>>) src(%dma_wait3A_733 : memref<400xi32, #tpu.memory_space<hbm>>) dst(%dma_wait3A_729 : memref<400xi32, #tpu.memory_space<vmem>>)
        %dma_start3A_734 = arith.constant 1 : i32
        %dma_start3A_735 = arith.constant 3 : i32
        %dma_start3A_736 = arith.constant 1 : i32
        %dma_start3A_737 = arith.constant 0 : i32
        %dma_start3A_738 = arith.constant 0 : i32
        %dma_start3A_739 = tpu.memref_slice %arg9[%dma_start3A_734, %dma_start3A_737, %dma_start3A_738] : memref<2x400x128xi16, #tpu.memory_space<vmem>> -> memref<1x400x128xi16, #tpu.memory_space<vmem>>
        %dma_start3A_740 = tpu.memref_squeeze %dma_start3A_739 : memref<1x400x128xi16, #tpu.memory_space<vmem>> -> memref<400x128xi16, #tpu.memory_space<vmem>>
        %dma_start3A_741 = arith.constant 0 : i32
        %dma_start3A_742 = tpu.memref_slice %arg8[%dma_start3A_735, %dma_start3A_741] : memref<4x400xi32, #tpu.memory_space<vmem>> -> memref<1x400xi32, #tpu.memory_space<vmem>>
        %dma_start3A_743 = tpu.memref_squeeze %dma_start3A_742 : memref<1x400xi32, #tpu.memory_space<vmem>> -> memref<400xi32, #tpu.memory_space<vmem>>
        %dma_start3A_744 = arith.constant 0 : i32
        %dma_start3A_745 = arith.constant 0 : i32
        %dma_start3A_746 = tpu.memref_slice %arg11[%dma_start3A_744, %dma_start3A_745] : memref<10000x128xi16, #tpu.memory_space<vmem_shared>> -> memref<10000x128xi16, #tpu.memory_space<vmem_shared>>
        %dma_start3A_747 = tpu.memref_slice %arg17[%dma_start3A_736] : memref<2x!tpu.dma_semaphore, #tpu.memory_space<semaphore_mem>> -> memref<1x!tpu.dma_semaphore, #tpu.memory_space<semaphore_mem>>
        %dma_start3A_748 = tpu.memref_squeeze %dma_start3A_747 : memref<1x!tpu.dma_semaphore, #tpu.memory_space<semaphore_mem>> -> memref<!tpu.dma_semaphore, #tpu.memory_space<semaphore_mem>>
        tpu.enqueue_indirect_dma source(%dma_start3A_740 : memref<400x128xi16, #tpu.memory_space<vmem>>) target(%dma_start3A_746 : memref<10000x128xi16, #tpu.memory_space<vmem_shared>>) offsets(%dma_start3A_743 : memref<400xi32, #tpu.memory_space<vmem>>) semaphore(%dma_start3A_748 : memref<!tpu.dma_semaphore, #tpu.memory_space<semaphore_mem>>) {add = true}
        %ge3A_749 = arith.constant 0 : i32
        %ge3A_750 = arith.cmpi sge, %add3A_675, %ge3A_749 : i32
        %lt3A_751 = arith.constant 13 : i32
        %lt3A_752 = arith.cmpi slt, %add3A_675, %lt3A_751 : i32
        %and3A_753 = arith.andi %ge3A_750, %lt3A_752 : i1
        %convert_element_type3A_754 = arith.extui %and3A_753 : i1 to i32
        %cond3A_755 = arith.constant 0 : i32
        %cond3A_756 = arith.cmpi ne, %convert_element_type3A_754, %cond3A_755 : i32
        scf.if %cond3A_756 {
          %dma_start3A_786 = arith.constant 1 : i32
          %dma_start3A_787 = arith.constant 3 : i32
          %dma_start3A_788 = arith.constant 1 : i32
          %dma_start3A_789 = arith.constant 0 : i32
          %dma_start3A_790 = arith.constant 0 : i32
          %dma_start3A_791 = tpu.memref_slice %arg10[%dma_start3A_786, %dma_start3A_789, %dma_start3A_790] : memref<2x400x16xf32, #tpu.memory_space<vmem>> -> memref<1x400x16xf32, #tpu.memory_space<vmem>>
          %dma_start3A_792 = tpu.memref_squeeze %dma_start3A_791 : memref<1x400x16xf32, #tpu.memory_space<vmem>> -> memref<400x16xf32, #tpu.memory_space<vmem>>
          %dma_start3A_793 = arith.constant 0 : i32
          %dma_start3A_794 = tpu.memref_slice %arg8[%dma_start3A_787, %dma_start3A_793] : memref<4x400xi32, #tpu.memory_space<vmem>> -> memref<1x400xi32, #tpu.memory_space<vmem>>
          %dma_start3A_795 = tpu.memref_squeeze %dma_start3A_794 : memref<1x400xi32, #tpu.memory_space<vmem>> -> memref<400xi32, #tpu.memory_space<vmem>>
          %dma_start3A_796 = arith.constant 0 : i32
          %dma_start3A_797 = arith.constant 0 : i32
          %dma_start3A_798 = tpu.memref_slice %arg12[%dma_start3A_796, %dma_start3A_797] : memref<10000x16xf32, #tpu.memory_space<vmem_shared>> -> memref<10000x16xf32, #tpu.memory_space<vmem_shared>>
          %dma_start3A_799 = tpu.memref_slice %arg18[%dma_start3A_788] : memref<2x!tpu.dma_semaphore, #tpu.memory_space<semaphore_mem>> -> memref<1x!tpu.dma_semaphore, #tpu.memory_space<semaphore_mem>>
          %dma_start3A_800 = tpu.memref_squeeze %dma_start3A_799 : memref<1x!tpu.dma_semaphore, #tpu.memory_space<semaphore_mem>> -> memref<!tpu.dma_semaphore, #tpu.memory_space<semaphore_mem>>
          tpu.enqueue_indirect_dma source(%dma_start3A_792 : memref<400x16xf32, #tpu.memory_space<vmem>>) target(%dma_start3A_798 : memref<10000x16xf32, #tpu.memory_space<vmem_shared>>) offsets(%dma_start3A_795 : memref<400xi32, #tpu.memory_space<vmem>>) semaphore(%dma_start3A_800 : memref<!tpu.dma_semaphore, #tpu.memory_space<semaphore_mem>>) {add = true}
          %dma_wait3A_801 = arith.constant 1 : i32
          %dma_wait3A_802 = arith.constant 3 : i32
          %dma_wait3A_803 = arith.constant 1 : i32
          %dma_wait3A_804 = arith.constant 0 : i32
          %dma_wait3A_805 = arith.constant 0 : i32
          %dma_wait3A_806 = tpu.memref_slice %arg10[%dma_wait3A_801, %dma_wait3A_804, %dma_wait3A_805] : memref<2x400x16xf32, #tpu.memory_space<vmem>> -> memref<1x400x16xf32, #tpu.memory_space<vmem>>
          %dma_wait3A_807 = tpu.memref_squeeze %dma_wait3A_806 : memref<1x400x16xf32, #tpu.memory_space<vmem>> -> memref<400x16xf32, #tpu.memory_space<vmem>>
          %dma_wait3A_808 = arith.constant 0 : i32
          %dma_wait3A_809 = tpu.memref_slice %arg8[%dma_wait3A_802, %dma_wait3A_808] : memref<4x400xi32, #tpu.memory_space<vmem>> -> memref<1x400xi32, #tpu.memory_space<vmem>>
          %dma_wait3A_810 = tpu.memref_squeeze %dma_wait3A_809 : memref<1x400xi32, #tpu.memory_space<vmem>> -> memref<400xi32, #tpu.memory_space<vmem>>
          %dma_wait3A_811 = arith.constant 0 : i32
          %dma_wait3A_812 = arith.constant 0 : i32
          %dma_wait3A_813 = tpu.memref_slice %arg12[%dma_wait3A_811, %dma_wait3A_812] : memref<10000x16xf32, #tpu.memory_space<vmem_shared>> -> memref<10000x16xf32, #tpu.memory_space<vmem_shared>>
          %dma_wait3A_814 = tpu.memref_slice %arg18[%dma_wait3A_803] : memref<2x!tpu.dma_semaphore, #tpu.memory_space<semaphore_mem>> -> memref<1x!tpu.dma_semaphore, #tpu.memory_space<semaphore_mem>>
          %dma_wait3A_815 = tpu.memref_squeeze %dma_wait3A_814 : memref<1x!tpu.dma_semaphore, #tpu.memory_space<semaphore_mem>> -> memref<!tpu.dma_semaphore, #tpu.memory_space<semaphore_mem>>
          tpu.wait_indirect_dma semaphore(%dma_wait3A_815 : memref<!tpu.dma_semaphore, #tpu.memory_space<semaphore_mem>>) src(%dma_wait3A_807 : memref<400x16xf32, #tpu.memory_space<vmem>>) dst(%dma_wait3A_813 : memref<10000x16xf32, #tpu.memory_space<vmem_shared>>)
        } else {
        }
        %dma_wait3A_757 = arith.constant 1 : i32
        %dma_wait3A_758 = arith.constant 3 : i32
        %dma_wait3A_759 = arith.constant 1 : i32
        %dma_wait3A_760 = arith.constant 0 : i32
        %dma_wait3A_761 = arith.constant 0 : i32
        %dma_wait3A_762 = tpu.memref_slice %arg9[%dma_wait3A_757, %dma_wait3A_760, %dma_wait3A_761] : memref<2x400x128xi16, #tpu.memory_space<vmem>> -> memref<1x400x128xi16, #tpu.memory_space<vmem>>
        %dma_wait3A_763 = tpu.memref_squeeze %dma_wait3A_762 : memref<1x400x128xi16, #tpu.memory_space<vmem>> -> memref<400x128xi16, #tpu.memory_space<vmem>>
        %dma_wait3A_764 = arith.constant 0 : i32
        %dma_wait3A_765 = tpu.memref_slice %arg8[%dma_wait3A_758, %dma_wait3A_764] : memref<4x400xi32, #tpu.memory_space<vmem>> -> memref<1x400xi32, #tpu.memory_space<vmem>>
        %dma_wait3A_766 = tpu.memref_squeeze %dma_wait3A_765 : memref<1x400xi32, #tpu.memory_space<vmem>> -> memref<400xi32, #tpu.memory_space<vmem>>
        %dma_wait3A_767 = arith.constant 0 : i32
        %dma_wait3A_768 = arith.constant 0 : i32
        %dma_wait3A_769 = tpu.memref_slice %arg11[%dma_wait3A_767, %dma_wait3A_768] : memref<10000x128xi16, #tpu.memory_space<vmem_shared>> -> memref<10000x128xi16, #tpu.memory_space<vmem_shared>>
        %dma_wait3A_770 = tpu.memref_slice %arg17[%dma_wait3A_759] : memref<2x!tpu.dma_semaphore, #tpu.memory_space<semaphore_mem>> -> memref<1x!tpu.dma_semaphore, #tpu.memory_space<semaphore_mem>>
        %dma_wait3A_771 = tpu.memref_squeeze %dma_wait3A_770 : memref<1x!tpu.dma_semaphore, #tpu.memory_space<semaphore_mem>> -> memref<!tpu.dma_semaphore, #tpu.memory_space<semaphore_mem>>
        tpu.wait_indirect_dma semaphore(%dma_wait3A_771 : memref<!tpu.dma_semaphore, #tpu.memory_space<semaphore_mem>>) src(%dma_wait3A_763 : memref<400x128xi16, #tpu.memory_space<vmem>>) dst(%dma_wait3A_769 : memref<10000x128xi16, #tpu.memory_space<vmem_shared>>)
        %add3A_772 = arith.constant 4 : i32
        %add3A_773 = arith.addi %add3A_675, %add3A_772 : i32
        %lt3A_774 = arith.constant 25 : i32
        %lt3A_775 = arith.cmpi slt, %add3A_773, %lt3A_774 : i32
        %convert_element_type3A_776 = arith.extui %lt3A_775 : i1 to i32
        %cond3A_777 = arith.constant 0 : i32
        %cond3A_778 = arith.cmpi ne, %convert_element_type3A_776, %cond3A_777 : i32
        scf.if %cond3A_778 {
          %add3A_786 = arith.constant 4 : i32
          %add3A_787 = arith.addi %add3A_675, %add3A_786 : i32
          %mul3A_788 = arith.constant 10000 : i32
          %mul3A_789 = arith.muli %arg1, %mul3A_788 : i32
          %mul3A_790 = arith.constant 400 : i32
          %mul3A_791 = arith.muli %add3A_787, %mul3A_790 : i32
          %add3A_792 = arith.addi %mul3A_789, %mul3A_791 : i32
          %multiple_of3A_793 = tpu.assume_multiple %add3A_792, 8 : i32
          %dma_start3A_794 = arith.constant 3 : i32
          %dma_start3A_795 = arith.constant 3 : i32
          %dma_start3A_796 = arith.constant 0 : i32
          %dma_start3A_797 = tpu.memref_slice %arg8[%dma_start3A_794, %dma_start3A_796] : memref<4x400xi32, #tpu.memory_space<vmem>> -> memref<1x400xi32, #tpu.memory_space<vmem>>
          %dma_start3A_798 = tpu.memref_squeeze %dma_start3A_797 : memref<1x400xi32, #tpu.memory_space<vmem>> -> memref<400xi32, #tpu.memory_space<vmem>>
          %dma_start3A_799 = arith.constant 0 : i32
          %dma_start3A_800 = tpu.memref_slice %arg4[%cond3A_15, %dma_start3A_799] : memref<2x160000xi32, #tpu.memory_space<hbm>> -> memref<1x160000xi32, #tpu.memory_space<hbm>>
          %dma_start3A_801 = tpu.memref_squeeze %dma_start3A_800 : memref<1x160000xi32, #tpu.memory_space<hbm>> -> memref<160000xi32, #tpu.memory_space<hbm>>
          %dma_start3A_802 = tpu.memref_slice %dma_start3A_801[%multiple_of3A_793] : memref<160000xi32, #tpu.memory_space<hbm>> -> memref<400xi32, #tpu.memory_space<hbm>>
          %dma_start3A_803 = tpu.memref_slice %arg16[%dma_start3A_795] : memref<4x!tpu.dma_semaphore, #tpu.memory_space<semaphore_mem>> -> memref<1x!tpu.dma_semaphore, #tpu.memory_space<semaphore_mem>>
          %dma_start3A_804 = tpu.memref_squeeze %dma_start3A_803 : memref<1x!tpu.dma_semaphore, #tpu.memory_space<semaphore_mem>> -> memref<!tpu.dma_semaphore, #tpu.memory_space<semaphore_mem>>
          %dma_start3A_805 = arith.constant 0 : i32
          %dma_start3A_806 = tpu.memref_slice %arg8[%dma_start3A_794, %dma_start3A_805] : memref<4x400xi32, #tpu.memory_space<vmem>> -> memref<1x400xi32, #tpu.memory_space<vmem>>
          %dma_start3A_807 = tpu.memref_squeeze %dma_start3A_806 : memref<1x400xi32, #tpu.memory_space<vmem>> -> memref<400xi32, #tpu.memory_space<vmem>>
          %dma_start3A_808 = arith.constant 0 : i32
          %dma_start3A_809 = tpu.memref_slice %arg4[%cond3A_15, %dma_start3A_808] : memref<2x160000xi32, #tpu.memory_space<hbm>> -> memref<1x160000xi32, #tpu.memory_space<hbm>>
          %dma_start3A_810 = tpu.memref_squeeze %dma_start3A_809 : memref<1x160000xi32, #tpu.memory_space<hbm>> -> memref<160000xi32, #tpu.memory_space<hbm>>
          %dma_start3A_811 = tpu.memref_slice %dma_start3A_810[%multiple_of3A_793] : memref<160000xi32, #tpu.memory_space<hbm>> -> memref<400xi32, #tpu.memory_space<hbm>>
          tpu.enqueue_dma source(%dma_start3A_811 : memref<400xi32, #tpu.memory_space<hbm>>) target(%dma_start3A_807 : memref<400xi32, #tpu.memory_space<vmem>>) target_semaphore(%dma_start3A_804 : memref<!tpu.dma_semaphore, #tpu.memory_space<semaphore_mem>>)
        } else {
        }
        %add3A_779 = arith.constant 2 : i32
        %add3A_780 = arith.addi %add3A_675, %add3A_779 : i32
        %lt3A_781 = arith.constant 25 : i32
        %lt3A_782 = arith.cmpi slt, %add3A_780, %lt3A_781 : i32
        %convert_element_type3A_783 = arith.extui %lt3A_782 : i1 to i32
        %cond3A_784 = arith.constant 0 : i32
        %cond3A_785 = arith.cmpi ne, %convert_element_type3A_783, %cond3A_784 : i32
        scf.if %cond3A_785 {
          %add3A_786 = arith.constant 2 : i32
          %add3A_787 = arith.addi %add3A_675, %add3A_786 : i32
          %mul3A_788 = arith.constant 10000 : i32
          %mul3A_789 = arith.muli %arg1, %mul3A_788 : i32
          %mul3A_790 = arith.constant 400 : i32
          %mul3A_791 = arith.muli %add3A_787, %mul3A_790 : i32
          %add3A_792 = arith.addi %mul3A_789, %mul3A_791 : i32
          %multiple_of3A_793 = tpu.assume_multiple %add3A_792, 8 : i32
          %dma_wait3A_794 = arith.constant 1 : i32
          %dma_wait3A_795 = arith.constant 1 : i32
          %dma_wait3A_796 = arith.constant 0 : i32
          %dma_wait3A_797 = tpu.memref_slice %arg7[%dma_wait3A_794, %dma_wait3A_796] : memref<2x400xi32, #tpu.memory_space<vmem>> -> memref<1x400xi32, #tpu.memory_space<vmem>>
          %dma_wait3A_798 = tpu.memref_squeeze %dma_wait3A_797 : memref<1x400xi32, #tpu.memory_space<vmem>> -> memref<400xi32, #tpu.memory_space<vmem>>
          %dma_wait3A_799 = arith.constant 0 : i32
          %dma_wait3A_800 = tpu.memref_slice %arg4[%cond3A_14, %dma_wait3A_799] : memref<2x160000xi32, #tpu.memory_space<hbm>> -> memref<1x160000xi32, #tpu.memory_space<hbm>>
          %dma_wait3A_801 = tpu.memref_squeeze %dma_wait3A_800 : memref<1x160000xi32, #tpu.memory_space<hbm>> -> memref<160000xi32, #tpu.memory_space<hbm>>
          %dma_wait3A_802 = tpu.memref_slice %dma_wait3A_801[%multiple_of3A_793] : memref<160000xi32, #tpu.memory_space<hbm>> -> memref<400xi32, #tpu.memory_space<hbm>>
          %dma_wait3A_803 = tpu.memref_slice %arg15[%dma_wait3A_795] : memref<2x!tpu.dma_semaphore, #tpu.memory_space<semaphore_mem>> -> memref<1x!tpu.dma_semaphore, #tpu.memory_space<semaphore_mem>>
          %dma_wait3A_804 = tpu.memref_squeeze %dma_wait3A_803 : memref<1x!tpu.dma_semaphore, #tpu.memory_space<semaphore_mem>> -> memref<!tpu.dma_semaphore, #tpu.memory_space<semaphore_mem>>
          %dma_wait3A_805 = arith.constant 0 : i32
          %dma_wait3A_806 = tpu.memref_slice %arg7[%dma_wait3A_794, %dma_wait3A_805] : memref<2x400xi32, #tpu.memory_space<vmem>> -> memref<1x400xi32, #tpu.memory_space<vmem>>
          %dma_wait3A_807 = tpu.memref_squeeze %dma_wait3A_806 : memref<1x400xi32, #tpu.memory_space<vmem>> -> memref<400xi32, #tpu.memory_space<vmem>>
          %dma_wait3A_808 = arith.constant 0 : i32
          %dma_wait3A_809 = tpu.memref_slice %arg4[%cond3A_14, %dma_wait3A_808] : memref<2x160000xi32, #tpu.memory_space<hbm>> -> memref<1x160000xi32, #tpu.memory_space<hbm>>
          %dma_wait3A_810 = tpu.memref_squeeze %dma_wait3A_809 : memref<1x160000xi32, #tpu.memory_space<hbm>> -> memref<160000xi32, #tpu.memory_space<hbm>>
          %dma_wait3A_811 = tpu.memref_slice %dma_wait3A_810[%multiple_of3A_793] : memref<160000xi32, #tpu.memory_space<hbm>> -> memref<400xi32, #tpu.memory_space<hbm>>
          tpu.wait_dma2 semaphore(%dma_wait3A_804 : memref<!tpu.dma_semaphore, #tpu.memory_space<semaphore_mem>>) src(%dma_wait3A_811 : memref<400xi32, #tpu.memory_space<hbm>>) dst(%dma_wait3A_807 : memref<400xi32, #tpu.memory_space<vmem>>)
          %dma_start3A_812 = arith.constant 1 : i32
          %dma_start3A_813 = arith.constant 1 : i32
          %dma_start3A_814 = arith.constant 1 : i32
          %dma_start3A_815 = arith.constant 0 : i32
          %dma_start3A_816 = arith.constant 0 : i32
          %dma_start3A_817 = tpu.memref_slice %arg9[%dma_start3A_813, %dma_start3A_815, %dma_start3A_816] : memref<2x400x128xi16, #tpu.memory_space<vmem>> -> memref<1x400x128xi16, #tpu.memory_space<vmem>>
          %dma_start3A_818 = tpu.memref_squeeze %dma_start3A_817 : memref<1x400x128xi16, #tpu.memory_space<vmem>> -> memref<400x128xi16, #tpu.memory_space<vmem>>
          %dma_start3A_819 = arith.constant 0 : i32
          %dma_start3A_820 = tpu.memref_slice %arg7[%dma_start3A_812, %dma_start3A_819] : memref<2x400xi32, #tpu.memory_space<vmem>> -> memref<1x400xi32, #tpu.memory_space<vmem>>
          %dma_start3A_821 = tpu.memref_squeeze %dma_start3A_820 : memref<1x400xi32, #tpu.memory_space<vmem>> -> memref<400xi32, #tpu.memory_space<vmem>>
          %dma_start3A_822 = arith.constant 0 : i32
          %dma_start3A_823 = arith.constant 0 : i32
          %dma_start3A_824 = tpu.memref_slice %arg2[%cond3A_16, %dma_start3A_822, %dma_start3A_823] : memref<2x10000x128xi16, #tpu.memory_space<hbm>> -> memref<1x10000x128xi16, #tpu.memory_space<hbm>>
          %dma_start3A_825 = tpu.memref_squeeze %dma_start3A_824 : memref<1x10000x128xi16, #tpu.memory_space<hbm>> -> memref<10000x128xi16, #tpu.memory_space<hbm>>
          %dma_start3A_826 = arith.constant 0 : i32
          %dma_start3A_827 = arith.constant 0 : i32
          %dma_start3A_828 = tpu.memref_slice %dma_start3A_825[%dma_start3A_826, %dma_start3A_827] : memref<10000x128xi16, #tpu.memory_space<hbm>> -> memref<10000x128xi16, #tpu.memory_space<hbm>>
          %dma_start3A_829 = tpu.memref_slice %arg13[%dma_start3A_814] : memref<2x!tpu.dma_semaphore, #tpu.memory_space<semaphore_mem>> -> memref<1x!tpu.dma_semaphore, #tpu.memory_space<semaphore_mem>>
          %dma_start3A_830 = tpu.memref_squeeze %dma_start3A_829 : memref<1x!tpu.dma_semaphore, #tpu.memory_space<semaphore_mem>> -> memref<!tpu.dma_semaphore, #tpu.memory_space<semaphore_mem>>
          tpu.enqueue_indirect_dma source(%dma_start3A_828 : memref<10000x128xi16, #tpu.memory_space<hbm>>) target(%dma_start3A_818 : memref<400x128xi16, #tpu.memory_space<vmem>>) offsets(%dma_start3A_821 : memref<400xi32, #tpu.memory_space<vmem>>) semaphore(%dma_start3A_830 : memref<!tpu.dma_semaphore, #tpu.memory_space<semaphore_mem>>)
          %add3A_831 = arith.constant 2 : i32
          %add3A_832 = arith.addi %add3A_675, %add3A_831 : i32
          %ge3A_833 = arith.constant 0 : i32
          %ge3A_834 = arith.cmpi sge, %add3A_832, %ge3A_833 : i32
          %lt3A_835 = arith.constant 13 : i32
          %lt3A_836 = arith.cmpi slt, %add3A_832, %lt3A_835 : i32
          %and3A_837 = arith.andi %ge3A_834, %lt3A_836 : i1
          %convert_element_type3A_838 = arith.extui %and3A_837 : i1 to i32
          %cond3A_839 = arith.constant 0 : i32
          %cond3A_840 = arith.cmpi ne, %convert_element_type3A_838, %cond3A_839 : i32
          scf.if %cond3A_840 {
            %dma_start3A_841 = arith.constant 1 : i32
            %dma_start3A_842 = arith.constant 1 : i32
            %dma_start3A_843 = arith.constant 1 : i32
            %dma_start3A_844 = arith.constant 0 : i32
            %dma_start3A_845 = arith.constant 0 : i32
            %dma_start3A_846 = tpu.memref_slice %arg10[%dma_start3A_842, %dma_start3A_844, %dma_start3A_845] : memref<2x400x16xf32, #tpu.memory_space<vmem>> -> memref<1x400x16xf32, #tpu.memory_space<vmem>>
            %dma_start3A_847 = tpu.memref_squeeze %dma_start3A_846 : memref<1x400x16xf32, #tpu.memory_space<vmem>> -> memref<400x16xf32, #tpu.memory_space<vmem>>
            %dma_start3A_848 = arith.constant 0 : i32
            %dma_start3A_849 = tpu.memref_slice %arg7[%dma_start3A_841, %dma_start3A_848] : memref<2x400xi32, #tpu.memory_space<vmem>> -> memref<1x400xi32, #tpu.memory_space<vmem>>
            %dma_start3A_850 = tpu.memref_squeeze %dma_start3A_849 : memref<1x400xi32, #tpu.memory_space<vmem>> -> memref<400xi32, #tpu.memory_space<vmem>>
            %dma_start3A_851 = arith.constant 0 : i32
            %dma_start3A_852 = arith.constant 0 : i32
            %dma_start3A_853 = tpu.memref_slice %arg3[%dma_start3A_851, %dma_start3A_852] : memref<10000x16xf32, #tpu.memory_space<hbm>> -> memref<10000x16xf32, #tpu.memory_space<hbm>>
            %dma_start3A_854 = tpu.memref_slice %arg14[%dma_start3A_843] : memref<2x!tpu.dma_semaphore, #tpu.memory_space<semaphore_mem>> -> memref<1x!tpu.dma_semaphore, #tpu.memory_space<semaphore_mem>>
            %dma_start3A_855 = tpu.memref_squeeze %dma_start3A_854 : memref<1x!tpu.dma_semaphore, #tpu.memory_space<semaphore_mem>> -> memref<!tpu.dma_semaphore, #tpu.memory_space<semaphore_mem>>
            tpu.enqueue_indirect_dma source(%dma_start3A_853 : memref<10000x16xf32, #tpu.memory_space<hbm>>) target(%dma_start3A_847 : memref<400x16xf32, #tpu.memory_space<vmem>>) offsets(%dma_start3A_850 : memref<400xi32, #tpu.memory_space<vmem>>) semaphore(%dma_start3A_855 : memref<!tpu.dma_semaphore, #tpu.memory_space<semaphore_mem>>)
          } else {
          }
        } else {
        }
      }
      %scan3A_214 = arith.constant 6 : i32
      %dma_wait3A = arith.constant 0 : i32
      %dma_wait3A_215 = arith.constant 0 : i32
      %dma_wait3A_216 = arith.constant 0 : i32
      %dma_wait3A_217 = arith.constant 0 : i32
      %dma_wait3A_218 = arith.constant 0 : i32
      %dma_wait3A_219 = tpu.memref_slice %arg9[%dma_wait3A_215, %dma_wait3A_217, %dma_wait3A_218] : memref<2x400x128xi16, #tpu.memory_space<vmem>> -> memref<1x400x128xi16, #tpu.memory_space<vmem>>
      %dma_wait3A_220 = tpu.memref_squeeze %dma_wait3A_219 : memref<1x400x128xi16, #tpu.memory_space<vmem>> -> memref<400x128xi16, #tpu.memory_space<vmem>>
      %dma_wait3A_221 = arith.constant 0 : i32
      %dma_wait3A_222 = tpu.memref_slice %arg7[%dma_wait3A, %dma_wait3A_221] : memref<2x400xi32, #tpu.memory_space<vmem>> -> memref<1x400xi32, #tpu.memory_space<vmem>>
      %dma_wait3A_223 = tpu.memref_squeeze %dma_wait3A_222 : memref<1x400xi32, #tpu.memory_space<vmem>> -> memref<400xi32, #tpu.memory_space<vmem>>
      %dma_wait3A_224 = arith.constant 0 : i32
      %dma_wait3A_225 = arith.constant 0 : i32
      %dma_wait3A_226 = tpu.memref_slice %arg2[%cond3A_16, %dma_wait3A_224, %dma_wait3A_225] : memref<2x10000x128xi16, #tpu.memory_space<hbm>> -> memref<1x10000x128xi16, #tpu.memory_space<hbm>>
      %dma_wait3A_227 = tpu.memref_squeeze %dma_wait3A_226 : memref<1x10000x128xi16, #tpu.memory_space<hbm>> -> memref<10000x128xi16, #tpu.memory_space<hbm>>
      %dma_wait3A_228 = arith.constant 0 : i32
      %dma_wait3A_229 = arith.constant 0 : i32
      %dma_wait3A_230 = tpu.memref_slice %dma_wait3A_227[%dma_wait3A_228, %dma_wait3A_229] : memref<10000x128xi16, #tpu.memory_space<hbm>> -> memref<10000x128xi16, #tpu.memory_space<hbm>>
      %dma_wait3A_231 = tpu.memref_slice %arg13[%dma_wait3A_216] : memref<2x!tpu.dma_semaphore, #tpu.memory_space<semaphore_mem>> -> memref<1x!tpu.dma_semaphore, #tpu.memory_space<semaphore_mem>>
      %dma_wait3A_232 = tpu.memref_squeeze %dma_wait3A_231 : memref<1x!tpu.dma_semaphore, #tpu.memory_space<semaphore_mem>> -> memref<!tpu.dma_semaphore, #tpu.memory_space<semaphore_mem>>
      tpu.wait_indirect_dma semaphore(%dma_wait3A_232 : memref<!tpu.dma_semaphore, #tpu.memory_space<semaphore_mem>>) src(%dma_wait3A_230 : memref<10000x128xi16, #tpu.memory_space<hbm>>) dst(%dma_wait3A_220 : memref<400x128xi16, #tpu.memory_space<vmem>>)
      %ge3A = arith.constant 24 : i32
      %ge3A_233 = arith.constant 0 : i32
      %ge3A_234 = arith.cmpi sge, %ge3A, %ge3A_233 : i32
      %lt3A_235 = arith.constant 24 : i32
      %lt3A_236 = arith.constant 13 : i32
      %lt3A_237 = arith.cmpi slt, %lt3A_235, %lt3A_236 : i32
      %and3A = arith.andi %ge3A_234, %lt3A_237 : i1
      %convert_element_type3A_238 = arith.extui %and3A : i1 to i32
      %cond3A_239 = arith.constant 0 : i32
      %cond3A_240 = arith.cmpi ne, %convert_element_type3A_238, %cond3A_239 : i32
      scf.if %cond3A_240 {
        %dma_wait3A_333 = arith.constant 0 : i32
        %dma_wait3A_334 = arith.constant 0 : i32
        %dma_wait3A_335 = arith.constant 0 : i32
        %dma_wait3A_336 = arith.constant 0 : i32
        %dma_wait3A_337 = arith.constant 0 : i32
        %dma_wait3A_338 = tpu.memref_slice %arg10[%dma_wait3A_334, %dma_wait3A_336, %dma_wait3A_337] : memref<2x400x16xf32, #tpu.memory_space<vmem>> -> memref<1x400x16xf32, #tpu.memory_space<vmem>>
        %dma_wait3A_339 = tpu.memref_squeeze %dma_wait3A_338 : memref<1x400x16xf32, #tpu.memory_space<vmem>> -> memref<400x16xf32, #tpu.memory_space<vmem>>
        %dma_wait3A_340 = arith.constant 0 : i32
        %dma_wait3A_341 = tpu.memref_slice %arg7[%dma_wait3A_333, %dma_wait3A_340] : memref<2x400xi32, #tpu.memory_space<vmem>> -> memref<1x400xi32, #tpu.memory_space<vmem>>
        %dma_wait3A_342 = tpu.memref_squeeze %dma_wait3A_341 : memref<1x400xi32, #tpu.memory_space<vmem>> -> memref<400xi32, #tpu.memory_space<vmem>>
        %dma_wait3A_343 = arith.constant 0 : i32
        %dma_wait3A_344 = arith.constant 0 : i32
        %dma_wait3A_345 = tpu.memref_slice %arg3[%dma_wait3A_343, %dma_wait3A_344] : memref<10000x16xf32, #tpu.memory_space<hbm>> -> memref<10000x16xf32, #tpu.memory_space<hbm>>
        %dma_wait3A_346 = tpu.memref_slice %arg14[%dma_wait3A_335] : memref<2x!tpu.dma_semaphore, #tpu.memory_space<semaphore_mem>> -> memref<1x!tpu.dma_semaphore, #tpu.memory_space<semaphore_mem>>
        %dma_wait3A_347 = tpu.memref_squeeze %dma_wait3A_346 : memref<1x!tpu.dma_semaphore, #tpu.memory_space<semaphore_mem>> -> memref<!tpu.dma_semaphore, #tpu.memory_space<semaphore_mem>>
        tpu.wait_indirect_dma semaphore(%dma_wait3A_347 : memref<!tpu.dma_semaphore, #tpu.memory_space<semaphore_mem>>) src(%dma_wait3A_345 : memref<10000x16xf32, #tpu.memory_space<hbm>>) dst(%dma_wait3A_339 : memref<400x16xf32, #tpu.memory_space<vmem>>)
      } else {
      }
      %add3A_241 = arith.constant 24 : i32
      %add3A_242 = arith.constant 2 : i32
      %add3A_243 = arith.addi %add3A_241, %add3A_242 : i32
      %lt3A_244 = arith.constant 25 : i32
      %lt3A_245 = arith.cmpi slt, %add3A_243, %lt3A_244 : i32
      %convert_element_type3A_246 = arith.extui %lt3A_245 : i1 to i32
      %cond3A_247 = arith.constant 24 : i32
      %cond3A_248 = arith.constant 0 : i32
      %cond3A_249 = arith.cmpi ne, %convert_element_type3A_246, %cond3A_248 : i32
      scf.if %cond3A_249 {
        %add3A_333 = arith.constant 2 : i32
        %add3A_334 = arith.addi %cond3A_247, %add3A_333 : i32
        %mul3A_335 = arith.constant 10000 : i32
        %mul3A_336 = arith.muli %arg1, %mul3A_335 : i32
        %mul3A_337 = arith.constant 400 : i32
        %mul3A_338 = arith.muli %add3A_334, %mul3A_337 : i32
        %add3A_339 = arith.addi %mul3A_336, %mul3A_338 : i32
        %multiple_of3A_340 = tpu.assume_multiple %add3A_339, 8 : i32
        %dma_start3A_341 = arith.constant 0 : i32
        %dma_start3A_342 = arith.constant 0 : i32
        %dma_start3A_343 = arith.constant 0 : i32
        %dma_start3A_344 = tpu.memref_slice %arg7[%dma_start3A_341, %dma_start3A_343] : memref<2x400xi32, #tpu.memory_space<vmem>> -> memref<1x400xi32, #tpu.memory_space<vmem>>
        %dma_start3A_345 = tpu.memref_squeeze %dma_start3A_344 : memref<1x400xi32, #tpu.memory_space<vmem>> -> memref<400xi32, #tpu.memory_space<vmem>>
        %dma_start3A_346 = arith.constant 0 : i32
        %dma_start3A_347 = tpu.memref_slice %arg4[%cond3A_14, %dma_start3A_346] : memref<2x160000xi32, #tpu.memory_space<hbm>> -> memref<1x160000xi32, #tpu.memory_space<hbm>>
        %dma_start3A_348 = tpu.memref_squeeze %dma_start3A_347 : memref<1x160000xi32, #tpu.memory_space<hbm>> -> memref<160000xi32, #tpu.memory_space<hbm>>
        %dma_start3A_349 = tpu.memref_slice %dma_start3A_348[%multiple_of3A_340] : memref<160000xi32, #tpu.memory_space<hbm>> -> memref<400xi32, #tpu.memory_space<hbm>>
        %dma_start3A_350 = tpu.memref_slice %arg15[%dma_start3A_342] : memref<2x!tpu.dma_semaphore, #tpu.memory_space<semaphore_mem>> -> memref<1x!tpu.dma_semaphore, #tpu.memory_space<semaphore_mem>>
        %dma_start3A_351 = tpu.memref_squeeze %dma_start3A_350 : memref<1x!tpu.dma_semaphore, #tpu.memory_space<semaphore_mem>> -> memref<!tpu.dma_semaphore, #tpu.memory_space<semaphore_mem>>
        %dma_start3A_352 = arith.constant 0 : i32
        %dma_start3A_353 = tpu.memref_slice %arg7[%dma_start3A_341, %dma_start3A_352] : memref<2x400xi32, #tpu.memory_space<vmem>> -> memref<1x400xi32, #tpu.memory_space<vmem>>
        %dma_start3A_354 = tpu.memref_squeeze %dma_start3A_353 : memref<1x400xi32, #tpu.memory_space<vmem>> -> memref<400xi32, #tpu.memory_space<vmem>>
        %dma_start3A_355 = arith.constant 0 : i32
        %dma_start3A_356 = tpu.memref_slice %arg4[%cond3A_14, %dma_start3A_355] : memref<2x160000xi32, #tpu.memory_space<hbm>> -> memref<1x160000xi32, #tpu.memory_space<hbm>>
        %dma_start3A_357 = tpu.memref_squeeze %dma_start3A_356 : memref<1x160000xi32, #tpu.memory_space<hbm>> -> memref<160000xi32, #tpu.memory_space<hbm>>
        %dma_start3A_358 = tpu.memref_slice %dma_start3A_357[%multiple_of3A_340] : memref<160000xi32, #tpu.memory_space<hbm>> -> memref<400xi32, #tpu.memory_space<hbm>>
        tpu.enqueue_dma source(%dma_start3A_358 : memref<400xi32, #tpu.memory_space<hbm>>) target(%dma_start3A_354 : memref<400xi32, #tpu.memory_space<vmem>>) target_semaphore(%dma_start3A_351 : memref<!tpu.dma_semaphore, #tpu.memory_space<semaphore_mem>>)
      } else {
      }
      %mul3A_250 = arith.constant 10000 : i32
      %mul3A_251 = arith.muli %arg1, %mul3A_250 : i32
      %mul3A_252 = arith.constant 24 : i32
      %mul3A_253 = arith.constant 400 : i32
      %mul3A_254 = arith.muli %mul3A_252, %mul3A_253 : i32
      %add3A_255 = arith.addi %mul3A_251, %mul3A_254 : i32
      %multiple_of3A_256 = tpu.assume_multiple %add3A_255, 8 : i32
      %dma_wait3A_257 = arith.constant 0 : i32
      %dma_wait3A_258 = arith.constant 0 : i32
      %dma_wait3A_259 = arith.constant 0 : i32
      %dma_wait3A_260 = tpu.memref_slice %arg8[%dma_wait3A_257, %dma_wait3A_259] : memref<4x400xi32, #tpu.memory_space<vmem>> -> memref<1x400xi32, #tpu.memory_space<vmem>>
      %dma_wait3A_261 = tpu.memref_squeeze %dma_wait3A_260 : memref<1x400xi32, #tpu.memory_space<vmem>> -> memref<400xi32, #tpu.memory_space<vmem>>
      %dma_wait3A_262 = arith.constant 0 : i32
      %dma_wait3A_263 = tpu.memref_slice %arg4[%cond3A_15, %dma_wait3A_262] : memref<2x160000xi32, #tpu.memory_space<hbm>> -> memref<1x160000xi32, #tpu.memory_space<hbm>>
      %dma_wait3A_264 = tpu.memref_squeeze %dma_wait3A_263 : memref<1x160000xi32, #tpu.memory_space<hbm>> -> memref<160000xi32, #tpu.memory_space<hbm>>
      %dma_wait3A_265 = tpu.memref_slice %dma_wait3A_264[%multiple_of3A_256] : memref<160000xi32, #tpu.memory_space<hbm>> -> memref<400xi32, #tpu.memory_space<hbm>>
      %dma_wait3A_266 = tpu.memref_slice %arg16[%dma_wait3A_258] : memref<4x!tpu.dma_semaphore, #tpu.memory_space<semaphore_mem>> -> memref<1x!tpu.dma_semaphore, #tpu.memory_space<semaphore_mem>>
      %dma_wait3A_267 = tpu.memref_squeeze %dma_wait3A_266 : memref<1x!tpu.dma_semaphore, #tpu.memory_space<semaphore_mem>> -> memref<!tpu.dma_semaphore, #tpu.memory_space<semaphore_mem>>
      %dma_wait3A_268 = arith.constant 0 : i32
      %dma_wait3A_269 = tpu.memref_slice %arg8[%dma_wait3A_257, %dma_wait3A_268] : memref<4x400xi32, #tpu.memory_space<vmem>> -> memref<1x400xi32, #tpu.memory_space<vmem>>
      %dma_wait3A_270 = tpu.memref_squeeze %dma_wait3A_269 : memref<1x400xi32, #tpu.memory_space<vmem>> -> memref<400xi32, #tpu.memory_space<vmem>>
      %dma_wait3A_271 = arith.constant 0 : i32
      %dma_wait3A_272 = tpu.memref_slice %arg4[%cond3A_15, %dma_wait3A_271] : memref<2x160000xi32, #tpu.memory_space<hbm>> -> memref<1x160000xi32, #tpu.memory_space<hbm>>
      %dma_wait3A_273 = tpu.memref_squeeze %dma_wait3A_272 : memref<1x160000xi32, #tpu.memory_space<hbm>> -> memref<160000xi32, #tpu.memory_space<hbm>>
      %dma_wait3A_274 = tpu.memref_slice %dma_wait3A_273[%multiple_of3A_256] : memref<160000xi32, #tpu.memory_space<hbm>> -> memref<400xi32, #tpu.memory_space<hbm>>
      tpu.wait_dma2 semaphore(%dma_wait3A_267 : memref<!tpu.dma_semaphore, #tpu.memory_space<semaphore_mem>>) src(%dma_wait3A_274 : memref<400xi32, #tpu.memory_space<hbm>>) dst(%dma_wait3A_270 : memref<400xi32, #tpu.memory_space<vmem>>)
      %dma_start3A_275 = arith.constant 0 : i32
      %dma_start3A_276 = arith.constant 0 : i32
      %dma_start3A_277 = arith.constant 0 : i32
      %dma_start3A_278 = arith.constant 0 : i32
      %dma_start3A_279 = arith.constant 0 : i32
      %dma_start3A_280 = tpu.memref_slice %arg9[%dma_start3A_275, %dma_start3A_278, %dma_start3A_279] : memref<2x400x128xi16, #tpu.memory_space<vmem>> -> memref<1x400x128xi16, #tpu.memory_space<vmem>>
      %dma_start3A_281 = tpu.memref_squeeze %dma_start3A_280 : memref<1x400x128xi16, #tpu.memory_space<vmem>> -> memref<400x128xi16, #tpu.memory_space<vmem>>
      %dma_start3A_282 = arith.constant 0 : i32
      %dma_start3A_283 = tpu.memref_slice %arg8[%dma_start3A_276, %dma_start3A_282] : memref<4x400xi32, #tpu.memory_space<vmem>> -> memref<1x400xi32, #tpu.memory_space<vmem>>
      %dma_start3A_284 = tpu.memref_squeeze %dma_start3A_283 : memref<1x400xi32, #tpu.memory_space<vmem>> -> memref<400xi32, #tpu.memory_space<vmem>>
      %dma_start3A_285 = arith.constant 0 : i32
      %dma_start3A_286 = arith.constant 0 : i32
      %dma_start3A_287 = tpu.memref_slice %arg11[%dma_start3A_285, %dma_start3A_286] : memref<10000x128xi16, #tpu.memory_space<vmem_shared>> -> memref<10000x128xi16, #tpu.memory_space<vmem_shared>>
      %dma_start3A_288 = tpu.memref_slice %arg17[%dma_start3A_277] : memref<2x!tpu.dma_semaphore, #tpu.memory_space<semaphore_mem>> -> memref<1x!tpu.dma_semaphore, #tpu.memory_space<semaphore_mem>>
      %dma_start3A_289 = tpu.memref_squeeze %dma_start3A_288 : memref<1x!tpu.dma_semaphore, #tpu.memory_space<semaphore_mem>> -> memref<!tpu.dma_semaphore, #tpu.memory_space<semaphore_mem>>
      tpu.enqueue_indirect_dma source(%dma_start3A_281 : memref<400x128xi16, #tpu.memory_space<vmem>>) target(%dma_start3A_287 : memref<10000x128xi16, #tpu.memory_space<vmem_shared>>) offsets(%dma_start3A_284 : memref<400xi32, #tpu.memory_space<vmem>>) semaphore(%dma_start3A_289 : memref<!tpu.dma_semaphore, #tpu.memory_space<semaphore_mem>>) {add = true}
      %ge3A_290 = arith.constant 24 : i32
      %ge3A_291 = arith.constant 0 : i32
      %ge3A_292 = arith.cmpi sge, %ge3A_290, %ge3A_291 : i32
      %lt3A_293 = arith.constant 24 : i32
      %lt3A_294 = arith.constant 13 : i32
      %lt3A_295 = arith.cmpi slt, %lt3A_293, %lt3A_294 : i32
      %and3A_296 = arith.andi %ge3A_292, %lt3A_295 : i1
      %convert_element_type3A_297 = arith.extui %and3A_296 : i1 to i32
      %cond3A_298 = arith.constant 0 : i32
      %cond3A_299 = arith.cmpi ne, %convert_element_type3A_297, %cond3A_298 : i32
      scf.if %cond3A_299 {
        %dma_start3A_333 = arith.constant 0 : i32
        %dma_start3A_334 = arith.constant 0 : i32
        %dma_start3A_335 = arith.constant 0 : i32
        %dma_start3A_336 = arith.constant 0 : i32
        %dma_start3A_337 = arith.constant 0 : i32
        %dma_start3A_338 = tpu.memref_slice %arg10[%dma_start3A_333, %dma_start3A_336, %dma_start3A_337] : memref<2x400x16xf32, #tpu.memory_space<vmem>> -> memref<1x400x16xf32, #tpu.memory_space<vmem>>
        %dma_start3A_339 = tpu.memref_squeeze %dma_start3A_338 : memref<1x400x16xf32, #tpu.memory_space<vmem>> -> memref<400x16xf32, #tpu.memory_space<vmem>>
        %dma_start3A_340 = arith.constant 0 : i32
        %dma_start3A_341 = tpu.memref_slice %arg8[%dma_start3A_334, %dma_start3A_340] : memref<4x400xi32, #tpu.memory_space<vmem>> -> memref<1x400xi32, #tpu.memory_space<vmem>>
        %dma_start3A_342 = tpu.memref_squeeze %dma_start3A_341 : memref<1x400xi32, #tpu.memory_space<vmem>> -> memref<400xi32, #tpu.memory_space<vmem>>
        %dma_start3A_343 = arith.constant 0 : i32
        %dma_start3A_344 = arith.constant 0 : i32
        %dma_start3A_345 = tpu.memref_slice %arg12[%dma_start3A_343, %dma_start3A_344] : memref<10000x16xf32, #tpu.memory_space<vmem_shared>> -> memref<10000x16xf32, #tpu.memory_space<vmem_shared>>
        %dma_start3A_346 = tpu.memref_slice %arg18[%dma_start3A_335] : memref<2x!tpu.dma_semaphore, #tpu.memory_space<semaphore_mem>> -> memref<1x!tpu.dma_semaphore, #tpu.memory_space<semaphore_mem>>
        %dma_start3A_347 = tpu.memref_squeeze %dma_start3A_346 : memref<1x!tpu.dma_semaphore, #tpu.memory_space<semaphore_mem>> -> memref<!tpu.dma_semaphore, #tpu.memory_space<semaphore_mem>>
        tpu.enqueue_indirect_dma source(%dma_start3A_339 : memref<400x16xf32, #tpu.memory_space<vmem>>) target(%dma_start3A_345 : memref<10000x16xf32, #tpu.memory_space<vmem_shared>>) offsets(%dma_start3A_342 : memref<400xi32, #tpu.memory_space<vmem>>) semaphore(%dma_start3A_347 : memref<!tpu.dma_semaphore, #tpu.memory_space<semaphore_mem>>) {add = true}
        %dma_wait3A_348 = arith.constant 0 : i32
        %dma_wait3A_349 = arith.constant 0 : i32
        %dma_wait3A_350 = arith.constant 0 : i32
        %dma_wait3A_351 = arith.constant 0 : i32
        %dma_wait3A_352 = arith.constant 0 : i32
        %dma_wait3A_353 = tpu.memref_slice %arg10[%dma_wait3A_348, %dma_wait3A_351, %dma_wait3A_352] : memref<2x400x16xf32, #tpu.memory_space<vmem>> -> memref<1x400x16xf32, #tpu.memory_space<vmem>>
        %dma_wait3A_354 = tpu.memref_squeeze %dma_wait3A_353 : memref<1x400x16xf32, #tpu.memory_space<vmem>> -> memref<400x16xf32, #tpu.memory_space<vmem>>
        %dma_wait3A_355 = arith.constant 0 : i32
        %dma_wait3A_356 = tpu.memref_slice %arg8[%dma_wait3A_349, %dma_wait3A_355] : memref<4x400xi32, #tpu.memory_space<vmem>> -> memref<1x400xi32, #tpu.memory_space<vmem>>
        %dma_wait3A_357 = tpu.memref_squeeze %dma_wait3A_356 : memref<1x400xi32, #tpu.memory_space<vmem>> -> memref<400xi32, #tpu.memory_space<vmem>>
        %dma_wait3A_358 = arith.constant 0 : i32
        %dma_wait3A_359 = arith.constant 0 : i32
        %dma_wait3A_360 = tpu.memref_slice %arg12[%dma_wait3A_358, %dma_wait3A_359] : memref<10000x16xf32, #tpu.memory_space<vmem_shared>> -> memref<10000x16xf32, #tpu.memory_space<vmem_shared>>
        %dma_wait3A_361 = tpu.memref_slice %arg18[%dma_wait3A_350] : memref<2x!tpu.dma_semaphore, #tpu.memory_space<semaphore_mem>> -> memref<1x!tpu.dma_semaphore, #tpu.memory_space<semaphore_mem>>
        %dma_wait3A_362 = tpu.memref_squeeze %dma_wait3A_361 : memref<1x!tpu.dma_semaphore, #tpu.memory_space<semaphore_mem>> -> memref<!tpu.dma_semaphore, #tpu.memory_space<semaphore_mem>>
        tpu.wait_indirect_dma semaphore(%dma_wait3A_362 : memref<!tpu.dma_semaphore, #tpu.memory_space<semaphore_mem>>) src(%dma_wait3A_354 : memref<400x16xf32, #tpu.memory_space<vmem>>) dst(%dma_wait3A_360 : memref<10000x16xf32, #tpu.memory_space<vmem_shared>>)
      } else {
      }
      %dma_wait3A_300 = arith.constant 0 : i32
      %dma_wait3A_301 = arith.constant 0 : i32
      %dma_wait3A_302 = arith.constant 0 : i32
      %dma_wait3A_303 = arith.constant 0 : i32
      %dma_wait3A_304 = arith.constant 0 : i32
      %dma_wait3A_305 = tpu.memref_slice %arg9[%dma_wait3A_300, %dma_wait3A_303, %dma_wait3A_304] : memref<2x400x128xi16, #tpu.memory_space<vmem>> -> memref<1x400x128xi16, #tpu.memory_space<vmem>>
      %dma_wait3A_306 = tpu.memref_squeeze %dma_wait3A_305 : memref<1x400x128xi16, #tpu.memory_space<vmem>> -> memref<400x128xi16, #tpu.memory_space<vmem>>
      %dma_wait3A_307 = arith.constant 0 : i32
      %dma_wait3A_308 = tpu.memref_slice %arg8[%dma_wait3A_301, %dma_wait3A_307] : memref<4x400xi32, #tpu.memory_space<vmem>> -> memref<1x400xi32, #tpu.memory_space<vmem>>
      %dma_wait3A_309 = tpu.memref_squeeze %dma_wait3A_308 : memref<1x400xi32, #tpu.memory_space<vmem>> -> memref<400xi32, #tpu.memory_space<vmem>>
      %dma_wait3A_310 = arith.constant 0 : i32
      %dma_wait3A_311 = arith.constant 0 : i32
      %dma_wait3A_312 = tpu.memref_slice %arg11[%dma_wait3A_310, %dma_wait3A_311] : memref<10000x128xi16, #tpu.memory_space<vmem_shared>> -> memref<10000x128xi16, #tpu.memory_space<vmem_shared>>
      %dma_wait3A_313 = tpu.memref_slice %arg17[%dma_wait3A_302] : memref<2x!tpu.dma_semaphore, #tpu.memory_space<semaphore_mem>> -> memref<1x!tpu.dma_semaphore, #tpu.memory_space<semaphore_mem>>
      %dma_wait3A_314 = tpu.memref_squeeze %dma_wait3A_313 : memref<1x!tpu.dma_semaphore, #tpu.memory_space<semaphore_mem>> -> memref<!tpu.dma_semaphore, #tpu.memory_space<semaphore_mem>>
      tpu.wait_indirect_dma semaphore(%dma_wait3A_314 : memref<!tpu.dma_semaphore, #tpu.memory_space<semaphore_mem>>) src(%dma_wait3A_306 : memref<400x128xi16, #tpu.memory_space<vmem>>) dst(%dma_wait3A_312 : memref<10000x128xi16, #tpu.memory_space<vmem_shared>>)
      %add3A_315 = arith.constant 24 : i32
      %add3A_316 = arith.constant 4 : i32
      %add3A_317 = arith.addi %add3A_315, %add3A_316 : i32
      %lt3A_318 = arith.constant 25 : i32
      %lt3A_319 = arith.cmpi slt, %add3A_317, %lt3A_318 : i32
      %convert_element_type3A_320 = arith.extui %lt3A_319 : i1 to i32
      %cond3A_321 = arith.constant 24 : i32
      %cond3A_322 = arith.constant 0 : i32
      %cond3A_323 = arith.cmpi ne, %convert_element_type3A_320, %cond3A_322 : i32
      scf.if %cond3A_323 {
        %add3A_333 = arith.constant 4 : i32
        %add3A_334 = arith.addi %cond3A_321, %add3A_333 : i32
        %mul3A_335 = arith.constant 10000 : i32
        %mul3A_336 = arith.muli %arg1, %mul3A_335 : i32
        %mul3A_337 = arith.constant 400 : i32
        %mul3A_338 = arith.muli %add3A_334, %mul3A_337 : i32
        %add3A_339 = arith.addi %mul3A_336, %mul3A_338 : i32
        %multiple_of3A_340 = tpu.assume_multiple %add3A_339, 8 : i32
        %dma_start3A_341 = arith.constant 0 : i32
        %dma_start3A_342 = arith.constant 0 : i32
        %dma_start3A_343 = arith.constant 0 : i32
        %dma_start3A_344 = tpu.memref_slice %arg8[%dma_start3A_341, %dma_start3A_343] : memref<4x400xi32, #tpu.memory_space<vmem>> -> memref<1x400xi32, #tpu.memory_space<vmem>>
        %dma_start3A_345 = tpu.memref_squeeze %dma_start3A_344 : memref<1x400xi32, #tpu.memory_space<vmem>> -> memref<400xi32, #tpu.memory_space<vmem>>
        %dma_start3A_346 = arith.constant 0 : i32
        %dma_start3A_347 = tpu.memref_slice %arg4[%cond3A_15, %dma_start3A_346] : memref<2x160000xi32, #tpu.memory_space<hbm>> -> memref<1x160000xi32, #tpu.memory_space<hbm>>
        %dma_start3A_348 = tpu.memref_squeeze %dma_start3A_347 : memref<1x160000xi32, #tpu.memory_space<hbm>> -> memref<160000xi32, #tpu.memory_space<hbm>>
        %dma_start3A_349 = tpu.memref_slice %dma_start3A_348[%multiple_of3A_340] : memref<160000xi32, #tpu.memory_space<hbm>> -> memref<400xi32, #tpu.memory_space<hbm>>
        %dma_start3A_350 = tpu.memref_slice %arg16[%dma_start3A_342] : memref<4x!tpu.dma_semaphore, #tpu.memory_space<semaphore_mem>> -> memref<1x!tpu.dma_semaphore, #tpu.memory_space<semaphore_mem>>
        %dma_start3A_351 = tpu.memref_squeeze %dma_start3A_350 : memref<1x!tpu.dma_semaphore, #tpu.memory_space<semaphore_mem>> -> memref<!tpu.dma_semaphore, #tpu.memory_space<semaphore_mem>>
        %dma_start3A_352 = arith.constant 0 : i32
        %dma_start3A_353 = tpu.memref_slice %arg8[%dma_start3A_341, %dma_start3A_352] : memref<4x400xi32, #tpu.memory_space<vmem>> -> memref<1x400xi32, #tpu.memory_space<vmem>>
        %dma_start3A_354 = tpu.memref_squeeze %dma_start3A_353 : memref<1x400xi32, #tpu.memory_space<vmem>> -> memref<400xi32, #tpu.memory_space<vmem>>
        %dma_start3A_355 = arith.constant 0 : i32
        %dma_start3A_356 = tpu.memref_slice %arg4[%cond3A_15, %dma_start3A_355] : memref<2x160000xi32, #tpu.memory_space<hbm>> -> memref<1x160000xi32, #tpu.memory_space<hbm>>
        %dma_start3A_357 = tpu.memref_squeeze %dma_start3A_356 : memref<1x160000xi32, #tpu.memory_space<hbm>> -> memref<160000xi32, #tpu.memory_space<hbm>>
        %dma_start3A_358 = tpu.memref_slice %dma_start3A_357[%multiple_of3A_340] : memref<160000xi32, #tpu.memory_space<hbm>> -> memref<400xi32, #tpu.memory_space<hbm>>
        tpu.enqueue_dma source(%dma_start3A_358 : memref<400xi32, #tpu.memory_space<hbm>>) target(%dma_start3A_354 : memref<400xi32, #tpu.memory_space<vmem>>) target_semaphore(%dma_start3A_351 : memref<!tpu.dma_semaphore, #tpu.memory_space<semaphore_mem>>)
      } else {
      }
      %add3A_324 = arith.constant 24 : i32
      %add3A_325 = arith.constant 2 : i32
      %add3A_326 = arith.addi %add3A_324, %add3A_325 : i32
      %lt3A_327 = arith.constant 25 : i32
      %lt3A_328 = arith.cmpi slt, %add3A_326, %lt3A_327 : i32
      %convert_element_type3A_329 = arith.extui %lt3A_328 : i1 to i32
      %cond3A_330 = arith.constant 24 : i32
      %cond3A_331 = arith.constant 0 : i32
      %cond3A_332 = arith.cmpi ne, %convert_element_type3A_329, %cond3A_331 : i32
      scf.if %cond3A_332 {
        %add3A_333 = arith.constant 2 : i32
        %add3A_334 = arith.addi %cond3A_330, %add3A_333 : i32
        %mul3A_335 = arith.constant 10000 : i32
        %mul3A_336 = arith.muli %arg1, %mul3A_335 : i32
        %mul3A_337 = arith.constant 400 : i32
        %mul3A_338 = arith.muli %add3A_334, %mul3A_337 : i32
        %add3A_339 = arith.addi %mul3A_336, %mul3A_338 : i32
        %multiple_of3A_340 = tpu.assume_multiple %add3A_339, 8 : i32
        %dma_wait3A_341 = arith.constant 0 : i32
        %dma_wait3A_342 = arith.constant 0 : i32
        %dma_wait3A_343 = arith.constant 0 : i32
        %dma_wait3A_344 = tpu.memref_slice %arg7[%dma_wait3A_341, %dma_wait3A_343] : memref<2x400xi32, #tpu.memory_space<vmem>> -> memref<1x400xi32, #tpu.memory_space<vmem>>
        %dma_wait3A_345 = tpu.memref_squeeze %dma_wait3A_344 : memref<1x400xi32, #tpu.memory_space<vmem>> -> memref<400xi32, #tpu.memory_space<vmem>>
        %dma_wait3A_346 = arith.constant 0 : i32
        %dma_wait3A_347 = tpu.memref_slice %arg4[%cond3A_14, %dma_wait3A_346] : memref<2x160000xi32, #tpu.memory_space<hbm>> -> memref<1x160000xi32, #tpu.memory_space<hbm>>
        %dma_wait3A_348 = tpu.memref_squeeze %dma_wait3A_347 : memref<1x160000xi32, #tpu.memory_space<hbm>> -> memref<160000xi32, #tpu.memory_space<hbm>>
        %dma_wait3A_349 = tpu.memref_slice %dma_wait3A_348[%multiple_of3A_340] : memref<160000xi32, #tpu.memory_space<hbm>> -> memref<400xi32, #tpu.memory_space<hbm>>
        %dma_wait3A_350 = tpu.memref_slice %arg15[%dma_wait3A_342] : memref<2x!tpu.dma_semaphore, #tpu.memory_space<semaphore_mem>> -> memref<1x!tpu.dma_semaphore, #tpu.memory_space<semaphore_mem>>
        %dma_wait3A_351 = tpu.memref_squeeze %dma_wait3A_350 : memref<1x!tpu.dma_semaphore, #tpu.memory_space<semaphore_mem>> -> memref<!tpu.dma_semaphore, #tpu.memory_space<semaphore_mem>>
        %dma_wait3A_352 = arith.constant 0 : i32
        %dma_wait3A_353 = tpu.memref_slice %arg7[%dma_wait3A_341, %dma_wait3A_352] : memref<2x400xi32, #tpu.memory_space<vmem>> -> memref<1x400xi32, #tpu.memory_space<vmem>>
        %dma_wait3A_354 = tpu.memref_squeeze %dma_wait3A_353 : memref<1x400xi32, #tpu.memory_space<vmem>> -> memref<400xi32, #tpu.memory_space<vmem>>
        %dma_wait3A_355 = arith.constant 0 : i32
        %dma_wait3A_356 = tpu.memref_slice %arg4[%cond3A_14, %dma_wait3A_355] : memref<2x160000xi32, #tpu.memory_space<hbm>> -> memref<1x160000xi32, #tpu.memory_space<hbm>>
        %dma_wait3A_357 = tpu.memref_squeeze %dma_wait3A_356 : memref<1x160000xi32, #tpu.memory_space<hbm>> -> memref<160000xi32, #tpu.memory_space<hbm>>
        %dma_wait3A_358 = tpu.memref_slice %dma_wait3A_357[%multiple_of3A_340] : memref<160000xi32, #tpu.memory_space<hbm>> -> memref<400xi32, #tpu.memory_space<hbm>>
        tpu.wait_dma2 semaphore(%dma_wait3A_351 : memref<!tpu.dma_semaphore, #tpu.memory_space<semaphore_mem>>) src(%dma_wait3A_358 : memref<400xi32, #tpu.memory_space<hbm>>) dst(%dma_wait3A_354 : memref<400xi32, #tpu.memory_space<vmem>>)
        %dma_start3A_359 = arith.constant 0 : i32
        %dma_start3A_360 = arith.constant 0 : i32
        %dma_start3A_361 = arith.constant 0 : i32
        %dma_start3A_362 = arith.constant 0 : i32
        %dma_start3A_363 = arith.constant 0 : i32
        %dma_start3A_364 = tpu.memref_slice %arg9[%dma_start3A_360, %dma_start3A_362, %dma_start3A_363] : memref<2x400x128xi16, #tpu.memory_space<vmem>> -> memref<1x400x128xi16, #tpu.memory_space<vmem>>
        %dma_start3A_365 = tpu.memref_squeeze %dma_start3A_364 : memref<1x400x128xi16, #tpu.memory_space<vmem>> -> memref<400x128xi16, #tpu.memory_space<vmem>>
        %dma_start3A_366 = arith.constant 0 : i32
        %dma_start3A_367 = tpu.memref_slice %arg7[%dma_start3A_359, %dma_start3A_366] : memref<2x400xi32, #tpu.memory_space<vmem>> -> memref<1x400xi32, #tpu.memory_space<vmem>>
        %dma_start3A_368 = tpu.memref_squeeze %dma_start3A_367 : memref<1x400xi32, #tpu.memory_space<vmem>> -> memref<400xi32, #tpu.memory_space<vmem>>
        %dma_start3A_369 = arith.constant 0 : i32
        %dma_start3A_370 = arith.constant 0 : i32
        %dma_start3A_371 = tpu.memref_slice %arg2[%cond3A_16, %dma_start3A_369, %dma_start3A_370] : memref<2x10000x128xi16, #tpu.memory_space<hbm>> -> memref<1x10000x128xi16, #tpu.memory_space<hbm>>
        %dma_start3A_372 = tpu.memref_squeeze %dma_start3A_371 : memref<1x10000x128xi16, #tpu.memory_space<hbm>> -> memref<10000x128xi16, #tpu.memory_space<hbm>>
        %dma_start3A_373 = arith.constant 0 : i32
        %dma_start3A_374 = arith.constant 0 : i32
        %dma_start3A_375 = tpu.memref_slice %dma_start3A_372[%dma_start3A_373, %dma_start3A_374] : memref<10000x128xi16, #tpu.memory_space<hbm>> -> memref<10000x128xi16, #tpu.memory_space<hbm>>
        %dma_start3A_376 = tpu.memref_slice %arg13[%dma_start3A_361] : memref<2x!tpu.dma_semaphore, #tpu.memory_space<semaphore_mem>> -> memref<1x!tpu.dma_semaphore, #tpu.memory_space<semaphore_mem>>
        %dma_start3A_377 = tpu.memref_squeeze %dma_start3A_376 : memref<1x!tpu.dma_semaphore, #tpu.memory_space<semaphore_mem>> -> memref<!tpu.dma_semaphore, #tpu.memory_space<semaphore_mem>>
        tpu.enqueue_indirect_dma source(%dma_start3A_375 : memref<10000x128xi16, #tpu.memory_space<hbm>>) target(%dma_start3A_365 : memref<400x128xi16, #tpu.memory_space<vmem>>) offsets(%dma_start3A_368 : memref<400xi32, #tpu.memory_space<vmem>>) semaphore(%dma_start3A_377 : memref<!tpu.dma_semaphore, #tpu.memory_space<semaphore_mem>>)
        %add3A_378 = arith.constant 2 : i32
        %add3A_379 = arith.addi %cond3A_330, %add3A_378 : i32
        %ge3A_380 = arith.constant 0 : i32
        %ge3A_381 = arith.cmpi sge, %add3A_379, %ge3A_380 : i32
        %lt3A_382 = arith.constant 13 : i32
        %lt3A_383 = arith.cmpi slt, %add3A_379, %lt3A_382 : i32
        %and3A_384 = arith.andi %ge3A_381, %lt3A_383 : i1
        %convert_element_type3A_385 = arith.extui %and3A_384 : i1 to i32
        %cond3A_386 = arith.constant 0 : i32
        %cond3A_387 = arith.cmpi ne, %convert_element_type3A_385, %cond3A_386 : i32
        scf.if %cond3A_387 {
          %dma_start3A_388 = arith.constant 0 : i32
          %dma_start3A_389 = arith.constant 0 : i32
          %dma_start3A_390 = arith.constant 0 : i32
          %dma_start3A_391 = arith.constant 0 : i32
          %dma_start3A_392 = arith.constant 0 : i32
          %dma_start3A_393 = tpu.memref_slice %arg10[%dma_start3A_389, %dma_start3A_391, %dma_start3A_392] : memref<2x400x16xf32, #tpu.memory_space<vmem>> -> memref<1x400x16xf32, #tpu.memory_space<vmem>>
          %dma_start3A_394 = tpu.memref_squeeze %dma_start3A_393 : memref<1x400x16xf32, #tpu.memory_space<vmem>> -> memref<400x16xf32, #tpu.memory_space<vmem>>
          %dma_start3A_395 = arith.constant 0 : i32
          %dma_start3A_396 = tpu.memref_slice %arg7[%dma_start3A_388, %dma_start3A_395] : memref<2x400xi32, #tpu.memory_space<vmem>> -> memref<1x400xi32, #tpu.memory_space<vmem>>
          %dma_start3A_397 = tpu.memref_squeeze %dma_start3A_396 : memref<1x400xi32, #tpu.memory_space<vmem>> -> memref<400xi32, #tpu.memory_space<vmem>>
          %dma_start3A_398 = arith.constant 0 : i32
          %dma_start3A_399 = arith.constant 0 : i32
          %dma_start3A_400 = tpu.memref_slice %arg3[%dma_start3A_398, %dma_start3A_399] : memref<10000x16xf32, #tpu.memory_space<hbm>> -> memref<10000x16xf32, #tpu.memory_space<hbm>>
          %dma_start3A_401 = tpu.memref_slice %arg14[%dma_start3A_390] : memref<2x!tpu.dma_semaphore, #tpu.memory_space<semaphore_mem>> -> memref<1x!tpu.dma_semaphore, #tpu.memory_space<semaphore_mem>>
          %dma_start3A_402 = tpu.memref_squeeze %dma_start3A_401 : memref<1x!tpu.dma_semaphore, #tpu.memory_space<semaphore_mem>> -> memref<!tpu.dma_semaphore, #tpu.memory_space<semaphore_mem>>
          tpu.enqueue_indirect_dma source(%dma_start3A_400 : memref<10000x16xf32, #tpu.memory_space<hbm>>) target(%dma_start3A_394 : memref<400x16xf32, #tpu.memory_space<vmem>>) offsets(%dma_start3A_397 : memref<400xi32, #tpu.memory_space<vmem>>) semaphore(%dma_start3A_402 : memref<!tpu.dma_semaphore, #tpu.memory_space<semaphore_mem>>)
        } else {
        }
      } else {
      }
    } else {
    }
    %eq3A_19 = arith.constant 1 : i32
    %eq3A_20 = arith.cmpi eq, %arg0, %eq3A_19 : i32
    %convert_element_type3A_21 = arith.extui %eq3A_20 : i1 to i32
    %cond3A_22 = arith.constant 0 : i32
    %cond3A_23 = arith.constant 1 : i32
    %cond3A_24 = arith.constant 1 : i32
    %cond3A_25 = arith.constant 0 : i32
    %cond3A_26 = arith.cmpi ne, %convert_element_type3A_21, %cond3A_25 : i32
    scf.if %cond3A_26 {
      %mul3A_41 = arith.constant 10000 : i32
      %mul3A_42 = arith.muli %arg1, %mul3A_41 : i32
      %add3A = arith.constant 0 : i32
      %add3A_43 = arith.addi %mul3A_42, %add3A : i32
      %multiple_of3A_44 = tpu.assume_multiple %add3A_43, 8 : i32
      %run_scoped3A = arith.constant 0 : i32
      "tpu.region"() ({
        %run_scoped3A_303 = tpu.sem_alloc : memref<!tpu.dma_semaphore, #tpu.memory_space<semaphore_mem>>
        %dma_start3A_304 = arith.constant 0 : i32
        %dma_start3A_305 = tpu.memref_slice %arg7[%run_scoped3A, %dma_start3A_304] : memref<2x400xi32, #tpu.memory_space<vmem>> -> memref<1x400xi32, #tpu.memory_space<vmem>>
        %dma_start3A_306 = tpu.memref_squeeze %dma_start3A_305 : memref<1x400xi32, #tpu.memory_space<vmem>> -> memref<400xi32, #tpu.memory_space<vmem>>
        %dma_start3A_307 = arith.constant 0 : i32
        %dma_start3A_308 = tpu.memref_slice %arg4[%cond3A_22, %dma_start3A_307] : memref<2x160000xi32, #tpu.memory_space<hbm>> -> memref<1x160000xi32, #tpu.memory_space<hbm>>
        %dma_start3A_309 = tpu.memref_squeeze %dma_start3A_308 : memref<1x160000xi32, #tpu.memory_space<hbm>> -> memref<160000xi32, #tpu.memory_space<hbm>>
        %dma_start3A_310 = tpu.memref_slice %dma_start3A_309[%multiple_of3A_44] : memref<160000xi32, #tpu.memory_space<hbm>> -> memref<400xi32, #tpu.memory_space<hbm>>
        %dma_start3A_311 = arith.constant 0 : i32
        %dma_start3A_312 = tpu.memref_slice %arg7[%run_scoped3A, %dma_start3A_311] : memref<2x400xi32, #tpu.memory_space<vmem>> -> memref<1x400xi32, #tpu.memory_space<vmem>>
        %dma_start3A_313 = tpu.memref_squeeze %dma_start3A_312 : memref<1x400xi32, #tpu.memory_space<vmem>> -> memref<400xi32, #tpu.memory_space<vmem>>
        %dma_start3A_314 = arith.constant 0 : i32
        %dma_start3A_315 = tpu.memref_slice %arg4[%cond3A_22, %dma_start3A_314] : memref<2x160000xi32, #tpu.memory_space<hbm>> -> memref<1x160000xi32, #tpu.memory_space<hbm>>
        %dma_start3A_316 = tpu.memref_squeeze %dma_start3A_315 : memref<1x160000xi32, #tpu.memory_space<hbm>> -> memref<160000xi32, #tpu.memory_space<hbm>>
        %dma_start3A_317 = tpu.memref_slice %dma_start3A_316[%multiple_of3A_44] : memref<160000xi32, #tpu.memory_space<hbm>> -> memref<400xi32, #tpu.memory_space<hbm>>
        tpu.enqueue_dma source(%dma_start3A_317 : memref<400xi32, #tpu.memory_space<hbm>>) target(%dma_start3A_313 : memref<400xi32, #tpu.memory_space<vmem>>) target_semaphore(%run_scoped3A_303 : memref<!tpu.dma_semaphore, #tpu.memory_space<semaphore_mem>>)
        %dma_wait3A_318 = arith.constant 0 : i32
        %dma_wait3A_319 = tpu.memref_slice %arg7[%run_scoped3A, %dma_wait3A_318] : memref<2x400xi32, #tpu.memory_space<vmem>> -> memref<1x400xi32, #tpu.memory_space<vmem>>
        %dma_wait3A_320 = tpu.memref_squeeze %dma_wait3A_319 : memref<1x400xi32, #tpu.memory_space<vmem>> -> memref<400xi32, #tpu.memory_space<vmem>>
        %dma_wait3A_321 = arith.constant 0 : i32
        %dma_wait3A_322 = tpu.memref_slice %arg4[%cond3A_22, %dma_wait3A_321] : memref<2x160000xi32, #tpu.memory_space<hbm>> -> memref<1x160000xi32, #tpu.memory_space<hbm>>
        %dma_wait3A_323 = tpu.memref_squeeze %dma_wait3A_322 : memref<1x160000xi32, #tpu.memory_space<hbm>> -> memref<160000xi32, #tpu.memory_space<hbm>>
        %dma_wait3A_324 = tpu.memref_slice %dma_wait3A_323[%multiple_of3A_44] : memref<160000xi32, #tpu.memory_space<hbm>> -> memref<400xi32, #tpu.memory_space<hbm>>
        %dma_wait3A_325 = arith.constant 0 : i32
        %dma_wait3A_326 = tpu.memref_slice %arg7[%run_scoped3A, %dma_wait3A_325] : memref<2x400xi32, #tpu.memory_space<vmem>> -> memref<1x400xi32, #tpu.memory_space<vmem>>
        %dma_wait3A_327 = tpu.memref_squeeze %dma_wait3A_326 : memref<1x400xi32, #tpu.memory_space<vmem>> -> memref<400xi32, #tpu.memory_space<vmem>>
        %dma_wait3A_328 = arith.constant 0 : i32
        %dma_wait3A_329 = tpu.memref_slice %arg4[%cond3A_22, %dma_wait3A_328] : memref<2x160000xi32, #tpu.memory_space<hbm>> -> memref<1x160000xi32, #tpu.memory_space<hbm>>
        %dma_wait3A_330 = tpu.memref_squeeze %dma_wait3A_329 : memref<1x160000xi32, #tpu.memory_space<hbm>> -> memref<160000xi32, #tpu.memory_space<hbm>>
        %dma_wait3A_331 = tpu.memref_slice %dma_wait3A_330[%multiple_of3A_44] : memref<160000xi32, #tpu.memory_space<hbm>> -> memref<400xi32, #tpu.memory_space<hbm>>
        tpu.wait_dma2 semaphore(%run_scoped3A_303 : memref<!tpu.dma_semaphore, #tpu.memory_space<semaphore_mem>>) src(%dma_wait3A_331 : memref<400xi32, #tpu.memory_space<hbm>>) dst(%dma_wait3A_327 : memref<400xi32, #tpu.memory_space<vmem>>)
        tpu.yield
      }) : () -> ()
      %mul3A_45 = arith.constant 10000 : i32
      %mul3A_46 = arith.muli %arg1, %mul3A_45 : i32
      %add3A_47 = arith.constant 400 : i32
      %add3A_48 = arith.addi %mul3A_46, %add3A_47 : i32
      %multiple_of3A_49 = tpu.assume_multiple %add3A_48, 8 : i32
      %run_scoped3A_50 = arith.constant 1 : i32
      "tpu.region"() ({
        %run_scoped3A_303 = tpu.sem_alloc : memref<!tpu.dma_semaphore, #tpu.memory_space<semaphore_mem>>
        %dma_start3A_304 = arith.constant 0 : i32
        %dma_start3A_305 = tpu.memref_slice %arg7[%run_scoped3A_50, %dma_start3A_304] : memref<2x400xi32, #tpu.memory_space<vmem>> -> memref<1x400xi32, #tpu.memory_space<vmem>>
        %dma_start3A_306 = tpu.memref_squeeze %dma_start3A_305 : memref<1x400xi32, #tpu.memory_space<vmem>> -> memref<400xi32, #tpu.memory_space<vmem>>
        %dma_start3A_307 = arith.constant 0 : i32
        %dma_start3A_308 = tpu.memref_slice %arg4[%cond3A_22, %dma_start3A_307] : memref<2x160000xi32, #tpu.memory_space<hbm>> -> memref<1x160000xi32, #tpu.memory_space<hbm>>
        %dma_start3A_309 = tpu.memref_squeeze %dma_start3A_308 : memref<1x160000xi32, #tpu.memory_space<hbm>> -> memref<160000xi32, #tpu.memory_space<hbm>>
        %dma_start3A_310 = tpu.memref_slice %dma_start3A_309[%multiple_of3A_49] : memref<160000xi32, #tpu.memory_space<hbm>> -> memref<400xi32, #tpu.memory_space<hbm>>
        %dma_start3A_311 = arith.constant 0 : i32
        %dma_start3A_312 = tpu.memref_slice %arg7[%run_scoped3A_50, %dma_start3A_311] : memref<2x400xi32, #tpu.memory_space<vmem>> -> memref<1x400xi32, #tpu.memory_space<vmem>>
        %dma_start3A_313 = tpu.memref_squeeze %dma_start3A_312 : memref<1x400xi32, #tpu.memory_space<vmem>> -> memref<400xi32, #tpu.memory_space<vmem>>
        %dma_start3A_314 = arith.constant 0 : i32
        %dma_start3A_315 = tpu.memref_slice %arg4[%cond3A_22, %dma_start3A_314] : memref<2x160000xi32, #tpu.memory_space<hbm>> -> memref<1x160000xi32, #tpu.memory_space<hbm>>
        %dma_start3A_316 = tpu.memref_squeeze %dma_start3A_315 : memref<1x160000xi32, #tpu.memory_space<hbm>> -> memref<160000xi32, #tpu.memory_space<hbm>>
        %dma_start3A_317 = tpu.memref_slice %dma_start3A_316[%multiple_of3A_49] : memref<160000xi32, #tpu.memory_space<hbm>> -> memref<400xi32, #tpu.memory_space<hbm>>
        tpu.enqueue_dma source(%dma_start3A_317 : memref<400xi32, #tpu.memory_space<hbm>>) target(%dma_start3A_313 : memref<400xi32, #tpu.memory_space<vmem>>) target_semaphore(%run_scoped3A_303 : memref<!tpu.dma_semaphore, #tpu.memory_space<semaphore_mem>>)
        %dma_wait3A_318 = arith.constant 0 : i32
        %dma_wait3A_319 = tpu.memref_slice %arg7[%run_scoped3A_50, %dma_wait3A_318] : memref<2x400xi32, #tpu.memory_space<vmem>> -> memref<1x400xi32, #tpu.memory_space<vmem>>
        %dma_wait3A_320 = tpu.memref_squeeze %dma_wait3A_319 : memref<1x400xi32, #tpu.memory_space<vmem>> -> memref<400xi32, #tpu.memory_space<vmem>>
        %dma_wait3A_321 = arith.constant 0 : i32
        %dma_wait3A_322 = tpu.memref_slice %arg4[%cond3A_22, %dma_wait3A_321] : memref<2x160000xi32, #tpu.memory_space<hbm>> -> memref<1x160000xi32, #tpu.memory_space<hbm>>
        %dma_wait3A_323 = tpu.memref_squeeze %dma_wait3A_322 : memref<1x160000xi32, #tpu.memory_space<hbm>> -> memref<160000xi32, #tpu.memory_space<hbm>>
        %dma_wait3A_324 = tpu.memref_slice %dma_wait3A_323[%multiple_of3A_49] : memref<160000xi32, #tpu.memory_space<hbm>> -> memref<400xi32, #tpu.memory_space<hbm>>
        %dma_wait3A_325 = arith.constant 0 : i32
        %dma_wait3A_326 = tpu.memref_slice %arg7[%run_scoped3A_50, %dma_wait3A_325] : memref<2x400xi32, #tpu.memory_space<vmem>> -> memref<1x400xi32, #tpu.memory_space<vmem>>
        %dma_wait3A_327 = tpu.memref_squeeze %dma_wait3A_326 : memref<1x400xi32, #tpu.memory_space<vmem>> -> memref<400xi32, #tpu.memory_space<vmem>>
        %dma_wait3A_328 = arith.constant 0 : i32
        %dma_wait3A_329 = tpu.memref_slice %arg4[%cond3A_22, %dma_wait3A_328] : memref<2x160000xi32, #tpu.memory_space<hbm>> -> memref<1x160000xi32, #tpu.memory_space<hbm>>
        %dma_wait3A_330 = tpu.memref_squeeze %dma_wait3A_329 : memref<1x160000xi32, #tpu.memory_space<hbm>> -> memref<160000xi32, #tpu.memory_space<hbm>>
        %dma_wait3A_331 = tpu.memref_slice %dma_wait3A_330[%multiple_of3A_49] : memref<160000xi32, #tpu.memory_space<hbm>> -> memref<400xi32, #tpu.memory_space<hbm>>
        tpu.wait_dma2 semaphore(%run_scoped3A_303 : memref<!tpu.dma_semaphore, #tpu.memory_space<semaphore_mem>>) src(%dma_wait3A_331 : memref<400xi32, #tpu.memory_space<hbm>>) dst(%dma_wait3A_327 : memref<400xi32, #tpu.memory_space<vmem>>)
        tpu.yield
      }) : () -> ()
      %mul3A_51 = arith.constant 10000 : i32
      %mul3A_52 = arith.muli %arg1, %mul3A_51 : i32
      %add3A_53 = arith.constant 0 : i32
      %add3A_54 = arith.addi %mul3A_52, %add3A_53 : i32
      %multiple_of3A_55 = tpu.assume_multiple %add3A_54, 8 : i32
      %dma_start3A = arith.constant 0 : i32
      %dma_start3A_56 = arith.constant 0 : i32
      %dma_start3A_57 = arith.constant 0 : i32
      %dma_start3A_58 = tpu.memref_slice %arg8[%dma_start3A, %dma_start3A_57] : memref<4x400xi32, #tpu.memory_space<vmem>> -> memref<1x400xi32, #tpu.memory_space<vmem>>
      %dma_start3A_59 = tpu.memref_squeeze %dma_start3A_58 : memref<1x400xi32, #tpu.memory_space<vmem>> -> memref<400xi32, #tpu.memory_space<vmem>>
      %dma_start3A_60 = arith.constant 0 : i32
      %dma_start3A_61 = tpu.memref_slice %arg4[%cond3A_23, %dma_start3A_60] : memref<2x160000xi32, #tpu.memory_space<hbm>> -> memref<1x160000xi32, #tpu.memory_space<hbm>>
      %dma_start3A_62 = tpu.memref_squeeze %dma_start3A_61 : memref<1x160000xi32, #tpu.memory_space<hbm>> -> memref<160000xi32, #tpu.memory_space<hbm>>
      %dma_start3A_63 = tpu.memref_slice %dma_start3A_62[%multiple_of3A_55] : memref<160000xi32, #tpu.memory_space<hbm>> -> memref<400xi32, #tpu.memory_space<hbm>>
      %dma_start3A_64 = tpu.memref_slice %arg16[%dma_start3A_56] : memref<4x!tpu.dma_semaphore, #tpu.memory_space<semaphore_mem>> -> memref<1x!tpu.dma_semaphore, #tpu.memory_space<semaphore_mem>>
      %dma_start3A_65 = tpu.memref_squeeze %dma_start3A_64 : memref<1x!tpu.dma_semaphore, #tpu.memory_space<semaphore_mem>> -> memref<!tpu.dma_semaphore, #tpu.memory_space<semaphore_mem>>
      %dma_start3A_66 = arith.constant 0 : i32
      %dma_start3A_67 = tpu.memref_slice %arg8[%dma_start3A, %dma_start3A_66] : memref<4x400xi32, #tpu.memory_space<vmem>> -> memref<1x400xi32, #tpu.memory_space<vmem>>
      %dma_start3A_68 = tpu.memref_squeeze %dma_start3A_67 : memref<1x400xi32, #tpu.memory_space<vmem>> -> memref<400xi32, #tpu.memory_space<vmem>>
      %dma_start3A_69 = arith.constant 0 : i32
      %dma_start3A_70 = tpu.memref_slice %arg4[%cond3A_23, %dma_start3A_69] : memref<2x160000xi32, #tpu.memory_space<hbm>> -> memref<1x160000xi32, #tpu.memory_space<hbm>>
      %dma_start3A_71 = tpu.memref_squeeze %dma_start3A_70 : memref<1x160000xi32, #tpu.memory_space<hbm>> -> memref<160000xi32, #tpu.memory_space<hbm>>
      %dma_start3A_72 = tpu.memref_slice %dma_start3A_71[%multiple_of3A_55] : memref<160000xi32, #tpu.memory_space<hbm>> -> memref<400xi32, #tpu.memory_space<hbm>>
      tpu.enqueue_dma source(%dma_start3A_72 : memref<400xi32, #tpu.memory_space<hbm>>) target(%dma_start3A_68 : memref<400xi32, #tpu.memory_space<vmem>>) target_semaphore(%dma_start3A_65 : memref<!tpu.dma_semaphore, #tpu.memory_space<semaphore_mem>>)
      %mul3A_73 = arith.constant 10000 : i32
      %mul3A_74 = arith.muli %arg1, %mul3A_73 : i32
      %add3A_75 = arith.constant 400 : i32
      %add3A_76 = arith.addi %mul3A_74, %add3A_75 : i32
      %multiple_of3A_77 = tpu.assume_multiple %add3A_76, 8 : i32
      %dma_start3A_78 = arith.constant 1 : i32
      %dma_start3A_79 = arith.constant 1 : i32
      %dma_start3A_80 = arith.constant 0 : i32
      %dma_start3A_81 = tpu.memref_slice %arg8[%dma_start3A_78, %dma_start3A_80] : memref<4x400xi32, #tpu.memory_space<vmem>> -> memref<1x400xi32, #tpu.memory_space<vmem>>
      %dma_start3A_82 = tpu.memref_squeeze %dma_start3A_81 : memref<1x400xi32, #tpu.memory_space<vmem>> -> memref<400xi32, #tpu.memory_space<vmem>>
      %dma_start3A_83 = arith.constant 0 : i32
      %dma_start3A_84 = tpu.memref_slice %arg4[%cond3A_23, %dma_start3A_83] : memref<2x160000xi32, #tpu.memory_space<hbm>> -> memref<1x160000xi32, #tpu.memory_space<hbm>>
      %dma_start3A_85 = tpu.memref_squeeze %dma_start3A_84 : memref<1x160000xi32, #tpu.memory_space<hbm>> -> memref<160000xi32, #tpu.memory_space<hbm>>
      %dma_start3A_86 = tpu.memref_slice %dma_start3A_85[%multiple_of3A_77] : memref<160000xi32, #tpu.memory_space<hbm>> -> memref<400xi32, #tpu.memory_space<hbm>>
      %dma_start3A_87 = tpu.memref_slice %arg16[%dma_start3A_79] : memref<4x!tpu.dma_semaphore, #tpu.memory_space<semaphore_mem>> -> memref<1x!tpu.dma_semaphore, #tpu.memory_space<semaphore_mem>>
      %dma_start3A_88 = tpu.memref_squeeze %dma_start3A_87 : memref<1x!tpu.dma_semaphore, #tpu.memory_space<semaphore_mem>> -> memref<!tpu.dma_semaphore, #tpu.memory_space<semaphore_mem>>
      %dma_start3A_89 = arith.constant 0 : i32
      %dma_start3A_90 = tpu.memref_slice %arg8[%dma_start3A_78, %dma_start3A_89] : memref<4x400xi32, #tpu.memory_space<vmem>> -> memref<1x400xi32, #tpu.memory_space<vmem>>
      %dma_start3A_91 = tpu.memref_squeeze %dma_start3A_90 : memref<1x400xi32, #tpu.memory_space<vmem>> -> memref<400xi32, #tpu.memory_space<vmem>>
      %dma_start3A_92 = arith.constant 0 : i32
      %dma_start3A_93 = tpu.memref_slice %arg4[%cond3A_23, %dma_start3A_92] : memref<2x160000xi32, #tpu.memory_space<hbm>> -> memref<1x160000xi32, #tpu.memory_space<hbm>>
      %dma_start3A_94 = tpu.memref_squeeze %dma_start3A_93 : memref<1x160000xi32, #tpu.memory_space<hbm>> -> memref<160000xi32, #tpu.memory_space<hbm>>
      %dma_start3A_95 = tpu.memref_slice %dma_start3A_94[%multiple_of3A_77] : memref<160000xi32, #tpu.memory_space<hbm>> -> memref<400xi32, #tpu.memory_space<hbm>>
      tpu.enqueue_dma source(%dma_start3A_95 : memref<400xi32, #tpu.memory_space<hbm>>) target(%dma_start3A_91 : memref<400xi32, #tpu.memory_space<vmem>>) target_semaphore(%dma_start3A_88 : memref<!tpu.dma_semaphore, #tpu.memory_space<semaphore_mem>>)
      %mul3A_96 = arith.constant 10000 : i32
      %mul3A_97 = arith.muli %arg1, %mul3A_96 : i32
      %add3A_98 = arith.constant 800 : i32
      %add3A_99 = arith.addi %mul3A_97, %add3A_98 : i32
      %multiple_of3A_100 = tpu.assume_multiple %add3A_99, 8 : i32
      %dma_start3A_101 = arith.constant 2 : i32
      %dma_start3A_102 = arith.constant 2 : i32
      %dma_start3A_103 = arith.constant 0 : i32
      %dma_start3A_104 = tpu.memref_slice %arg8[%dma_start3A_101, %dma_start3A_103] : memref<4x400xi32, #tpu.memory_space<vmem>> -> memref<1x400xi32, #tpu.memory_space<vmem>>
      %dma_start3A_105 = tpu.memref_squeeze %dma_start3A_104 : memref<1x400xi32, #tpu.memory_space<vmem>> -> memref<400xi32, #tpu.memory_space<vmem>>
      %dma_start3A_106 = arith.constant 0 : i32
      %dma_start3A_107 = tpu.memref_slice %arg4[%cond3A_23, %dma_start3A_106] : memref<2x160000xi32, #tpu.memory_space<hbm>> -> memref<1x160000xi32, #tpu.memory_space<hbm>>
      %dma_start3A_108 = tpu.memref_squeeze %dma_start3A_107 : memref<1x160000xi32, #tpu.memory_space<hbm>> -> memref<160000xi32, #tpu.memory_space<hbm>>
      %dma_start3A_109 = tpu.memref_slice %dma_start3A_108[%multiple_of3A_100] : memref<160000xi32, #tpu.memory_space<hbm>> -> memref<400xi32, #tpu.memory_space<hbm>>
      %dma_start3A_110 = tpu.memref_slice %arg16[%dma_start3A_102] : memref<4x!tpu.dma_semaphore, #tpu.memory_space<semaphore_mem>> -> memref<1x!tpu.dma_semaphore, #tpu.memory_space<semaphore_mem>>
      %dma_start3A_111 = tpu.memref_squeeze %dma_start3A_110 : memref<1x!tpu.dma_semaphore, #tpu.memory_space<semaphore_mem>> -> memref<!tpu.dma_semaphore, #tpu.memory_space<semaphore_mem>>
      %dma_start3A_112 = arith.constant 0 : i32
      %dma_start3A_113 = tpu.memref_slice %arg8[%dma_start3A_101, %dma_start3A_112] : memref<4x400xi32, #tpu.memory_space<vmem>> -> memref<1x400xi32, #tpu.memory_space<vmem>>
      %dma_start3A_114 = tpu.memref_squeeze %dma_start3A_113 : memref<1x400xi32, #tpu.memory_space<vmem>> -> memref<400xi32, #tpu.memory_space<vmem>>
      %dma_start3A_115 = arith.constant 0 : i32
      %dma_start3A_116 = tpu.memref_slice %arg4[%cond3A_23, %dma_start3A_115] : memref<2x160000xi32, #tpu.memory_space<hbm>> -> memref<1x160000xi32, #tpu.memory_space<hbm>>
      %dma_start3A_117 = tpu.memref_squeeze %dma_start3A_116 : memref<1x160000xi32, #tpu.memory_space<hbm>> -> memref<160000xi32, #tpu.memory_space<hbm>>
      %dma_start3A_118 = tpu.memref_slice %dma_start3A_117[%multiple_of3A_100] : memref<160000xi32, #tpu.memory_space<hbm>> -> memref<400xi32, #tpu.memory_space<hbm>>
      tpu.enqueue_dma source(%dma_start3A_118 : memref<400xi32, #tpu.memory_space<hbm>>) target(%dma_start3A_114 : memref<400xi32, #tpu.memory_space<vmem>>) target_semaphore(%dma_start3A_111 : memref<!tpu.dma_semaphore, #tpu.memory_space<semaphore_mem>>)
      %mul3A_119 = arith.constant 10000 : i32
      %mul3A_120 = arith.muli %arg1, %mul3A_119 : i32
      %add3A_121 = arith.constant 1200 : i32
      %add3A_122 = arith.addi %mul3A_120, %add3A_121 : i32
      %multiple_of3A_123 = tpu.assume_multiple %add3A_122, 8 : i32
      %dma_start3A_124 = arith.constant 3 : i32
      %dma_start3A_125 = arith.constant 3 : i32
      %dma_start3A_126 = arith.constant 0 : i32
      %dma_start3A_127 = tpu.memref_slice %arg8[%dma_start3A_124, %dma_start3A_126] : memref<4x400xi32, #tpu.memory_space<vmem>> -> memref<1x400xi32, #tpu.memory_space<vmem>>
      %dma_start3A_128 = tpu.memref_squeeze %dma_start3A_127 : memref<1x400xi32, #tpu.memory_space<vmem>> -> memref<400xi32, #tpu.memory_space<vmem>>
      %dma_start3A_129 = arith.constant 0 : i32
      %dma_start3A_130 = tpu.memref_slice %arg4[%cond3A_23, %dma_start3A_129] : memref<2x160000xi32, #tpu.memory_space<hbm>> -> memref<1x160000xi32, #tpu.memory_space<hbm>>
      %dma_start3A_131 = tpu.memref_squeeze %dma_start3A_130 : memref<1x160000xi32, #tpu.memory_space<hbm>> -> memref<160000xi32, #tpu.memory_space<hbm>>
      %dma_start3A_132 = tpu.memref_slice %dma_start3A_131[%multiple_of3A_123] : memref<160000xi32, #tpu.memory_space<hbm>> -> memref<400xi32, #tpu.memory_space<hbm>>
      %dma_start3A_133 = tpu.memref_slice %arg16[%dma_start3A_125] : memref<4x!tpu.dma_semaphore, #tpu.memory_space<semaphore_mem>> -> memref<1x!tpu.dma_semaphore, #tpu.memory_space<semaphore_mem>>
      %dma_start3A_134 = tpu.memref_squeeze %dma_start3A_133 : memref<1x!tpu.dma_semaphore, #tpu.memory_space<semaphore_mem>> -> memref<!tpu.dma_semaphore, #tpu.memory_space<semaphore_mem>>
      %dma_start3A_135 = arith.constant 0 : i32
      %dma_start3A_136 = tpu.memref_slice %arg8[%dma_start3A_124, %dma_start3A_135] : memref<4x400xi32, #tpu.memory_space<vmem>> -> memref<1x400xi32, #tpu.memory_space<vmem>>
      %dma_start3A_137 = tpu.memref_squeeze %dma_start3A_136 : memref<1x400xi32, #tpu.memory_space<vmem>> -> memref<400xi32, #tpu.memory_space<vmem>>
      %dma_start3A_138 = arith.constant 0 : i32
      %dma_start3A_139 = tpu.memref_slice %arg4[%cond3A_23, %dma_start3A_138] : memref<2x160000xi32, #tpu.memory_space<hbm>> -> memref<1x160000xi32, #tpu.memory_space<hbm>>
      %dma_start3A_140 = tpu.memref_squeeze %dma_start3A_139 : memref<1x160000xi32, #tpu.memory_space<hbm>> -> memref<160000xi32, #tpu.memory_space<hbm>>
      %dma_start3A_141 = tpu.memref_slice %dma_start3A_140[%multiple_of3A_123] : memref<160000xi32, #tpu.memory_space<hbm>> -> memref<400xi32, #tpu.memory_space<hbm>>
      tpu.enqueue_dma source(%dma_start3A_141 : memref<400xi32, #tpu.memory_space<hbm>>) target(%dma_start3A_137 : memref<400xi32, #tpu.memory_space<vmem>>) target_semaphore(%dma_start3A_134 : memref<!tpu.dma_semaphore, #tpu.memory_space<semaphore_mem>>)
      %dma_start3A_142 = arith.constant 0 : i32
      %dma_start3A_143 = arith.constant 0 : i32
      %dma_start3A_144 = arith.constant 0 : i32
      %dma_start3A_145 = arith.constant 0 : i32
      %dma_start3A_146 = arith.constant 0 : i32
      %dma_start3A_147 = tpu.memref_slice %arg9[%dma_start3A_143, %dma_start3A_145, %dma_start3A_146] : memref<2x400x128xi16, #tpu.memory_space<vmem>> -> memref<1x400x128xi16, #tpu.memory_space<vmem>>
      %dma_start3A_148 = tpu.memref_squeeze %dma_start3A_147 : memref<1x400x128xi16, #tpu.memory_space<vmem>> -> memref<400x128xi16, #tpu.memory_space<vmem>>
      %dma_start3A_149 = arith.constant 0 : i32
      %dma_start3A_150 = tpu.memref_slice %arg7[%dma_start3A_142, %dma_start3A_149] : memref<2x400xi32, #tpu.memory_space<vmem>> -> memref<1x400xi32, #tpu.memory_space<vmem>>
      %dma_start3A_151 = tpu.memref_squeeze %dma_start3A_150 : memref<1x400xi32, #tpu.memory_space<vmem>> -> memref<400xi32, #tpu.memory_space<vmem>>
      %dma_start3A_152 = arith.constant 0 : i32
      %dma_start3A_153 = arith.constant 0 : i32
      %dma_start3A_154 = tpu.memref_slice %arg2[%cond3A_24, %dma_start3A_152, %dma_start3A_153] : memref<2x10000x128xi16, #tpu.memory_space<hbm>> -> memref<1x10000x128xi16, #tpu.memory_space<hbm>>
      %dma_start3A_155 = tpu.memref_squeeze %dma_start3A_154 : memref<1x10000x128xi16, #tpu.memory_space<hbm>> -> memref<10000x128xi16, #tpu.memory_space<hbm>>
      %dma_start3A_156 = arith.constant 0 : i32
      %dma_start3A_157 = arith.constant 0 : i32
      %dma_start3A_158 = tpu.memref_slice %dma_start3A_155[%dma_start3A_156, %dma_start3A_157] : memref<10000x128xi16, #tpu.memory_space<hbm>> -> memref<10000x128xi16, #tpu.memory_space<hbm>>
      %dma_start3A_159 = tpu.memref_slice %arg13[%dma_start3A_144] : memref<2x!tpu.dma_semaphore, #tpu.memory_space<semaphore_mem>> -> memref<1x!tpu.dma_semaphore, #tpu.memory_space<semaphore_mem>>
      %dma_start3A_160 = tpu.memref_squeeze %dma_start3A_159 : memref<1x!tpu.dma_semaphore, #tpu.memory_space<semaphore_mem>> -> memref<!tpu.dma_semaphore, #tpu.memory_space<semaphore_mem>>
      tpu.enqueue_indirect_dma source(%dma_start3A_158 : memref<10000x128xi16, #tpu.memory_space<hbm>>) target(%dma_start3A_148 : memref<400x128xi16, #tpu.memory_space<vmem>>) offsets(%dma_start3A_151 : memref<400xi32, #tpu.memory_space<vmem>>) semaphore(%dma_start3A_160 : memref<!tpu.dma_semaphore, #tpu.memory_space<semaphore_mem>>)
      %dma_start3A_161 = arith.constant 1 : i32
      %dma_start3A_162 = arith.constant 1 : i32
      %dma_start3A_163 = arith.constant 1 : i32
      %dma_start3A_164 = arith.constant 0 : i32
      %dma_start3A_165 = arith.constant 0 : i32
      %dma_start3A_166 = tpu.memref_slice %arg9[%dma_start3A_162, %dma_start3A_164, %dma_start3A_165] : memref<2x400x128xi16, #tpu.memory_space<vmem>> -> memref<1x400x128xi16, #tpu.memory_space<vmem>>
      %dma_start3A_167 = tpu.memref_squeeze %dma_start3A_166 : memref<1x400x128xi16, #tpu.memory_space<vmem>> -> memref<400x128xi16, #tpu.memory_space<vmem>>
      %dma_start3A_168 = arith.constant 0 : i32
      %dma_start3A_169 = tpu.memref_slice %arg7[%dma_start3A_161, %dma_start3A_168] : memref<2x400xi32, #tpu.memory_space<vmem>> -> memref<1x400xi32, #tpu.memory_space<vmem>>
      %dma_start3A_170 = tpu.memref_squeeze %dma_start3A_169 : memref<1x400xi32, #tpu.memory_space<vmem>> -> memref<400xi32, #tpu.memory_space<vmem>>
      %dma_start3A_171 = arith.constant 0 : i32
      %dma_start3A_172 = arith.constant 0 : i32
      %dma_start3A_173 = tpu.memref_slice %arg2[%cond3A_24, %dma_start3A_171, %dma_start3A_172] : memref<2x10000x128xi16, #tpu.memory_space<hbm>> -> memref<1x10000x128xi16, #tpu.memory_space<hbm>>
      %dma_start3A_174 = tpu.memref_squeeze %dma_start3A_173 : memref<1x10000x128xi16, #tpu.memory_space<hbm>> -> memref<10000x128xi16, #tpu.memory_space<hbm>>
      %dma_start3A_175 = arith.constant 0 : i32
      %dma_start3A_176 = arith.constant 0 : i32
      %dma_start3A_177 = tpu.memref_slice %dma_start3A_174[%dma_start3A_175, %dma_start3A_176] : memref<10000x128xi16, #tpu.memory_space<hbm>> -> memref<10000x128xi16, #tpu.memory_space<hbm>>
      %dma_start3A_178 = tpu.memref_slice %arg13[%dma_start3A_163] : memref<2x!tpu.dma_semaphore, #tpu.memory_space<semaphore_mem>> -> memref<1x!tpu.dma_semaphore, #tpu.memory_space<semaphore_mem>>
      %dma_start3A_179 = tpu.memref_squeeze %dma_start3A_178 : memref<1x!tpu.dma_semaphore, #tpu.memory_space<semaphore_mem>> -> memref<!tpu.dma_semaphore, #tpu.memory_space<semaphore_mem>>
      tpu.enqueue_indirect_dma source(%dma_start3A_177 : memref<10000x128xi16, #tpu.memory_space<hbm>>) target(%dma_start3A_167 : memref<400x128xi16, #tpu.memory_space<vmem>>) offsets(%dma_start3A_170 : memref<400xi32, #tpu.memory_space<vmem>>) semaphore(%dma_start3A_179 : memref<!tpu.dma_semaphore, #tpu.memory_space<semaphore_mem>>)
      %scan3A_180 = arith.constant 0 : i32
      %scan3A_181 = arith.constant 6 : i32
      %scan3A_182 = arith.addi %scan3A_180, %scan3A_181 : i32
      %scan3A_183 = arith.constant 1 : i32
      scf.for %scan3A_303 = %scan3A_180 to %scan3A_182 step %scan3A_183  : i32 {
        %mul3A_304 = arith.constant 1 : i32
        %mul3A_305 = arith.muli %scan3A_303, %mul3A_304 : i32
        %add3A_306 = arith.constant 0 : i32
        %add3A_307 = arith.addi %add3A_306, %mul3A_305 : i32
        %mul3A_308 = arith.constant 4 : i32
        %mul3A_309 = arith.muli %add3A_307, %mul3A_308 : i32
        %dma_wait3A_310 = arith.constant 0 : i32
        %dma_wait3A_311 = arith.constant 0 : i32
        %dma_wait3A_312 = arith.constant 0 : i32
        %dma_wait3A_313 = arith.constant 0 : i32
        %dma_wait3A_314 = arith.constant 0 : i32
        %dma_wait3A_315 = tpu.memref_slice %arg9[%dma_wait3A_311, %dma_wait3A_313, %dma_wait3A_314] : memref<2x400x128xi16, #tpu.memory_space<vmem>> -> memref<1x400x128xi16, #tpu.memory_space<vmem>>
        %dma_wait3A_316 = tpu.memref_squeeze %dma_wait3A_315 : memref<1x400x128xi16, #tpu.memory_space<vmem>> -> memref<400x128xi16, #tpu.memory_space<vmem>>
        %dma_wait3A_317 = arith.constant 0 : i32
        %dma_wait3A_318 = tpu.memref_slice %arg7[%dma_wait3A_310, %dma_wait3A_317] : memref<2x400xi32, #tpu.memory_space<vmem>> -> memref<1x400xi32, #tpu.memory_space<vmem>>
        %dma_wait3A_319 = tpu.memref_squeeze %dma_wait3A_318 : memref<1x400xi32, #tpu.memory_space<vmem>> -> memref<400xi32, #tpu.memory_space<vmem>>
        %dma_wait3A_320 = arith.constant 0 : i32
        %dma_wait3A_321 = arith.constant 0 : i32
        %dma_wait3A_322 = tpu.memref_slice %arg2[%cond3A_24, %dma_wait3A_320, %dma_wait3A_321] : memref<2x10000x128xi16, #tpu.memory_space<hbm>> -> memref<1x10000x128xi16, #tpu.memory_space<hbm>>
        %dma_wait3A_323 = tpu.memref_squeeze %dma_wait3A_322 : memref<1x10000x128xi16, #tpu.memory_space<hbm>> -> memref<10000x128xi16, #tpu.memory_space<hbm>>
        %dma_wait3A_324 = arith.constant 0 : i32
        %dma_wait3A_325 = arith.constant 0 : i32
        %dma_wait3A_326 = tpu.memref_slice %dma_wait3A_323[%dma_wait3A_324, %dma_wait3A_325] : memref<10000x128xi16, #tpu.memory_space<hbm>> -> memref<10000x128xi16, #tpu.memory_space<hbm>>
        %dma_wait3A_327 = tpu.memref_slice %arg13[%dma_wait3A_312] : memref<2x!tpu.dma_semaphore, #tpu.memory_space<semaphore_mem>> -> memref<1x!tpu.dma_semaphore, #tpu.memory_space<semaphore_mem>>
        %dma_wait3A_328 = tpu.memref_squeeze %dma_wait3A_327 : memref<1x!tpu.dma_semaphore, #tpu.memory_space<semaphore_mem>> -> memref<!tpu.dma_semaphore, #tpu.memory_space<semaphore_mem>>
        tpu.wait_indirect_dma semaphore(%dma_wait3A_328 : memref<!tpu.dma_semaphore, #tpu.memory_space<semaphore_mem>>) src(%dma_wait3A_326 : memref<10000x128xi16, #tpu.memory_space<hbm>>) dst(%dma_wait3A_316 : memref<400x128xi16, #tpu.memory_space<vmem>>)
        %ge3A_329 = arith.constant 13 : i32
        %ge3A_330 = arith.cmpi sge, %mul3A_309, %ge3A_329 : i32
        %lt3A_331 = arith.constant 25 : i32
        %lt3A_332 = arith.cmpi slt, %mul3A_309, %lt3A_331 : i32
        %and3A_333 = arith.andi %ge3A_330, %lt3A_332 : i1
        %convert_element_type3A_334 = arith.extui %and3A_333 : i1 to i32
        %cond3A_335 = arith.constant 0 : i32
        %cond3A_336 = arith.cmpi ne, %convert_element_type3A_334, %cond3A_335 : i32
        scf.if %cond3A_336 {
          %dma_wait3A_756 = arith.constant 0 : i32
          %dma_wait3A_757 = arith.constant 0 : i32
          %dma_wait3A_758 = arith.constant 0 : i32
          %dma_wait3A_759 = arith.constant 0 : i32
          %dma_wait3A_760 = arith.constant 0 : i32
          %dma_wait3A_761 = tpu.memref_slice %arg10[%dma_wait3A_757, %dma_wait3A_759, %dma_wait3A_760] : memref<2x400x16xf32, #tpu.memory_space<vmem>> -> memref<1x400x16xf32, #tpu.memory_space<vmem>>
          %dma_wait3A_762 = tpu.memref_squeeze %dma_wait3A_761 : memref<1x400x16xf32, #tpu.memory_space<vmem>> -> memref<400x16xf32, #tpu.memory_space<vmem>>
          %dma_wait3A_763 = arith.constant 0 : i32
          %dma_wait3A_764 = tpu.memref_slice %arg7[%dma_wait3A_756, %dma_wait3A_763] : memref<2x400xi32, #tpu.memory_space<vmem>> -> memref<1x400xi32, #tpu.memory_space<vmem>>
          %dma_wait3A_765 = tpu.memref_squeeze %dma_wait3A_764 : memref<1x400xi32, #tpu.memory_space<vmem>> -> memref<400xi32, #tpu.memory_space<vmem>>
          %dma_wait3A_766 = arith.constant 0 : i32
          %dma_wait3A_767 = arith.constant 0 : i32
          %dma_wait3A_768 = tpu.memref_slice %arg3[%dma_wait3A_766, %dma_wait3A_767] : memref<10000x16xf32, #tpu.memory_space<hbm>> -> memref<10000x16xf32, #tpu.memory_space<hbm>>
          %dma_wait3A_769 = tpu.memref_slice %arg14[%dma_wait3A_758] : memref<2x!tpu.dma_semaphore, #tpu.memory_space<semaphore_mem>> -> memref<1x!tpu.dma_semaphore, #tpu.memory_space<semaphore_mem>>
          %dma_wait3A_770 = tpu.memref_squeeze %dma_wait3A_769 : memref<1x!tpu.dma_semaphore, #tpu.memory_space<semaphore_mem>> -> memref<!tpu.dma_semaphore, #tpu.memory_space<semaphore_mem>>
          tpu.wait_indirect_dma semaphore(%dma_wait3A_770 : memref<!tpu.dma_semaphore, #tpu.memory_space<semaphore_mem>>) src(%dma_wait3A_768 : memref<10000x16xf32, #tpu.memory_space<hbm>>) dst(%dma_wait3A_762 : memref<400x16xf32, #tpu.memory_space<vmem>>)
        } else {
        }
        %add3A_337 = arith.constant 2 : i32
        %add3A_338 = arith.addi %mul3A_309, %add3A_337 : i32
        %lt3A_339 = arith.constant 25 : i32
        %lt3A_340 = arith.cmpi slt, %add3A_338, %lt3A_339 : i32
        %convert_element_type3A_341 = arith.extui %lt3A_340 : i1 to i32
        %cond3A_342 = arith.constant 0 : i32
        %cond3A_343 = arith.cmpi ne, %convert_element_type3A_341, %cond3A_342 : i32
        scf.if %cond3A_343 {
          %add3A_756 = arith.constant 2 : i32
          %add3A_757 = arith.addi %mul3A_309, %add3A_756 : i32
          %mul3A_758 = arith.constant 10000 : i32
          %mul3A_759 = arith.muli %arg1, %mul3A_758 : i32
          %mul3A_760 = arith.constant 400 : i32
          %mul3A_761 = arith.muli %add3A_757, %mul3A_760 : i32
          %add3A_762 = arith.addi %mul3A_759, %mul3A_761 : i32
          %multiple_of3A_763 = tpu.assume_multiple %add3A_762, 8 : i32
          %dma_start3A_764 = arith.constant 0 : i32
          %dma_start3A_765 = arith.constant 0 : i32
          %dma_start3A_766 = arith.constant 0 : i32
          %dma_start3A_767 = tpu.memref_slice %arg7[%dma_start3A_764, %dma_start3A_766] : memref<2x400xi32, #tpu.memory_space<vmem>> -> memref<1x400xi32, #tpu.memory_space<vmem>>
          %dma_start3A_768 = tpu.memref_squeeze %dma_start3A_767 : memref<1x400xi32, #tpu.memory_space<vmem>> -> memref<400xi32, #tpu.memory_space<vmem>>
          %dma_start3A_769 = arith.constant 0 : i32
          %dma_start3A_770 = tpu.memref_slice %arg4[%cond3A_22, %dma_start3A_769] : memref<2x160000xi32, #tpu.memory_space<hbm>> -> memref<1x160000xi32, #tpu.memory_space<hbm>>
          %dma_start3A_771 = tpu.memref_squeeze %dma_start3A_770 : memref<1x160000xi32, #tpu.memory_space<hbm>> -> memref<160000xi32, #tpu.memory_space<hbm>>
          %dma_start3A_772 = tpu.memref_slice %dma_start3A_771[%multiple_of3A_763] : memref<160000xi32, #tpu.memory_space<hbm>> -> memref<400xi32, #tpu.memory_space<hbm>>
          %dma_start3A_773 = tpu.memref_slice %arg15[%dma_start3A_765] : memref<2x!tpu.dma_semaphore, #tpu.memory_space<semaphore_mem>> -> memref<1x!tpu.dma_semaphore, #tpu.memory_space<semaphore_mem>>
          %dma_start3A_774 = tpu.memref_squeeze %dma_start3A_773 : memref<1x!tpu.dma_semaphore, #tpu.memory_space<semaphore_mem>> -> memref<!tpu.dma_semaphore, #tpu.memory_space<semaphore_mem>>
          %dma_start3A_775 = arith.constant 0 : i32
          %dma_start3A_776 = tpu.memref_slice %arg7[%dma_start3A_764, %dma_start3A_775] : memref<2x400xi32, #tpu.memory_space<vmem>> -> memref<1x400xi32, #tpu.memory_space<vmem>>
          %dma_start3A_777 = tpu.memref_squeeze %dma_start3A_776 : memref<1x400xi32, #tpu.memory_space<vmem>> -> memref<400xi32, #tpu.memory_space<vmem>>
          %dma_start3A_778 = arith.constant 0 : i32
          %dma_start3A_779 = tpu.memref_slice %arg4[%cond3A_22, %dma_start3A_778] : memref<2x160000xi32, #tpu.memory_space<hbm>> -> memref<1x160000xi32, #tpu.memory_space<hbm>>
          %dma_start3A_780 = tpu.memref_squeeze %dma_start3A_779 : memref<1x160000xi32, #tpu.memory_space<hbm>> -> memref<160000xi32, #tpu.memory_space<hbm>>
          %dma_start3A_781 = tpu.memref_slice %dma_start3A_780[%multiple_of3A_763] : memref<160000xi32, #tpu.memory_space<hbm>> -> memref<400xi32, #tpu.memory_space<hbm>>
          tpu.enqueue_dma source(%dma_start3A_781 : memref<400xi32, #tpu.memory_space<hbm>>) target(%dma_start3A_777 : memref<400xi32, #tpu.memory_space<vmem>>) target_semaphore(%dma_start3A_774 : memref<!tpu.dma_semaphore, #tpu.memory_space<semaphore_mem>>)
        } else {
        }
        %mul3A_344 = arith.constant 10000 : i32
        %mul3A_345 = arith.muli %arg1, %mul3A_344 : i32
        %mul3A_346 = arith.constant 400 : i32
        %mul3A_347 = arith.muli %mul3A_309, %mul3A_346 : i32
        %add3A_348 = arith.addi %mul3A_345, %mul3A_347 : i32
        %multiple_of3A_349 = tpu.assume_multiple %add3A_348, 8 : i32
        %dma_wait3A_350 = arith.constant 0 : i32
        %dma_wait3A_351 = arith.constant 0 : i32
        %dma_wait3A_352 = arith.constant 0 : i32
        %dma_wait3A_353 = tpu.memref_slice %arg8[%dma_wait3A_350, %dma_wait3A_352] : memref<4x400xi32, #tpu.memory_space<vmem>> -> memref<1x400xi32, #tpu.memory_space<vmem>>
        %dma_wait3A_354 = tpu.memref_squeeze %dma_wait3A_353 : memref<1x400xi32, #tpu.memory_space<vmem>> -> memref<400xi32, #tpu.memory_space<vmem>>
        %dma_wait3A_355 = arith.constant 0 : i32
        %dma_wait3A_356 = tpu.memref_slice %arg4[%cond3A_23, %dma_wait3A_355] : memref<2x160000xi32, #tpu.memory_space<hbm>> -> memref<1x160000xi32, #tpu.memory_space<hbm>>
        %dma_wait3A_357 = tpu.memref_squeeze %dma_wait3A_356 : memref<1x160000xi32, #tpu.memory_space<hbm>> -> memref<160000xi32, #tpu.memory_space<hbm>>
        %dma_wait3A_358 = tpu.memref_slice %dma_wait3A_357[%multiple_of3A_349] : memref<160000xi32, #tpu.memory_space<hbm>> -> memref<400xi32, #tpu.memory_space<hbm>>
        %dma_wait3A_359 = tpu.memref_slice %arg16[%dma_wait3A_351] : memref<4x!tpu.dma_semaphore, #tpu.memory_space<semaphore_mem>> -> memref<1x!tpu.dma_semaphore, #tpu.memory_space<semaphore_mem>>
        %dma_wait3A_360 = tpu.memref_squeeze %dma_wait3A_359 : memref<1x!tpu.dma_semaphore, #tpu.memory_space<semaphore_mem>> -> memref<!tpu.dma_semaphore, #tpu.memory_space<semaphore_mem>>
        %dma_wait3A_361 = arith.constant 0 : i32
        %dma_wait3A_362 = tpu.memref_slice %arg8[%dma_wait3A_350, %dma_wait3A_361] : memref<4x400xi32, #tpu.memory_space<vmem>> -> memref<1x400xi32, #tpu.memory_space<vmem>>
        %dma_wait3A_363 = tpu.memref_squeeze %dma_wait3A_362 : memref<1x400xi32, #tpu.memory_space<vmem>> -> memref<400xi32, #tpu.memory_space<vmem>>
        %dma_wait3A_364 = arith.constant 0 : i32
        %dma_wait3A_365 = tpu.memref_slice %arg4[%cond3A_23, %dma_wait3A_364] : memref<2x160000xi32, #tpu.memory_space<hbm>> -> memref<1x160000xi32, #tpu.memory_space<hbm>>
        %dma_wait3A_366 = tpu.memref_squeeze %dma_wait3A_365 : memref<1x160000xi32, #tpu.memory_space<hbm>> -> memref<160000xi32, #tpu.memory_space<hbm>>
        %dma_wait3A_367 = tpu.memref_slice %dma_wait3A_366[%multiple_of3A_349] : memref<160000xi32, #tpu.memory_space<hbm>> -> memref<400xi32, #tpu.memory_space<hbm>>
        tpu.wait_dma2 semaphore(%dma_wait3A_360 : memref<!tpu.dma_semaphore, #tpu.memory_space<semaphore_mem>>) src(%dma_wait3A_367 : memref<400xi32, #tpu.memory_space<hbm>>) dst(%dma_wait3A_363 : memref<400xi32, #tpu.memory_space<vmem>>)
        %dma_start3A_368 = arith.constant 0 : i32
        %dma_start3A_369 = arith.constant 0 : i32
        %dma_start3A_370 = arith.constant 0 : i32
        %dma_start3A_371 = arith.constant 0 : i32
        %dma_start3A_372 = arith.constant 0 : i32
        %dma_start3A_373 = tpu.memref_slice %arg9[%dma_start3A_368, %dma_start3A_371, %dma_start3A_372] : memref<2x400x128xi16, #tpu.memory_space<vmem>> -> memref<1x400x128xi16, #tpu.memory_space<vmem>>
        %dma_start3A_374 = tpu.memref_squeeze %dma_start3A_373 : memref<1x400x128xi16, #tpu.memory_space<vmem>> -> memref<400x128xi16, #tpu.memory_space<vmem>>
        %dma_start3A_375 = arith.constant 0 : i32
        %dma_start3A_376 = tpu.memref_slice %arg8[%dma_start3A_369, %dma_start3A_375] : memref<4x400xi32, #tpu.memory_space<vmem>> -> memref<1x400xi32, #tpu.memory_space<vmem>>
        %dma_start3A_377 = tpu.memref_squeeze %dma_start3A_376 : memref<1x400xi32, #tpu.memory_space<vmem>> -> memref<400xi32, #tpu.memory_space<vmem>>
        %dma_start3A_378 = arith.constant 0 : i32
        %dma_start3A_379 = arith.constant 0 : i32
        %dma_start3A_380 = tpu.memref_slice %arg11[%dma_start3A_378, %dma_start3A_379] : memref<10000x128xi16, #tpu.memory_space<vmem_shared>> -> memref<10000x128xi16, #tpu.memory_space<vmem_shared>>
        %dma_start3A_381 = tpu.memref_slice %arg17[%dma_start3A_370] : memref<2x!tpu.dma_semaphore, #tpu.memory_space<semaphore_mem>> -> memref<1x!tpu.dma_semaphore, #tpu.memory_space<semaphore_mem>>
        %dma_start3A_382 = tpu.memref_squeeze %dma_start3A_381 : memref<1x!tpu.dma_semaphore, #tpu.memory_space<semaphore_mem>> -> memref<!tpu.dma_semaphore, #tpu.memory_space<semaphore_mem>>
        tpu.enqueue_indirect_dma source(%dma_start3A_374 : memref<400x128xi16, #tpu.memory_space<vmem>>) target(%dma_start3A_380 : memref<10000x128xi16, #tpu.memory_space<vmem_shared>>) offsets(%dma_start3A_377 : memref<400xi32, #tpu.memory_space<vmem>>) semaphore(%dma_start3A_382 : memref<!tpu.dma_semaphore, #tpu.memory_space<semaphore_mem>>) {add = true}
        %ge3A_383 = arith.constant 13 : i32
        %ge3A_384 = arith.cmpi sge, %mul3A_309, %ge3A_383 : i32
        %lt3A_385 = arith.constant 25 : i32
        %lt3A_386 = arith.cmpi slt, %mul3A_309, %lt3A_385 : i32
        %and3A_387 = arith.andi %ge3A_384, %lt3A_386 : i1
        %convert_element_type3A_388 = arith.extui %and3A_387 : i1 to i32
        %cond3A_389 = arith.constant 0 : i32
        %cond3A_390 = arith.cmpi ne, %convert_element_type3A_388, %cond3A_389 : i32
        scf.if %cond3A_390 {
          %dma_start3A_756 = arith.constant 0 : i32
          %dma_start3A_757 = arith.constant 0 : i32
          %dma_start3A_758 = arith.constant 0 : i32
          %dma_start3A_759 = arith.constant 0 : i32
          %dma_start3A_760 = arith.constant 0 : i32
          %dma_start3A_761 = tpu.memref_slice %arg10[%dma_start3A_756, %dma_start3A_759, %dma_start3A_760] : memref<2x400x16xf32, #tpu.memory_space<vmem>> -> memref<1x400x16xf32, #tpu.memory_space<vmem>>
          %dma_start3A_762 = tpu.memref_squeeze %dma_start3A_761 : memref<1x400x16xf32, #tpu.memory_space<vmem>> -> memref<400x16xf32, #tpu.memory_space<vmem>>
          %dma_start3A_763 = arith.constant 0 : i32
          %dma_start3A_764 = tpu.memref_slice %arg8[%dma_start3A_757, %dma_start3A_763] : memref<4x400xi32, #tpu.memory_space<vmem>> -> memref<1x400xi32, #tpu.memory_space<vmem>>
          %dma_start3A_765 = tpu.memref_squeeze %dma_start3A_764 : memref<1x400xi32, #tpu.memory_space<vmem>> -> memref<400xi32, #tpu.memory_space<vmem>>
          %dma_start3A_766 = arith.constant 0 : i32
          %dma_start3A_767 = arith.constant 0 : i32
          %dma_start3A_768 = tpu.memref_slice %arg12[%dma_start3A_766, %dma_start3A_767] : memref<10000x16xf32, #tpu.memory_space<vmem_shared>> -> memref<10000x16xf32, #tpu.memory_space<vmem_shared>>
          %dma_start3A_769 = tpu.memref_slice %arg18[%dma_start3A_758] : memref<2x!tpu.dma_semaphore, #tpu.memory_space<semaphore_mem>> -> memref<1x!tpu.dma_semaphore, #tpu.memory_space<semaphore_mem>>
          %dma_start3A_770 = tpu.memref_squeeze %dma_start3A_769 : memref<1x!tpu.dma_semaphore, #tpu.memory_space<semaphore_mem>> -> memref<!tpu.dma_semaphore, #tpu.memory_space<semaphore_mem>>
          tpu.enqueue_indirect_dma source(%dma_start3A_762 : memref<400x16xf32, #tpu.memory_space<vmem>>) target(%dma_start3A_768 : memref<10000x16xf32, #tpu.memory_space<vmem_shared>>) offsets(%dma_start3A_765 : memref<400xi32, #tpu.memory_space<vmem>>) semaphore(%dma_start3A_770 : memref<!tpu.dma_semaphore, #tpu.memory_space<semaphore_mem>>) {add = true}
          %dma_wait3A_771 = arith.constant 0 : i32
          %dma_wait3A_772 = arith.constant 0 : i32
          %dma_wait3A_773 = arith.constant 0 : i32
          %dma_wait3A_774 = arith.constant 0 : i32
          %dma_wait3A_775 = arith.constant 0 : i32
          %dma_wait3A_776 = tpu.memref_slice %arg10[%dma_wait3A_771, %dma_wait3A_774, %dma_wait3A_775] : memref<2x400x16xf32, #tpu.memory_space<vmem>> -> memref<1x400x16xf32, #tpu.memory_space<vmem>>
          %dma_wait3A_777 = tpu.memref_squeeze %dma_wait3A_776 : memref<1x400x16xf32, #tpu.memory_space<vmem>> -> memref<400x16xf32, #tpu.memory_space<vmem>>
          %dma_wait3A_778 = arith.constant 0 : i32
          %dma_wait3A_779 = tpu.memref_slice %arg8[%dma_wait3A_772, %dma_wait3A_778] : memref<4x400xi32, #tpu.memory_space<vmem>> -> memref<1x400xi32, #tpu.memory_space<vmem>>
          %dma_wait3A_780 = tpu.memref_squeeze %dma_wait3A_779 : memref<1x400xi32, #tpu.memory_space<vmem>> -> memref<400xi32, #tpu.memory_space<vmem>>
          %dma_wait3A_781 = arith.constant 0 : i32
          %dma_wait3A_782 = arith.constant 0 : i32
          %dma_wait3A_783 = tpu.memref_slice %arg12[%dma_wait3A_781, %dma_wait3A_782] : memref<10000x16xf32, #tpu.memory_space<vmem_shared>> -> memref<10000x16xf32, #tpu.memory_space<vmem_shared>>
          %dma_wait3A_784 = tpu.memref_slice %arg18[%dma_wait3A_773] : memref<2x!tpu.dma_semaphore, #tpu.memory_space<semaphore_mem>> -> memref<1x!tpu.dma_semaphore, #tpu.memory_space<semaphore_mem>>
          %dma_wait3A_785 = tpu.memref_squeeze %dma_wait3A_784 : memref<1x!tpu.dma_semaphore, #tpu.memory_space<semaphore_mem>> -> memref<!tpu.dma_semaphore, #tpu.memory_space<semaphore_mem>>
          tpu.wait_indirect_dma semaphore(%dma_wait3A_785 : memref<!tpu.dma_semaphore, #tpu.memory_space<semaphore_mem>>) src(%dma_wait3A_777 : memref<400x16xf32, #tpu.memory_space<vmem>>) dst(%dma_wait3A_783 : memref<10000x16xf32, #tpu.memory_space<vmem_shared>>)
        } else {
        }
        %dma_wait3A_391 = arith.constant 0 : i32
        %dma_wait3A_392 = arith.constant 0 : i32
        %dma_wait3A_393 = arith.constant 0 : i32
        %dma_wait3A_394 = arith.constant 0 : i32
        %dma_wait3A_395 = arith.constant 0 : i32
        %dma_wait3A_396 = tpu.memref_slice %arg9[%dma_wait3A_391, %dma_wait3A_394, %dma_wait3A_395] : memref<2x400x128xi16, #tpu.memory_space<vmem>> -> memref<1x400x128xi16, #tpu.memory_space<vmem>>
        %dma_wait3A_397 = tpu.memref_squeeze %dma_wait3A_396 : memref<1x400x128xi16, #tpu.memory_space<vmem>> -> memref<400x128xi16, #tpu.memory_space<vmem>>
        %dma_wait3A_398 = arith.constant 0 : i32
        %dma_wait3A_399 = tpu.memref_slice %arg8[%dma_wait3A_392, %dma_wait3A_398] : memref<4x400xi32, #tpu.memory_space<vmem>> -> memref<1x400xi32, #tpu.memory_space<vmem>>
        %dma_wait3A_400 = tpu.memref_squeeze %dma_wait3A_399 : memref<1x400xi32, #tpu.memory_space<vmem>> -> memref<400xi32, #tpu.memory_space<vmem>>
        %dma_wait3A_401 = arith.constant 0 : i32
        %dma_wait3A_402 = arith.constant 0 : i32
        %dma_wait3A_403 = tpu.memref_slice %arg11[%dma_wait3A_401, %dma_wait3A_402] : memref<10000x128xi16, #tpu.memory_space<vmem_shared>> -> memref<10000x128xi16, #tpu.memory_space<vmem_shared>>
        %dma_wait3A_404 = tpu.memref_slice %arg17[%dma_wait3A_393] : memref<2x!tpu.dma_semaphore, #tpu.memory_space<semaphore_mem>> -> memref<1x!tpu.dma_semaphore, #tpu.memory_space<semaphore_mem>>
        %dma_wait3A_405 = tpu.memref_squeeze %dma_wait3A_404 : memref<1x!tpu.dma_semaphore, #tpu.memory_space<semaphore_mem>> -> memref<!tpu.dma_semaphore, #tpu.memory_space<semaphore_mem>>
        tpu.wait_indirect_dma semaphore(%dma_wait3A_405 : memref<!tpu.dma_semaphore, #tpu.memory_space<semaphore_mem>>) src(%dma_wait3A_397 : memref<400x128xi16, #tpu.memory_space<vmem>>) dst(%dma_wait3A_403 : memref<10000x128xi16, #tpu.memory_space<vmem_shared>>)
        %add3A_406 = arith.constant 4 : i32
        %add3A_407 = arith.addi %mul3A_309, %add3A_406 : i32
        %lt3A_408 = arith.constant 25 : i32
        %lt3A_409 = arith.cmpi slt, %add3A_407, %lt3A_408 : i32
        %convert_element_type3A_410 = arith.extui %lt3A_409 : i1 to i32
        %cond3A_411 = arith.constant 0 : i32
        %cond3A_412 = arith.cmpi ne, %convert_element_type3A_410, %cond3A_411 : i32
        scf.if %cond3A_412 {
          %add3A_756 = arith.constant 4 : i32
          %add3A_757 = arith.addi %mul3A_309, %add3A_756 : i32
          %mul3A_758 = arith.constant 10000 : i32
          %mul3A_759 = arith.muli %arg1, %mul3A_758 : i32
          %mul3A_760 = arith.constant 400 : i32
          %mul3A_761 = arith.muli %add3A_757, %mul3A_760 : i32
          %add3A_762 = arith.addi %mul3A_759, %mul3A_761 : i32
          %multiple_of3A_763 = tpu.assume_multiple %add3A_762, 8 : i32
          %dma_start3A_764 = arith.constant 0 : i32
          %dma_start3A_765 = arith.constant 0 : i32
          %dma_start3A_766 = arith.constant 0 : i32
          %dma_start3A_767 = tpu.memref_slice %arg8[%dma_start3A_764, %dma_start3A_766] : memref<4x400xi32, #tpu.memory_space<vmem>> -> memref<1x400xi32, #tpu.memory_space<vmem>>
          %dma_start3A_768 = tpu.memref_squeeze %dma_start3A_767 : memref<1x400xi32, #tpu.memory_space<vmem>> -> memref<400xi32, #tpu.memory_space<vmem>>
          %dma_start3A_769 = arith.constant 0 : i32
          %dma_start3A_770 = tpu.memref_slice %arg4[%cond3A_23, %dma_start3A_769] : memref<2x160000xi32, #tpu.memory_space<hbm>> -> memref<1x160000xi32, #tpu.memory_space<hbm>>
          %dma_start3A_771 = tpu.memref_squeeze %dma_start3A_770 : memref<1x160000xi32, #tpu.memory_space<hbm>> -> memref<160000xi32, #tpu.memory_space<hbm>>
          %dma_start3A_772 = tpu.memref_slice %dma_start3A_771[%multiple_of3A_763] : memref<160000xi32, #tpu.memory_space<hbm>> -> memref<400xi32, #tpu.memory_space<hbm>>
          %dma_start3A_773 = tpu.memref_slice %arg16[%dma_start3A_765] : memref<4x!tpu.dma_semaphore, #tpu.memory_space<semaphore_mem>> -> memref<1x!tpu.dma_semaphore, #tpu.memory_space<semaphore_mem>>
          %dma_start3A_774 = tpu.memref_squeeze %dma_start3A_773 : memref<1x!tpu.dma_semaphore, #tpu.memory_space<semaphore_mem>> -> memref<!tpu.dma_semaphore, #tpu.memory_space<semaphore_mem>>
          %dma_start3A_775 = arith.constant 0 : i32
          %dma_start3A_776 = tpu.memref_slice %arg8[%dma_start3A_764, %dma_start3A_775] : memref<4x400xi32, #tpu.memory_space<vmem>> -> memref<1x400xi32, #tpu.memory_space<vmem>>
          %dma_start3A_777 = tpu.memref_squeeze %dma_start3A_776 : memref<1x400xi32, #tpu.memory_space<vmem>> -> memref<400xi32, #tpu.memory_space<vmem>>
          %dma_start3A_778 = arith.constant 0 : i32
          %dma_start3A_779 = tpu.memref_slice %arg4[%cond3A_23, %dma_start3A_778] : memref<2x160000xi32, #tpu.memory_space<hbm>> -> memref<1x160000xi32, #tpu.memory_space<hbm>>
          %dma_start3A_780 = tpu.memref_squeeze %dma_start3A_779 : memref<1x160000xi32, #tpu.memory_space<hbm>> -> memref<160000xi32, #tpu.memory_space<hbm>>
          %dma_start3A_781 = tpu.memref_slice %dma_start3A_780[%multiple_of3A_763] : memref<160000xi32, #tpu.memory_space<hbm>> -> memref<400xi32, #tpu.memory_space<hbm>>
          tpu.enqueue_dma source(%dma_start3A_781 : memref<400xi32, #tpu.memory_space<hbm>>) target(%dma_start3A_777 : memref<400xi32, #tpu.memory_space<vmem>>) target_semaphore(%dma_start3A_774 : memref<!tpu.dma_semaphore, #tpu.memory_space<semaphore_mem>>)
        } else {
        }
        %add3A_413 = arith.constant 2 : i32
        %add3A_414 = arith.addi %mul3A_309, %add3A_413 : i32
        %lt3A_415 = arith.constant 25 : i32
        %lt3A_416 = arith.cmpi slt, %add3A_414, %lt3A_415 : i32
        %convert_element_type3A_417 = arith.extui %lt3A_416 : i1 to i32
        %cond3A_418 = arith.constant 0 : i32
        %cond3A_419 = arith.cmpi ne, %convert_element_type3A_417, %cond3A_418 : i32
        scf.if %cond3A_419 {
          %add3A_756 = arith.constant 2 : i32
          %add3A_757 = arith.addi %mul3A_309, %add3A_756 : i32
          %mul3A_758 = arith.constant 10000 : i32
          %mul3A_759 = arith.muli %arg1, %mul3A_758 : i32
          %mul3A_760 = arith.constant 400 : i32
          %mul3A_761 = arith.muli %add3A_757, %mul3A_760 : i32
          %add3A_762 = arith.addi %mul3A_759, %mul3A_761 : i32
          %multiple_of3A_763 = tpu.assume_multiple %add3A_762, 8 : i32
          %dma_wait3A_764 = arith.constant 0 : i32
          %dma_wait3A_765 = arith.constant 0 : i32
          %dma_wait3A_766 = arith.constant 0 : i32
          %dma_wait3A_767 = tpu.memref_slice %arg7[%dma_wait3A_764, %dma_wait3A_766] : memref<2x400xi32, #tpu.memory_space<vmem>> -> memref<1x400xi32, #tpu.memory_space<vmem>>
          %dma_wait3A_768 = tpu.memref_squeeze %dma_wait3A_767 : memref<1x400xi32, #tpu.memory_space<vmem>> -> memref<400xi32, #tpu.memory_space<vmem>>
          %dma_wait3A_769 = arith.constant 0 : i32
          %dma_wait3A_770 = tpu.memref_slice %arg4[%cond3A_22, %dma_wait3A_769] : memref<2x160000xi32, #tpu.memory_space<hbm>> -> memref<1x160000xi32, #tpu.memory_space<hbm>>
          %dma_wait3A_771 = tpu.memref_squeeze %dma_wait3A_770 : memref<1x160000xi32, #tpu.memory_space<hbm>> -> memref<160000xi32, #tpu.memory_space<hbm>>
          %dma_wait3A_772 = tpu.memref_slice %dma_wait3A_771[%multiple_of3A_763] : memref<160000xi32, #tpu.memory_space<hbm>> -> memref<400xi32, #tpu.memory_space<hbm>>
          %dma_wait3A_773 = tpu.memref_slice %arg15[%dma_wait3A_765] : memref<2x!tpu.dma_semaphore, #tpu.memory_space<semaphore_mem>> -> memref<1x!tpu.dma_semaphore, #tpu.memory_space<semaphore_mem>>
          %dma_wait3A_774 = tpu.memref_squeeze %dma_wait3A_773 : memref<1x!tpu.dma_semaphore, #tpu.memory_space<semaphore_mem>> -> memref<!tpu.dma_semaphore, #tpu.memory_space<semaphore_mem>>
          %dma_wait3A_775 = arith.constant 0 : i32
          %dma_wait3A_776 = tpu.memref_slice %arg7[%dma_wait3A_764, %dma_wait3A_775] : memref<2x400xi32, #tpu.memory_space<vmem>> -> memref<1x400xi32, #tpu.memory_space<vmem>>
          %dma_wait3A_777 = tpu.memref_squeeze %dma_wait3A_776 : memref<1x400xi32, #tpu.memory_space<vmem>> -> memref<400xi32, #tpu.memory_space<vmem>>
          %dma_wait3A_778 = arith.constant 0 : i32
          %dma_wait3A_779 = tpu.memref_slice %arg4[%cond3A_22, %dma_wait3A_778] : memref<2x160000xi32, #tpu.memory_space<hbm>> -> memref<1x160000xi32, #tpu.memory_space<hbm>>
          %dma_wait3A_780 = tpu.memref_squeeze %dma_wait3A_779 : memref<1x160000xi32, #tpu.memory_space<hbm>> -> memref<160000xi32, #tpu.memory_space<hbm>>
          %dma_wait3A_781 = tpu.memref_slice %dma_wait3A_780[%multiple_of3A_763] : memref<160000xi32, #tpu.memory_space<hbm>> -> memref<400xi32, #tpu.memory_space<hbm>>
          tpu.wait_dma2 semaphore(%dma_wait3A_774 : memref<!tpu.dma_semaphore, #tpu.memory_space<semaphore_mem>>) src(%dma_wait3A_781 : memref<400xi32, #tpu.memory_space<hbm>>) dst(%dma_wait3A_777 : memref<400xi32, #tpu.memory_space<vmem>>)
          %dma_start3A_782 = arith.constant 0 : i32
          %dma_start3A_783 = arith.constant 0 : i32
          %dma_start3A_784 = arith.constant 0 : i32
          %dma_start3A_785 = arith.constant 0 : i32
          %dma_start3A_786 = arith.constant 0 : i32
          %dma_start3A_787 = tpu.memref_slice %arg9[%dma_start3A_783, %dma_start3A_785, %dma_start3A_786] : memref<2x400x128xi16, #tpu.memory_space<vmem>> -> memref<1x400x128xi16, #tpu.memory_space<vmem>>
          %dma_start3A_788 = tpu.memref_squeeze %dma_start3A_787 : memref<1x400x128xi16, #tpu.memory_space<vmem>> -> memref<400x128xi16, #tpu.memory_space<vmem>>
          %dma_start3A_789 = arith.constant 0 : i32
          %dma_start3A_790 = tpu.memref_slice %arg7[%dma_start3A_782, %dma_start3A_789] : memref<2x400xi32, #tpu.memory_space<vmem>> -> memref<1x400xi32, #tpu.memory_space<vmem>>
          %dma_start3A_791 = tpu.memref_squeeze %dma_start3A_790 : memref<1x400xi32, #tpu.memory_space<vmem>> -> memref<400xi32, #tpu.memory_space<vmem>>
          %dma_start3A_792 = arith.constant 0 : i32
          %dma_start3A_793 = arith.constant 0 : i32
          %dma_start3A_794 = tpu.memref_slice %arg2[%cond3A_24, %dma_start3A_792, %dma_start3A_793] : memref<2x10000x128xi16, #tpu.memory_space<hbm>> -> memref<1x10000x128xi16, #tpu.memory_space<hbm>>
          %dma_start3A_795 = tpu.memref_squeeze %dma_start3A_794 : memref<1x10000x128xi16, #tpu.memory_space<hbm>> -> memref<10000x128xi16, #tpu.memory_space<hbm>>
          %dma_start3A_796 = arith.constant 0 : i32
          %dma_start3A_797 = arith.constant 0 : i32
          %dma_start3A_798 = tpu.memref_slice %dma_start3A_795[%dma_start3A_796, %dma_start3A_797] : memref<10000x128xi16, #tpu.memory_space<hbm>> -> memref<10000x128xi16, #tpu.memory_space<hbm>>
          %dma_start3A_799 = tpu.memref_slice %arg13[%dma_start3A_784] : memref<2x!tpu.dma_semaphore, #tpu.memory_space<semaphore_mem>> -> memref<1x!tpu.dma_semaphore, #tpu.memory_space<semaphore_mem>>
          %dma_start3A_800 = tpu.memref_squeeze %dma_start3A_799 : memref<1x!tpu.dma_semaphore, #tpu.memory_space<semaphore_mem>> -> memref<!tpu.dma_semaphore, #tpu.memory_space<semaphore_mem>>
          tpu.enqueue_indirect_dma source(%dma_start3A_798 : memref<10000x128xi16, #tpu.memory_space<hbm>>) target(%dma_start3A_788 : memref<400x128xi16, #tpu.memory_space<vmem>>) offsets(%dma_start3A_791 : memref<400xi32, #tpu.memory_space<vmem>>) semaphore(%dma_start3A_800 : memref<!tpu.dma_semaphore, #tpu.memory_space<semaphore_mem>>)
          %add3A_801 = arith.constant 2 : i32
          %add3A_802 = arith.addi %mul3A_309, %add3A_801 : i32
          %ge3A_803 = arith.constant 13 : i32
          %ge3A_804 = arith.cmpi sge, %add3A_802, %ge3A_803 : i32
          %lt3A_805 = arith.constant 25 : i32
          %lt3A_806 = arith.cmpi slt, %add3A_802, %lt3A_805 : i32
          %and3A_807 = arith.andi %ge3A_804, %lt3A_806 : i1
          %convert_element_type3A_808 = arith.extui %and3A_807 : i1 to i32
          %cond3A_809 = arith.constant 0 : i32
          %cond3A_810 = arith.cmpi ne, %convert_element_type3A_808, %cond3A_809 : i32
          scf.if %cond3A_810 {
            %dma_start3A_811 = arith.constant 0 : i32
            %dma_start3A_812 = arith.constant 0 : i32
            %dma_start3A_813 = arith.constant 0 : i32
            %dma_start3A_814 = arith.constant 0 : i32
            %dma_start3A_815 = arith.constant 0 : i32
            %dma_start3A_816 = tpu.memref_slice %arg10[%dma_start3A_812, %dma_start3A_814, %dma_start3A_815] : memref<2x400x16xf32, #tpu.memory_space<vmem>> -> memref<1x400x16xf32, #tpu.memory_space<vmem>>
            %dma_start3A_817 = tpu.memref_squeeze %dma_start3A_816 : memref<1x400x16xf32, #tpu.memory_space<vmem>> -> memref<400x16xf32, #tpu.memory_space<vmem>>
            %dma_start3A_818 = arith.constant 0 : i32
            %dma_start3A_819 = tpu.memref_slice %arg7[%dma_start3A_811, %dma_start3A_818] : memref<2x400xi32, #tpu.memory_space<vmem>> -> memref<1x400xi32, #tpu.memory_space<vmem>>
            %dma_start3A_820 = tpu.memref_squeeze %dma_start3A_819 : memref<1x400xi32, #tpu.memory_space<vmem>> -> memref<400xi32, #tpu.memory_space<vmem>>
            %dma_start3A_821 = arith.constant 0 : i32
            %dma_start3A_822 = arith.constant 0 : i32
            %dma_start3A_823 = tpu.memref_slice %arg3[%dma_start3A_821, %dma_start3A_822] : memref<10000x16xf32, #tpu.memory_space<hbm>> -> memref<10000x16xf32, #tpu.memory_space<hbm>>
            %dma_start3A_824 = tpu.memref_slice %arg14[%dma_start3A_813] : memref<2x!tpu.dma_semaphore, #tpu.memory_space<semaphore_mem>> -> memref<1x!tpu.dma_semaphore, #tpu.memory_space<semaphore_mem>>
            %dma_start3A_825 = tpu.memref_squeeze %dma_start3A_824 : memref<1x!tpu.dma_semaphore, #tpu.memory_space<semaphore_mem>> -> memref<!tpu.dma_semaphore, #tpu.memory_space<semaphore_mem>>
            tpu.enqueue_indirect_dma source(%dma_start3A_823 : memref<10000x16xf32, #tpu.memory_space<hbm>>) target(%dma_start3A_817 : memref<400x16xf32, #tpu.memory_space<vmem>>) offsets(%dma_start3A_820 : memref<400xi32, #tpu.memory_space<vmem>>) semaphore(%dma_start3A_825 : memref<!tpu.dma_semaphore, #tpu.memory_space<semaphore_mem>>)
          } else {
          }
        } else {
        }
        %add3A_420 = arith.constant 1 : i32
        %add3A_421 = arith.addi %mul3A_309, %add3A_420 : i32
        %dma_wait3A_422 = arith.constant 1 : i32
        %dma_wait3A_423 = arith.constant 1 : i32
        %dma_wait3A_424 = arith.constant 1 : i32
        %dma_wait3A_425 = arith.constant 0 : i32
        %dma_wait3A_426 = arith.constant 0 : i32
        %dma_wait3A_427 = tpu.memref_slice %arg9[%dma_wait3A_423, %dma_wait3A_425, %dma_wait3A_426] : memref<2x400x128xi16, #tpu.memory_space<vmem>> -> memref<1x400x128xi16, #tpu.memory_space<vmem>>
        %dma_wait3A_428 = tpu.memref_squeeze %dma_wait3A_427 : memref<1x400x128xi16, #tpu.memory_space<vmem>> -> memref<400x128xi16, #tpu.memory_space<vmem>>
        %dma_wait3A_429 = arith.constant 0 : i32
        %dma_wait3A_430 = tpu.memref_slice %arg7[%dma_wait3A_422, %dma_wait3A_429] : memref<2x400xi32, #tpu.memory_space<vmem>> -> memref<1x400xi32, #tpu.memory_space<vmem>>
        %dma_wait3A_431 = tpu.memref_squeeze %dma_wait3A_430 : memref<1x400xi32, #tpu.memory_space<vmem>> -> memref<400xi32, #tpu.memory_space<vmem>>
        %dma_wait3A_432 = arith.constant 0 : i32
        %dma_wait3A_433 = arith.constant 0 : i32
        %dma_wait3A_434 = tpu.memref_slice %arg2[%cond3A_24, %dma_wait3A_432, %dma_wait3A_433] : memref<2x10000x128xi16, #tpu.memory_space<hbm>> -> memref<1x10000x128xi16, #tpu.memory_space<hbm>>
        %dma_wait3A_435 = tpu.memref_squeeze %dma_wait3A_434 : memref<1x10000x128xi16, #tpu.memory_space<hbm>> -> memref<10000x128xi16, #tpu.memory_space<hbm>>
        %dma_wait3A_436 = arith.constant 0 : i32
        %dma_wait3A_437 = arith.constant 0 : i32
        %dma_wait3A_438 = tpu.memref_slice %dma_wait3A_435[%dma_wait3A_436, %dma_wait3A_437] : memref<10000x128xi16, #tpu.memory_space<hbm>> -> memref<10000x128xi16, #tpu.memory_space<hbm>>
        %dma_wait3A_439 = tpu.memref_slice %arg13[%dma_wait3A_424] : memref<2x!tpu.dma_semaphore, #tpu.memory_space<semaphore_mem>> -> memref<1x!tpu.dma_semaphore, #tpu.memory_space<semaphore_mem>>
        %dma_wait3A_440 = tpu.memref_squeeze %dma_wait3A_439 : memref<1x!tpu.dma_semaphore, #tpu.memory_space<semaphore_mem>> -> memref<!tpu.dma_semaphore, #tpu.memory_space<semaphore_mem>>
        tpu.wait_indirect_dma semaphore(%dma_wait3A_440 : memref<!tpu.dma_semaphore, #tpu.memory_space<semaphore_mem>>) src(%dma_wait3A_438 : memref<10000x128xi16, #tpu.memory_space<hbm>>) dst(%dma_wait3A_428 : memref<400x128xi16, #tpu.memory_space<vmem>>)
        %ge3A_441 = arith.constant 13 : i32
        %ge3A_442 = arith.cmpi sge, %add3A_421, %ge3A_441 : i32
        %lt3A_443 = arith.constant 25 : i32
        %lt3A_444 = arith.cmpi slt, %add3A_421, %lt3A_443 : i32
        %and3A_445 = arith.andi %ge3A_442, %lt3A_444 : i1
        %convert_element_type3A_446 = arith.extui %and3A_445 : i1 to i32
        %cond3A_447 = arith.constant 0 : i32
        %cond3A_448 = arith.cmpi ne, %convert_element_type3A_446, %cond3A_447 : i32
        scf.if %cond3A_448 {
          %dma_wait3A_756 = arith.constant 1 : i32
          %dma_wait3A_757 = arith.constant 1 : i32
          %dma_wait3A_758 = arith.constant 1 : i32
          %dma_wait3A_759 = arith.constant 0 : i32
          %dma_wait3A_760 = arith.constant 0 : i32
          %dma_wait3A_761 = tpu.memref_slice %arg10[%dma_wait3A_757, %dma_wait3A_759, %dma_wait3A_760] : memref<2x400x16xf32, #tpu.memory_space<vmem>> -> memref<1x400x16xf32, #tpu.memory_space<vmem>>
          %dma_wait3A_762 = tpu.memref_squeeze %dma_wait3A_761 : memref<1x400x16xf32, #tpu.memory_space<vmem>> -> memref<400x16xf32, #tpu.memory_space<vmem>>
          %dma_wait3A_763 = arith.constant 0 : i32
          %dma_wait3A_764 = tpu.memref_slice %arg7[%dma_wait3A_756, %dma_wait3A_763] : memref<2x400xi32, #tpu.memory_space<vmem>> -> memref<1x400xi32, #tpu.memory_space<vmem>>
          %dma_wait3A_765 = tpu.memref_squeeze %dma_wait3A_764 : memref<1x400xi32, #tpu.memory_space<vmem>> -> memref<400xi32, #tpu.memory_space<vmem>>
          %dma_wait3A_766 = arith.constant 0 : i32
          %dma_wait3A_767 = arith.constant 0 : i32
          %dma_wait3A_768 = tpu.memref_slice %arg3[%dma_wait3A_766, %dma_wait3A_767] : memref<10000x16xf32, #tpu.memory_space<hbm>> -> memref<10000x16xf32, #tpu.memory_space<hbm>>
          %dma_wait3A_769 = tpu.memref_slice %arg14[%dma_wait3A_758] : memref<2x!tpu.dma_semaphore, #tpu.memory_space<semaphore_mem>> -> memref<1x!tpu.dma_semaphore, #tpu.memory_space<semaphore_mem>>
          %dma_wait3A_770 = tpu.memref_squeeze %dma_wait3A_769 : memref<1x!tpu.dma_semaphore, #tpu.memory_space<semaphore_mem>> -> memref<!tpu.dma_semaphore, #tpu.memory_space<semaphore_mem>>
          tpu.wait_indirect_dma semaphore(%dma_wait3A_770 : memref<!tpu.dma_semaphore, #tpu.memory_space<semaphore_mem>>) src(%dma_wait3A_768 : memref<10000x16xf32, #tpu.memory_space<hbm>>) dst(%dma_wait3A_762 : memref<400x16xf32, #tpu.memory_space<vmem>>)
        } else {
        }
        %add3A_449 = arith.constant 2 : i32
        %add3A_450 = arith.addi %add3A_421, %add3A_449 : i32
        %lt3A_451 = arith.constant 25 : i32
        %lt3A_452 = arith.cmpi slt, %add3A_450, %lt3A_451 : i32
        %convert_element_type3A_453 = arith.extui %lt3A_452 : i1 to i32
        %cond3A_454 = arith.constant 0 : i32
        %cond3A_455 = arith.cmpi ne, %convert_element_type3A_453, %cond3A_454 : i32
        scf.if %cond3A_455 {
          %add3A_756 = arith.constant 2 : i32
          %add3A_757 = arith.addi %add3A_421, %add3A_756 : i32
          %mul3A_758 = arith.constant 10000 : i32
          %mul3A_759 = arith.muli %arg1, %mul3A_758 : i32
          %mul3A_760 = arith.constant 400 : i32
          %mul3A_761 = arith.muli %add3A_757, %mul3A_760 : i32
          %add3A_762 = arith.addi %mul3A_759, %mul3A_761 : i32
          %multiple_of3A_763 = tpu.assume_multiple %add3A_762, 8 : i32
          %dma_start3A_764 = arith.constant 1 : i32
          %dma_start3A_765 = arith.constant 1 : i32
          %dma_start3A_766 = arith.constant 0 : i32
          %dma_start3A_767 = tpu.memref_slice %arg7[%dma_start3A_764, %dma_start3A_766] : memref<2x400xi32, #tpu.memory_space<vmem>> -> memref<1x400xi32, #tpu.memory_space<vmem>>
          %dma_start3A_768 = tpu.memref_squeeze %dma_start3A_767 : memref<1x400xi32, #tpu.memory_space<vmem>> -> memref<400xi32, #tpu.memory_space<vmem>>
          %dma_start3A_769 = arith.constant 0 : i32
          %dma_start3A_770 = tpu.memref_slice %arg4[%cond3A_22, %dma_start3A_769] : memref<2x160000xi32, #tpu.memory_space<hbm>> -> memref<1x160000xi32, #tpu.memory_space<hbm>>
          %dma_start3A_771 = tpu.memref_squeeze %dma_start3A_770 : memref<1x160000xi32, #tpu.memory_space<hbm>> -> memref<160000xi32, #tpu.memory_space<hbm>>
          %dma_start3A_772 = tpu.memref_slice %dma_start3A_771[%multiple_of3A_763] : memref<160000xi32, #tpu.memory_space<hbm>> -> memref<400xi32, #tpu.memory_space<hbm>>
          %dma_start3A_773 = tpu.memref_slice %arg15[%dma_start3A_765] : memref<2x!tpu.dma_semaphore, #tpu.memory_space<semaphore_mem>> -> memref<1x!tpu.dma_semaphore, #tpu.memory_space<semaphore_mem>>
          %dma_start3A_774 = tpu.memref_squeeze %dma_start3A_773 : memref<1x!tpu.dma_semaphore, #tpu.memory_space<semaphore_mem>> -> memref<!tpu.dma_semaphore, #tpu.memory_space<semaphore_mem>>
          %dma_start3A_775 = arith.constant 0 : i32
          %dma_start3A_776 = tpu.memref_slice %arg7[%dma_start3A_764, %dma_start3A_775] : memref<2x400xi32, #tpu.memory_space<vmem>> -> memref<1x400xi32, #tpu.memory_space<vmem>>
          %dma_start3A_777 = tpu.memref_squeeze %dma_start3A_776 : memref<1x400xi32, #tpu.memory_space<vmem>> -> memref<400xi32, #tpu.memory_space<vmem>>
          %dma_start3A_778 = arith.constant 0 : i32
          %dma_start3A_779 = tpu.memref_slice %arg4[%cond3A_22, %dma_start3A_778] : memref<2x160000xi32, #tpu.memory_space<hbm>> -> memref<1x160000xi32, #tpu.memory_space<hbm>>
          %dma_start3A_780 = tpu.memref_squeeze %dma_start3A_779 : memref<1x160000xi32, #tpu.memory_space<hbm>> -> memref<160000xi32, #tpu.memory_space<hbm>>
          %dma_start3A_781 = tpu.memref_slice %dma_start3A_780[%multiple_of3A_763] : memref<160000xi32, #tpu.memory_space<hbm>> -> memref<400xi32, #tpu.memory_space<hbm>>
          tpu.enqueue_dma source(%dma_start3A_781 : memref<400xi32, #tpu.memory_space<hbm>>) target(%dma_start3A_777 : memref<400xi32, #tpu.memory_space<vmem>>) target_semaphore(%dma_start3A_774 : memref<!tpu.dma_semaphore, #tpu.memory_space<semaphore_mem>>)
        } else {
        }
        %mul3A_456 = arith.constant 10000 : i32
        %mul3A_457 = arith.muli %arg1, %mul3A_456 : i32
        %mul3A_458 = arith.constant 400 : i32
        %mul3A_459 = arith.muli %add3A_421, %mul3A_458 : i32
        %add3A_460 = arith.addi %mul3A_457, %mul3A_459 : i32
        %multiple_of3A_461 = tpu.assume_multiple %add3A_460, 8 : i32
        %dma_wait3A_462 = arith.constant 1 : i32
        %dma_wait3A_463 = arith.constant 1 : i32
        %dma_wait3A_464 = arith.constant 0 : i32
        %dma_wait3A_465 = tpu.memref_slice %arg8[%dma_wait3A_462, %dma_wait3A_464] : memref<4x400xi32, #tpu.memory_space<vmem>> -> memref<1x400xi32, #tpu.memory_space<vmem>>
        %dma_wait3A_466 = tpu.memref_squeeze %dma_wait3A_465 : memref<1x400xi32, #tpu.memory_space<vmem>> -> memref<400xi32, #tpu.memory_space<vmem>>
        %dma_wait3A_467 = arith.constant 0 : i32
        %dma_wait3A_468 = tpu.memref_slice %arg4[%cond3A_23, %dma_wait3A_467] : memref<2x160000xi32, #tpu.memory_space<hbm>> -> memref<1x160000xi32, #tpu.memory_space<hbm>>
        %dma_wait3A_469 = tpu.memref_squeeze %dma_wait3A_468 : memref<1x160000xi32, #tpu.memory_space<hbm>> -> memref<160000xi32, #tpu.memory_space<hbm>>
        %dma_wait3A_470 = tpu.memref_slice %dma_wait3A_469[%multiple_of3A_461] : memref<160000xi32, #tpu.memory_space<hbm>> -> memref<400xi32, #tpu.memory_space<hbm>>
        %dma_wait3A_471 = tpu.memref_slice %arg16[%dma_wait3A_463] : memref<4x!tpu.dma_semaphore, #tpu.memory_space<semaphore_mem>> -> memref<1x!tpu.dma_semaphore, #tpu.memory_space<semaphore_mem>>
        %dma_wait3A_472 = tpu.memref_squeeze %dma_wait3A_471 : memref<1x!tpu.dma_semaphore, #tpu.memory_space<semaphore_mem>> -> memref<!tpu.dma_semaphore, #tpu.memory_space<semaphore_mem>>
        %dma_wait3A_473 = arith.constant 0 : i32
        %dma_wait3A_474 = tpu.memref_slice %arg8[%dma_wait3A_462, %dma_wait3A_473] : memref<4x400xi32, #tpu.memory_space<vmem>> -> memref<1x400xi32, #tpu.memory_space<vmem>>
        %dma_wait3A_475 = tpu.memref_squeeze %dma_wait3A_474 : memref<1x400xi32, #tpu.memory_space<vmem>> -> memref<400xi32, #tpu.memory_space<vmem>>
        %dma_wait3A_476 = arith.constant 0 : i32
        %dma_wait3A_477 = tpu.memref_slice %arg4[%cond3A_23, %dma_wait3A_476] : memref<2x160000xi32, #tpu.memory_space<hbm>> -> memref<1x160000xi32, #tpu.memory_space<hbm>>
        %dma_wait3A_478 = tpu.memref_squeeze %dma_wait3A_477 : memref<1x160000xi32, #tpu.memory_space<hbm>> -> memref<160000xi32, #tpu.memory_space<hbm>>
        %dma_wait3A_479 = tpu.memref_slice %dma_wait3A_478[%multiple_of3A_461] : memref<160000xi32, #tpu.memory_space<hbm>> -> memref<400xi32, #tpu.memory_space<hbm>>
        tpu.wait_dma2 semaphore(%dma_wait3A_472 : memref<!tpu.dma_semaphore, #tpu.memory_space<semaphore_mem>>) src(%dma_wait3A_479 : memref<400xi32, #tpu.memory_space<hbm>>) dst(%dma_wait3A_475 : memref<400xi32, #tpu.memory_space<vmem>>)
        %dma_start3A_480 = arith.constant 1 : i32
        %dma_start3A_481 = arith.constant 1 : i32
        %dma_start3A_482 = arith.constant 1 : i32
        %dma_start3A_483 = arith.constant 0 : i32
        %dma_start3A_484 = arith.constant 0 : i32
        %dma_start3A_485 = tpu.memref_slice %arg9[%dma_start3A_480, %dma_start3A_483, %dma_start3A_484] : memref<2x400x128xi16, #tpu.memory_space<vmem>> -> memref<1x400x128xi16, #tpu.memory_space<vmem>>
        %dma_start3A_486 = tpu.memref_squeeze %dma_start3A_485 : memref<1x400x128xi16, #tpu.memory_space<vmem>> -> memref<400x128xi16, #tpu.memory_space<vmem>>
        %dma_start3A_487 = arith.constant 0 : i32
        %dma_start3A_488 = tpu.memref_slice %arg8[%dma_start3A_481, %dma_start3A_487] : memref<4x400xi32, #tpu.memory_space<vmem>> -> memref<1x400xi32, #tpu.memory_space<vmem>>
        %dma_start3A_489 = tpu.memref_squeeze %dma_start3A_488 : memref<1x400xi32, #tpu.memory_space<vmem>> -> memref<400xi32, #tpu.memory_space<vmem>>
        %dma_start3A_490 = arith.constant 0 : i32
        %dma_start3A_491 = arith.constant 0 : i32
        %dma_start3A_492 = tpu.memref_slice %arg11[%dma_start3A_490, %dma_start3A_491] : memref<10000x128xi16, #tpu.memory_space<vmem_shared>> -> memref<10000x128xi16, #tpu.memory_space<vmem_shared>>
        %dma_start3A_493 = tpu.memref_slice %arg17[%dma_start3A_482] : memref<2x!tpu.dma_semaphore, #tpu.memory_space<semaphore_mem>> -> memref<1x!tpu.dma_semaphore, #tpu.memory_space<semaphore_mem>>
        %dma_start3A_494 = tpu.memref_squeeze %dma_start3A_493 : memref<1x!tpu.dma_semaphore, #tpu.memory_space<semaphore_mem>> -> memref<!tpu.dma_semaphore, #tpu.memory_space<semaphore_mem>>
        tpu.enqueue_indirect_dma source(%dma_start3A_486 : memref<400x128xi16, #tpu.memory_space<vmem>>) target(%dma_start3A_492 : memref<10000x128xi16, #tpu.memory_space<vmem_shared>>) offsets(%dma_start3A_489 : memref<400xi32, #tpu.memory_space<vmem>>) semaphore(%dma_start3A_494 : memref<!tpu.dma_semaphore, #tpu.memory_space<semaphore_mem>>) {add = true}
        %ge3A_495 = arith.constant 13 : i32
        %ge3A_496 = arith.cmpi sge, %add3A_421, %ge3A_495 : i32
        %lt3A_497 = arith.constant 25 : i32
        %lt3A_498 = arith.cmpi slt, %add3A_421, %lt3A_497 : i32
        %and3A_499 = arith.andi %ge3A_496, %lt3A_498 : i1
        %convert_element_type3A_500 = arith.extui %and3A_499 : i1 to i32
        %cond3A_501 = arith.constant 0 : i32
        %cond3A_502 = arith.cmpi ne, %convert_element_type3A_500, %cond3A_501 : i32
        scf.if %cond3A_502 {
          %dma_start3A_756 = arith.constant 1 : i32
          %dma_start3A_757 = arith.constant 1 : i32
          %dma_start3A_758 = arith.constant 1 : i32
          %dma_start3A_759 = arith.constant 0 : i32
          %dma_start3A_760 = arith.constant 0 : i32
          %dma_start3A_761 = tpu.memref_slice %arg10[%dma_start3A_756, %dma_start3A_759, %dma_start3A_760] : memref<2x400x16xf32, #tpu.memory_space<vmem>> -> memref<1x400x16xf32, #tpu.memory_space<vmem>>
          %dma_start3A_762 = tpu.memref_squeeze %dma_start3A_761 : memref<1x400x16xf32, #tpu.memory_space<vmem>> -> memref<400x16xf32, #tpu.memory_space<vmem>>
          %dma_start3A_763 = arith.constant 0 : i32
          %dma_start3A_764 = tpu.memref_slice %arg8[%dma_start3A_757, %dma_start3A_763] : memref<4x400xi32, #tpu.memory_space<vmem>> -> memref<1x400xi32, #tpu.memory_space<vmem>>
          %dma_start3A_765 = tpu.memref_squeeze %dma_start3A_764 : memref<1x400xi32, #tpu.memory_space<vmem>> -> memref<400xi32, #tpu.memory_space<vmem>>
          %dma_start3A_766 = arith.constant 0 : i32
          %dma_start3A_767 = arith.constant 0 : i32
          %dma_start3A_768 = tpu.memref_slice %arg12[%dma_start3A_766, %dma_start3A_767] : memref<10000x16xf32, #tpu.memory_space<vmem_shared>> -> memref<10000x16xf32, #tpu.memory_space<vmem_shared>>
          %dma_start3A_769 = tpu.memref_slice %arg18[%dma_start3A_758] : memref<2x!tpu.dma_semaphore, #tpu.memory_space<semaphore_mem>> -> memref<1x!tpu.dma_semaphore, #tpu.memory_space<semaphore_mem>>
          %dma_start3A_770 = tpu.memref_squeeze %dma_start3A_769 : memref<1x!tpu.dma_semaphore, #tpu.memory_space<semaphore_mem>> -> memref<!tpu.dma_semaphore, #tpu.memory_space<semaphore_mem>>
          tpu.enqueue_indirect_dma source(%dma_start3A_762 : memref<400x16xf32, #tpu.memory_space<vmem>>) target(%dma_start3A_768 : memref<10000x16xf32, #tpu.memory_space<vmem_shared>>) offsets(%dma_start3A_765 : memref<400xi32, #tpu.memory_space<vmem>>) semaphore(%dma_start3A_770 : memref<!tpu.dma_semaphore, #tpu.memory_space<semaphore_mem>>) {add = true}
          %dma_wait3A_771 = arith.constant 1 : i32
          %dma_wait3A_772 = arith.constant 1 : i32
          %dma_wait3A_773 = arith.constant 1 : i32
          %dma_wait3A_774 = arith.constant 0 : i32
          %dma_wait3A_775 = arith.constant 0 : i32
          %dma_wait3A_776 = tpu.memref_slice %arg10[%dma_wait3A_771, %dma_wait3A_774, %dma_wait3A_775] : memref<2x400x16xf32, #tpu.memory_space<vmem>> -> memref<1x400x16xf32, #tpu.memory_space<vmem>>
          %dma_wait3A_777 = tpu.memref_squeeze %dma_wait3A_776 : memref<1x400x16xf32, #tpu.memory_space<vmem>> -> memref<400x16xf32, #tpu.memory_space<vmem>>
          %dma_wait3A_778 = arith.constant 0 : i32
          %dma_wait3A_779 = tpu.memref_slice %arg8[%dma_wait3A_772, %dma_wait3A_778] : memref<4x400xi32, #tpu.memory_space<vmem>> -> memref<1x400xi32, #tpu.memory_space<vmem>>
          %dma_wait3A_780 = tpu.memref_squeeze %dma_wait3A_779 : memref<1x400xi32, #tpu.memory_space<vmem>> -> memref<400xi32, #tpu.memory_space<vmem>>
          %dma_wait3A_781 = arith.constant 0 : i32
          %dma_wait3A_782 = arith.constant 0 : i32
          %dma_wait3A_783 = tpu.memref_slice %arg12[%dma_wait3A_781, %dma_wait3A_782] : memref<10000x16xf32, #tpu.memory_space<vmem_shared>> -> memref<10000x16xf32, #tpu.memory_space<vmem_shared>>
          %dma_wait3A_784 = tpu.memref_slice %arg18[%dma_wait3A_773] : memref<2x!tpu.dma_semaphore, #tpu.memory_space<semaphore_mem>> -> memref<1x!tpu.dma_semaphore, #tpu.memory_space<semaphore_mem>>
          %dma_wait3A_785 = tpu.memref_squeeze %dma_wait3A_784 : memref<1x!tpu.dma_semaphore, #tpu.memory_space<semaphore_mem>> -> memref<!tpu.dma_semaphore, #tpu.memory_space<semaphore_mem>>
          tpu.wait_indirect_dma semaphore(%dma_wait3A_785 : memref<!tpu.dma_semaphore, #tpu.memory_space<semaphore_mem>>) src(%dma_wait3A_777 : memref<400x16xf32, #tpu.memory_space<vmem>>) dst(%dma_wait3A_783 : memref<10000x16xf32, #tpu.memory_space<vmem_shared>>)
        } else {
        }
        %dma_wait3A_503 = arith.constant 1 : i32
        %dma_wait3A_504 = arith.constant 1 : i32
        %dma_wait3A_505 = arith.constant 1 : i32
        %dma_wait3A_506 = arith.constant 0 : i32
        %dma_wait3A_507 = arith.constant 0 : i32
        %dma_wait3A_508 = tpu.memref_slice %arg9[%dma_wait3A_503, %dma_wait3A_506, %dma_wait3A_507] : memref<2x400x128xi16, #tpu.memory_space<vmem>> -> memref<1x400x128xi16, #tpu.memory_space<vmem>>
        %dma_wait3A_509 = tpu.memref_squeeze %dma_wait3A_508 : memref<1x400x128xi16, #tpu.memory_space<vmem>> -> memref<400x128xi16, #tpu.memory_space<vmem>>
        %dma_wait3A_510 = arith.constant 0 : i32
        %dma_wait3A_511 = tpu.memref_slice %arg8[%dma_wait3A_504, %dma_wait3A_510] : memref<4x400xi32, #tpu.memory_space<vmem>> -> memref<1x400xi32, #tpu.memory_space<vmem>>
        %dma_wait3A_512 = tpu.memref_squeeze %dma_wait3A_511 : memref<1x400xi32, #tpu.memory_space<vmem>> -> memref<400xi32, #tpu.memory_space<vmem>>
        %dma_wait3A_513 = arith.constant 0 : i32
        %dma_wait3A_514 = arith.constant 0 : i32
        %dma_wait3A_515 = tpu.memref_slice %arg11[%dma_wait3A_513, %dma_wait3A_514] : memref<10000x128xi16, #tpu.memory_space<vmem_shared>> -> memref<10000x128xi16, #tpu.memory_space<vmem_shared>>
        %dma_wait3A_516 = tpu.memref_slice %arg17[%dma_wait3A_505] : memref<2x!tpu.dma_semaphore, #tpu.memory_space<semaphore_mem>> -> memref<1x!tpu.dma_semaphore, #tpu.memory_space<semaphore_mem>>
        %dma_wait3A_517 = tpu.memref_squeeze %dma_wait3A_516 : memref<1x!tpu.dma_semaphore, #tpu.memory_space<semaphore_mem>> -> memref<!tpu.dma_semaphore, #tpu.memory_space<semaphore_mem>>
        tpu.wait_indirect_dma semaphore(%dma_wait3A_517 : memref<!tpu.dma_semaphore, #tpu.memory_space<semaphore_mem>>) src(%dma_wait3A_509 : memref<400x128xi16, #tpu.memory_space<vmem>>) dst(%dma_wait3A_515 : memref<10000x128xi16, #tpu.memory_space<vmem_shared>>)
        %add3A_518 = arith.constant 4 : i32
        %add3A_519 = arith.addi %add3A_421, %add3A_518 : i32
        %lt3A_520 = arith.constant 25 : i32
        %lt3A_521 = arith.cmpi slt, %add3A_519, %lt3A_520 : i32
        %convert_element_type3A_522 = arith.extui %lt3A_521 : i1 to i32
        %cond3A_523 = arith.constant 0 : i32
        %cond3A_524 = arith.cmpi ne, %convert_element_type3A_522, %cond3A_523 : i32
        scf.if %cond3A_524 {
          %add3A_756 = arith.constant 4 : i32
          %add3A_757 = arith.addi %add3A_421, %add3A_756 : i32
          %mul3A_758 = arith.constant 10000 : i32
          %mul3A_759 = arith.muli %arg1, %mul3A_758 : i32
          %mul3A_760 = arith.constant 400 : i32
          %mul3A_761 = arith.muli %add3A_757, %mul3A_760 : i32
          %add3A_762 = arith.addi %mul3A_759, %mul3A_761 : i32
          %multiple_of3A_763 = tpu.assume_multiple %add3A_762, 8 : i32
          %dma_start3A_764 = arith.constant 1 : i32
          %dma_start3A_765 = arith.constant 1 : i32
          %dma_start3A_766 = arith.constant 0 : i32
          %dma_start3A_767 = tpu.memref_slice %arg8[%dma_start3A_764, %dma_start3A_766] : memref<4x400xi32, #tpu.memory_space<vmem>> -> memref<1x400xi32, #tpu.memory_space<vmem>>
          %dma_start3A_768 = tpu.memref_squeeze %dma_start3A_767 : memref<1x400xi32, #tpu.memory_space<vmem>> -> memref<400xi32, #tpu.memory_space<vmem>>
          %dma_start3A_769 = arith.constant 0 : i32
          %dma_start3A_770 = tpu.memref_slice %arg4[%cond3A_23, %dma_start3A_769] : memref<2x160000xi32, #tpu.memory_space<hbm>> -> memref<1x160000xi32, #tpu.memory_space<hbm>>
          %dma_start3A_771 = tpu.memref_squeeze %dma_start3A_770 : memref<1x160000xi32, #tpu.memory_space<hbm>> -> memref<160000xi32, #tpu.memory_space<hbm>>
          %dma_start3A_772 = tpu.memref_slice %dma_start3A_771[%multiple_of3A_763] : memref<160000xi32, #tpu.memory_space<hbm>> -> memref<400xi32, #tpu.memory_space<hbm>>
          %dma_start3A_773 = tpu.memref_slice %arg16[%dma_start3A_765] : memref<4x!tpu.dma_semaphore, #tpu.memory_space<semaphore_mem>> -> memref<1x!tpu.dma_semaphore, #tpu.memory_space<semaphore_mem>>
          %dma_start3A_774 = tpu.memref_squeeze %dma_start3A_773 : memref<1x!tpu.dma_semaphore, #tpu.memory_space<semaphore_mem>> -> memref<!tpu.dma_semaphore, #tpu.memory_space<semaphore_mem>>
          %dma_start3A_775 = arith.constant 0 : i32
          %dma_start3A_776 = tpu.memref_slice %arg8[%dma_start3A_764, %dma_start3A_775] : memref<4x400xi32, #tpu.memory_space<vmem>> -> memref<1x400xi32, #tpu.memory_space<vmem>>
          %dma_start3A_777 = tpu.memref_squeeze %dma_start3A_776 : memref<1x400xi32, #tpu.memory_space<vmem>> -> memref<400xi32, #tpu.memory_space<vmem>>
          %dma_start3A_778 = arith.constant 0 : i32
          %dma_start3A_779 = tpu.memref_slice %arg4[%cond3A_23, %dma_start3A_778] : memref<2x160000xi32, #tpu.memory_space<hbm>> -> memref<1x160000xi32, #tpu.memory_space<hbm>>
          %dma_start3A_780 = tpu.memref_squeeze %dma_start3A_779 : memref<1x160000xi32, #tpu.memory_space<hbm>> -> memref<160000xi32, #tpu.memory_space<hbm>>
          %dma_start3A_781 = tpu.memref_slice %dma_start3A_780[%multiple_of3A_763] : memref<160000xi32, #tpu.memory_space<hbm>> -> memref<400xi32, #tpu.memory_space<hbm>>
          tpu.enqueue_dma source(%dma_start3A_781 : memref<400xi32, #tpu.memory_space<hbm>>) target(%dma_start3A_777 : memref<400xi32, #tpu.memory_space<vmem>>) target_semaphore(%dma_start3A_774 : memref<!tpu.dma_semaphore, #tpu.memory_space<semaphore_mem>>)
        } else {
        }
        %add3A_525 = arith.constant 2 : i32
        %add3A_526 = arith.addi %add3A_421, %add3A_525 : i32
        %lt3A_527 = arith.constant 25 : i32
        %lt3A_528 = arith.cmpi slt, %add3A_526, %lt3A_527 : i32
        %convert_element_type3A_529 = arith.extui %lt3A_528 : i1 to i32
        %cond3A_530 = arith.constant 0 : i32
        %cond3A_531 = arith.cmpi ne, %convert_element_type3A_529, %cond3A_530 : i32
        scf.if %cond3A_531 {
          %add3A_756 = arith.constant 2 : i32
          %add3A_757 = arith.addi %add3A_421, %add3A_756 : i32
          %mul3A_758 = arith.constant 10000 : i32
          %mul3A_759 = arith.muli %arg1, %mul3A_758 : i32
          %mul3A_760 = arith.constant 400 : i32
          %mul3A_761 = arith.muli %add3A_757, %mul3A_760 : i32
          %add3A_762 = arith.addi %mul3A_759, %mul3A_761 : i32
          %multiple_of3A_763 = tpu.assume_multiple %add3A_762, 8 : i32
          %dma_wait3A_764 = arith.constant 1 : i32
          %dma_wait3A_765 = arith.constant 1 : i32
          %dma_wait3A_766 = arith.constant 0 : i32
          %dma_wait3A_767 = tpu.memref_slice %arg7[%dma_wait3A_764, %dma_wait3A_766] : memref<2x400xi32, #tpu.memory_space<vmem>> -> memref<1x400xi32, #tpu.memory_space<vmem>>
          %dma_wait3A_768 = tpu.memref_squeeze %dma_wait3A_767 : memref<1x400xi32, #tpu.memory_space<vmem>> -> memref<400xi32, #tpu.memory_space<vmem>>
          %dma_wait3A_769 = arith.constant 0 : i32
          %dma_wait3A_770 = tpu.memref_slice %arg4[%cond3A_22, %dma_wait3A_769] : memref<2x160000xi32, #tpu.memory_space<hbm>> -> memref<1x160000xi32, #tpu.memory_space<hbm>>
          %dma_wait3A_771 = tpu.memref_squeeze %dma_wait3A_770 : memref<1x160000xi32, #tpu.memory_space<hbm>> -> memref<160000xi32, #tpu.memory_space<hbm>>
          %dma_wait3A_772 = tpu.memref_slice %dma_wait3A_771[%multiple_of3A_763] : memref<160000xi32, #tpu.memory_space<hbm>> -> memref<400xi32, #tpu.memory_space<hbm>>
          %dma_wait3A_773 = tpu.memref_slice %arg15[%dma_wait3A_765] : memref<2x!tpu.dma_semaphore, #tpu.memory_space<semaphore_mem>> -> memref<1x!tpu.dma_semaphore, #tpu.memory_space<semaphore_mem>>
          %dma_wait3A_774 = tpu.memref_squeeze %dma_wait3A_773 : memref<1x!tpu.dma_semaphore, #tpu.memory_space<semaphore_mem>> -> memref<!tpu.dma_semaphore, #tpu.memory_space<semaphore_mem>>
          %dma_wait3A_775 = arith.constant 0 : i32
          %dma_wait3A_776 = tpu.memref_slice %arg7[%dma_wait3A_764, %dma_wait3A_775] : memref<2x400xi32, #tpu.memory_space<vmem>> -> memref<1x400xi32, #tpu.memory_space<vmem>>
          %dma_wait3A_777 = tpu.memref_squeeze %dma_wait3A_776 : memref<1x400xi32, #tpu.memory_space<vmem>> -> memref<400xi32, #tpu.memory_space<vmem>>
          %dma_wait3A_778 = arith.constant 0 : i32
          %dma_wait3A_779 = tpu.memref_slice %arg4[%cond3A_22, %dma_wait3A_778] : memref<2x160000xi32, #tpu.memory_space<hbm>> -> memref<1x160000xi32, #tpu.memory_space<hbm>>
          %dma_wait3A_780 = tpu.memref_squeeze %dma_wait3A_779 : memref<1x160000xi32, #tpu.memory_space<hbm>> -> memref<160000xi32, #tpu.memory_space<hbm>>
          %dma_wait3A_781 = tpu.memref_slice %dma_wait3A_780[%multiple_of3A_763] : memref<160000xi32, #tpu.memory_space<hbm>> -> memref<400xi32, #tpu.memory_space<hbm>>
          tpu.wait_dma2 semaphore(%dma_wait3A_774 : memref<!tpu.dma_semaphore, #tpu.memory_space<semaphore_mem>>) src(%dma_wait3A_781 : memref<400xi32, #tpu.memory_space<hbm>>) dst(%dma_wait3A_777 : memref<400xi32, #tpu.memory_space<vmem>>)
          %dma_start3A_782 = arith.constant 1 : i32
          %dma_start3A_783 = arith.constant 1 : i32
          %dma_start3A_784 = arith.constant 1 : i32
          %dma_start3A_785 = arith.constant 0 : i32
          %dma_start3A_786 = arith.constant 0 : i32
          %dma_start3A_787 = tpu.memref_slice %arg9[%dma_start3A_783, %dma_start3A_785, %dma_start3A_786] : memref<2x400x128xi16, #tpu.memory_space<vmem>> -> memref<1x400x128xi16, #tpu.memory_space<vmem>>
          %dma_start3A_788 = tpu.memref_squeeze %dma_start3A_787 : memref<1x400x128xi16, #tpu.memory_space<vmem>> -> memref<400x128xi16, #tpu.memory_space<vmem>>
          %dma_start3A_789 = arith.constant 0 : i32
          %dma_start3A_790 = tpu.memref_slice %arg7[%dma_start3A_782, %dma_start3A_789] : memref<2x400xi32, #tpu.memory_space<vmem>> -> memref<1x400xi32, #tpu.memory_space<vmem>>
          %dma_start3A_791 = tpu.memref_squeeze %dma_start3A_790 : memref<1x400xi32, #tpu.memory_space<vmem>> -> memref<400xi32, #tpu.memory_space<vmem>>
          %dma_start3A_792 = arith.constant 0 : i32
          %dma_start3A_793 = arith.constant 0 : i32
          %dma_start3A_794 = tpu.memref_slice %arg2[%cond3A_24, %dma_start3A_792, %dma_start3A_793] : memref<2x10000x128xi16, #tpu.memory_space<hbm>> -> memref<1x10000x128xi16, #tpu.memory_space<hbm>>
          %dma_start3A_795 = tpu.memref_squeeze %dma_start3A_794 : memref<1x10000x128xi16, #tpu.memory_space<hbm>> -> memref<10000x128xi16, #tpu.memory_space<hbm>>
          %dma_start3A_796 = arith.constant 0 : i32
          %dma_start3A_797 = arith.constant 0 : i32
          %dma_start3A_798 = tpu.memref_slice %dma_start3A_795[%dma_start3A_796, %dma_start3A_797] : memref<10000x128xi16, #tpu.memory_space<hbm>> -> memref<10000x128xi16, #tpu.memory_space<hbm>>
          %dma_start3A_799 = tpu.memref_slice %arg13[%dma_start3A_784] : memref<2x!tpu.dma_semaphore, #tpu.memory_space<semaphore_mem>> -> memref<1x!tpu.dma_semaphore, #tpu.memory_space<semaphore_mem>>
          %dma_start3A_800 = tpu.memref_squeeze %dma_start3A_799 : memref<1x!tpu.dma_semaphore, #tpu.memory_space<semaphore_mem>> -> memref<!tpu.dma_semaphore, #tpu.memory_space<semaphore_mem>>
          tpu.enqueue_indirect_dma source(%dma_start3A_798 : memref<10000x128xi16, #tpu.memory_space<hbm>>) target(%dma_start3A_788 : memref<400x128xi16, #tpu.memory_space<vmem>>) offsets(%dma_start3A_791 : memref<400xi32, #tpu.memory_space<vmem>>) semaphore(%dma_start3A_800 : memref<!tpu.dma_semaphore, #tpu.memory_space<semaphore_mem>>)
          %add3A_801 = arith.constant 2 : i32
          %add3A_802 = arith.addi %add3A_421, %add3A_801 : i32
          %ge3A_803 = arith.constant 13 : i32
          %ge3A_804 = arith.cmpi sge, %add3A_802, %ge3A_803 : i32
          %lt3A_805 = arith.constant 25 : i32
          %lt3A_806 = arith.cmpi slt, %add3A_802, %lt3A_805 : i32
          %and3A_807 = arith.andi %ge3A_804, %lt3A_806 : i1
          %convert_element_type3A_808 = arith.extui %and3A_807 : i1 to i32
          %cond3A_809 = arith.constant 0 : i32
          %cond3A_810 = arith.cmpi ne, %convert_element_type3A_808, %cond3A_809 : i32
          scf.if %cond3A_810 {
            %dma_start3A_811 = arith.constant 1 : i32
            %dma_start3A_812 = arith.constant 1 : i32
            %dma_start3A_813 = arith.constant 1 : i32
            %dma_start3A_814 = arith.constant 0 : i32
            %dma_start3A_815 = arith.constant 0 : i32
            %dma_start3A_816 = tpu.memref_slice %arg10[%dma_start3A_812, %dma_start3A_814, %dma_start3A_815] : memref<2x400x16xf32, #tpu.memory_space<vmem>> -> memref<1x400x16xf32, #tpu.memory_space<vmem>>
            %dma_start3A_817 = tpu.memref_squeeze %dma_start3A_816 : memref<1x400x16xf32, #tpu.memory_space<vmem>> -> memref<400x16xf32, #tpu.memory_space<vmem>>
            %dma_start3A_818 = arith.constant 0 : i32
            %dma_start3A_819 = tpu.memref_slice %arg7[%dma_start3A_811, %dma_start3A_818] : memref<2x400xi32, #tpu.memory_space<vmem>> -> memref<1x400xi32, #tpu.memory_space<vmem>>
            %dma_start3A_820 = tpu.memref_squeeze %dma_start3A_819 : memref<1x400xi32, #tpu.memory_space<vmem>> -> memref<400xi32, #tpu.memory_space<vmem>>
            %dma_start3A_821 = arith.constant 0 : i32
            %dma_start3A_822 = arith.constant 0 : i32
            %dma_start3A_823 = tpu.memref_slice %arg3[%dma_start3A_821, %dma_start3A_822] : memref<10000x16xf32, #tpu.memory_space<hbm>> -> memref<10000x16xf32, #tpu.memory_space<hbm>>
            %dma_start3A_824 = tpu.memref_slice %arg14[%dma_start3A_813] : memref<2x!tpu.dma_semaphore, #tpu.memory_space<semaphore_mem>> -> memref<1x!tpu.dma_semaphore, #tpu.memory_space<semaphore_mem>>
            %dma_start3A_825 = tpu.memref_squeeze %dma_start3A_824 : memref<1x!tpu.dma_semaphore, #tpu.memory_space<semaphore_mem>> -> memref<!tpu.dma_semaphore, #tpu.memory_space<semaphore_mem>>
            tpu.enqueue_indirect_dma source(%dma_start3A_823 : memref<10000x16xf32, #tpu.memory_space<hbm>>) target(%dma_start3A_817 : memref<400x16xf32, #tpu.memory_space<vmem>>) offsets(%dma_start3A_820 : memref<400xi32, #tpu.memory_space<vmem>>) semaphore(%dma_start3A_825 : memref<!tpu.dma_semaphore, #tpu.memory_space<semaphore_mem>>)
          } else {
          }
        } else {
        }
        %add3A_532 = arith.constant 2 : i32
        %add3A_533 = arith.addi %mul3A_309, %add3A_532 : i32
        %dma_wait3A_534 = arith.constant 0 : i32
        %dma_wait3A_535 = arith.constant 0 : i32
        %dma_wait3A_536 = arith.constant 0 : i32
        %dma_wait3A_537 = arith.constant 0 : i32
        %dma_wait3A_538 = arith.constant 0 : i32
        %dma_wait3A_539 = tpu.memref_slice %arg9[%dma_wait3A_535, %dma_wait3A_537, %dma_wait3A_538] : memref<2x400x128xi16, #tpu.memory_space<vmem>> -> memref<1x400x128xi16, #tpu.memory_space<vmem>>
        %dma_wait3A_540 = tpu.memref_squeeze %dma_wait3A_539 : memref<1x400x128xi16, #tpu.memory_space<vmem>> -> memref<400x128xi16, #tpu.memory_space<vmem>>
        %dma_wait3A_541 = arith.constant 0 : i32
        %dma_wait3A_542 = tpu.memref_slice %arg7[%dma_wait3A_534, %dma_wait3A_541] : memref<2x400xi32, #tpu.memory_space<vmem>> -> memref<1x400xi32, #tpu.memory_space<vmem>>
        %dma_wait3A_543 = tpu.memref_squeeze %dma_wait3A_542 : memref<1x400xi32, #tpu.memory_space<vmem>> -> memref<400xi32, #tpu.memory_space<vmem>>
        %dma_wait3A_544 = arith.constant 0 : i32
        %dma_wait3A_545 = arith.constant 0 : i32
        %dma_wait3A_546 = tpu.memref_slice %arg2[%cond3A_24, %dma_wait3A_544, %dma_wait3A_545] : memref<2x10000x128xi16, #tpu.memory_space<hbm>> -> memref<1x10000x128xi16, #tpu.memory_space<hbm>>
        %dma_wait3A_547 = tpu.memref_squeeze %dma_wait3A_546 : memref<1x10000x128xi16, #tpu.memory_space<hbm>> -> memref<10000x128xi16, #tpu.memory_space<hbm>>
        %dma_wait3A_548 = arith.constant 0 : i32
        %dma_wait3A_549 = arith.constant 0 : i32
        %dma_wait3A_550 = tpu.memref_slice %dma_wait3A_547[%dma_wait3A_548, %dma_wait3A_549] : memref<10000x128xi16, #tpu.memory_space<hbm>> -> memref<10000x128xi16, #tpu.memory_space<hbm>>
        %dma_wait3A_551 = tpu.memref_slice %arg13[%dma_wait3A_536] : memref<2x!tpu.dma_semaphore, #tpu.memory_space<semaphore_mem>> -> memref<1x!tpu.dma_semaphore, #tpu.memory_space<semaphore_mem>>
        %dma_wait3A_552 = tpu.memref_squeeze %dma_wait3A_551 : memref<1x!tpu.dma_semaphore, #tpu.memory_space<semaphore_mem>> -> memref<!tpu.dma_semaphore, #tpu.memory_space<semaphore_mem>>
        tpu.wait_indirect_dma semaphore(%dma_wait3A_552 : memref<!tpu.dma_semaphore, #tpu.memory_space<semaphore_mem>>) src(%dma_wait3A_550 : memref<10000x128xi16, #tpu.memory_space<hbm>>) dst(%dma_wait3A_540 : memref<400x128xi16, #tpu.memory_space<vmem>>)
        %ge3A_553 = arith.constant 13 : i32
        %ge3A_554 = arith.cmpi sge, %add3A_533, %ge3A_553 : i32
        %lt3A_555 = arith.constant 25 : i32
        %lt3A_556 = arith.cmpi slt, %add3A_533, %lt3A_555 : i32
        %and3A_557 = arith.andi %ge3A_554, %lt3A_556 : i1
        %convert_element_type3A_558 = arith.extui %and3A_557 : i1 to i32
        %cond3A_559 = arith.constant 0 : i32
        %cond3A_560 = arith.cmpi ne, %convert_element_type3A_558, %cond3A_559 : i32
        scf.if %cond3A_560 {
          %dma_wait3A_756 = arith.constant 0 : i32
          %dma_wait3A_757 = arith.constant 0 : i32
          %dma_wait3A_758 = arith.constant 0 : i32
          %dma_wait3A_759 = arith.constant 0 : i32
          %dma_wait3A_760 = arith.constant 0 : i32
          %dma_wait3A_761 = tpu.memref_slice %arg10[%dma_wait3A_757, %dma_wait3A_759, %dma_wait3A_760] : memref<2x400x16xf32, #tpu.memory_space<vmem>> -> memref<1x400x16xf32, #tpu.memory_space<vmem>>
          %dma_wait3A_762 = tpu.memref_squeeze %dma_wait3A_761 : memref<1x400x16xf32, #tpu.memory_space<vmem>> -> memref<400x16xf32, #tpu.memory_space<vmem>>
          %dma_wait3A_763 = arith.constant 0 : i32
          %dma_wait3A_764 = tpu.memref_slice %arg7[%dma_wait3A_756, %dma_wait3A_763] : memref<2x400xi32, #tpu.memory_space<vmem>> -> memref<1x400xi32, #tpu.memory_space<vmem>>
          %dma_wait3A_765 = tpu.memref_squeeze %dma_wait3A_764 : memref<1x400xi32, #tpu.memory_space<vmem>> -> memref<400xi32, #tpu.memory_space<vmem>>
          %dma_wait3A_766 = arith.constant 0 : i32
          %dma_wait3A_767 = arith.constant 0 : i32
          %dma_wait3A_768 = tpu.memref_slice %arg3[%dma_wait3A_766, %dma_wait3A_767] : memref<10000x16xf32, #tpu.memory_space<hbm>> -> memref<10000x16xf32, #tpu.memory_space<hbm>>
          %dma_wait3A_769 = tpu.memref_slice %arg14[%dma_wait3A_758] : memref<2x!tpu.dma_semaphore, #tpu.memory_space<semaphore_mem>> -> memref<1x!tpu.dma_semaphore, #tpu.memory_space<semaphore_mem>>
          %dma_wait3A_770 = tpu.memref_squeeze %dma_wait3A_769 : memref<1x!tpu.dma_semaphore, #tpu.memory_space<semaphore_mem>> -> memref<!tpu.dma_semaphore, #tpu.memory_space<semaphore_mem>>
          tpu.wait_indirect_dma semaphore(%dma_wait3A_770 : memref<!tpu.dma_semaphore, #tpu.memory_space<semaphore_mem>>) src(%dma_wait3A_768 : memref<10000x16xf32, #tpu.memory_space<hbm>>) dst(%dma_wait3A_762 : memref<400x16xf32, #tpu.memory_space<vmem>>)
        } else {
        }
        %add3A_561 = arith.constant 2 : i32
        %add3A_562 = arith.addi %add3A_533, %add3A_561 : i32
        %lt3A_563 = arith.constant 25 : i32
        %lt3A_564 = arith.cmpi slt, %add3A_562, %lt3A_563 : i32
        %convert_element_type3A_565 = arith.extui %lt3A_564 : i1 to i32
        %cond3A_566 = arith.constant 0 : i32
        %cond3A_567 = arith.cmpi ne, %convert_element_type3A_565, %cond3A_566 : i32
        scf.if %cond3A_567 {
          %add3A_756 = arith.constant 2 : i32
          %add3A_757 = arith.addi %add3A_533, %add3A_756 : i32
          %mul3A_758 = arith.constant 10000 : i32
          %mul3A_759 = arith.muli %arg1, %mul3A_758 : i32
          %mul3A_760 = arith.constant 400 : i32
          %mul3A_761 = arith.muli %add3A_757, %mul3A_760 : i32
          %add3A_762 = arith.addi %mul3A_759, %mul3A_761 : i32
          %multiple_of3A_763 = tpu.assume_multiple %add3A_762, 8 : i32
          %dma_start3A_764 = arith.constant 0 : i32
          %dma_start3A_765 = arith.constant 0 : i32
          %dma_start3A_766 = arith.constant 0 : i32
          %dma_start3A_767 = tpu.memref_slice %arg7[%dma_start3A_764, %dma_start3A_766] : memref<2x400xi32, #tpu.memory_space<vmem>> -> memref<1x400xi32, #tpu.memory_space<vmem>>
          %dma_start3A_768 = tpu.memref_squeeze %dma_start3A_767 : memref<1x400xi32, #tpu.memory_space<vmem>> -> memref<400xi32, #tpu.memory_space<vmem>>
          %dma_start3A_769 = arith.constant 0 : i32
          %dma_start3A_770 = tpu.memref_slice %arg4[%cond3A_22, %dma_start3A_769] : memref<2x160000xi32, #tpu.memory_space<hbm>> -> memref<1x160000xi32, #tpu.memory_space<hbm>>
          %dma_start3A_771 = tpu.memref_squeeze %dma_start3A_770 : memref<1x160000xi32, #tpu.memory_space<hbm>> -> memref<160000xi32, #tpu.memory_space<hbm>>
          %dma_start3A_772 = tpu.memref_slice %dma_start3A_771[%multiple_of3A_763] : memref<160000xi32, #tpu.memory_space<hbm>> -> memref<400xi32, #tpu.memory_space<hbm>>
          %dma_start3A_773 = tpu.memref_slice %arg15[%dma_start3A_765] : memref<2x!tpu.dma_semaphore, #tpu.memory_space<semaphore_mem>> -> memref<1x!tpu.dma_semaphore, #tpu.memory_space<semaphore_mem>>
          %dma_start3A_774 = tpu.memref_squeeze %dma_start3A_773 : memref<1x!tpu.dma_semaphore, #tpu.memory_space<semaphore_mem>> -> memref<!tpu.dma_semaphore, #tpu.memory_space<semaphore_mem>>
          %dma_start3A_775 = arith.constant 0 : i32
          %dma_start3A_776 = tpu.memref_slice %arg7[%dma_start3A_764, %dma_start3A_775] : memref<2x400xi32, #tpu.memory_space<vmem>> -> memref<1x400xi32, #tpu.memory_space<vmem>>
          %dma_start3A_777 = tpu.memref_squeeze %dma_start3A_776 : memref<1x400xi32, #tpu.memory_space<vmem>> -> memref<400xi32, #tpu.memory_space<vmem>>
          %dma_start3A_778 = arith.constant 0 : i32
          %dma_start3A_779 = tpu.memref_slice %arg4[%cond3A_22, %dma_start3A_778] : memref<2x160000xi32, #tpu.memory_space<hbm>> -> memref<1x160000xi32, #tpu.memory_space<hbm>>
          %dma_start3A_780 = tpu.memref_squeeze %dma_start3A_779 : memref<1x160000xi32, #tpu.memory_space<hbm>> -> memref<160000xi32, #tpu.memory_space<hbm>>
          %dma_start3A_781 = tpu.memref_slice %dma_start3A_780[%multiple_of3A_763] : memref<160000xi32, #tpu.memory_space<hbm>> -> memref<400xi32, #tpu.memory_space<hbm>>
          tpu.enqueue_dma source(%dma_start3A_781 : memref<400xi32, #tpu.memory_space<hbm>>) target(%dma_start3A_777 : memref<400xi32, #tpu.memory_space<vmem>>) target_semaphore(%dma_start3A_774 : memref<!tpu.dma_semaphore, #tpu.memory_space<semaphore_mem>>)
        } else {
        }
        %mul3A_568 = arith.constant 10000 : i32
        %mul3A_569 = arith.muli %arg1, %mul3A_568 : i32
        %mul3A_570 = arith.constant 400 : i32
        %mul3A_571 = arith.muli %add3A_533, %mul3A_570 : i32
        %add3A_572 = arith.addi %mul3A_569, %mul3A_571 : i32
        %multiple_of3A_573 = tpu.assume_multiple %add3A_572, 8 : i32
        %dma_wait3A_574 = arith.constant 2 : i32
        %dma_wait3A_575 = arith.constant 2 : i32
        %dma_wait3A_576 = arith.constant 0 : i32
        %dma_wait3A_577 = tpu.memref_slice %arg8[%dma_wait3A_574, %dma_wait3A_576] : memref<4x400xi32, #tpu.memory_space<vmem>> -> memref<1x400xi32, #tpu.memory_space<vmem>>
        %dma_wait3A_578 = tpu.memref_squeeze %dma_wait3A_577 : memref<1x400xi32, #tpu.memory_space<vmem>> -> memref<400xi32, #tpu.memory_space<vmem>>
        %dma_wait3A_579 = arith.constant 0 : i32
        %dma_wait3A_580 = tpu.memref_slice %arg4[%cond3A_23, %dma_wait3A_579] : memref<2x160000xi32, #tpu.memory_space<hbm>> -> memref<1x160000xi32, #tpu.memory_space<hbm>>
        %dma_wait3A_581 = tpu.memref_squeeze %dma_wait3A_580 : memref<1x160000xi32, #tpu.memory_space<hbm>> -> memref<160000xi32, #tpu.memory_space<hbm>>
        %dma_wait3A_582 = tpu.memref_slice %dma_wait3A_581[%multiple_of3A_573] : memref<160000xi32, #tpu.memory_space<hbm>> -> memref<400xi32, #tpu.memory_space<hbm>>
        %dma_wait3A_583 = tpu.memref_slice %arg16[%dma_wait3A_575] : memref<4x!tpu.dma_semaphore, #tpu.memory_space<semaphore_mem>> -> memref<1x!tpu.dma_semaphore, #tpu.memory_space<semaphore_mem>>
        %dma_wait3A_584 = tpu.memref_squeeze %dma_wait3A_583 : memref<1x!tpu.dma_semaphore, #tpu.memory_space<semaphore_mem>> -> memref<!tpu.dma_semaphore, #tpu.memory_space<semaphore_mem>>
        %dma_wait3A_585 = arith.constant 0 : i32
        %dma_wait3A_586 = tpu.memref_slice %arg8[%dma_wait3A_574, %dma_wait3A_585] : memref<4x400xi32, #tpu.memory_space<vmem>> -> memref<1x400xi32, #tpu.memory_space<vmem>>
        %dma_wait3A_587 = tpu.memref_squeeze %dma_wait3A_586 : memref<1x400xi32, #tpu.memory_space<vmem>> -> memref<400xi32, #tpu.memory_space<vmem>>
        %dma_wait3A_588 = arith.constant 0 : i32
        %dma_wait3A_589 = tpu.memref_slice %arg4[%cond3A_23, %dma_wait3A_588] : memref<2x160000xi32, #tpu.memory_space<hbm>> -> memref<1x160000xi32, #tpu.memory_space<hbm>>
        %dma_wait3A_590 = tpu.memref_squeeze %dma_wait3A_589 : memref<1x160000xi32, #tpu.memory_space<hbm>> -> memref<160000xi32, #tpu.memory_space<hbm>>
        %dma_wait3A_591 = tpu.memref_slice %dma_wait3A_590[%multiple_of3A_573] : memref<160000xi32, #tpu.memory_space<hbm>> -> memref<400xi32, #tpu.memory_space<hbm>>
        tpu.wait_dma2 semaphore(%dma_wait3A_584 : memref<!tpu.dma_semaphore, #tpu.memory_space<semaphore_mem>>) src(%dma_wait3A_591 : memref<400xi32, #tpu.memory_space<hbm>>) dst(%dma_wait3A_587 : memref<400xi32, #tpu.memory_space<vmem>>)
        %dma_start3A_592 = arith.constant 0 : i32
        %dma_start3A_593 = arith.constant 2 : i32
        %dma_start3A_594 = arith.constant 0 : i32
        %dma_start3A_595 = arith.constant 0 : i32
        %dma_start3A_596 = arith.constant 0 : i32
        %dma_start3A_597 = tpu.memref_slice %arg9[%dma_start3A_592, %dma_start3A_595, %dma_start3A_596] : memref<2x400x128xi16, #tpu.memory_space<vmem>> -> memref<1x400x128xi16, #tpu.memory_space<vmem>>
        %dma_start3A_598 = tpu.memref_squeeze %dma_start3A_597 : memref<1x400x128xi16, #tpu.memory_space<vmem>> -> memref<400x128xi16, #tpu.memory_space<vmem>>
        %dma_start3A_599 = arith.constant 0 : i32
        %dma_start3A_600 = tpu.memref_slice %arg8[%dma_start3A_593, %dma_start3A_599] : memref<4x400xi32, #tpu.memory_space<vmem>> -> memref<1x400xi32, #tpu.memory_space<vmem>>
        %dma_start3A_601 = tpu.memref_squeeze %dma_start3A_600 : memref<1x400xi32, #tpu.memory_space<vmem>> -> memref<400xi32, #tpu.memory_space<vmem>>
        %dma_start3A_602 = arith.constant 0 : i32
        %dma_start3A_603 = arith.constant 0 : i32
        %dma_start3A_604 = tpu.memref_slice %arg11[%dma_start3A_602, %dma_start3A_603] : memref<10000x128xi16, #tpu.memory_space<vmem_shared>> -> memref<10000x128xi16, #tpu.memory_space<vmem_shared>>
        %dma_start3A_605 = tpu.memref_slice %arg17[%dma_start3A_594] : memref<2x!tpu.dma_semaphore, #tpu.memory_space<semaphore_mem>> -> memref<1x!tpu.dma_semaphore, #tpu.memory_space<semaphore_mem>>
        %dma_start3A_606 = tpu.memref_squeeze %dma_start3A_605 : memref<1x!tpu.dma_semaphore, #tpu.memory_space<semaphore_mem>> -> memref<!tpu.dma_semaphore, #tpu.memory_space<semaphore_mem>>
        tpu.enqueue_indirect_dma source(%dma_start3A_598 : memref<400x128xi16, #tpu.memory_space<vmem>>) target(%dma_start3A_604 : memref<10000x128xi16, #tpu.memory_space<vmem_shared>>) offsets(%dma_start3A_601 : memref<400xi32, #tpu.memory_space<vmem>>) semaphore(%dma_start3A_606 : memref<!tpu.dma_semaphore, #tpu.memory_space<semaphore_mem>>) {add = true}
        %ge3A_607 = arith.constant 13 : i32
        %ge3A_608 = arith.cmpi sge, %add3A_533, %ge3A_607 : i32
        %lt3A_609 = arith.constant 25 : i32
        %lt3A_610 = arith.cmpi slt, %add3A_533, %lt3A_609 : i32
        %and3A_611 = arith.andi %ge3A_608, %lt3A_610 : i1
        %convert_element_type3A_612 = arith.extui %and3A_611 : i1 to i32
        %cond3A_613 = arith.constant 0 : i32
        %cond3A_614 = arith.cmpi ne, %convert_element_type3A_612, %cond3A_613 : i32
        scf.if %cond3A_614 {
          %dma_start3A_756 = arith.constant 0 : i32
          %dma_start3A_757 = arith.constant 2 : i32
          %dma_start3A_758 = arith.constant 0 : i32
          %dma_start3A_759 = arith.constant 0 : i32
          %dma_start3A_760 = arith.constant 0 : i32
          %dma_start3A_761 = tpu.memref_slice %arg10[%dma_start3A_756, %dma_start3A_759, %dma_start3A_760] : memref<2x400x16xf32, #tpu.memory_space<vmem>> -> memref<1x400x16xf32, #tpu.memory_space<vmem>>
          %dma_start3A_762 = tpu.memref_squeeze %dma_start3A_761 : memref<1x400x16xf32, #tpu.memory_space<vmem>> -> memref<400x16xf32, #tpu.memory_space<vmem>>
          %dma_start3A_763 = arith.constant 0 : i32
          %dma_start3A_764 = tpu.memref_slice %arg8[%dma_start3A_757, %dma_start3A_763] : memref<4x400xi32, #tpu.memory_space<vmem>> -> memref<1x400xi32, #tpu.memory_space<vmem>>
          %dma_start3A_765 = tpu.memref_squeeze %dma_start3A_764 : memref<1x400xi32, #tpu.memory_space<vmem>> -> memref<400xi32, #tpu.memory_space<vmem>>
          %dma_start3A_766 = arith.constant 0 : i32
          %dma_start3A_767 = arith.constant 0 : i32
          %dma_start3A_768 = tpu.memref_slice %arg12[%dma_start3A_766, %dma_start3A_767] : memref<10000x16xf32, #tpu.memory_space<vmem_shared>> -> memref<10000x16xf32, #tpu.memory_space<vmem_shared>>
          %dma_start3A_769 = tpu.memref_slice %arg18[%dma_start3A_758] : memref<2x!tpu.dma_semaphore, #tpu.memory_space<semaphore_mem>> -> memref<1x!tpu.dma_semaphore, #tpu.memory_space<semaphore_mem>>
          %dma_start3A_770 = tpu.memref_squeeze %dma_start3A_769 : memref<1x!tpu.dma_semaphore, #tpu.memory_space<semaphore_mem>> -> memref<!tpu.dma_semaphore, #tpu.memory_space<semaphore_mem>>
          tpu.enqueue_indirect_dma source(%dma_start3A_762 : memref<400x16xf32, #tpu.memory_space<vmem>>) target(%dma_start3A_768 : memref<10000x16xf32, #tpu.memory_space<vmem_shared>>) offsets(%dma_start3A_765 : memref<400xi32, #tpu.memory_space<vmem>>) semaphore(%dma_start3A_770 : memref<!tpu.dma_semaphore, #tpu.memory_space<semaphore_mem>>) {add = true}
          %dma_wait3A_771 = arith.constant 0 : i32
          %dma_wait3A_772 = arith.constant 2 : i32
          %dma_wait3A_773 = arith.constant 0 : i32
          %dma_wait3A_774 = arith.constant 0 : i32
          %dma_wait3A_775 = arith.constant 0 : i32
          %dma_wait3A_776 = tpu.memref_slice %arg10[%dma_wait3A_771, %dma_wait3A_774, %dma_wait3A_775] : memref<2x400x16xf32, #tpu.memory_space<vmem>> -> memref<1x400x16xf32, #tpu.memory_space<vmem>>
          %dma_wait3A_777 = tpu.memref_squeeze %dma_wait3A_776 : memref<1x400x16xf32, #tpu.memory_space<vmem>> -> memref<400x16xf32, #tpu.memory_space<vmem>>
          %dma_wait3A_778 = arith.constant 0 : i32
          %dma_wait3A_779 = tpu.memref_slice %arg8[%dma_wait3A_772, %dma_wait3A_778] : memref<4x400xi32, #tpu.memory_space<vmem>> -> memref<1x400xi32, #tpu.memory_space<vmem>>
          %dma_wait3A_780 = tpu.memref_squeeze %dma_wait3A_779 : memref<1x400xi32, #tpu.memory_space<vmem>> -> memref<400xi32, #tpu.memory_space<vmem>>
          %dma_wait3A_781 = arith.constant 0 : i32
          %dma_wait3A_782 = arith.constant 0 : i32
          %dma_wait3A_783 = tpu.memref_slice %arg12[%dma_wait3A_781, %dma_wait3A_782] : memref<10000x16xf32, #tpu.memory_space<vmem_shared>> -> memref<10000x16xf32, #tpu.memory_space<vmem_shared>>
          %dma_wait3A_784 = tpu.memref_slice %arg18[%dma_wait3A_773] : memref<2x!tpu.dma_semaphore, #tpu.memory_space<semaphore_mem>> -> memref<1x!tpu.dma_semaphore, #tpu.memory_space<semaphore_mem>>
          %dma_wait3A_785 = tpu.memref_squeeze %dma_wait3A_784 : memref<1x!tpu.dma_semaphore, #tpu.memory_space<semaphore_mem>> -> memref<!tpu.dma_semaphore, #tpu.memory_space<semaphore_mem>>
          tpu.wait_indirect_dma semaphore(%dma_wait3A_785 : memref<!tpu.dma_semaphore, #tpu.memory_space<semaphore_mem>>) src(%dma_wait3A_777 : memref<400x16xf32, #tpu.memory_space<vmem>>) dst(%dma_wait3A_783 : memref<10000x16xf32, #tpu.memory_space<vmem_shared>>)
        } else {
        }
        %dma_wait3A_615 = arith.constant 0 : i32
        %dma_wait3A_616 = arith.constant 2 : i32
        %dma_wait3A_617 = arith.constant 0 : i32
        %dma_wait3A_618 = arith.constant 0 : i32
        %dma_wait3A_619 = arith.constant 0 : i32
        %dma_wait3A_620 = tpu.memref_slice %arg9[%dma_wait3A_615, %dma_wait3A_618, %dma_wait3A_619] : memref<2x400x128xi16, #tpu.memory_space<vmem>> -> memref<1x400x128xi16, #tpu.memory_space<vmem>>
        %dma_wait3A_621 = tpu.memref_squeeze %dma_wait3A_620 : memref<1x400x128xi16, #tpu.memory_space<vmem>> -> memref<400x128xi16, #tpu.memory_space<vmem>>
        %dma_wait3A_622 = arith.constant 0 : i32
        %dma_wait3A_623 = tpu.memref_slice %arg8[%dma_wait3A_616, %dma_wait3A_622] : memref<4x400xi32, #tpu.memory_space<vmem>> -> memref<1x400xi32, #tpu.memory_space<vmem>>
        %dma_wait3A_624 = tpu.memref_squeeze %dma_wait3A_623 : memref<1x400xi32, #tpu.memory_space<vmem>> -> memref<400xi32, #tpu.memory_space<vmem>>
        %dma_wait3A_625 = arith.constant 0 : i32
        %dma_wait3A_626 = arith.constant 0 : i32
        %dma_wait3A_627 = tpu.memref_slice %arg11[%dma_wait3A_625, %dma_wait3A_626] : memref<10000x128xi16, #tpu.memory_space<vmem_shared>> -> memref<10000x128xi16, #tpu.memory_space<vmem_shared>>
        %dma_wait3A_628 = tpu.memref_slice %arg17[%dma_wait3A_617] : memref<2x!tpu.dma_semaphore, #tpu.memory_space<semaphore_mem>> -> memref<1x!tpu.dma_semaphore, #tpu.memory_space<semaphore_mem>>
        %dma_wait3A_629 = tpu.memref_squeeze %dma_wait3A_628 : memref<1x!tpu.dma_semaphore, #tpu.memory_space<semaphore_mem>> -> memref<!tpu.dma_semaphore, #tpu.memory_space<semaphore_mem>>
        tpu.wait_indirect_dma semaphore(%dma_wait3A_629 : memref<!tpu.dma_semaphore, #tpu.memory_space<semaphore_mem>>) src(%dma_wait3A_621 : memref<400x128xi16, #tpu.memory_space<vmem>>) dst(%dma_wait3A_627 : memref<10000x128xi16, #tpu.memory_space<vmem_shared>>)
        %add3A_630 = arith.constant 4 : i32
        %add3A_631 = arith.addi %add3A_533, %add3A_630 : i32
        %lt3A_632 = arith.constant 25 : i32
        %lt3A_633 = arith.cmpi slt, %add3A_631, %lt3A_632 : i32
        %convert_element_type3A_634 = arith.extui %lt3A_633 : i1 to i32
        %cond3A_635 = arith.constant 0 : i32
        %cond3A_636 = arith.cmpi ne, %convert_element_type3A_634, %cond3A_635 : i32
        scf.if %cond3A_636 {
          %add3A_756 = arith.constant 4 : i32
          %add3A_757 = arith.addi %add3A_533, %add3A_756 : i32
          %mul3A_758 = arith.constant 10000 : i32
          %mul3A_759 = arith.muli %arg1, %mul3A_758 : i32
          %mul3A_760 = arith.constant 400 : i32
          %mul3A_761 = arith.muli %add3A_757, %mul3A_760 : i32
          %add3A_762 = arith.addi %mul3A_759, %mul3A_761 : i32
          %multiple_of3A_763 = tpu.assume_multiple %add3A_762, 8 : i32
          %dma_start3A_764 = arith.constant 2 : i32
          %dma_start3A_765 = arith.constant 2 : i32
          %dma_start3A_766 = arith.constant 0 : i32
          %dma_start3A_767 = tpu.memref_slice %arg8[%dma_start3A_764, %dma_start3A_766] : memref<4x400xi32, #tpu.memory_space<vmem>> -> memref<1x400xi32, #tpu.memory_space<vmem>>
          %dma_start3A_768 = tpu.memref_squeeze %dma_start3A_767 : memref<1x400xi32, #tpu.memory_space<vmem>> -> memref<400xi32, #tpu.memory_space<vmem>>
          %dma_start3A_769 = arith.constant 0 : i32
          %dma_start3A_770 = tpu.memref_slice %arg4[%cond3A_23, %dma_start3A_769] : memref<2x160000xi32, #tpu.memory_space<hbm>> -> memref<1x160000xi32, #tpu.memory_space<hbm>>
          %dma_start3A_771 = tpu.memref_squeeze %dma_start3A_770 : memref<1x160000xi32, #tpu.memory_space<hbm>> -> memref<160000xi32, #tpu.memory_space<hbm>>
          %dma_start3A_772 = tpu.memref_slice %dma_start3A_771[%multiple_of3A_763] : memref<160000xi32, #tpu.memory_space<hbm>> -> memref<400xi32, #tpu.memory_space<hbm>>
          %dma_start3A_773 = tpu.memref_slice %arg16[%dma_start3A_765] : memref<4x!tpu.dma_semaphore, #tpu.memory_space<semaphore_mem>> -> memref<1x!tpu.dma_semaphore, #tpu.memory_space<semaphore_mem>>
          %dma_start3A_774 = tpu.memref_squeeze %dma_start3A_773 : memref<1x!tpu.dma_semaphore, #tpu.memory_space<semaphore_mem>> -> memref<!tpu.dma_semaphore, #tpu.memory_space<semaphore_mem>>
          %dma_start3A_775 = arith.constant 0 : i32
          %dma_start3A_776 = tpu.memref_slice %arg8[%dma_start3A_764, %dma_start3A_775] : memref<4x400xi32, #tpu.memory_space<vmem>> -> memref<1x400xi32, #tpu.memory_space<vmem>>
          %dma_start3A_777 = tpu.memref_squeeze %dma_start3A_776 : memref<1x400xi32, #tpu.memory_space<vmem>> -> memref<400xi32, #tpu.memory_space<vmem>>
          %dma_start3A_778 = arith.constant 0 : i32
          %dma_start3A_779 = tpu.memref_slice %arg4[%cond3A_23, %dma_start3A_778] : memref<2x160000xi32, #tpu.memory_space<hbm>> -> memref<1x160000xi32, #tpu.memory_space<hbm>>
          %dma_start3A_780 = tpu.memref_squeeze %dma_start3A_779 : memref<1x160000xi32, #tpu.memory_space<hbm>> -> memref<160000xi32, #tpu.memory_space<hbm>>
          %dma_start3A_781 = tpu.memref_slice %dma_start3A_780[%multiple_of3A_763] : memref<160000xi32, #tpu.memory_space<hbm>> -> memref<400xi32, #tpu.memory_space<hbm>>
          tpu.enqueue_dma source(%dma_start3A_781 : memref<400xi32, #tpu.memory_space<hbm>>) target(%dma_start3A_777 : memref<400xi32, #tpu.memory_space<vmem>>) target_semaphore(%dma_start3A_774 : memref<!tpu.dma_semaphore, #tpu.memory_space<semaphore_mem>>)
        } else {
        }
        %add3A_637 = arith.constant 2 : i32
        %add3A_638 = arith.addi %add3A_533, %add3A_637 : i32
        %lt3A_639 = arith.constant 25 : i32
        %lt3A_640 = arith.cmpi slt, %add3A_638, %lt3A_639 : i32
        %convert_element_type3A_641 = arith.extui %lt3A_640 : i1 to i32
        %cond3A_642 = arith.constant 0 : i32
        %cond3A_643 = arith.cmpi ne, %convert_element_type3A_641, %cond3A_642 : i32
        scf.if %cond3A_643 {
          %add3A_756 = arith.constant 2 : i32
          %add3A_757 = arith.addi %add3A_533, %add3A_756 : i32
          %mul3A_758 = arith.constant 10000 : i32
          %mul3A_759 = arith.muli %arg1, %mul3A_758 : i32
          %mul3A_760 = arith.constant 400 : i32
          %mul3A_761 = arith.muli %add3A_757, %mul3A_760 : i32
          %add3A_762 = arith.addi %mul3A_759, %mul3A_761 : i32
          %multiple_of3A_763 = tpu.assume_multiple %add3A_762, 8 : i32
          %dma_wait3A_764 = arith.constant 0 : i32
          %dma_wait3A_765 = arith.constant 0 : i32
          %dma_wait3A_766 = arith.constant 0 : i32
          %dma_wait3A_767 = tpu.memref_slice %arg7[%dma_wait3A_764, %dma_wait3A_766] : memref<2x400xi32, #tpu.memory_space<vmem>> -> memref<1x400xi32, #tpu.memory_space<vmem>>
          %dma_wait3A_768 = tpu.memref_squeeze %dma_wait3A_767 : memref<1x400xi32, #tpu.memory_space<vmem>> -> memref<400xi32, #tpu.memory_space<vmem>>
          %dma_wait3A_769 = arith.constant 0 : i32
          %dma_wait3A_770 = tpu.memref_slice %arg4[%cond3A_22, %dma_wait3A_769] : memref<2x160000xi32, #tpu.memory_space<hbm>> -> memref<1x160000xi32, #tpu.memory_space<hbm>>
          %dma_wait3A_771 = tpu.memref_squeeze %dma_wait3A_770 : memref<1x160000xi32, #tpu.memory_space<hbm>> -> memref<160000xi32, #tpu.memory_space<hbm>>
          %dma_wait3A_772 = tpu.memref_slice %dma_wait3A_771[%multiple_of3A_763] : memref<160000xi32, #tpu.memory_space<hbm>> -> memref<400xi32, #tpu.memory_space<hbm>>
          %dma_wait3A_773 = tpu.memref_slice %arg15[%dma_wait3A_765] : memref<2x!tpu.dma_semaphore, #tpu.memory_space<semaphore_mem>> -> memref<1x!tpu.dma_semaphore, #tpu.memory_space<semaphore_mem>>
          %dma_wait3A_774 = tpu.memref_squeeze %dma_wait3A_773 : memref<1x!tpu.dma_semaphore, #tpu.memory_space<semaphore_mem>> -> memref<!tpu.dma_semaphore, #tpu.memory_space<semaphore_mem>>
          %dma_wait3A_775 = arith.constant 0 : i32
          %dma_wait3A_776 = tpu.memref_slice %arg7[%dma_wait3A_764, %dma_wait3A_775] : memref<2x400xi32, #tpu.memory_space<vmem>> -> memref<1x400xi32, #tpu.memory_space<vmem>>
          %dma_wait3A_777 = tpu.memref_squeeze %dma_wait3A_776 : memref<1x400xi32, #tpu.memory_space<vmem>> -> memref<400xi32, #tpu.memory_space<vmem>>
          %dma_wait3A_778 = arith.constant 0 : i32
          %dma_wait3A_779 = tpu.memref_slice %arg4[%cond3A_22, %dma_wait3A_778] : memref<2x160000xi32, #tpu.memory_space<hbm>> -> memref<1x160000xi32, #tpu.memory_space<hbm>>
          %dma_wait3A_780 = tpu.memref_squeeze %dma_wait3A_779 : memref<1x160000xi32, #tpu.memory_space<hbm>> -> memref<160000xi32, #tpu.memory_space<hbm>>
          %dma_wait3A_781 = tpu.memref_slice %dma_wait3A_780[%multiple_of3A_763] : memref<160000xi32, #tpu.memory_space<hbm>> -> memref<400xi32, #tpu.memory_space<hbm>>
          tpu.wait_dma2 semaphore(%dma_wait3A_774 : memref<!tpu.dma_semaphore, #tpu.memory_space<semaphore_mem>>) src(%dma_wait3A_781 : memref<400xi32, #tpu.memory_space<hbm>>) dst(%dma_wait3A_777 : memref<400xi32, #tpu.memory_space<vmem>>)
          %dma_start3A_782 = arith.constant 0 : i32
          %dma_start3A_783 = arith.constant 0 : i32
          %dma_start3A_784 = arith.constant 0 : i32
          %dma_start3A_785 = arith.constant 0 : i32
          %dma_start3A_786 = arith.constant 0 : i32
          %dma_start3A_787 = tpu.memref_slice %arg9[%dma_start3A_783, %dma_start3A_785, %dma_start3A_786] : memref<2x400x128xi16, #tpu.memory_space<vmem>> -> memref<1x400x128xi16, #tpu.memory_space<vmem>>
          %dma_start3A_788 = tpu.memref_squeeze %dma_start3A_787 : memref<1x400x128xi16, #tpu.memory_space<vmem>> -> memref<400x128xi16, #tpu.memory_space<vmem>>
          %dma_start3A_789 = arith.constant 0 : i32
          %dma_start3A_790 = tpu.memref_slice %arg7[%dma_start3A_782, %dma_start3A_789] : memref<2x400xi32, #tpu.memory_space<vmem>> -> memref<1x400xi32, #tpu.memory_space<vmem>>
          %dma_start3A_791 = tpu.memref_squeeze %dma_start3A_790 : memref<1x400xi32, #tpu.memory_space<vmem>> -> memref<400xi32, #tpu.memory_space<vmem>>
          %dma_start3A_792 = arith.constant 0 : i32
          %dma_start3A_793 = arith.constant 0 : i32
          %dma_start3A_794 = tpu.memref_slice %arg2[%cond3A_24, %dma_start3A_792, %dma_start3A_793] : memref<2x10000x128xi16, #tpu.memory_space<hbm>> -> memref<1x10000x128xi16, #tpu.memory_space<hbm>>
          %dma_start3A_795 = tpu.memref_squeeze %dma_start3A_794 : memref<1x10000x128xi16, #tpu.memory_space<hbm>> -> memref<10000x128xi16, #tpu.memory_space<hbm>>
          %dma_start3A_796 = arith.constant 0 : i32
          %dma_start3A_797 = arith.constant 0 : i32
          %dma_start3A_798 = tpu.memref_slice %dma_start3A_795[%dma_start3A_796, %dma_start3A_797] : memref<10000x128xi16, #tpu.memory_space<hbm>> -> memref<10000x128xi16, #tpu.memory_space<hbm>>
          %dma_start3A_799 = tpu.memref_slice %arg13[%dma_start3A_784] : memref<2x!tpu.dma_semaphore, #tpu.memory_space<semaphore_mem>> -> memref<1x!tpu.dma_semaphore, #tpu.memory_space<semaphore_mem>>
          %dma_start3A_800 = tpu.memref_squeeze %dma_start3A_799 : memref<1x!tpu.dma_semaphore, #tpu.memory_space<semaphore_mem>> -> memref<!tpu.dma_semaphore, #tpu.memory_space<semaphore_mem>>
          tpu.enqueue_indirect_dma source(%dma_start3A_798 : memref<10000x128xi16, #tpu.memory_space<hbm>>) target(%dma_start3A_788 : memref<400x128xi16, #tpu.memory_space<vmem>>) offsets(%dma_start3A_791 : memref<400xi32, #tpu.memory_space<vmem>>) semaphore(%dma_start3A_800 : memref<!tpu.dma_semaphore, #tpu.memory_space<semaphore_mem>>)
          %add3A_801 = arith.constant 2 : i32
          %add3A_802 = arith.addi %add3A_533, %add3A_801 : i32
          %ge3A_803 = arith.constant 13 : i32
          %ge3A_804 = arith.cmpi sge, %add3A_802, %ge3A_803 : i32
          %lt3A_805 = arith.constant 25 : i32
          %lt3A_806 = arith.cmpi slt, %add3A_802, %lt3A_805 : i32
          %and3A_807 = arith.andi %ge3A_804, %lt3A_806 : i1
          %convert_element_type3A_808 = arith.extui %and3A_807 : i1 to i32
          %cond3A_809 = arith.constant 0 : i32
          %cond3A_810 = arith.cmpi ne, %convert_element_type3A_808, %cond3A_809 : i32
          scf.if %cond3A_810 {
            %dma_start3A_811 = arith.constant 0 : i32
            %dma_start3A_812 = arith.constant 0 : i32
            %dma_start3A_813 = arith.constant 0 : i32
            %dma_start3A_814 = arith.constant 0 : i32
            %dma_start3A_815 = arith.constant 0 : i32
            %dma_start3A_816 = tpu.memref_slice %arg10[%dma_start3A_812, %dma_start3A_814, %dma_start3A_815] : memref<2x400x16xf32, #tpu.memory_space<vmem>> -> memref<1x400x16xf32, #tpu.memory_space<vmem>>
            %dma_start3A_817 = tpu.memref_squeeze %dma_start3A_816 : memref<1x400x16xf32, #tpu.memory_space<vmem>> -> memref<400x16xf32, #tpu.memory_space<vmem>>
            %dma_start3A_818 = arith.constant 0 : i32
            %dma_start3A_819 = tpu.memref_slice %arg7[%dma_start3A_811, %dma_start3A_818] : memref<2x400xi32, #tpu.memory_space<vmem>> -> memref<1x400xi32, #tpu.memory_space<vmem>>
            %dma_start3A_820 = tpu.memref_squeeze %dma_start3A_819 : memref<1x400xi32, #tpu.memory_space<vmem>> -> memref<400xi32, #tpu.memory_space<vmem>>
            %dma_start3A_821 = arith.constant 0 : i32
            %dma_start3A_822 = arith.constant 0 : i32
            %dma_start3A_823 = tpu.memref_slice %arg3[%dma_start3A_821, %dma_start3A_822] : memref<10000x16xf32, #tpu.memory_space<hbm>> -> memref<10000x16xf32, #tpu.memory_space<hbm>>
            %dma_start3A_824 = tpu.memref_slice %arg14[%dma_start3A_813] : memref<2x!tpu.dma_semaphore, #tpu.memory_space<semaphore_mem>> -> memref<1x!tpu.dma_semaphore, #tpu.memory_space<semaphore_mem>>
            %dma_start3A_825 = tpu.memref_squeeze %dma_start3A_824 : memref<1x!tpu.dma_semaphore, #tpu.memory_space<semaphore_mem>> -> memref<!tpu.dma_semaphore, #tpu.memory_space<semaphore_mem>>
            tpu.enqueue_indirect_dma source(%dma_start3A_823 : memref<10000x16xf32, #tpu.memory_space<hbm>>) target(%dma_start3A_817 : memref<400x16xf32, #tpu.memory_space<vmem>>) offsets(%dma_start3A_820 : memref<400xi32, #tpu.memory_space<vmem>>) semaphore(%dma_start3A_825 : memref<!tpu.dma_semaphore, #tpu.memory_space<semaphore_mem>>)
          } else {
          }
        } else {
        }
        %add3A_644 = arith.constant 3 : i32
        %add3A_645 = arith.addi %mul3A_309, %add3A_644 : i32
        %dma_wait3A_646 = arith.constant 1 : i32
        %dma_wait3A_647 = arith.constant 1 : i32
        %dma_wait3A_648 = arith.constant 1 : i32
        %dma_wait3A_649 = arith.constant 0 : i32
        %dma_wait3A_650 = arith.constant 0 : i32
        %dma_wait3A_651 = tpu.memref_slice %arg9[%dma_wait3A_647, %dma_wait3A_649, %dma_wait3A_650] : memref<2x400x128xi16, #tpu.memory_space<vmem>> -> memref<1x400x128xi16, #tpu.memory_space<vmem>>
        %dma_wait3A_652 = tpu.memref_squeeze %dma_wait3A_651 : memref<1x400x128xi16, #tpu.memory_space<vmem>> -> memref<400x128xi16, #tpu.memory_space<vmem>>
        %dma_wait3A_653 = arith.constant 0 : i32
        %dma_wait3A_654 = tpu.memref_slice %arg7[%dma_wait3A_646, %dma_wait3A_653] : memref<2x400xi32, #tpu.memory_space<vmem>> -> memref<1x400xi32, #tpu.memory_space<vmem>>
        %dma_wait3A_655 = tpu.memref_squeeze %dma_wait3A_654 : memref<1x400xi32, #tpu.memory_space<vmem>> -> memref<400xi32, #tpu.memory_space<vmem>>
        %dma_wait3A_656 = arith.constant 0 : i32
        %dma_wait3A_657 = arith.constant 0 : i32
        %dma_wait3A_658 = tpu.memref_slice %arg2[%cond3A_24, %dma_wait3A_656, %dma_wait3A_657] : memref<2x10000x128xi16, #tpu.memory_space<hbm>> -> memref<1x10000x128xi16, #tpu.memory_space<hbm>>
        %dma_wait3A_659 = tpu.memref_squeeze %dma_wait3A_658 : memref<1x10000x128xi16, #tpu.memory_space<hbm>> -> memref<10000x128xi16, #tpu.memory_space<hbm>>
        %dma_wait3A_660 = arith.constant 0 : i32
        %dma_wait3A_661 = arith.constant 0 : i32
        %dma_wait3A_662 = tpu.memref_slice %dma_wait3A_659[%dma_wait3A_660, %dma_wait3A_661] : memref<10000x128xi16, #tpu.memory_space<hbm>> -> memref<10000x128xi16, #tpu.memory_space<hbm>>
        %dma_wait3A_663 = tpu.memref_slice %arg13[%dma_wait3A_648] : memref<2x!tpu.dma_semaphore, #tpu.memory_space<semaphore_mem>> -> memref<1x!tpu.dma_semaphore, #tpu.memory_space<semaphore_mem>>
        %dma_wait3A_664 = tpu.memref_squeeze %dma_wait3A_663 : memref<1x!tpu.dma_semaphore, #tpu.memory_space<semaphore_mem>> -> memref<!tpu.dma_semaphore, #tpu.memory_space<semaphore_mem>>
        tpu.wait_indirect_dma semaphore(%dma_wait3A_664 : memref<!tpu.dma_semaphore, #tpu.memory_space<semaphore_mem>>) src(%dma_wait3A_662 : memref<10000x128xi16, #tpu.memory_space<hbm>>) dst(%dma_wait3A_652 : memref<400x128xi16, #tpu.memory_space<vmem>>)
        %ge3A_665 = arith.constant 13 : i32
        %ge3A_666 = arith.cmpi sge, %add3A_645, %ge3A_665 : i32
        %lt3A_667 = arith.constant 25 : i32
        %lt3A_668 = arith.cmpi slt, %add3A_645, %lt3A_667 : i32
        %and3A_669 = arith.andi %ge3A_666, %lt3A_668 : i1
        %convert_element_type3A_670 = arith.extui %and3A_669 : i1 to i32
        %cond3A_671 = arith.constant 0 : i32
        %cond3A_672 = arith.cmpi ne, %convert_element_type3A_670, %cond3A_671 : i32
        scf.if %cond3A_672 {
          %dma_wait3A_756 = arith.constant 1 : i32
          %dma_wait3A_757 = arith.constant 1 : i32
          %dma_wait3A_758 = arith.constant 1 : i32
          %dma_wait3A_759 = arith.constant 0 : i32
          %dma_wait3A_760 = arith.constant 0 : i32
          %dma_wait3A_761 = tpu.memref_slice %arg10[%dma_wait3A_757, %dma_wait3A_759, %dma_wait3A_760] : memref<2x400x16xf32, #tpu.memory_space<vmem>> -> memref<1x400x16xf32, #tpu.memory_space<vmem>>
          %dma_wait3A_762 = tpu.memref_squeeze %dma_wait3A_761 : memref<1x400x16xf32, #tpu.memory_space<vmem>> -> memref<400x16xf32, #tpu.memory_space<vmem>>
          %dma_wait3A_763 = arith.constant 0 : i32
          %dma_wait3A_764 = tpu.memref_slice %arg7[%dma_wait3A_756, %dma_wait3A_763] : memref<2x400xi32, #tpu.memory_space<vmem>> -> memref<1x400xi32, #tpu.memory_space<vmem>>
          %dma_wait3A_765 = tpu.memref_squeeze %dma_wait3A_764 : memref<1x400xi32, #tpu.memory_space<vmem>> -> memref<400xi32, #tpu.memory_space<vmem>>
          %dma_wait3A_766 = arith.constant 0 : i32
          %dma_wait3A_767 = arith.constant 0 : i32
          %dma_wait3A_768 = tpu.memref_slice %arg3[%dma_wait3A_766, %dma_wait3A_767] : memref<10000x16xf32, #tpu.memory_space<hbm>> -> memref<10000x16xf32, #tpu.memory_space<hbm>>
          %dma_wait3A_769 = tpu.memref_slice %arg14[%dma_wait3A_758] : memref<2x!tpu.dma_semaphore, #tpu.memory_space<semaphore_mem>> -> memref<1x!tpu.dma_semaphore, #tpu.memory_space<semaphore_mem>>
          %dma_wait3A_770 = tpu.memref_squeeze %dma_wait3A_769 : memref<1x!tpu.dma_semaphore, #tpu.memory_space<semaphore_mem>> -> memref<!tpu.dma_semaphore, #tpu.memory_space<semaphore_mem>>
          tpu.wait_indirect_dma semaphore(%dma_wait3A_770 : memref<!tpu.dma_semaphore, #tpu.memory_space<semaphore_mem>>) src(%dma_wait3A_768 : memref<10000x16xf32, #tpu.memory_space<hbm>>) dst(%dma_wait3A_762 : memref<400x16xf32, #tpu.memory_space<vmem>>)
        } else {
        }
        %add3A_673 = arith.constant 2 : i32
        %add3A_674 = arith.addi %add3A_645, %add3A_673 : i32
        %lt3A_675 = arith.constant 25 : i32
        %lt3A_676 = arith.cmpi slt, %add3A_674, %lt3A_675 : i32
        %convert_element_type3A_677 = arith.extui %lt3A_676 : i1 to i32
        %cond3A_678 = arith.constant 0 : i32
        %cond3A_679 = arith.cmpi ne, %convert_element_type3A_677, %cond3A_678 : i32
        scf.if %cond3A_679 {
          %add3A_756 = arith.constant 2 : i32
          %add3A_757 = arith.addi %add3A_645, %add3A_756 : i32
          %mul3A_758 = arith.constant 10000 : i32
          %mul3A_759 = arith.muli %arg1, %mul3A_758 : i32
          %mul3A_760 = arith.constant 400 : i32
          %mul3A_761 = arith.muli %add3A_757, %mul3A_760 : i32
          %add3A_762 = arith.addi %mul3A_759, %mul3A_761 : i32
          %multiple_of3A_763 = tpu.assume_multiple %add3A_762, 8 : i32
          %dma_start3A_764 = arith.constant 1 : i32
          %dma_start3A_765 = arith.constant 1 : i32
          %dma_start3A_766 = arith.constant 0 : i32
          %dma_start3A_767 = tpu.memref_slice %arg7[%dma_start3A_764, %dma_start3A_766] : memref<2x400xi32, #tpu.memory_space<vmem>> -> memref<1x400xi32, #tpu.memory_space<vmem>>
          %dma_start3A_768 = tpu.memref_squeeze %dma_start3A_767 : memref<1x400xi32, #tpu.memory_space<vmem>> -> memref<400xi32, #tpu.memory_space<vmem>>
          %dma_start3A_769 = arith.constant 0 : i32
          %dma_start3A_770 = tpu.memref_slice %arg4[%cond3A_22, %dma_start3A_769] : memref<2x160000xi32, #tpu.memory_space<hbm>> -> memref<1x160000xi32, #tpu.memory_space<hbm>>
          %dma_start3A_771 = tpu.memref_squeeze %dma_start3A_770 : memref<1x160000xi32, #tpu.memory_space<hbm>> -> memref<160000xi32, #tpu.memory_space<hbm>>
          %dma_start3A_772 = tpu.memref_slice %dma_start3A_771[%multiple_of3A_763] : memref<160000xi32, #tpu.memory_space<hbm>> -> memref<400xi32, #tpu.memory_space<hbm>>
          %dma_start3A_773 = tpu.memref_slice %arg15[%dma_start3A_765] : memref<2x!tpu.dma_semaphore, #tpu.memory_space<semaphore_mem>> -> memref<1x!tpu.dma_semaphore, #tpu.memory_space<semaphore_mem>>
          %dma_start3A_774 = tpu.memref_squeeze %dma_start3A_773 : memref<1x!tpu.dma_semaphore, #tpu.memory_space<semaphore_mem>> -> memref<!tpu.dma_semaphore, #tpu.memory_space<semaphore_mem>>
          %dma_start3A_775 = arith.constant 0 : i32
          %dma_start3A_776 = tpu.memref_slice %arg7[%dma_start3A_764, %dma_start3A_775] : memref<2x400xi32, #tpu.memory_space<vmem>> -> memref<1x400xi32, #tpu.memory_space<vmem>>
          %dma_start3A_777 = tpu.memref_squeeze %dma_start3A_776 : memref<1x400xi32, #tpu.memory_space<vmem>> -> memref<400xi32, #tpu.memory_space<vmem>>
          %dma_start3A_778 = arith.constant 0 : i32
          %dma_start3A_779 = tpu.memref_slice %arg4[%cond3A_22, %dma_start3A_778] : memref<2x160000xi32, #tpu.memory_space<hbm>> -> memref<1x160000xi32, #tpu.memory_space<hbm>>
          %dma_start3A_780 = tpu.memref_squeeze %dma_start3A_779 : memref<1x160000xi32, #tpu.memory_space<hbm>> -> memref<160000xi32, #tpu.memory_space<hbm>>
          %dma_start3A_781 = tpu.memref_slice %dma_start3A_780[%multiple_of3A_763] : memref<160000xi32, #tpu.memory_space<hbm>> -> memref<400xi32, #tpu.memory_space<hbm>>
          tpu.enqueue_dma source(%dma_start3A_781 : memref<400xi32, #tpu.memory_space<hbm>>) target(%dma_start3A_777 : memref<400xi32, #tpu.memory_space<vmem>>) target_semaphore(%dma_start3A_774 : memref<!tpu.dma_semaphore, #tpu.memory_space<semaphore_mem>>)
        } else {
        }
        %mul3A_680 = arith.constant 10000 : i32
        %mul3A_681 = arith.muli %arg1, %mul3A_680 : i32
        %mul3A_682 = arith.constant 400 : i32
        %mul3A_683 = arith.muli %add3A_645, %mul3A_682 : i32
        %add3A_684 = arith.addi %mul3A_681, %mul3A_683 : i32
        %multiple_of3A_685 = tpu.assume_multiple %add3A_684, 8 : i32
        %dma_wait3A_686 = arith.constant 3 : i32
        %dma_wait3A_687 = arith.constant 3 : i32
        %dma_wait3A_688 = arith.constant 0 : i32
        %dma_wait3A_689 = tpu.memref_slice %arg8[%dma_wait3A_686, %dma_wait3A_688] : memref<4x400xi32, #tpu.memory_space<vmem>> -> memref<1x400xi32, #tpu.memory_space<vmem>>
        %dma_wait3A_690 = tpu.memref_squeeze %dma_wait3A_689 : memref<1x400xi32, #tpu.memory_space<vmem>> -> memref<400xi32, #tpu.memory_space<vmem>>
        %dma_wait3A_691 = arith.constant 0 : i32
        %dma_wait3A_692 = tpu.memref_slice %arg4[%cond3A_23, %dma_wait3A_691] : memref<2x160000xi32, #tpu.memory_space<hbm>> -> memref<1x160000xi32, #tpu.memory_space<hbm>>
        %dma_wait3A_693 = tpu.memref_squeeze %dma_wait3A_692 : memref<1x160000xi32, #tpu.memory_space<hbm>> -> memref<160000xi32, #tpu.memory_space<hbm>>
        %dma_wait3A_694 = tpu.memref_slice %dma_wait3A_693[%multiple_of3A_685] : memref<160000xi32, #tpu.memory_space<hbm>> -> memref<400xi32, #tpu.memory_space<hbm>>
        %dma_wait3A_695 = tpu.memref_slice %arg16[%dma_wait3A_687] : memref<4x!tpu.dma_semaphore, #tpu.memory_space<semaphore_mem>> -> memref<1x!tpu.dma_semaphore, #tpu.memory_space<semaphore_mem>>
        %dma_wait3A_696 = tpu.memref_squeeze %dma_wait3A_695 : memref<1x!tpu.dma_semaphore, #tpu.memory_space<semaphore_mem>> -> memref<!tpu.dma_semaphore, #tpu.memory_space<semaphore_mem>>
        %dma_wait3A_697 = arith.constant 0 : i32
        %dma_wait3A_698 = tpu.memref_slice %arg8[%dma_wait3A_686, %dma_wait3A_697] : memref<4x400xi32, #tpu.memory_space<vmem>> -> memref<1x400xi32, #tpu.memory_space<vmem>>
        %dma_wait3A_699 = tpu.memref_squeeze %dma_wait3A_698 : memref<1x400xi32, #tpu.memory_space<vmem>> -> memref<400xi32, #tpu.memory_space<vmem>>
        %dma_wait3A_700 = arith.constant 0 : i32
        %dma_wait3A_701 = tpu.memref_slice %arg4[%cond3A_23, %dma_wait3A_700] : memref<2x160000xi32, #tpu.memory_space<hbm>> -> memref<1x160000xi32, #tpu.memory_space<hbm>>
        %dma_wait3A_702 = tpu.memref_squeeze %dma_wait3A_701 : memref<1x160000xi32, #tpu.memory_space<hbm>> -> memref<160000xi32, #tpu.memory_space<hbm>>
        %dma_wait3A_703 = tpu.memref_slice %dma_wait3A_702[%multiple_of3A_685] : memref<160000xi32, #tpu.memory_space<hbm>> -> memref<400xi32, #tpu.memory_space<hbm>>
        tpu.wait_dma2 semaphore(%dma_wait3A_696 : memref<!tpu.dma_semaphore, #tpu.memory_space<semaphore_mem>>) src(%dma_wait3A_703 : memref<400xi32, #tpu.memory_space<hbm>>) dst(%dma_wait3A_699 : memref<400xi32, #tpu.memory_space<vmem>>)
        %dma_start3A_704 = arith.constant 1 : i32
        %dma_start3A_705 = arith.constant 3 : i32
        %dma_start3A_706 = arith.constant 1 : i32
        %dma_start3A_707 = arith.constant 0 : i32
        %dma_start3A_708 = arith.constant 0 : i32
        %dma_start3A_709 = tpu.memref_slice %arg9[%dma_start3A_704, %dma_start3A_707, %dma_start3A_708] : memref<2x400x128xi16, #tpu.memory_space<vmem>> -> memref<1x400x128xi16, #tpu.memory_space<vmem>>
        %dma_start3A_710 = tpu.memref_squeeze %dma_start3A_709 : memref<1x400x128xi16, #tpu.memory_space<vmem>> -> memref<400x128xi16, #tpu.memory_space<vmem>>
        %dma_start3A_711 = arith.constant 0 : i32
        %dma_start3A_712 = tpu.memref_slice %arg8[%dma_start3A_705, %dma_start3A_711] : memref<4x400xi32, #tpu.memory_space<vmem>> -> memref<1x400xi32, #tpu.memory_space<vmem>>
        %dma_start3A_713 = tpu.memref_squeeze %dma_start3A_712 : memref<1x400xi32, #tpu.memory_space<vmem>> -> memref<400xi32, #tpu.memory_space<vmem>>
        %dma_start3A_714 = arith.constant 0 : i32
        %dma_start3A_715 = arith.constant 0 : i32
        %dma_start3A_716 = tpu.memref_slice %arg11[%dma_start3A_714, %dma_start3A_715] : memref<10000x128xi16, #tpu.memory_space<vmem_shared>> -> memref<10000x128xi16, #tpu.memory_space<vmem_shared>>
        %dma_start3A_717 = tpu.memref_slice %arg17[%dma_start3A_706] : memref<2x!tpu.dma_semaphore, #tpu.memory_space<semaphore_mem>> -> memref<1x!tpu.dma_semaphore, #tpu.memory_space<semaphore_mem>>
        %dma_start3A_718 = tpu.memref_squeeze %dma_start3A_717 : memref<1x!tpu.dma_semaphore, #tpu.memory_space<semaphore_mem>> -> memref<!tpu.dma_semaphore, #tpu.memory_space<semaphore_mem>>
        tpu.enqueue_indirect_dma source(%dma_start3A_710 : memref<400x128xi16, #tpu.memory_space<vmem>>) target(%dma_start3A_716 : memref<10000x128xi16, #tpu.memory_space<vmem_shared>>) offsets(%dma_start3A_713 : memref<400xi32, #tpu.memory_space<vmem>>) semaphore(%dma_start3A_718 : memref<!tpu.dma_semaphore, #tpu.memory_space<semaphore_mem>>) {add = true}
        %ge3A_719 = arith.constant 13 : i32
        %ge3A_720 = arith.cmpi sge, %add3A_645, %ge3A_719 : i32
        %lt3A_721 = arith.constant 25 : i32
        %lt3A_722 = arith.cmpi slt, %add3A_645, %lt3A_721 : i32
        %and3A_723 = arith.andi %ge3A_720, %lt3A_722 : i1
        %convert_element_type3A_724 = arith.extui %and3A_723 : i1 to i32
        %cond3A_725 = arith.constant 0 : i32
        %cond3A_726 = arith.cmpi ne, %convert_element_type3A_724, %cond3A_725 : i32
        scf.if %cond3A_726 {
          %dma_start3A_756 = arith.constant 1 : i32
          %dma_start3A_757 = arith.constant 3 : i32
          %dma_start3A_758 = arith.constant 1 : i32
          %dma_start3A_759 = arith.constant 0 : i32
          %dma_start3A_760 = arith.constant 0 : i32
          %dma_start3A_761 = tpu.memref_slice %arg10[%dma_start3A_756, %dma_start3A_759, %dma_start3A_760] : memref<2x400x16xf32, #tpu.memory_space<vmem>> -> memref<1x400x16xf32, #tpu.memory_space<vmem>>
          %dma_start3A_762 = tpu.memref_squeeze %dma_start3A_761 : memref<1x400x16xf32, #tpu.memory_space<vmem>> -> memref<400x16xf32, #tpu.memory_space<vmem>>
          %dma_start3A_763 = arith.constant 0 : i32
          %dma_start3A_764 = tpu.memref_slice %arg8[%dma_start3A_757, %dma_start3A_763] : memref<4x400xi32, #tpu.memory_space<vmem>> -> memref<1x400xi32, #tpu.memory_space<vmem>>
          %dma_start3A_765 = tpu.memref_squeeze %dma_start3A_764 : memref<1x400xi32, #tpu.memory_space<vmem>> -> memref<400xi32, #tpu.memory_space<vmem>>
          %dma_start3A_766 = arith.constant 0 : i32
          %dma_start3A_767 = arith.constant 0 : i32
          %dma_start3A_768 = tpu.memref_slice %arg12[%dma_start3A_766, %dma_start3A_767] : memref<10000x16xf32, #tpu.memory_space<vmem_shared>> -> memref<10000x16xf32, #tpu.memory_space<vmem_shared>>
          %dma_start3A_769 = tpu.memref_slice %arg18[%dma_start3A_758] : memref<2x!tpu.dma_semaphore, #tpu.memory_space<semaphore_mem>> -> memref<1x!tpu.dma_semaphore, #tpu.memory_space<semaphore_mem>>
          %dma_start3A_770 = tpu.memref_squeeze %dma_start3A_769 : memref<1x!tpu.dma_semaphore, #tpu.memory_space<semaphore_mem>> -> memref<!tpu.dma_semaphore, #tpu.memory_space<semaphore_mem>>
          tpu.enqueue_indirect_dma source(%dma_start3A_762 : memref<400x16xf32, #tpu.memory_space<vmem>>) target(%dma_start3A_768 : memref<10000x16xf32, #tpu.memory_space<vmem_shared>>) offsets(%dma_start3A_765 : memref<400xi32, #tpu.memory_space<vmem>>) semaphore(%dma_start3A_770 : memref<!tpu.dma_semaphore, #tpu.memory_space<semaphore_mem>>) {add = true}
          %dma_wait3A_771 = arith.constant 1 : i32
          %dma_wait3A_772 = arith.constant 3 : i32
          %dma_wait3A_773 = arith.constant 1 : i32
          %dma_wait3A_774 = arith.constant 0 : i32
          %dma_wait3A_775 = arith.constant 0 : i32
          %dma_wait3A_776 = tpu.memref_slice %arg10[%dma_wait3A_771, %dma_wait3A_774, %dma_wait3A_775] : memref<2x400x16xf32, #tpu.memory_space<vmem>> -> memref<1x400x16xf32, #tpu.memory_space<vmem>>
          %dma_wait3A_777 = tpu.memref_squeeze %dma_wait3A_776 : memref<1x400x16xf32, #tpu.memory_space<vmem>> -> memref<400x16xf32, #tpu.memory_space<vmem>>
          %dma_wait3A_778 = arith.constant 0 : i32
          %dma_wait3A_779 = tpu.memref_slice %arg8[%dma_wait3A_772, %dma_wait3A_778] : memref<4x400xi32, #tpu.memory_space<vmem>> -> memref<1x400xi32, #tpu.memory_space<vmem>>
          %dma_wait3A_780 = tpu.memref_squeeze %dma_wait3A_779 : memref<1x400xi32, #tpu.memory_space<vmem>> -> memref<400xi32, #tpu.memory_space<vmem>>
          %dma_wait3A_781 = arith.constant 0 : i32
          %dma_wait3A_782 = arith.constant 0 : i32
          %dma_wait3A_783 = tpu.memref_slice %arg12[%dma_wait3A_781, %dma_wait3A_782] : memref<10000x16xf32, #tpu.memory_space<vmem_shared>> -> memref<10000x16xf32, #tpu.memory_space<vmem_shared>>
          %dma_wait3A_784 = tpu.memref_slice %arg18[%dma_wait3A_773] : memref<2x!tpu.dma_semaphore, #tpu.memory_space<semaphore_mem>> -> memref<1x!tpu.dma_semaphore, #tpu.memory_space<semaphore_mem>>
          %dma_wait3A_785 = tpu.memref_squeeze %dma_wait3A_784 : memref<1x!tpu.dma_semaphore, #tpu.memory_space<semaphore_mem>> -> memref<!tpu.dma_semaphore, #tpu.memory_space<semaphore_mem>>
          tpu.wait_indirect_dma semaphore(%dma_wait3A_785 : memref<!tpu.dma_semaphore, #tpu.memory_space<semaphore_mem>>) src(%dma_wait3A_777 : memref<400x16xf32, #tpu.memory_space<vmem>>) dst(%dma_wait3A_783 : memref<10000x16xf32, #tpu.memory_space<vmem_shared>>)
        } else {
        }
        %dma_wait3A_727 = arith.constant 1 : i32
        %dma_wait3A_728 = arith.constant 3 : i32
        %dma_wait3A_729 = arith.constant 1 : i32
        %dma_wait3A_730 = arith.constant 0 : i32
        %dma_wait3A_731 = arith.constant 0 : i32
        %dma_wait3A_732 = tpu.memref_slice %arg9[%dma_wait3A_727, %dma_wait3A_730, %dma_wait3A_731] : memref<2x400x128xi16, #tpu.memory_space<vmem>> -> memref<1x400x128xi16, #tpu.memory_space<vmem>>
        %dma_wait3A_733 = tpu.memref_squeeze %dma_wait3A_732 : memref<1x400x128xi16, #tpu.memory_space<vmem>> -> memref<400x128xi16, #tpu.memory_space<vmem>>
        %dma_wait3A_734 = arith.constant 0 : i32
        %dma_wait3A_735 = tpu.memref_slice %arg8[%dma_wait3A_728, %dma_wait3A_734] : memref<4x400xi32, #tpu.memory_space<vmem>> -> memref<1x400xi32, #tpu.memory_space<vmem>>
        %dma_wait3A_736 = tpu.memref_squeeze %dma_wait3A_735 : memref<1x400xi32, #tpu.memory_space<vmem>> -> memref<400xi32, #tpu.memory_space<vmem>>
        %dma_wait3A_737 = arith.constant 0 : i32
        %dma_wait3A_738 = arith.constant 0 : i32
        %dma_wait3A_739 = tpu.memref_slice %arg11[%dma_wait3A_737, %dma_wait3A_738] : memref<10000x128xi16, #tpu.memory_space<vmem_shared>> -> memref<10000x128xi16, #tpu.memory_space<vmem_shared>>
        %dma_wait3A_740 = tpu.memref_slice %arg17[%dma_wait3A_729] : memref<2x!tpu.dma_semaphore, #tpu.memory_space<semaphore_mem>> -> memref<1x!tpu.dma_semaphore, #tpu.memory_space<semaphore_mem>>
        %dma_wait3A_741 = tpu.memref_squeeze %dma_wait3A_740 : memref<1x!tpu.dma_semaphore, #tpu.memory_space<semaphore_mem>> -> memref<!tpu.dma_semaphore, #tpu.memory_space<semaphore_mem>>
        tpu.wait_indirect_dma semaphore(%dma_wait3A_741 : memref<!tpu.dma_semaphore, #tpu.memory_space<semaphore_mem>>) src(%dma_wait3A_733 : memref<400x128xi16, #tpu.memory_space<vmem>>) dst(%dma_wait3A_739 : memref<10000x128xi16, #tpu.memory_space<vmem_shared>>)
        %add3A_742 = arith.constant 4 : i32
        %add3A_743 = arith.addi %add3A_645, %add3A_742 : i32
        %lt3A_744 = arith.constant 25 : i32
        %lt3A_745 = arith.cmpi slt, %add3A_743, %lt3A_744 : i32
        %convert_element_type3A_746 = arith.extui %lt3A_745 : i1 to i32
        %cond3A_747 = arith.constant 0 : i32
        %cond3A_748 = arith.cmpi ne, %convert_element_type3A_746, %cond3A_747 : i32
        scf.if %cond3A_748 {
          %add3A_756 = arith.constant 4 : i32
          %add3A_757 = arith.addi %add3A_645, %add3A_756 : i32
          %mul3A_758 = arith.constant 10000 : i32
          %mul3A_759 = arith.muli %arg1, %mul3A_758 : i32
          %mul3A_760 = arith.constant 400 : i32
          %mul3A_761 = arith.muli %add3A_757, %mul3A_760 : i32
          %add3A_762 = arith.addi %mul3A_759, %mul3A_761 : i32
          %multiple_of3A_763 = tpu.assume_multiple %add3A_762, 8 : i32
          %dma_start3A_764 = arith.constant 3 : i32
          %dma_start3A_765 = arith.constant 3 : i32
          %dma_start3A_766 = arith.constant 0 : i32
          %dma_start3A_767 = tpu.memref_slice %arg8[%dma_start3A_764, %dma_start3A_766] : memref<4x400xi32, #tpu.memory_space<vmem>> -> memref<1x400xi32, #tpu.memory_space<vmem>>
          %dma_start3A_768 = tpu.memref_squeeze %dma_start3A_767 : memref<1x400xi32, #tpu.memory_space<vmem>> -> memref<400xi32, #tpu.memory_space<vmem>>
          %dma_start3A_769 = arith.constant 0 : i32
          %dma_start3A_770 = tpu.memref_slice %arg4[%cond3A_23, %dma_start3A_769] : memref<2x160000xi32, #tpu.memory_space<hbm>> -> memref<1x160000xi32, #tpu.memory_space<hbm>>
          %dma_start3A_771 = tpu.memref_squeeze %dma_start3A_770 : memref<1x160000xi32, #tpu.memory_space<hbm>> -> memref<160000xi32, #tpu.memory_space<hbm>>
          %dma_start3A_772 = tpu.memref_slice %dma_start3A_771[%multiple_of3A_763] : memref<160000xi32, #tpu.memory_space<hbm>> -> memref<400xi32, #tpu.memory_space<hbm>>
          %dma_start3A_773 = tpu.memref_slice %arg16[%dma_start3A_765] : memref<4x!tpu.dma_semaphore, #tpu.memory_space<semaphore_mem>> -> memref<1x!tpu.dma_semaphore, #tpu.memory_space<semaphore_mem>>
          %dma_start3A_774 = tpu.memref_squeeze %dma_start3A_773 : memref<1x!tpu.dma_semaphore, #tpu.memory_space<semaphore_mem>> -> memref<!tpu.dma_semaphore, #tpu.memory_space<semaphore_mem>>
          %dma_start3A_775 = arith.constant 0 : i32
          %dma_start3A_776 = tpu.memref_slice %arg8[%dma_start3A_764, %dma_start3A_775] : memref<4x400xi32, #tpu.memory_space<vmem>> -> memref<1x400xi32, #tpu.memory_space<vmem>>
          %dma_start3A_777 = tpu.memref_squeeze %dma_start3A_776 : memref<1x400xi32, #tpu.memory_space<vmem>> -> memref<400xi32, #tpu.memory_space<vmem>>
          %dma_start3A_778 = arith.constant 0 : i32
          %dma_start3A_779 = tpu.memref_slice %arg4[%cond3A_23, %dma_start3A_778] : memref<2x160000xi32, #tpu.memory_space<hbm>> -> memref<1x160000xi32, #tpu.memory_space<hbm>>
          %dma_start3A_780 = tpu.memref_squeeze %dma_start3A_779 : memref<1x160000xi32, #tpu.memory_space<hbm>> -> memref<160000xi32, #tpu.memory_space<hbm>>
          %dma_start3A_781 = tpu.memref_slice %dma_start3A_780[%multiple_of3A_763] : memref<160000xi32, #tpu.memory_space<hbm>> -> memref<400xi32, #tpu.memory_space<hbm>>
          tpu.enqueue_dma source(%dma_start3A_781 : memref<400xi32, #tpu.memory_space<hbm>>) target(%dma_start3A_777 : memref<400xi32, #tpu.memory_space<vmem>>) target_semaphore(%dma_start3A_774 : memref<!tpu.dma_semaphore, #tpu.memory_space<semaphore_mem>>)
        } else {
        }
        %add3A_749 = arith.constant 2 : i32
        %add3A_750 = arith.addi %add3A_645, %add3A_749 : i32
        %lt3A_751 = arith.constant 25 : i32
        %lt3A_752 = arith.cmpi slt, %add3A_750, %lt3A_751 : i32
        %convert_element_type3A_753 = arith.extui %lt3A_752 : i1 to i32
        %cond3A_754 = arith.constant 0 : i32
        %cond3A_755 = arith.cmpi ne, %convert_element_type3A_753, %cond3A_754 : i32
        scf.if %cond3A_755 {
          %add3A_756 = arith.constant 2 : i32
          %add3A_757 = arith.addi %add3A_645, %add3A_756 : i32
          %mul3A_758 = arith.constant 10000 : i32
          %mul3A_759 = arith.muli %arg1, %mul3A_758 : i32
          %mul3A_760 = arith.constant 400 : i32
          %mul3A_761 = arith.muli %add3A_757, %mul3A_760 : i32
          %add3A_762 = arith.addi %mul3A_759, %mul3A_761 : i32
          %multiple_of3A_763 = tpu.assume_multiple %add3A_762, 8 : i32
          %dma_wait3A_764 = arith.constant 1 : i32
          %dma_wait3A_765 = arith.constant 1 : i32
          %dma_wait3A_766 = arith.constant 0 : i32
          %dma_wait3A_767 = tpu.memref_slice %arg7[%dma_wait3A_764, %dma_wait3A_766] : memref<2x400xi32, #tpu.memory_space<vmem>> -> memref<1x400xi32, #tpu.memory_space<vmem>>
          %dma_wait3A_768 = tpu.memref_squeeze %dma_wait3A_767 : memref<1x400xi32, #tpu.memory_space<vmem>> -> memref<400xi32, #tpu.memory_space<vmem>>
          %dma_wait3A_769 = arith.constant 0 : i32
          %dma_wait3A_770 = tpu.memref_slice %arg4[%cond3A_22, %dma_wait3A_769] : memref<2x160000xi32, #tpu.memory_space<hbm>> -> memref<1x160000xi32, #tpu.memory_space<hbm>>
          %dma_wait3A_771 = tpu.memref_squeeze %dma_wait3A_770 : memref<1x160000xi32, #tpu.memory_space<hbm>> -> memref<160000xi32, #tpu.memory_space<hbm>>
          %dma_wait3A_772 = tpu.memref_slice %dma_wait3A_771[%multiple_of3A_763] : memref<160000xi32, #tpu.memory_space<hbm>> -> memref<400xi32, #tpu.memory_space<hbm>>
          %dma_wait3A_773 = tpu.memref_slice %arg15[%dma_wait3A_765] : memref<2x!tpu.dma_semaphore, #tpu.memory_space<semaphore_mem>> -> memref<1x!tpu.dma_semaphore, #tpu.memory_space<semaphore_mem>>
          %dma_wait3A_774 = tpu.memref_squeeze %dma_wait3A_773 : memref<1x!tpu.dma_semaphore, #tpu.memory_space<semaphore_mem>> -> memref<!tpu.dma_semaphore, #tpu.memory_space<semaphore_mem>>
          %dma_wait3A_775 = arith.constant 0 : i32
          %dma_wait3A_776 = tpu.memref_slice %arg7[%dma_wait3A_764, %dma_wait3A_775] : memref<2x400xi32, #tpu.memory_space<vmem>> -> memref<1x400xi32, #tpu.memory_space<vmem>>
          %dma_wait3A_777 = tpu.memref_squeeze %dma_wait3A_776 : memref<1x400xi32, #tpu.memory_space<vmem>> -> memref<400xi32, #tpu.memory_space<vmem>>
          %dma_wait3A_778 = arith.constant 0 : i32
          %dma_wait3A_779 = tpu.memref_slice %arg4[%cond3A_22, %dma_wait3A_778] : memref<2x160000xi32, #tpu.memory_space<hbm>> -> memref<1x160000xi32, #tpu.memory_space<hbm>>
          %dma_wait3A_780 = tpu.memref_squeeze %dma_wait3A_779 : memref<1x160000xi32, #tpu.memory_space<hbm>> -> memref<160000xi32, #tpu.memory_space<hbm>>
          %dma_wait3A_781 = tpu.memref_slice %dma_wait3A_780[%multiple_of3A_763] : memref<160000xi32, #tpu.memory_space<hbm>> -> memref<400xi32, #tpu.memory_space<hbm>>
          tpu.wait_dma2 semaphore(%dma_wait3A_774 : memref<!tpu.dma_semaphore, #tpu.memory_space<semaphore_mem>>) src(%dma_wait3A_781 : memref<400xi32, #tpu.memory_space<hbm>>) dst(%dma_wait3A_777 : memref<400xi32, #tpu.memory_space<vmem>>)
          %dma_start3A_782 = arith.constant 1 : i32
          %dma_start3A_783 = arith.constant 1 : i32
          %dma_start3A_784 = arith.constant 1 : i32
          %dma_start3A_785 = arith.constant 0 : i32
          %dma_start3A_786 = arith.constant 0 : i32
          %dma_start3A_787 = tpu.memref_slice %arg9[%dma_start3A_783, %dma_start3A_785, %dma_start3A_786] : memref<2x400x128xi16, #tpu.memory_space<vmem>> -> memref<1x400x128xi16, #tpu.memory_space<vmem>>
          %dma_start3A_788 = tpu.memref_squeeze %dma_start3A_787 : memref<1x400x128xi16, #tpu.memory_space<vmem>> -> memref<400x128xi16, #tpu.memory_space<vmem>>
          %dma_start3A_789 = arith.constant 0 : i32
          %dma_start3A_790 = tpu.memref_slice %arg7[%dma_start3A_782, %dma_start3A_789] : memref<2x400xi32, #tpu.memory_space<vmem>> -> memref<1x400xi32, #tpu.memory_space<vmem>>
          %dma_start3A_791 = tpu.memref_squeeze %dma_start3A_790 : memref<1x400xi32, #tpu.memory_space<vmem>> -> memref<400xi32, #tpu.memory_space<vmem>>
          %dma_start3A_792 = arith.constant 0 : i32
          %dma_start3A_793 = arith.constant 0 : i32
          %dma_start3A_794 = tpu.memref_slice %arg2[%cond3A_24, %dma_start3A_792, %dma_start3A_793] : memref<2x10000x128xi16, #tpu.memory_space<hbm>> -> memref<1x10000x128xi16, #tpu.memory_space<hbm>>
          %dma_start3A_795 = tpu.memref_squeeze %dma_start3A_794 : memref<1x10000x128xi16, #tpu.memory_space<hbm>> -> memref<10000x128xi16, #tpu.memory_space<hbm>>
          %dma_start3A_796 = arith.constant 0 : i32
          %dma_start3A_797 = arith.constant 0 : i32
          %dma_start3A_798 = tpu.memref_slice %dma_start3A_795[%dma_start3A_796, %dma_start3A_797] : memref<10000x128xi16, #tpu.memory_space<hbm>> -> memref<10000x128xi16, #tpu.memory_space<hbm>>
          %dma_start3A_799 = tpu.memref_slice %arg13[%dma_start3A_784] : memref<2x!tpu.dma_semaphore, #tpu.memory_space<semaphore_mem>> -> memref<1x!tpu.dma_semaphore, #tpu.memory_space<semaphore_mem>>
          %dma_start3A_800 = tpu.memref_squeeze %dma_start3A_799 : memref<1x!tpu.dma_semaphore, #tpu.memory_space<semaphore_mem>> -> memref<!tpu.dma_semaphore, #tpu.memory_space<semaphore_mem>>
          tpu.enqueue_indirect_dma source(%dma_start3A_798 : memref<10000x128xi16, #tpu.memory_space<hbm>>) target(%dma_start3A_788 : memref<400x128xi16, #tpu.memory_space<vmem>>) offsets(%dma_start3A_791 : memref<400xi32, #tpu.memory_space<vmem>>) semaphore(%dma_start3A_800 : memref<!tpu.dma_semaphore, #tpu.memory_space<semaphore_mem>>)
          %add3A_801 = arith.constant 2 : i32
          %add3A_802 = arith.addi %add3A_645, %add3A_801 : i32
          %ge3A_803 = arith.constant 13 : i32
          %ge3A_804 = arith.cmpi sge, %add3A_802, %ge3A_803 : i32
          %lt3A_805 = arith.constant 25 : i32
          %lt3A_806 = arith.cmpi slt, %add3A_802, %lt3A_805 : i32
          %and3A_807 = arith.andi %ge3A_804, %lt3A_806 : i1
          %convert_element_type3A_808 = arith.extui %and3A_807 : i1 to i32
          %cond3A_809 = arith.constant 0 : i32
          %cond3A_810 = arith.cmpi ne, %convert_element_type3A_808, %cond3A_809 : i32
          scf.if %cond3A_810 {
            %dma_start3A_811 = arith.constant 1 : i32
            %dma_start3A_812 = arith.constant 1 : i32
            %dma_start3A_813 = arith.constant 1 : i32
            %dma_start3A_814 = arith.constant 0 : i32
            %dma_start3A_815 = arith.constant 0 : i32
            %dma_start3A_816 = tpu.memref_slice %arg10[%dma_start3A_812, %dma_start3A_814, %dma_start3A_815] : memref<2x400x16xf32, #tpu.memory_space<vmem>> -> memref<1x400x16xf32, #tpu.memory_space<vmem>>
            %dma_start3A_817 = tpu.memref_squeeze %dma_start3A_816 : memref<1x400x16xf32, #tpu.memory_space<vmem>> -> memref<400x16xf32, #tpu.memory_space<vmem>>
            %dma_start3A_818 = arith.constant 0 : i32
            %dma_start3A_819 = tpu.memref_slice %arg7[%dma_start3A_811, %dma_start3A_818] : memref<2x400xi32, #tpu.memory_space<vmem>> -> memref<1x400xi32, #tpu.memory_space<vmem>>
            %dma_start3A_820 = tpu.memref_squeeze %dma_start3A_819 : memref<1x400xi32, #tpu.memory_space<vmem>> -> memref<400xi32, #tpu.memory_space<vmem>>
            %dma_start3A_821 = arith.constant 0 : i32
            %dma_start3A_822 = arith.constant 0 : i32
            %dma_start3A_823 = tpu.memref_slice %arg3[%dma_start3A_821, %dma_start3A_822] : memref<10000x16xf32, #tpu.memory_space<hbm>> -> memref<10000x16xf32, #tpu.memory_space<hbm>>
            %dma_start3A_824 = tpu.memref_slice %arg14[%dma_start3A_813] : memref<2x!tpu.dma_semaphore, #tpu.memory_space<semaphore_mem>> -> memref<1x!tpu.dma_semaphore, #tpu.memory_space<semaphore_mem>>
            %dma_start3A_825 = tpu.memref_squeeze %dma_start3A_824 : memref<1x!tpu.dma_semaphore, #tpu.memory_space<semaphore_mem>> -> memref<!tpu.dma_semaphore, #tpu.memory_space<semaphore_mem>>
            tpu.enqueue_indirect_dma source(%dma_start3A_823 : memref<10000x16xf32, #tpu.memory_space<hbm>>) target(%dma_start3A_817 : memref<400x16xf32, #tpu.memory_space<vmem>>) offsets(%dma_start3A_820 : memref<400xi32, #tpu.memory_space<vmem>>) semaphore(%dma_start3A_825 : memref<!tpu.dma_semaphore, #tpu.memory_space<semaphore_mem>>)
          } else {
          }
        } else {
        }
      }
      %scan3A_184 = arith.constant 6 : i32
      %dma_wait3A = arith.constant 0 : i32
      %dma_wait3A_185 = arith.constant 0 : i32
      %dma_wait3A_186 = arith.constant 0 : i32
      %dma_wait3A_187 = arith.constant 0 : i32
      %dma_wait3A_188 = arith.constant 0 : i32
      %dma_wait3A_189 = tpu.memref_slice %arg9[%dma_wait3A_185, %dma_wait3A_187, %dma_wait3A_188] : memref<2x400x128xi16, #tpu.memory_space<vmem>> -> memref<1x400x128xi16, #tpu.memory_space<vmem>>
      %dma_wait3A_190 = tpu.memref_squeeze %dma_wait3A_189 : memref<1x400x128xi16, #tpu.memory_space<vmem>> -> memref<400x128xi16, #tpu.memory_space<vmem>>
      %dma_wait3A_191 = arith.constant 0 : i32
      %dma_wait3A_192 = tpu.memref_slice %arg7[%dma_wait3A, %dma_wait3A_191] : memref<2x400xi32, #tpu.memory_space<vmem>> -> memref<1x400xi32, #tpu.memory_space<vmem>>
      %dma_wait3A_193 = tpu.memref_squeeze %dma_wait3A_192 : memref<1x400xi32, #tpu.memory_space<vmem>> -> memref<400xi32, #tpu.memory_space<vmem>>
      %dma_wait3A_194 = arith.constant 0 : i32
      %dma_wait3A_195 = arith.constant 0 : i32
      %dma_wait3A_196 = tpu.memref_slice %arg2[%cond3A_24, %dma_wait3A_194, %dma_wait3A_195] : memref<2x10000x128xi16, #tpu.memory_space<hbm>> -> memref<1x10000x128xi16, #tpu.memory_space<hbm>>
      %dma_wait3A_197 = tpu.memref_squeeze %dma_wait3A_196 : memref<1x10000x128xi16, #tpu.memory_space<hbm>> -> memref<10000x128xi16, #tpu.memory_space<hbm>>
      %dma_wait3A_198 = arith.constant 0 : i32
      %dma_wait3A_199 = arith.constant 0 : i32
      %dma_wait3A_200 = tpu.memref_slice %dma_wait3A_197[%dma_wait3A_198, %dma_wait3A_199] : memref<10000x128xi16, #tpu.memory_space<hbm>> -> memref<10000x128xi16, #tpu.memory_space<hbm>>
      %dma_wait3A_201 = tpu.memref_slice %arg13[%dma_wait3A_186] : memref<2x!tpu.dma_semaphore, #tpu.memory_space<semaphore_mem>> -> memref<1x!tpu.dma_semaphore, #tpu.memory_space<semaphore_mem>>
      %dma_wait3A_202 = tpu.memref_squeeze %dma_wait3A_201 : memref<1x!tpu.dma_semaphore, #tpu.memory_space<semaphore_mem>> -> memref<!tpu.dma_semaphore, #tpu.memory_space<semaphore_mem>>
      tpu.wait_indirect_dma semaphore(%dma_wait3A_202 : memref<!tpu.dma_semaphore, #tpu.memory_space<semaphore_mem>>) src(%dma_wait3A_200 : memref<10000x128xi16, #tpu.memory_space<hbm>>) dst(%dma_wait3A_190 : memref<400x128xi16, #tpu.memory_space<vmem>>)
      %ge3A = arith.constant 24 : i32
      %ge3A_203 = arith.constant 13 : i32
      %ge3A_204 = arith.cmpi sge, %ge3A, %ge3A_203 : i32
      %lt3A_205 = arith.constant 24 : i32
      %lt3A_206 = arith.constant 25 : i32
      %lt3A_207 = arith.cmpi slt, %lt3A_205, %lt3A_206 : i32
      %and3A = arith.andi %ge3A_204, %lt3A_207 : i1
      %convert_element_type3A_208 = arith.extui %and3A : i1 to i32
      %cond3A_209 = arith.constant 0 : i32
      %cond3A_210 = arith.cmpi ne, %convert_element_type3A_208, %cond3A_209 : i32
      scf.if %cond3A_210 {
        %dma_wait3A_303 = arith.constant 0 : i32
        %dma_wait3A_304 = arith.constant 0 : i32
        %dma_wait3A_305 = arith.constant 0 : i32
        %dma_wait3A_306 = arith.constant 0 : i32
        %dma_wait3A_307 = arith.constant 0 : i32
        %dma_wait3A_308 = tpu.memref_slice %arg10[%dma_wait3A_304, %dma_wait3A_306, %dma_wait3A_307] : memref<2x400x16xf32, #tpu.memory_space<vmem>> -> memref<1x400x16xf32, #tpu.memory_space<vmem>>
        %dma_wait3A_309 = tpu.memref_squeeze %dma_wait3A_308 : memref<1x400x16xf32, #tpu.memory_space<vmem>> -> memref<400x16xf32, #tpu.memory_space<vmem>>
        %dma_wait3A_310 = arith.constant 0 : i32
        %dma_wait3A_311 = tpu.memref_slice %arg7[%dma_wait3A_303, %dma_wait3A_310] : memref<2x400xi32, #tpu.memory_space<vmem>> -> memref<1x400xi32, #tpu.memory_space<vmem>>
        %dma_wait3A_312 = tpu.memref_squeeze %dma_wait3A_311 : memref<1x400xi32, #tpu.memory_space<vmem>> -> memref<400xi32, #tpu.memory_space<vmem>>
        %dma_wait3A_313 = arith.constant 0 : i32
        %dma_wait3A_314 = arith.constant 0 : i32
        %dma_wait3A_315 = tpu.memref_slice %arg3[%dma_wait3A_313, %dma_wait3A_314] : memref<10000x16xf32, #tpu.memory_space<hbm>> -> memref<10000x16xf32, #tpu.memory_space<hbm>>
        %dma_wait3A_316 = tpu.memref_slice %arg14[%dma_wait3A_305] : memref<2x!tpu.dma_semaphore, #tpu.memory_space<semaphore_mem>> -> memref<1x!tpu.dma_semaphore, #tpu.memory_space<semaphore_mem>>
        %dma_wait3A_317 = tpu.memref_squeeze %dma_wait3A_316 : memref<1x!tpu.dma_semaphore, #tpu.memory_space<semaphore_mem>> -> memref<!tpu.dma_semaphore, #tpu.memory_space<semaphore_mem>>
        tpu.wait_indirect_dma semaphore(%dma_wait3A_317 : memref<!tpu.dma_semaphore, #tpu.memory_space<semaphore_mem>>) src(%dma_wait3A_315 : memref<10000x16xf32, #tpu.memory_space<hbm>>) dst(%dma_wait3A_309 : memref<400x16xf32, #tpu.memory_space<vmem>>)
      } else {
      }
      %add3A_211 = arith.constant 24 : i32
      %add3A_212 = arith.constant 2 : i32
      %add3A_213 = arith.addi %add3A_211, %add3A_212 : i32
      %lt3A_214 = arith.constant 25 : i32
      %lt3A_215 = arith.cmpi slt, %add3A_213, %lt3A_214 : i32
      %convert_element_type3A_216 = arith.extui %lt3A_215 : i1 to i32
      %cond3A_217 = arith.constant 24 : i32
      %cond3A_218 = arith.constant 0 : i32
      %cond3A_219 = arith.cmpi ne, %convert_element_type3A_216, %cond3A_218 : i32
      scf.if %cond3A_219 {
        %add3A_303 = arith.constant 2 : i32
        %add3A_304 = arith.addi %cond3A_217, %add3A_303 : i32
        %mul3A_305 = arith.constant 10000 : i32
        %mul3A_306 = arith.muli %arg1, %mul3A_305 : i32
        %mul3A_307 = arith.constant 400 : i32
        %mul3A_308 = arith.muli %add3A_304, %mul3A_307 : i32
        %add3A_309 = arith.addi %mul3A_306, %mul3A_308 : i32
        %multiple_of3A_310 = tpu.assume_multiple %add3A_309, 8 : i32
        %dma_start3A_311 = arith.constant 0 : i32
        %dma_start3A_312 = arith.constant 0 : i32
        %dma_start3A_313 = arith.constant 0 : i32
        %dma_start3A_314 = tpu.memref_slice %arg7[%dma_start3A_311, %dma_start3A_313] : memref<2x400xi32, #tpu.memory_space<vmem>> -> memref<1x400xi32, #tpu.memory_space<vmem>>
        %dma_start3A_315 = tpu.memref_squeeze %dma_start3A_314 : memref<1x400xi32, #tpu.memory_space<vmem>> -> memref<400xi32, #tpu.memory_space<vmem>>
        %dma_start3A_316 = arith.constant 0 : i32
        %dma_start3A_317 = tpu.memref_slice %arg4[%cond3A_22, %dma_start3A_316] : memref<2x160000xi32, #tpu.memory_space<hbm>> -> memref<1x160000xi32, #tpu.memory_space<hbm>>
        %dma_start3A_318 = tpu.memref_squeeze %dma_start3A_317 : memref<1x160000xi32, #tpu.memory_space<hbm>> -> memref<160000xi32, #tpu.memory_space<hbm>>
        %dma_start3A_319 = tpu.memref_slice %dma_start3A_318[%multiple_of3A_310] : memref<160000xi32, #tpu.memory_space<hbm>> -> memref<400xi32, #tpu.memory_space<hbm>>
        %dma_start3A_320 = tpu.memref_slice %arg15[%dma_start3A_312] : memref<2x!tpu.dma_semaphore, #tpu.memory_space<semaphore_mem>> -> memref<1x!tpu.dma_semaphore, #tpu.memory_space<semaphore_mem>>
        %dma_start3A_321 = tpu.memref_squeeze %dma_start3A_320 : memref<1x!tpu.dma_semaphore, #tpu.memory_space<semaphore_mem>> -> memref<!tpu.dma_semaphore, #tpu.memory_space<semaphore_mem>>
        %dma_start3A_322 = arith.constant 0 : i32
        %dma_start3A_323 = tpu.memref_slice %arg7[%dma_start3A_311, %dma_start3A_322] : memref<2x400xi32, #tpu.memory_space<vmem>> -> memref<1x400xi32, #tpu.memory_space<vmem>>
        %dma_start3A_324 = tpu.memref_squeeze %dma_start3A_323 : memref<1x400xi32, #tpu.memory_space<vmem>> -> memref<400xi32, #tpu.memory_space<vmem>>
        %dma_start3A_325 = arith.constant 0 : i32
        %dma_start3A_326 = tpu.memref_slice %arg4[%cond3A_22, %dma_start3A_325] : memref<2x160000xi32, #tpu.memory_space<hbm>> -> memref<1x160000xi32, #tpu.memory_space<hbm>>
        %dma_start3A_327 = tpu.memref_squeeze %dma_start3A_326 : memref<1x160000xi32, #tpu.memory_space<hbm>> -> memref<160000xi32, #tpu.memory_space<hbm>>
        %dma_start3A_328 = tpu.memref_slice %dma_start3A_327[%multiple_of3A_310] : memref<160000xi32, #tpu.memory_space<hbm>> -> memref<400xi32, #tpu.memory_space<hbm>>
        tpu.enqueue_dma source(%dma_start3A_328 : memref<400xi32, #tpu.memory_space<hbm>>) target(%dma_start3A_324 : memref<400xi32, #tpu.memory_space<vmem>>) target_semaphore(%dma_start3A_321 : memref<!tpu.dma_semaphore, #tpu.memory_space<semaphore_mem>>)
      } else {
      }
      %mul3A_220 = arith.constant 10000 : i32
      %mul3A_221 = arith.muli %arg1, %mul3A_220 : i32
      %mul3A_222 = arith.constant 24 : i32
      %mul3A_223 = arith.constant 400 : i32
      %mul3A_224 = arith.muli %mul3A_222, %mul3A_223 : i32
      %add3A_225 = arith.addi %mul3A_221, %mul3A_224 : i32
      %multiple_of3A_226 = tpu.assume_multiple %add3A_225, 8 : i32
      %dma_wait3A_227 = arith.constant 0 : i32
      %dma_wait3A_228 = arith.constant 0 : i32
      %dma_wait3A_229 = arith.constant 0 : i32
      %dma_wait3A_230 = tpu.memref_slice %arg8[%dma_wait3A_227, %dma_wait3A_229] : memref<4x400xi32, #tpu.memory_space<vmem>> -> memref<1x400xi32, #tpu.memory_space<vmem>>
      %dma_wait3A_231 = tpu.memref_squeeze %dma_wait3A_230 : memref<1x400xi32, #tpu.memory_space<vmem>> -> memref<400xi32, #tpu.memory_space<vmem>>
      %dma_wait3A_232 = arith.constant 0 : i32
      %dma_wait3A_233 = tpu.memref_slice %arg4[%cond3A_23, %dma_wait3A_232] : memref<2x160000xi32, #tpu.memory_space<hbm>> -> memref<1x160000xi32, #tpu.memory_space<hbm>>
      %dma_wait3A_234 = tpu.memref_squeeze %dma_wait3A_233 : memref<1x160000xi32, #tpu.memory_space<hbm>> -> memref<160000xi32, #tpu.memory_space<hbm>>
      %dma_wait3A_235 = tpu.memref_slice %dma_wait3A_234[%multiple_of3A_226] : memref<160000xi32, #tpu.memory_space<hbm>> -> memref<400xi32, #tpu.memory_space<hbm>>
      %dma_wait3A_236 = tpu.memref_slice %arg16[%dma_wait3A_228] : memref<4x!tpu.dma_semaphore, #tpu.memory_space<semaphore_mem>> -> memref<1x!tpu.dma_semaphore, #tpu.memory_space<semaphore_mem>>
      %dma_wait3A_237 = tpu.memref_squeeze %dma_wait3A_236 : memref<1x!tpu.dma_semaphore, #tpu.memory_space<semaphore_mem>> -> memref<!tpu.dma_semaphore, #tpu.memory_space<semaphore_mem>>
      %dma_wait3A_238 = arith.constant 0 : i32
      %dma_wait3A_239 = tpu.memref_slice %arg8[%dma_wait3A_227, %dma_wait3A_238] : memref<4x400xi32, #tpu.memory_space<vmem>> -> memref<1x400xi32, #tpu.memory_space<vmem>>
      %dma_wait3A_240 = tpu.memref_squeeze %dma_wait3A_239 : memref<1x400xi32, #tpu.memory_space<vmem>> -> memref<400xi32, #tpu.memory_space<vmem>>
      %dma_wait3A_241 = arith.constant 0 : i32
      %dma_wait3A_242 = tpu.memref_slice %arg4[%cond3A_23, %dma_wait3A_241] : memref<2x160000xi32, #tpu.memory_space<hbm>> -> memref<1x160000xi32, #tpu.memory_space<hbm>>
      %dma_wait3A_243 = tpu.memref_squeeze %dma_wait3A_242 : memref<1x160000xi32, #tpu.memory_space<hbm>> -> memref<160000xi32, #tpu.memory_space<hbm>>
      %dma_wait3A_244 = tpu.memref_slice %dma_wait3A_243[%multiple_of3A_226] : memref<160000xi32, #tpu.memory_space<hbm>> -> memref<400xi32, #tpu.memory_space<hbm>>
      tpu.wait_dma2 semaphore(%dma_wait3A_237 : memref<!tpu.dma_semaphore, #tpu.memory_space<semaphore_mem>>) src(%dma_wait3A_244 : memref<400xi32, #tpu.memory_space<hbm>>) dst(%dma_wait3A_240 : memref<400xi32, #tpu.memory_space<vmem>>)
      %dma_start3A_245 = arith.constant 0 : i32
      %dma_start3A_246 = arith.constant 0 : i32
      %dma_start3A_247 = arith.constant 0 : i32
      %dma_start3A_248 = arith.constant 0 : i32
      %dma_start3A_249 = arith.constant 0 : i32
      %dma_start3A_250 = tpu.memref_slice %arg9[%dma_start3A_245, %dma_start3A_248, %dma_start3A_249] : memref<2x400x128xi16, #tpu.memory_space<vmem>> -> memref<1x400x128xi16, #tpu.memory_space<vmem>>
      %dma_start3A_251 = tpu.memref_squeeze %dma_start3A_250 : memref<1x400x128xi16, #tpu.memory_space<vmem>> -> memref<400x128xi16, #tpu.memory_space<vmem>>
      %dma_start3A_252 = arith.constant 0 : i32
      %dma_start3A_253 = tpu.memref_slice %arg8[%dma_start3A_246, %dma_start3A_252] : memref<4x400xi32, #tpu.memory_space<vmem>> -> memref<1x400xi32, #tpu.memory_space<vmem>>
      %dma_start3A_254 = tpu.memref_squeeze %dma_start3A_253 : memref<1x400xi32, #tpu.memory_space<vmem>> -> memref<400xi32, #tpu.memory_space<vmem>>
      %dma_start3A_255 = arith.constant 0 : i32
      %dma_start3A_256 = arith.constant 0 : i32
      %dma_start3A_257 = tpu.memref_slice %arg11[%dma_start3A_255, %dma_start3A_256] : memref<10000x128xi16, #tpu.memory_space<vmem_shared>> -> memref<10000x128xi16, #tpu.memory_space<vmem_shared>>
      %dma_start3A_258 = tpu.memref_slice %arg17[%dma_start3A_247] : memref<2x!tpu.dma_semaphore, #tpu.memory_space<semaphore_mem>> -> memref<1x!tpu.dma_semaphore, #tpu.memory_space<semaphore_mem>>
      %dma_start3A_259 = tpu.memref_squeeze %dma_start3A_258 : memref<1x!tpu.dma_semaphore, #tpu.memory_space<semaphore_mem>> -> memref<!tpu.dma_semaphore, #tpu.memory_space<semaphore_mem>>
      tpu.enqueue_indirect_dma source(%dma_start3A_251 : memref<400x128xi16, #tpu.memory_space<vmem>>) target(%dma_start3A_257 : memref<10000x128xi16, #tpu.memory_space<vmem_shared>>) offsets(%dma_start3A_254 : memref<400xi32, #tpu.memory_space<vmem>>) semaphore(%dma_start3A_259 : memref<!tpu.dma_semaphore, #tpu.memory_space<semaphore_mem>>) {add = true}
      %ge3A_260 = arith.constant 24 : i32
      %ge3A_261 = arith.constant 13 : i32
      %ge3A_262 = arith.cmpi sge, %ge3A_260, %ge3A_261 : i32
      %lt3A_263 = arith.constant 24 : i32
      %lt3A_264 = arith.constant 25 : i32
      %lt3A_265 = arith.cmpi slt, %lt3A_263, %lt3A_264 : i32
      %and3A_266 = arith.andi %ge3A_262, %lt3A_265 : i1
      %convert_element_type3A_267 = arith.extui %and3A_266 : i1 to i32
      %cond3A_268 = arith.constant 0 : i32
      %cond3A_269 = arith.cmpi ne, %convert_element_type3A_267, %cond3A_268 : i32
      scf.if %cond3A_269 {
        %dma_start3A_303 = arith.constant 0 : i32
        %dma_start3A_304 = arith.constant 0 : i32
        %dma_start3A_305 = arith.constant 0 : i32
        %dma_start3A_306 = arith.constant 0 : i32
        %dma_start3A_307 = arith.constant 0 : i32
        %dma_start3A_308 = tpu.memref_slice %arg10[%dma_start3A_303, %dma_start3A_306, %dma_start3A_307] : memref<2x400x16xf32, #tpu.memory_space<vmem>> -> memref<1x400x16xf32, #tpu.memory_space<vmem>>
        %dma_start3A_309 = tpu.memref_squeeze %dma_start3A_308 : memref<1x400x16xf32, #tpu.memory_space<vmem>> -> memref<400x16xf32, #tpu.memory_space<vmem>>
        %dma_start3A_310 = arith.constant 0 : i32
        %dma_start3A_311 = tpu.memref_slice %arg8[%dma_start3A_304, %dma_start3A_310] : memref<4x400xi32, #tpu.memory_space<vmem>> -> memref<1x400xi32, #tpu.memory_space<vmem>>
        %dma_start3A_312 = tpu.memref_squeeze %dma_start3A_311 : memref<1x400xi32, #tpu.memory_space<vmem>> -> memref<400xi32, #tpu.memory_space<vmem>>
        %dma_start3A_313 = arith.constant 0 : i32
        %dma_start3A_314 = arith.constant 0 : i32
        %dma_start3A_315 = tpu.memref_slice %arg12[%dma_start3A_313, %dma_start3A_314] : memref<10000x16xf32, #tpu.memory_space<vmem_shared>> -> memref<10000x16xf32, #tpu.memory_space<vmem_shared>>
        %dma_start3A_316 = tpu.memref_slice %arg18[%dma_start3A_305] : memref<2x!tpu.dma_semaphore, #tpu.memory_space<semaphore_mem>> -> memref<1x!tpu.dma_semaphore, #tpu.memory_space<semaphore_mem>>
        %dma_start3A_317 = tpu.memref_squeeze %dma_start3A_316 : memref<1x!tpu.dma_semaphore, #tpu.memory_space<semaphore_mem>> -> memref<!tpu.dma_semaphore, #tpu.memory_space<semaphore_mem>>
        tpu.enqueue_indirect_dma source(%dma_start3A_309 : memref<400x16xf32, #tpu.memory_space<vmem>>) target(%dma_start3A_315 : memref<10000x16xf32, #tpu.memory_space<vmem_shared>>) offsets(%dma_start3A_312 : memref<400xi32, #tpu.memory_space<vmem>>) semaphore(%dma_start3A_317 : memref<!tpu.dma_semaphore, #tpu.memory_space<semaphore_mem>>) {add = true}
        %dma_wait3A_318 = arith.constant 0 : i32
        %dma_wait3A_319 = arith.constant 0 : i32
        %dma_wait3A_320 = arith.constant 0 : i32
        %dma_wait3A_321 = arith.constant 0 : i32
        %dma_wait3A_322 = arith.constant 0 : i32
        %dma_wait3A_323 = tpu.memref_slice %arg10[%dma_wait3A_318, %dma_wait3A_321, %dma_wait3A_322] : memref<2x400x16xf32, #tpu.memory_space<vmem>> -> memref<1x400x16xf32, #tpu.memory_space<vmem>>
        %dma_wait3A_324 = tpu.memref_squeeze %dma_wait3A_323 : memref<1x400x16xf32, #tpu.memory_space<vmem>> -> memref<400x16xf32, #tpu.memory_space<vmem>>
        %dma_wait3A_325 = arith.constant 0 : i32
        %dma_wait3A_326 = tpu.memref_slice %arg8[%dma_wait3A_319, %dma_wait3A_325] : memref<4x400xi32, #tpu.memory_space<vmem>> -> memref<1x400xi32, #tpu.memory_space<vmem>>
        %dma_wait3A_327 = tpu.memref_squeeze %dma_wait3A_326 : memref<1x400xi32, #tpu.memory_space<vmem>> -> memref<400xi32, #tpu.memory_space<vmem>>
        %dma_wait3A_328 = arith.constant 0 : i32
        %dma_wait3A_329 = arith.constant 0 : i32
        %dma_wait3A_330 = tpu.memref_slice %arg12[%dma_wait3A_328, %dma_wait3A_329] : memref<10000x16xf32, #tpu.memory_space<vmem_shared>> -> memref<10000x16xf32, #tpu.memory_space<vmem_shared>>
        %dma_wait3A_331 = tpu.memref_slice %arg18[%dma_wait3A_320] : memref<2x!tpu.dma_semaphore, #tpu.memory_space<semaphore_mem>> -> memref<1x!tpu.dma_semaphore, #tpu.memory_space<semaphore_mem>>
        %dma_wait3A_332 = tpu.memref_squeeze %dma_wait3A_331 : memref<1x!tpu.dma_semaphore, #tpu.memory_space<semaphore_mem>> -> memref<!tpu.dma_semaphore, #tpu.memory_space<semaphore_mem>>
        tpu.wait_indirect_dma semaphore(%dma_wait3A_332 : memref<!tpu.dma_semaphore, #tpu.memory_space<semaphore_mem>>) src(%dma_wait3A_324 : memref<400x16xf32, #tpu.memory_space<vmem>>) dst(%dma_wait3A_330 : memref<10000x16xf32, #tpu.memory_space<vmem_shared>>)
      } else {
      }
      %dma_wait3A_270 = arith.constant 0 : i32
      %dma_wait3A_271 = arith.constant 0 : i32
      %dma_wait3A_272 = arith.constant 0 : i32
      %dma_wait3A_273 = arith.constant 0 : i32
      %dma_wait3A_274 = arith.constant 0 : i32
      %dma_wait3A_275 = tpu.memref_slice %arg9[%dma_wait3A_270, %dma_wait3A_273, %dma_wait3A_274] : memref<2x400x128xi16, #tpu.memory_space<vmem>> -> memref<1x400x128xi16, #tpu.memory_space<vmem>>
      %dma_wait3A_276 = tpu.memref_squeeze %dma_wait3A_275 : memref<1x400x128xi16, #tpu.memory_space<vmem>> -> memref<400x128xi16, #tpu.memory_space<vmem>>
      %dma_wait3A_277 = arith.constant 0 : i32
      %dma_wait3A_278 = tpu.memref_slice %arg8[%dma_wait3A_271, %dma_wait3A_277] : memref<4x400xi32, #tpu.memory_space<vmem>> -> memref<1x400xi32, #tpu.memory_space<vmem>>
      %dma_wait3A_279 = tpu.memref_squeeze %dma_wait3A_278 : memref<1x400xi32, #tpu.memory_space<vmem>> -> memref<400xi32, #tpu.memory_space<vmem>>
      %dma_wait3A_280 = arith.constant 0 : i32
      %dma_wait3A_281 = arith.constant 0 : i32
      %dma_wait3A_282 = tpu.memref_slice %arg11[%dma_wait3A_280, %dma_wait3A_281] : memref<10000x128xi16, #tpu.memory_space<vmem_shared>> -> memref<10000x128xi16, #tpu.memory_space<vmem_shared>>
      %dma_wait3A_283 = tpu.memref_slice %arg17[%dma_wait3A_272] : memref<2x!tpu.dma_semaphore, #tpu.memory_space<semaphore_mem>> -> memref<1x!tpu.dma_semaphore, #tpu.memory_space<semaphore_mem>>
      %dma_wait3A_284 = tpu.memref_squeeze %dma_wait3A_283 : memref<1x!tpu.dma_semaphore, #tpu.memory_space<semaphore_mem>> -> memref<!tpu.dma_semaphore, #tpu.memory_space<semaphore_mem>>
      tpu.wait_indirect_dma semaphore(%dma_wait3A_284 : memref<!tpu.dma_semaphore, #tpu.memory_space<semaphore_mem>>) src(%dma_wait3A_276 : memref<400x128xi16, #tpu.memory_space<vmem>>) dst(%dma_wait3A_282 : memref<10000x128xi16, #tpu.memory_space<vmem_shared>>)
      %add3A_285 = arith.constant 24 : i32
      %add3A_286 = arith.constant 4 : i32
      %add3A_287 = arith.addi %add3A_285, %add3A_286 : i32
      %lt3A_288 = arith.constant 25 : i32
      %lt3A_289 = arith.cmpi slt, %add3A_287, %lt3A_288 : i32
      %convert_element_type3A_290 = arith.extui %lt3A_289 : i1 to i32
      %cond3A_291 = arith.constant 24 : i32
      %cond3A_292 = arith.constant 0 : i32
      %cond3A_293 = arith.cmpi ne, %convert_element_type3A_290, %cond3A_292 : i32
      scf.if %cond3A_293 {
        %add3A_303 = arith.constant 4 : i32
        %add3A_304 = arith.addi %cond3A_291, %add3A_303 : i32
        %mul3A_305 = arith.constant 10000 : i32
        %mul3A_306 = arith.muli %arg1, %mul3A_305 : i32
        %mul3A_307 = arith.constant 400 : i32
        %mul3A_308 = arith.muli %add3A_304, %mul3A_307 : i32
        %add3A_309 = arith.addi %mul3A_306, %mul3A_308 : i32
        %multiple_of3A_310 = tpu.assume_multiple %add3A_309, 8 : i32
        %dma_start3A_311 = arith.constant 0 : i32
        %dma_start3A_312 = arith.constant 0 : i32
        %dma_start3A_313 = arith.constant 0 : i32
        %dma_start3A_314 = tpu.memref_slice %arg8[%dma_start3A_311, %dma_start3A_313] : memref<4x400xi32, #tpu.memory_space<vmem>> -> memref<1x400xi32, #tpu.memory_space<vmem>>
        %dma_start3A_315 = tpu.memref_squeeze %dma_start3A_314 : memref<1x400xi32, #tpu.memory_space<vmem>> -> memref<400xi32, #tpu.memory_space<vmem>>
        %dma_start3A_316 = arith.constant 0 : i32
        %dma_start3A_317 = tpu.memref_slice %arg4[%cond3A_23, %dma_start3A_316] : memref<2x160000xi32, #tpu.memory_space<hbm>> -> memref<1x160000xi32, #tpu.memory_space<hbm>>
        %dma_start3A_318 = tpu.memref_squeeze %dma_start3A_317 : memref<1x160000xi32, #tpu.memory_space<hbm>> -> memref<160000xi32, #tpu.memory_space<hbm>>
        %dma_start3A_319 = tpu.memref_slice %dma_start3A_318[%multiple_of3A_310] : memref<160000xi32, #tpu.memory_space<hbm>> -> memref<400xi32, #tpu.memory_space<hbm>>
        %dma_start3A_320 = tpu.memref_slice %arg16[%dma_start3A_312] : memref<4x!tpu.dma_semaphore, #tpu.memory_space<semaphore_mem>> -> memref<1x!tpu.dma_semaphore, #tpu.memory_space<semaphore_mem>>
        %dma_start3A_321 = tpu.memref_squeeze %dma_start3A_320 : memref<1x!tpu.dma_semaphore, #tpu.memory_space<semaphore_mem>> -> memref<!tpu.dma_semaphore, #tpu.memory_space<semaphore_mem>>
        %dma_start3A_322 = arith.constant 0 : i32
        %dma_start3A_323 = tpu.memref_slice %arg8[%dma_start3A_311, %dma_start3A_322] : memref<4x400xi32, #tpu.memory_space<vmem>> -> memref<1x400xi32, #tpu.memory_space<vmem>>
        %dma_start3A_324 = tpu.memref_squeeze %dma_start3A_323 : memref<1x400xi32, #tpu.memory_space<vmem>> -> memref<400xi32, #tpu.memory_space<vmem>>
        %dma_start3A_325 = arith.constant 0 : i32
        %dma_start3A_326 = tpu.memref_slice %arg4[%cond3A_23, %dma_start3A_325] : memref<2x160000xi32, #tpu.memory_space<hbm>> -> memref<1x160000xi32, #tpu.memory_space<hbm>>
        %dma_start3A_327 = tpu.memref_squeeze %dma_start3A_326 : memref<1x160000xi32, #tpu.memory_space<hbm>> -> memref<160000xi32, #tpu.memory_space<hbm>>
        %dma_start3A_328 = tpu.memref_slice %dma_start3A_327[%multiple_of3A_310] : memref<160000xi32, #tpu.memory_space<hbm>> -> memref<400xi32, #tpu.memory_space<hbm>>
        tpu.enqueue_dma source(%dma_start3A_328 : memref<400xi32, #tpu.memory_space<hbm>>) target(%dma_start3A_324 : memref<400xi32, #tpu.memory_space<vmem>>) target_semaphore(%dma_start3A_321 : memref<!tpu.dma_semaphore, #tpu.memory_space<semaphore_mem>>)
      } else {
      }
      %add3A_294 = arith.constant 24 : i32
      %add3A_295 = arith.constant 2 : i32
      %add3A_296 = arith.addi %add3A_294, %add3A_295 : i32
      %lt3A_297 = arith.constant 25 : i32
      %lt3A_298 = arith.cmpi slt, %add3A_296, %lt3A_297 : i32
      %convert_element_type3A_299 = arith.extui %lt3A_298 : i1 to i32
      %cond3A_300 = arith.constant 24 : i32
      %cond3A_301 = arith.constant 0 : i32
      %cond3A_302 = arith.cmpi ne, %convert_element_type3A_299, %cond3A_301 : i32
      scf.if %cond3A_302 {
        %add3A_303 = arith.constant 2 : i32
        %add3A_304 = arith.addi %cond3A_300, %add3A_303 : i32
        %mul3A_305 = arith.constant 10000 : i32
        %mul3A_306 = arith.muli %arg1, %mul3A_305 : i32
        %mul3A_307 = arith.constant 400 : i32
        %mul3A_308 = arith.muli %add3A_304, %mul3A_307 : i32
        %add3A_309 = arith.addi %mul3A_306, %mul3A_308 : i32
        %multiple_of3A_310 = tpu.assume_multiple %add3A_309, 8 : i32
        %dma_wait3A_311 = arith.constant 0 : i32
        %dma_wait3A_312 = arith.constant 0 : i32
        %dma_wait3A_313 = arith.constant 0 : i32
        %dma_wait3A_314 = tpu.memref_slice %arg7[%dma_wait3A_311, %dma_wait3A_313] : memref<2x400xi32, #tpu.memory_space<vmem>> -> memref<1x400xi32, #tpu.memory_space<vmem>>
        %dma_wait3A_315 = tpu.memref_squeeze %dma_wait3A_314 : memref<1x400xi32, #tpu.memory_space<vmem>> -> memref<400xi32, #tpu.memory_space<vmem>>
        %dma_wait3A_316 = arith.constant 0 : i32
        %dma_wait3A_317 = tpu.memref_slice %arg4[%cond3A_22, %dma_wait3A_316] : memref<2x160000xi32, #tpu.memory_space<hbm>> -> memref<1x160000xi32, #tpu.memory_space<hbm>>
        %dma_wait3A_318 = tpu.memref_squeeze %dma_wait3A_317 : memref<1x160000xi32, #tpu.memory_space<hbm>> -> memref<160000xi32, #tpu.memory_space<hbm>>
        %dma_wait3A_319 = tpu.memref_slice %dma_wait3A_318[%multiple_of3A_310] : memref<160000xi32, #tpu.memory_space<hbm>> -> memref<400xi32, #tpu.memory_space<hbm>>
        %dma_wait3A_320 = tpu.memref_slice %arg15[%dma_wait3A_312] : memref<2x!tpu.dma_semaphore, #tpu.memory_space<semaphore_mem>> -> memref<1x!tpu.dma_semaphore, #tpu.memory_space<semaphore_mem>>
        %dma_wait3A_321 = tpu.memref_squeeze %dma_wait3A_320 : memref<1x!tpu.dma_semaphore, #tpu.memory_space<semaphore_mem>> -> memref<!tpu.dma_semaphore, #tpu.memory_space<semaphore_mem>>
        %dma_wait3A_322 = arith.constant 0 : i32
        %dma_wait3A_323 = tpu.memref_slice %arg7[%dma_wait3A_311, %dma_wait3A_322] : memref<2x400xi32, #tpu.memory_space<vmem>> -> memref<1x400xi32, #tpu.memory_space<vmem>>
        %dma_wait3A_324 = tpu.memref_squeeze %dma_wait3A_323 : memref<1x400xi32, #tpu.memory_space<vmem>> -> memref<400xi32, #tpu.memory_space<vmem>>
        %dma_wait3A_325 = arith.constant 0 : i32
        %dma_wait3A_326 = tpu.memref_slice %arg4[%cond3A_22, %dma_wait3A_325] : memref<2x160000xi32, #tpu.memory_space<hbm>> -> memref<1x160000xi32, #tpu.memory_space<hbm>>
        %dma_wait3A_327 = tpu.memref_squeeze %dma_wait3A_326 : memref<1x160000xi32, #tpu.memory_space<hbm>> -> memref<160000xi32, #tpu.memory_space<hbm>>
        %dma_wait3A_328 = tpu.memref_slice %dma_wait3A_327[%multiple_of3A_310] : memref<160000xi32, #tpu.memory_space<hbm>> -> memref<400xi32, #tpu.memory_space<hbm>>
        tpu.wait_dma2 semaphore(%dma_wait3A_321 : memref<!tpu.dma_semaphore, #tpu.memory_space<semaphore_mem>>) src(%dma_wait3A_328 : memref<400xi32, #tpu.memory_space<hbm>>) dst(%dma_wait3A_324 : memref<400xi32, #tpu.memory_space<vmem>>)
        %dma_start3A_329 = arith.constant 0 : i32
        %dma_start3A_330 = arith.constant 0 : i32
        %dma_start3A_331 = arith.constant 0 : i32
        %dma_start3A_332 = arith.constant 0 : i32
        %dma_start3A_333 = arith.constant 0 : i32
        %dma_start3A_334 = tpu.memref_slice %arg9[%dma_start3A_330, %dma_start3A_332, %dma_start3A_333] : memref<2x400x128xi16, #tpu.memory_space<vmem>> -> memref<1x400x128xi16, #tpu.memory_space<vmem>>
        %dma_start3A_335 = tpu.memref_squeeze %dma_start3A_334 : memref<1x400x128xi16, #tpu.memory_space<vmem>> -> memref<400x128xi16, #tpu.memory_space<vmem>>
        %dma_start3A_336 = arith.constant 0 : i32
        %dma_start3A_337 = tpu.memref_slice %arg7[%dma_start3A_329, %dma_start3A_336] : memref<2x400xi32, #tpu.memory_space<vmem>> -> memref<1x400xi32, #tpu.memory_space<vmem>>
        %dma_start3A_338 = tpu.memref_squeeze %dma_start3A_337 : memref<1x400xi32, #tpu.memory_space<vmem>> -> memref<400xi32, #tpu.memory_space<vmem>>
        %dma_start3A_339 = arith.constant 0 : i32
        %dma_start3A_340 = arith.constant 0 : i32
        %dma_start3A_341 = tpu.memref_slice %arg2[%cond3A_24, %dma_start3A_339, %dma_start3A_340] : memref<2x10000x128xi16, #tpu.memory_space<hbm>> -> memref<1x10000x128xi16, #tpu.memory_space<hbm>>
        %dma_start3A_342 = tpu.memref_squeeze %dma_start3A_341 : memref<1x10000x128xi16, #tpu.memory_space<hbm>> -> memref<10000x128xi16, #tpu.memory_space<hbm>>
        %dma_start3A_343 = arith.constant 0 : i32
        %dma_start3A_344 = arith.constant 0 : i32
        %dma_start3A_345 = tpu.memref_slice %dma_start3A_342[%dma_start3A_343, %dma_start3A_344] : memref<10000x128xi16, #tpu.memory_space<hbm>> -> memref<10000x128xi16, #tpu.memory_space<hbm>>
        %dma_start3A_346 = tpu.memref_slice %arg13[%dma_start3A_331] : memref<2x!tpu.dma_semaphore, #tpu.memory_space<semaphore_mem>> -> memref<1x!tpu.dma_semaphore, #tpu.memory_space<semaphore_mem>>
        %dma_start3A_347 = tpu.memref_squeeze %dma_start3A_346 : memref<1x!tpu.dma_semaphore, #tpu.memory_space<semaphore_mem>> -> memref<!tpu.dma_semaphore, #tpu.memory_space<semaphore_mem>>
        tpu.enqueue_indirect_dma source(%dma_start3A_345 : memref<10000x128xi16, #tpu.memory_space<hbm>>) target(%dma_start3A_335 : memref<400x128xi16, #tpu.memory_space<vmem>>) offsets(%dma_start3A_338 : memref<400xi32, #tpu.memory_space<vmem>>) semaphore(%dma_start3A_347 : memref<!tpu.dma_semaphore, #tpu.memory_space<semaphore_mem>>)
        %add3A_348 = arith.constant 2 : i32
        %add3A_349 = arith.addi %cond3A_300, %add3A_348 : i32
        %ge3A_350 = arith.constant 13 : i32
        %ge3A_351 = arith.cmpi sge, %add3A_349, %ge3A_350 : i32
        %lt3A_352 = arith.constant 25 : i32
        %lt3A_353 = arith.cmpi slt, %add3A_349, %lt3A_352 : i32
        %and3A_354 = arith.andi %ge3A_351, %lt3A_353 : i1
        %convert_element_type3A_355 = arith.extui %and3A_354 : i1 to i32
        %cond3A_356 = arith.constant 0 : i32
        %cond3A_357 = arith.cmpi ne, %convert_element_type3A_355, %cond3A_356 : i32
        scf.if %cond3A_357 {
          %dma_start3A_358 = arith.constant 0 : i32
          %dma_start3A_359 = arith.constant 0 : i32
          %dma_start3A_360 = arith.constant 0 : i32
          %dma_start3A_361 = arith.constant 0 : i32
          %dma_start3A_362 = arith.constant 0 : i32
          %dma_start3A_363 = tpu.memref_slice %arg10[%dma_start3A_359, %dma_start3A_361, %dma_start3A_362] : memref<2x400x16xf32, #tpu.memory_space<vmem>> -> memref<1x400x16xf32, #tpu.memory_space<vmem>>
          %dma_start3A_364 = tpu.memref_squeeze %dma_start3A_363 : memref<1x400x16xf32, #tpu.memory_space<vmem>> -> memref<400x16xf32, #tpu.memory_space<vmem>>
          %dma_start3A_365 = arith.constant 0 : i32
          %dma_start3A_366 = tpu.memref_slice %arg7[%dma_start3A_358, %dma_start3A_365] : memref<2x400xi32, #tpu.memory_space<vmem>> -> memref<1x400xi32, #tpu.memory_space<vmem>>
          %dma_start3A_367 = tpu.memref_squeeze %dma_start3A_366 : memref<1x400xi32, #tpu.memory_space<vmem>> -> memref<400xi32, #tpu.memory_space<vmem>>
          %dma_start3A_368 = arith.constant 0 : i32
          %dma_start3A_369 = arith.constant 0 : i32
          %dma_start3A_370 = tpu.memref_slice %arg3[%dma_start3A_368, %dma_start3A_369] : memref<10000x16xf32, #tpu.memory_space<hbm>> -> memref<10000x16xf32, #tpu.memory_space<hbm>>
          %dma_start3A_371 = tpu.memref_slice %arg14[%dma_start3A_360] : memref<2x!tpu.dma_semaphore, #tpu.memory_space<semaphore_mem>> -> memref<1x!tpu.dma_semaphore, #tpu.memory_space<semaphore_mem>>
          %dma_start3A_372 = tpu.memref_squeeze %dma_start3A_371 : memref<1x!tpu.dma_semaphore, #tpu.memory_space<semaphore_mem>> -> memref<!tpu.dma_semaphore, #tpu.memory_space<semaphore_mem>>
          tpu.enqueue_indirect_dma source(%dma_start3A_370 : memref<10000x16xf32, #tpu.memory_space<hbm>>) target(%dma_start3A_364 : memref<400x16xf32, #tpu.memory_space<vmem>>) offsets(%dma_start3A_367 : memref<400xi32, #tpu.memory_space<vmem>>) semaphore(%dma_start3A_372 : memref<!tpu.dma_semaphore, #tpu.memory_space<semaphore_mem>>)
        } else {
        }
      } else {
      }
    } else {
    }
    %barrier3A_27 = arith.constant 0 : index
    tpu.barrier barrier_id(%barrier3A_27)
    %mul3A_28 = arith.constant 632 : i32
    %mul3A_29 = arith.muli %arg1, %mul3A_28 : i32
    %multiple_of3A_30 = tpu.assume_multiple %mul3A_29, 8 : i32
    %lt3A_31 = arith.constant 15 : i32
    %lt3A_32 = arith.cmpi slt, %arg1, %lt3A_31 : i32
    %convert_element_type3A_33 = arith.extui %lt3A_32 : i1 to i32
    %cond3A_34 = arith.constant 0 : i32
    %cond3A_35 = arith.cmpi ne, %convert_element_type3A_33, %cond3A_34 : i32
    scf.if %cond3A_35 {
      "tpu.region"() ({
        %run_scoped3A = tpu.sem_alloc : memref<!tpu.dma_semaphore, #tpu.memory_space<semaphore_mem>>
        %dma_start3A = arith.constant 0 : i32
        %dma_start3A_41 = tpu.memref_slice %arg5[%arg0, %multiple_of3A_30, %dma_start3A] : memref<2x10000x128xi16, #tpu.memory_space<hbm>> -> memref<1x632x128xi16, #tpu.memory_space<hbm>>
        %dma_start3A_42 = tpu.memref_squeeze %dma_start3A_41 : memref<1x632x128xi16, #tpu.memory_space<hbm>> -> memref<632x128xi16, #tpu.memory_space<hbm>>
        %dma_start3A_43 = arith.constant 0 : i32
        %dma_start3A_44 = tpu.memref_slice %arg11[%multiple_of3A_30, %dma_start3A_43] : memref<10000x128xi16, #tpu.memory_space<vmem_shared>> -> memref<632x128xi16, #tpu.memory_space<vmem_shared>>
        tpu.enqueue_dma source(%dma_start3A_44 : memref<632x128xi16, #tpu.memory_space<vmem_shared>>) target(%dma_start3A_42 : memref<632x128xi16, #tpu.memory_space<hbm>>) target_semaphore(%run_scoped3A : memref<!tpu.dma_semaphore, #tpu.memory_space<semaphore_mem>>)
        %dma_wait3A = arith.constant 0 : i32
        %dma_wait3A_45 = tpu.memref_slice %arg5[%arg0, %multiple_of3A_30, %dma_wait3A] : memref<2x10000x128xi16, #tpu.memory_space<hbm>> -> memref<1x632x128xi16, #tpu.memory_space<hbm>>
        %dma_wait3A_46 = tpu.memref_squeeze %dma_wait3A_45 : memref<1x632x128xi16, #tpu.memory_space<hbm>> -> memref<632x128xi16, #tpu.memory_space<hbm>>
        %dma_wait3A_47 = arith.constant 0 : i32
        %dma_wait3A_48 = tpu.memref_slice %arg11[%multiple_of3A_30, %dma_wait3A_47] : memref<10000x128xi16, #tpu.memory_space<vmem_shared>> -> memref<632x128xi16, #tpu.memory_space<vmem_shared>>
        tpu.wait_dma2 semaphore(%run_scoped3A : memref<!tpu.dma_semaphore, #tpu.memory_space<semaphore_mem>>) src(%dma_wait3A_48 : memref<632x128xi16, #tpu.memory_space<vmem_shared>>) dst(%dma_wait3A_46 : memref<632x128xi16, #tpu.memory_space<hbm>>)
        tpu.yield
      }) : () -> ()
      "tpu.region"() ({
        %run_scoped3A = tpu.sem_alloc : memref<!tpu.dma_semaphore, #tpu.memory_space<semaphore_mem>>
        %dma_start3A = arith.constant 0 : i32
        %dma_start3A_41 = tpu.memref_slice %arg6[%arg0, %multiple_of3A_30, %dma_start3A] : memref<2x10000x16xf32, #tpu.memory_space<hbm>> -> memref<1x632x16xf32, #tpu.memory_space<hbm>>
        %dma_start3A_42 = tpu.memref_squeeze %dma_start3A_41 : memref<1x632x16xf32, #tpu.memory_space<hbm>> -> memref<632x16xf32, #tpu.memory_space<hbm>>
        %dma_start3A_43 = arith.constant 0 : i32
        %dma_start3A_44 = tpu.memref_slice %arg12[%multiple_of3A_30, %dma_start3A_43] : memref<10000x16xf32, #tpu.memory_space<vmem_shared>> -> memref<632x16xf32, #tpu.memory_space<vmem_shared>>
        tpu.enqueue_dma source(%dma_start3A_44 : memref<632x16xf32, #tpu.memory_space<vmem_shared>>) target(%dma_start3A_42 : memref<632x16xf32, #tpu.memory_space<hbm>>) target_semaphore(%run_scoped3A : memref<!tpu.dma_semaphore, #tpu.memory_space<semaphore_mem>>)
        %dma_wait3A = arith.constant 0 : i32
        %dma_wait3A_45 = tpu.memref_slice %arg6[%arg0, %multiple_of3A_30, %dma_wait3A] : memref<2x10000x16xf32, #tpu.memory_space<hbm>> -> memref<1x632x16xf32, #tpu.memory_space<hbm>>
        %dma_wait3A_46 = tpu.memref_squeeze %dma_wait3A_45 : memref<1x632x16xf32, #tpu.memory_space<hbm>> -> memref<632x16xf32, #tpu.memory_space<hbm>>
        %dma_wait3A_47 = arith.constant 0 : i32
        %dma_wait3A_48 = tpu.memref_slice %arg12[%multiple_of3A_30, %dma_wait3A_47] : memref<10000x16xf32, #tpu.memory_space<vmem_shared>> -> memref<632x16xf32, #tpu.memory_space<vmem_shared>>
        tpu.wait_dma2 semaphore(%run_scoped3A : memref<!tpu.dma_semaphore, #tpu.memory_space<semaphore_mem>>) src(%dma_wait3A_48 : memref<632x16xf32, #tpu.memory_space<vmem_shared>>) dst(%dma_wait3A_46 : memref<632x16xf32, #tpu.memory_space<hbm>>)
        tpu.yield
      }) : () -> ()
    } else {
    }
    %eq3A_36 = arith.constant 15 : i32
    %eq3A_37 = arith.cmpi eq, %arg1, %eq3A_36 : i32
    %convert_element_type3A_38 = arith.extui %eq3A_37 : i1 to i32
    %cond3A_39 = arith.constant 0 : i32
    %cond3A_40 = arith.cmpi ne, %convert_element_type3A_38, %cond3A_39 : i32
    scf.if %cond3A_40 {
      "tpu.region"() ({
        %run_scoped3A = tpu.sem_alloc : memref<!tpu.dma_semaphore, #tpu.memory_space<semaphore_mem>>
        %dma_start3A = arith.constant 0 : i32
        %dma_start3A_41 = tpu.memref_slice %arg5[%arg0, %multiple_of3A_30, %dma_start3A] : memref<2x10000x128xi16, #tpu.memory_space<hbm>> -> memref<1x520x128xi16, #tpu.memory_space<hbm>>
        %dma_start3A_42 = tpu.memref_squeeze %dma_start3A_41 : memref<1x520x128xi16, #tpu.memory_space<hbm>> -> memref<520x128xi16, #tpu.memory_space<hbm>>
        %dma_start3A_43 = arith.constant 0 : i32
        %dma_start3A_44 = tpu.memref_slice %arg11[%multiple_of3A_30, %dma_start3A_43] : memref<10000x128xi16, #tpu.memory_space<vmem_shared>> -> memref<520x128xi16, #tpu.memory_space<vmem_shared>>
        tpu.enqueue_dma source(%dma_start3A_44 : memref<520x128xi16, #tpu.memory_space<vmem_shared>>) target(%dma_start3A_42 : memref<520x128xi16, #tpu.memory_space<hbm>>) target_semaphore(%run_scoped3A : memref<!tpu.dma_semaphore, #tpu.memory_space<semaphore_mem>>)
        %dma_wait3A = arith.constant 0 : i32
        %dma_wait3A_45 = tpu.memref_slice %arg5[%arg0, %multiple_of3A_30, %dma_wait3A] : memref<2x10000x128xi16, #tpu.memory_space<hbm>> -> memref<1x520x128xi16, #tpu.memory_space<hbm>>
        %dma_wait3A_46 = tpu.memref_squeeze %dma_wait3A_45 : memref<1x520x128xi16, #tpu.memory_space<hbm>> -> memref<520x128xi16, #tpu.memory_space<hbm>>
        %dma_wait3A_47 = arith.constant 0 : i32
        %dma_wait3A_48 = tpu.memref_slice %arg11[%multiple_of3A_30, %dma_wait3A_47] : memref<10000x128xi16, #tpu.memory_space<vmem_shared>> -> memref<520x128xi16, #tpu.memory_space<vmem_shared>>
        tpu.wait_dma2 semaphore(%run_scoped3A : memref<!tpu.dma_semaphore, #tpu.memory_space<semaphore_mem>>) src(%dma_wait3A_48 : memref<520x128xi16, #tpu.memory_space<vmem_shared>>) dst(%dma_wait3A_46 : memref<520x128xi16, #tpu.memory_space<hbm>>)
        tpu.yield
      }) : () -> ()
      "tpu.region"() ({
        %run_scoped3A = tpu.sem_alloc : memref<!tpu.dma_semaphore, #tpu.memory_space<semaphore_mem>>
        %dma_start3A = arith.constant 0 : i32
        %dma_start3A_41 = tpu.memref_slice %arg6[%arg0, %multiple_of3A_30, %dma_start3A] : memref<2x10000x16xf32, #tpu.memory_space<hbm>> -> memref<1x520x16xf32, #tpu.memory_space<hbm>>
        %dma_start3A_42 = tpu.memref_squeeze %dma_start3A_41 : memref<1x520x16xf32, #tpu.memory_space<hbm>> -> memref<520x16xf32, #tpu.memory_space<hbm>>
        %dma_start3A_43 = arith.constant 0 : i32
        %dma_start3A_44 = tpu.memref_slice %arg12[%multiple_of3A_30, %dma_start3A_43] : memref<10000x16xf32, #tpu.memory_space<vmem_shared>> -> memref<520x16xf32, #tpu.memory_space<vmem_shared>>
        tpu.enqueue_dma source(%dma_start3A_44 : memref<520x16xf32, #tpu.memory_space<vmem_shared>>) target(%dma_start3A_42 : memref<520x16xf32, #tpu.memory_space<hbm>>) target_semaphore(%run_scoped3A : memref<!tpu.dma_semaphore, #tpu.memory_space<semaphore_mem>>)
        %dma_wait3A = arith.constant 0 : i32
        %dma_wait3A_45 = tpu.memref_slice %arg6[%arg0, %multiple_of3A_30, %dma_wait3A] : memref<2x10000x16xf32, #tpu.memory_space<hbm>> -> memref<1x520x16xf32, #tpu.memory_space<hbm>>
        %dma_wait3A_46 = tpu.memref_squeeze %dma_wait3A_45 : memref<1x520x16xf32, #tpu.memory_space<hbm>> -> memref<520x16xf32, #tpu.memory_space<hbm>>
        %dma_wait3A_47 = arith.constant 0 : i32
        %dma_wait3A_48 = tpu.memref_slice %arg12[%multiple_of3A_30, %dma_wait3A_47] : memref<10000x16xf32, #tpu.memory_space<vmem_shared>> -> memref<520x16xf32, #tpu.memory_space<vmem_shared>>
        tpu.wait_dma2 semaphore(%run_scoped3A : memref<!tpu.dma_semaphore, #tpu.memory_space<semaphore_mem>>) src(%dma_wait3A_48 : memref<520x16xf32, #tpu.memory_space<vmem_shared>>) dst(%dma_wait3A_46 : memref<520x16xf32, #tpu.memory_space<hbm>>)
        tpu.yield
      }) : () -> ()
    } else {
    }
    return
  }
}

module attributes {stable_mosaic.version = 14 : i64} {
  func.func @_enc_body(%arg0: i32, %arg1: memref<2000x256xf32, #tpu.memory_space<vmem>>, %arg2: memref<2000x1xf32, #tpu.memory_space<vmem>>, %arg3: memref<256x256xf32, #tpu.memory_space<vmem>>, %arg4: memref<1x256xf32, #tpu.memory_space<vmem>>, %arg5: memref<256x256xf32, #tpu.memory_space<vmem>>, %arg6: memref<1x256xf32, #tpu.memory_space<vmem>>, %arg7: memref<2x2000x128xf32, #tpu.memory_space<vmem>>, %arg8: memref<2x2000x128xi16, #tpu.memory_space<vmem>>, %arg9: memref<2000x16xf32, #tpu.memory_space<vmem>>) attributes {dimension_semantics = [#tpu.dimension_semantics<arbitrary>], iteration_bounds = array<i64: 5>, scalar_prefetch = 0 : i64, scratch_operands = 0 : i64, tpu.core_type = #tpu.core_type<tc>, window_params = [{transform_indices = @transform_0, window_bounds = array<i64: 2000, 256>}, {transform_indices = @transform_1, window_bounds = array<i64: 2000, 1>}, {pipeline_mode = #tpu.pipeline_mode<synchronous>, transform_indices = @transform_2, window_bounds = array<i64: 256, 256>}, {pipeline_mode = #tpu.pipeline_mode<synchronous>, transform_indices = @transform_3, window_bounds = array<i64: 1, 256>}, {pipeline_mode = #tpu.pipeline_mode<synchronous>, transform_indices = @transform_4, window_bounds = array<i64: 256, 256>}, {pipeline_mode = #tpu.pipeline_mode<synchronous>, transform_indices = @transform_5, window_bounds = array<i64: 1, 256>}, {transform_indices = @transform_6, window_bounds = array<i64: 2, 2000, 128>}, {transform_indices = @transform_7, window_bounds = array<i64: 2, 2000, 128>}, {transform_indices = @transform_8, window_bounds = array<i64: 2000, 16>}]} {
    %get3A = arith.constant 0 : index
    %get3A_0 = arith.constant 0 : index
    %get3A_1 = vector.load %arg1[%get3A, %get3A_0] : memref<2000x256xf32, #tpu.memory_space<vmem>>, vector<2000x256xf32>
    %get3A_2 = arith.constant 0 : index
    %get3A_3 = arith.constant 0 : index
    %get3A_4 = vector.load %arg3[%get3A_2, %get3A_3] : memref<256x256xf32, #tpu.memory_space<vmem>>, vector<256x256xf32>
    %dot_general3A = arith.constant dense<0.000000e+00> : vector<2000x256xf32>
    %dot_general3A_5 = tpu.matmul %get3A_1, %get3A_4, %dot_general3A {dimension_numbers = #tpu.dot_dimension_numbers<[1], [0], [0], [1], [0, 0, 1, 1], [], []>, transpose_lhs_hint = false} : vector<2000x256xf32>, vector<256x256xf32>, vector<2000x256xf32> -> vector<2000x256xf32>
    %get3A_6 = arith.constant 0 : index
    %get3A_7 = arith.constant 0 : index
    %get3A_8 = vector.load %arg4[%get3A_6, %get3A_7] : memref<1x256xf32, #tpu.memory_space<vmem>>, vector<1x256xf32>
    %add3A = vector.broadcast %get3A_8 : vector<1x256xf32> to vector<2000x256xf32>
    %add3A_9 = arith.addf %dot_general3A_5, %add3A : vector<2000x256xf32>
    %gt3A = arith.constant 0.000000e+00 : f32
    %gt3A_10 = vector.broadcast %gt3A : f32 to vector<2000x256xf32>
    %gt3A_11 = arith.cmpf ogt, %add3A_9, %gt3A_10 : vector<2000x256xf32>
    %mul3A = arith.constant 2.000000e-01 : f32
    %mul3A_12 = vector.broadcast %mul3A : f32 to vector<2000x256xf32>
    %mul3A_13 = arith.mulf %mul3A_12, %add3A_9 : vector<2000x256xf32>
    %select_n3A = arith.select %gt3A_11, %add3A_9, %mul3A_13 : vector<2000x256xi1>, vector<2000x256xf32>
    %get3A_14 = arith.constant 0 : index
    %get3A_15 = arith.constant 0 : index
    %get3A_16 = vector.load %arg5[%get3A_14, %get3A_15] : memref<256x256xf32, #tpu.memory_space<vmem>>, vector<256x256xf32>
    %dot_general3A_17 = arith.constant dense<0.000000e+00> : vector<2000x256xf32>
    %dot_general3A_18 = tpu.matmul %select_n3A, %get3A_16, %dot_general3A_17 {dimension_numbers = #tpu.dot_dimension_numbers<[1], [0], [0], [1], [0, 0, 1, 1], [], []>, transpose_lhs_hint = false} : vector<2000x256xf32>, vector<256x256xf32>, vector<2000x256xf32> -> vector<2000x256xf32>
    %get3A_19 = arith.constant 0 : index
    %get3A_20 = arith.constant 0 : index
    %get3A_21 = vector.load %arg6[%get3A_19, %get3A_20] : memref<1x256xf32, #tpu.memory_space<vmem>>, vector<1x256xf32>
    %add3A_22 = vector.broadcast %get3A_21 : vector<1x256xf32> to vector<2000x256xf32>
    %add3A_23 = arith.addf %dot_general3A_18, %add3A_22 : vector<2000x256xf32>
    %gt3A_24 = arith.constant 0.000000e+00 : f32
    %gt3A_25 = vector.broadcast %gt3A_24 : f32 to vector<2000x256xf32>
    %gt3A_26 = arith.cmpf ogt, %add3A_23, %gt3A_25 : vector<2000x256xf32>
    %mul3A_27 = arith.constant 2.000000e-01 : f32
    %mul3A_28 = vector.broadcast %mul3A_27 : f32 to vector<2000x256xf32>
    %mul3A_29 = arith.mulf %mul3A_28, %add3A_23 : vector<2000x256xf32>
    %select_n3A_30 = arith.select %gt3A_26, %add3A_23, %mul3A_29 : vector<2000x256xi1>, vector<2000x256xf32>
    %slice3A = vector.extract_strided_slice %select_n3A_30 {offsets = [0, 0], sizes = [2000, 128], strides = [1, 1]} : vector<2000x256xf32> to vector<2000x128xf32>
    %swap3A = arith.constant 0 : index
    %swap3A_31 = arith.constant 0 : index
    %swap3A_32 = arith.constant 0 : index
    %swap3A_33 = vector.load %arg7[%swap3A, %swap3A_31, %swap3A_32] : memref<2x2000x128xf32, #tpu.memory_space<vmem>>, vector<1x2000x128xf32>
    %swap3A_34 = vector.shape_cast %swap3A_33 : vector<1x2000x128xf32> to vector<2000x128xf32>
    %swap3A_35 = vector.shape_cast %slice3A : vector<2000x128xf32> to vector<1x2000x128xf32>
    tpu.vector_store %arg7[%swap3A, %swap3A_31, %swap3A_32], %swap3A_35 {strides = array<i32>} : memref<2x2000x128xf32, #tpu.memory_space<vmem>>, vector<1x2000x128xf32>,
    %slice3A_36 = vector.extract_strided_slice %select_n3A_30 {offsets = [0, 128], sizes = [2000, 128], strides = [1, 1]} : vector<2000x256xf32> to vector<2000x128xf32>
    %swap3A_37 = arith.constant 1 : index
    %swap3A_38 = arith.constant 0 : index
    %swap3A_39 = arith.constant 0 : index
    %swap3A_40 = vector.load %arg7[%swap3A_37, %swap3A_38, %swap3A_39] : memref<2x2000x128xf32, #tpu.memory_space<vmem>>, vector<1x2000x128xf32>
    %swap3A_41 = vector.shape_cast %swap3A_40 : vector<1x2000x128xf32> to vector<2000x128xf32>
    %swap3A_42 = vector.shape_cast %slice3A_36 : vector<2000x128xf32> to vector<1x2000x128xf32>
    tpu.vector_store %arg7[%swap3A_37, %swap3A_38, %swap3A_39], %swap3A_42 {strides = array<i32>} : memref<2x2000x128xf32, #tpu.memory_space<vmem>>, vector<1x2000x128xf32>,
    %mul3A_43 = arith.constant 5.120000e+02 : f32
    %mul3A_44 = vector.broadcast %mul3A_43 : f32 to vector<2000x256xf32>
    %mul3A_45 = arith.mulf %select_n3A_30, %mul3A_44 : vector<2000x256xf32>
    %round3A = math.roundeven %mul3A_45 : vector<2000x256xf32>
    %jit3A = arith.constant -3.276700e+04 : f32
    %jit3A_46 = arith.constant 3.276700e+04 : f32
    %max3A = vector.broadcast %jit3A : f32 to vector<2000x256xf32>
    %max3A_47 = arith.maximumf %max3A, %round3A : vector<2000x256xf32>
    %min3A = vector.broadcast %jit3A_46 : f32 to vector<2000x256xf32>
    %min3A_48 = arith.minimumf %min3A, %max3A_47 : vector<2000x256xf32>
    %convert_element_type3A = arith.fptosi %min3A_48 : vector<2000x256xf32> to vector<2000x256xi16>
    %slice3A_49 = vector.extract_strided_slice %convert_element_type3A {offsets = [0, 0], sizes = [2000, 128], strides = [1, 1]} : vector<2000x256xi16> to vector<2000x128xi16>
    %swap3A_50 = arith.constant 0 : index
    %swap3A_51 = arith.constant 0 : index
    %swap3A_52 = arith.constant 0 : index
    %swap3A_53 = vector.load %arg8[%swap3A_50, %swap3A_51, %swap3A_52] : memref<2x2000x128xi16, #tpu.memory_space<vmem>>, vector<1x2000x128xi16>
    %swap3A_54 = vector.shape_cast %swap3A_53 : vector<1x2000x128xi16> to vector<2000x128xi16>
    %swap3A_55 = vector.shape_cast %slice3A_49 : vector<2000x128xi16> to vector<1x2000x128xi16>
    tpu.vector_store %arg8[%swap3A_50, %swap3A_51, %swap3A_52], %swap3A_55 {strides = array<i32>} : memref<2x2000x128xi16, #tpu.memory_space<vmem>>, vector<1x2000x128xi16>,
    %slice3A_56 = vector.extract_strided_slice %convert_element_type3A {offsets = [0, 128], sizes = [2000, 128], strides = [1, 1]} : vector<2000x256xi16> to vector<2000x128xi16>
    %swap3A_57 = arith.constant 1 : index
    %swap3A_58 = arith.constant 0 : index
    %swap3A_59 = arith.constant 0 : index
    %swap3A_60 = vector.load %arg8[%swap3A_57, %swap3A_58, %swap3A_59] : memref<2x2000x128xi16, #tpu.memory_space<vmem>>, vector<1x2000x128xi16>
    %swap3A_61 = vector.shape_cast %swap3A_60 : vector<1x2000x128xi16> to vector<2000x128xi16>
    %swap3A_62 = vector.shape_cast %slice3A_56 : vector<2000x128xi16> to vector<1x2000x128xi16>
    tpu.vector_store %arg8[%swap3A_57, %swap3A_58, %swap3A_59], %swap3A_62 {strides = array<i32>} : memref<2x2000x128xi16, #tpu.memory_space<vmem>>, vector<1x2000x128xi16>,
    %get3A_63 = arith.constant 0 : index
    %get3A_64 = arith.constant 0 : index
    %get3A_65 = vector.load %arg2[%get3A_63, %get3A_64] : memref<2000x1xf32, #tpu.memory_space<vmem>>, vector<2000x1xf32>
    %broadcast_in_dim3A = vector.shape_cast %get3A_65 : vector<2000x1xf32> to vector<2000x1xf32>
    %broadcast_in_dim3A_66 = vector.broadcast %broadcast_in_dim3A : vector<2000x1xf32> to vector<2000x16xf32>
    %swap3A_67 = arith.constant 0 : index
    %swap3A_68 = arith.constant 0 : index
    %swap3A_69 = vector.load %arg9[%swap3A_67, %swap3A_68] : memref<2000x16xf32, #tpu.memory_space<vmem>>, vector<2000x16xf32>
    tpu.vector_store %arg9[%swap3A_67, %swap3A_68], %broadcast_in_dim3A_66 {strides = array<i32>} : memref<2000x16xf32, #tpu.memory_space<vmem>>, vector<2000x16xf32>,
    return
  }
  func.func @transform_0(%arg0: i32) -> (i32, i32) {
    %c0_i32 = arith.constant 0 : i32
    %c0_i32_0 = arith.constant 0 : i32
    return %arg0, %c0_i32 : i32, i32
  }
  func.func @transform_1(%arg0: i32) -> (i32, i32) {
    %c0_i32 = arith.constant 0 : i32
    %c0_i32_0 = arith.constant 0 : i32
    return %arg0, %c0_i32 : i32, i32
  }
  func.func @transform_2(%arg0: i32) -> (i32, i32) {
    %c0_i32 = arith.constant 0 : i32
    %c0_i32_0 = arith.constant 0 : i32
    %c0_i32_1 = arith.constant 0 : i32
    return %c0_i32, %c0_i32_0 : i32, i32
  }
  func.func @transform_3(%arg0: i32) -> (i32, i32) {
    %c0_i32 = arith.constant 0 : i32
    %c0_i32_0 = arith.constant 0 : i32
    %c0_i32_1 = arith.constant 0 : i32
    return %c0_i32, %c0_i32_0 : i32, i32
  }
  func.func @transform_4(%arg0: i32) -> (i32, i32) {
    %c0_i32 = arith.constant 0 : i32
    %c0_i32_0 = arith.constant 0 : i32
    %c0_i32_1 = arith.constant 0 : i32
    return %c0_i32, %c0_i32_0 : i32, i32
  }
  func.func @transform_5(%arg0: i32) -> (i32, i32) {
    %c0_i32 = arith.constant 0 : i32
    %c0_i32_0 = arith.constant 0 : i32
    %c0_i32_1 = arith.constant 0 : i32
    return %c0_i32, %c0_i32_0 : i32, i32
  }
  func.func @transform_6(%arg0: i32) -> (i32, i32, i32) {
    %c0_i32 = arith.constant 0 : i32
    %c0_i32_0 = arith.constant 0 : i32
    %c0_i32_1 = arith.constant 0 : i32
    return %c0_i32, %arg0, %c0_i32_0 : i32, i32, i32
  }
  func.func @transform_7(%arg0: i32) -> (i32, i32, i32) {
    %c0_i32 = arith.constant 0 : i32
    %c0_i32_0 = arith.constant 0 : i32
    %c0_i32_1 = arith.constant 0 : i32
    return %c0_i32, %arg0, %c0_i32_0 : i32, i32, i32
  }
  func.func @transform_8(%arg0: i32) -> (i32, i32) {
    %c0_i32 = arith.constant 0 : i32
    %c0_i32_0 = arith.constant 0 : i32
    return %arg0, %c0_i32 : i32, i32
  }
}

module attributes {stable_mosaic.version = 14 : i64} {
  func.func @_heads_body(%arg0: i32, %arg1: memref<2x2000x128xf32, #tpu.memory_space<vmem>>, %arg2: memref<2x2000x128xi16, #tpu.memory_space<vmem>>, %arg3: memref<2000x1xf32, #tpu.memory_space<vmem>>, %arg4: memref<2x2000x16xf32, #tpu.memory_space<vmem>>, %arg5: memref<256x256xf32, #tpu.memory_space<vmem>>, %arg6: memref<1x256xf32, #tpu.memory_space<vmem>>, %arg7: memref<256x256xf32, #tpu.memory_space<vmem>>, %arg8: memref<1x256xf32, #tpu.memory_space<vmem>>, %arg9: memref<512x256xf32, #tpu.memory_space<vmem>>, %arg10: memref<1x256xf32, #tpu.memory_space<vmem>>, %arg11: memref<256x256xf32, #tpu.memory_space<vmem>>, %arg12: memref<1x256xf32, #tpu.memory_space<vmem>>, %arg13: memref<256x1xf32, #tpu.memory_space<vmem>>, %arg14: memref<1x1xf32, #tpu.memory_space<vmem>>, %arg15: memref<257x256xf32, #tpu.memory_space<vmem>>, %arg16: memref<1x256xf32, #tpu.memory_space<vmem>>, %arg17: memref<256x256xf32, #tpu.memory_space<vmem>>, %arg18: memref<1x256xf32, #tpu.memory_space<vmem>>, %arg19: memref<513x256xf32, #tpu.memory_space<vmem>>, %arg20: memref<1x256xf32, #tpu.memory_space<vmem>>, %arg21: memref<256x256xf32, #tpu.memory_space<vmem>>, %arg22: memref<1x256xf32, #tpu.memory_space<vmem>>, %arg23: memref<256x1xf32, #tpu.memory_space<vmem>>, %arg24: memref<1x1xf32, #tpu.memory_space<vmem>>, %arg25: memref<2000x1xf32, #tpu.memory_space<vmem>>, %arg26: memref<2000x1xf32, #tpu.memory_space<vmem>>) attributes {dimension_semantics = [#tpu.dimension_semantics<arbitrary>], iteration_bounds = array<i64: 5>, scalar_prefetch = 0 : i64, scratch_operands = 0 : i64, tpu.core_type = #tpu.core_type<tc>, window_params = [{transform_indices = @transform_0, window_bounds = array<i64: 2, 2000, 128>}, {transform_indices = @transform_1, window_bounds = array<i64: 2, 2000, 128>}, {transform_indices = @transform_2, window_bounds = array<i64: 2000, 1>}, {transform_indices = @transform_3, window_bounds = array<i64: 2, 2000, 16>}, {pipeline_mode = #tpu.pipeline_mode<synchronous>, transform_indices = @transform_4, window_bounds = array<i64: 256, 256>}, {pipeline_mode = #tpu.pipeline_mode<synchronous>, transform_indices = @transform_5, window_bounds = array<i64: 1, 256>}, {pipeline_mode = #tpu.pipeline_mode<synchronous>, transform_indices = @transform_6, window_bounds = array<i64: 256, 256>}, {pipeline_mode = #tpu.pipeline_mode<synchronous>, transform_indices = @transform_7, window_bounds = array<i64: 1, 256>}, {pipeline_mode = #tpu.pipeline_mode<synchronous>, transform_indices = @transform_8, window_bounds = array<i64: 512, 256>}, {pipeline_mode = #tpu.pipeline_mode<synchronous>, transform_indices = @transform_9, window_bounds = array<i64: 1, 256>}, {pipeline_mode = #tpu.pipeline_mode<synchronous>, transform_indices = @transform_10, window_bounds = array<i64: 256, 256>}, {pipeline_mode = #tpu.pipeline_mode<synchronous>, transform_indices = @transform_11, window_bounds = array<i64: 1, 256>}, {pipeline_mode = #tpu.pipeline_mode<synchronous>, transform_indices = @transform_12, window_bounds = array<i64: 256, 1>}, {pipeline_mode = #tpu.pipeline_mode<synchronous>, transform_indices = @transform_13, window_bounds = array<i64: 1, 1>}, {pipeline_mode = #tpu.pipeline_mode<synchronous>, transform_indices = @transform_14, window_bounds = array<i64: 257, 256>}, {pipeline_mode = #tpu.pipeline_mode<synchronous>, transform_indices = @transform_15, window_bounds = array<i64: 1, 256>}, {pipeline_mode = #tpu.pipeline_mode<synchronous>, transform_indices = @transform_16, window_bounds = array<i64: 256, 256>}, {pipeline_mode = #tpu.pipeline_mode<synchronous>, transform_indices = @transform_17, window_bounds = array<i64: 1, 256>}, {pipeline_mode = #tpu.pipeline_mode<synchronous>, transform_indices = @transform_18, window_bounds = array<i64: 513, 256>}, {pipeline_mode = #tpu.pipeline_mode<synchronous>, transform_indices = @transform_19, window_bounds = array<i64: 1, 256>}, {pipeline_mode = #tpu.pipeline_mode<synchronous>, transform_indices = @transform_20, window_bounds = array<i64: 256, 256>}, {pipeline_mode = #tpu.pipeline_mode<synchronous>, transform_indices = @transform_21, window_bounds = array<i64: 1, 256>}, {pipeline_mode = #tpu.pipeline_mode<synchronous>, transform_indices = @transform_22, window_bounds = array<i64: 256, 1>}, {pipeline_mode = #tpu.pipeline_mode<synchronous>, transform_indices = @transform_23, window_bounds = array<i64: 1, 1>}, {transform_indices = @transform_24, window_bounds = array<i64: 2000, 1>}, {transform_indices = @transform_25, window_bounds = array<i64: 2000, 1>}]} {
    %get3A = arith.constant 0 : index
    %get3A_0 = arith.constant 0 : index
    %get3A_1 = arith.constant 0 : index
    %get3A_2 = vector.load %arg1[%get3A, %get3A_0, %get3A_1] : memref<2x2000x128xf32, #tpu.memory_space<vmem>>, vector<1x2000x128xf32>
    %get3A_3 = vector.shape_cast %get3A_2 : vector<1x2000x128xf32> to vector<2000x128xf32>
    %get3A_4 = arith.constant 1 : index
    %get3A_5 = arith.constant 0 : index
    %get3A_6 = arith.constant 0 : index
    %get3A_7 = vector.load %arg1[%get3A_4, %get3A_5, %get3A_6] : memref<2x2000x128xf32, #tpu.memory_space<vmem>>, vector<1x2000x128xf32>
    %get3A_8 = vector.shape_cast %get3A_7 : vector<1x2000x128xf32> to vector<2000x128xf32>
    %concatenate3A = tpu.concatenate %get3A_3, %get3A_8 in 1 : vector<2000x128xf32>, vector<2000x128xf32> -> vector<2000x256xf32>
    %get3A_9 = arith.constant 0 : index
    %get3A_10 = arith.constant 0 : index
    %get3A_11 = arith.constant 0 : index
    %get3A_12 = vector.load %arg2[%get3A_9, %get3A_10, %get3A_11] : memref<2x2000x128xi16, #tpu.memory_space<vmem>>, vector<1x2000x128xi16>
    %get3A_13 = vector.shape_cast %get3A_12 : vector<1x2000x128xi16> to vector<2000x128xi16>
    %get3A_14 = arith.constant 1 : index
    %get3A_15 = arith.constant 0 : index
    %get3A_16 = arith.constant 0 : index
    %get3A_17 = vector.load %arg2[%get3A_14, %get3A_15, %get3A_16] : memref<2x2000x128xi16, #tpu.memory_space<vmem>>, vector<1x2000x128xi16>
    %get3A_18 = vector.shape_cast %get3A_17 : vector<1x2000x128xi16> to vector<2000x128xi16>
    %concatenate3A_19 = tpu.concatenate %get3A_13, %get3A_18 in 1 : vector<2000x128xi16>, vector<2000x128xi16> -> vector<2000x256xi16>
    %convert_element_type3A = arith.sitofp %concatenate3A_19 : vector<2000x256xi16> to vector<2000x256xf32>
    %mul3A = arith.constant 0.001953125 : f32
    %mul3A_20 = vector.broadcast %mul3A : f32 to vector<2000x256xf32>
    %mul3A_21 = arith.mulf %convert_element_type3A, %mul3A_20 : vector<2000x256xf32>
    %add3A = arith.addf %concatenate3A, %mul3A_21 : vector<2000x256xf32>
    %get3A_22 = arith.constant 0 : index
    %get3A_23 = arith.constant 0 : index
    %get3A_24 = vector.load %arg5[%get3A_22, %get3A_23] : memref<256x256xf32, #tpu.memory_space<vmem>>, vector<256x256xf32>
    %dot_general3A = arith.constant dense<0.000000e+00> : vector<2000x256xf32>
    %dot_general3A_25 = tpu.matmul %add3A, %get3A_24, %dot_general3A {dimension_numbers = #tpu.dot_dimension_numbers<[1], [0], [0], [1], [0, 0, 1, 1], [], []>, transpose_lhs_hint = false} : vector<2000x256xf32>, vector<256x256xf32>, vector<2000x256xf32> -> vector<2000x256xf32>
    %get3A_26 = arith.constant 0 : index
    %get3A_27 = arith.constant 0 : index
    %get3A_28 = vector.load %arg6[%get3A_26, %get3A_27] : memref<1x256xf32, #tpu.memory_space<vmem>>, vector<1x256xf32>
    %add3A_29 = vector.broadcast %get3A_28 : vector<1x256xf32> to vector<2000x256xf32>
    %add3A_30 = arith.addf %dot_general3A_25, %add3A_29 : vector<2000x256xf32>
    %max3A = arith.constant 0.000000e+00 : f32
    %max3A_31 = vector.broadcast %max3A : f32 to vector<2000x256xf32>
    %max3A_32 = arith.maximumf %add3A_30, %max3A_31 : vector<2000x256xf32>
    %get3A_33 = arith.constant 0 : index
    %get3A_34 = arith.constant 0 : index
    %get3A_35 = vector.load %arg7[%get3A_33, %get3A_34] : memref<256x256xf32, #tpu.memory_space<vmem>>, vector<256x256xf32>
    %dot_general3A_36 = arith.constant dense<0.000000e+00> : vector<2000x256xf32>
    %dot_general3A_37 = tpu.matmul %max3A_32, %get3A_35, %dot_general3A_36 {dimension_numbers = #tpu.dot_dimension_numbers<[1], [0], [0], [1], [0, 0, 1, 1], [], []>, transpose_lhs_hint = false} : vector<2000x256xf32>, vector<256x256xf32>, vector<2000x256xf32> -> vector<2000x256xf32>
    %get3A_38 = arith.constant 0 : index
    %get3A_39 = arith.constant 0 : index
    %get3A_40 = vector.load %arg8[%get3A_38, %get3A_39] : memref<1x256xf32, #tpu.memory_space<vmem>>, vector<1x256xf32>
    %add3A_41 = vector.broadcast %get3A_40 : vector<1x256xf32> to vector<2000x256xf32>
    %add3A_42 = arith.addf %dot_general3A_37, %add3A_41 : vector<2000x256xf32>
    %tanh3A = math.tanh %add3A_42 : vector<2000x256xf32>
    %get3A_43 = arith.constant 0 : index
    %get3A_44 = arith.constant 0 : index
    %get3A_45 = vector.load %arg9[%get3A_43, %get3A_44] : memref<512x256xf32, #tpu.memory_space<vmem>>, vector<256x256xf32>
    %dot_general3A_46 = arith.constant dense<0.000000e+00> : vector<2000x256xf32>
    %dot_general3A_47 = tpu.matmul %tanh3A, %get3A_45, %dot_general3A_46 {dimension_numbers = #tpu.dot_dimension_numbers<[1], [0], [0], [1], [0, 0, 1, 1], [], []>, transpose_lhs_hint = false} : vector<2000x256xf32>, vector<256x256xf32>, vector<2000x256xf32> -> vector<2000x256xf32>
    %get3A_48 = arith.constant 256 : index
    %get3A_49 = arith.constant 0 : index
    %get3A_50 = vector.load %arg9[%get3A_48, %get3A_49] : memref<512x256xf32, #tpu.memory_space<vmem>>, vector<256x256xf32>
    %dot_general3A_51 = arith.constant dense<0.000000e+00> : vector<2000x256xf32>
    %dot_general3A_52 = tpu.matmul %concatenate3A, %get3A_50, %dot_general3A_51 {dimension_numbers = #tpu.dot_dimension_numbers<[1], [0], [0], [1], [0, 0, 1, 1], [], []>, transpose_lhs_hint = false} : vector<2000x256xf32>, vector<256x256xf32>, vector<2000x256xf32> -> vector<2000x256xf32>
    %add3A_53 = arith.addf %dot_general3A_47, %dot_general3A_52 : vector<2000x256xf32>
    %get3A_54 = arith.constant 0 : index
    %get3A_55 = arith.constant 0 : index
    %get3A_56 = vector.load %arg10[%get3A_54, %get3A_55] : memref<1x256xf32, #tpu.memory_space<vmem>>, vector<1x256xf32>
    %add3A_57 = vector.broadcast %get3A_56 : vector<1x256xf32> to vector<2000x256xf32>
    %add3A_58 = arith.addf %add3A_53, %add3A_57 : vector<2000x256xf32>
    %gt3A = arith.constant 0.000000e+00 : f32
    %gt3A_59 = vector.broadcast %gt3A : f32 to vector<2000x256xf32>
    %gt3A_60 = arith.cmpf ogt, %add3A_58, %gt3A_59 : vector<2000x256xf32>
    %mul3A_61 = arith.constant 2.000000e-01 : f32
    %mul3A_62 = vector.broadcast %mul3A_61 : f32 to vector<2000x256xf32>
    %mul3A_63 = arith.mulf %mul3A_62, %add3A_58 : vector<2000x256xf32>
    %select_n3A = arith.select %gt3A_60, %add3A_58, %mul3A_63 : vector<2000x256xi1>, vector<2000x256xf32>
    %get3A_64 = arith.constant 0 : index
    %get3A_65 = arith.constant 0 : index
    %get3A_66 = vector.load %arg11[%get3A_64, %get3A_65] : memref<256x256xf32, #tpu.memory_space<vmem>>, vector<256x256xf32>
    %dot_general3A_67 = arith.constant dense<0.000000e+00> : vector<2000x256xf32>
    %dot_general3A_68 = tpu.matmul %select_n3A, %get3A_66, %dot_general3A_67 {dimension_numbers = #tpu.dot_dimension_numbers<[1], [0], [0], [1], [0, 0, 1, 1], [], []>, transpose_lhs_hint = false} : vector<2000x256xf32>, vector<256x256xf32>, vector<2000x256xf32> -> vector<2000x256xf32>
    %get3A_69 = arith.constant 0 : index
    %get3A_70 = arith.constant 0 : index
    %get3A_71 = vector.load %arg12[%get3A_69, %get3A_70] : memref<1x256xf32, #tpu.memory_space<vmem>>, vector<1x256xf32>
    %add3A_72 = vector.broadcast %get3A_71 : vector<1x256xf32> to vector<2000x256xf32>
    %add3A_73 = arith.addf %dot_general3A_68, %add3A_72 : vector<2000x256xf32>
    %gt3A_74 = arith.constant 0.000000e+00 : f32
    %gt3A_75 = vector.broadcast %gt3A_74 : f32 to vector<2000x256xf32>
    %gt3A_76 = arith.cmpf ogt, %add3A_73, %gt3A_75 : vector<2000x256xf32>
    %mul3A_77 = arith.constant 2.000000e-01 : f32
    %mul3A_78 = vector.broadcast %mul3A_77 : f32 to vector<2000x256xf32>
    %mul3A_79 = arith.mulf %mul3A_78, %add3A_73 : vector<2000x256xf32>
    %select_n3A_80 = arith.select %gt3A_76, %add3A_73, %mul3A_79 : vector<2000x256xi1>, vector<2000x256xf32>
    %get3A_81 = arith.constant 0 : index
    %get3A_82 = arith.constant 0 : index
    %get3A_83 = vector.load %arg13[%get3A_81, %get3A_82] : memref<256x1xf32, #tpu.memory_space<vmem>>, vector<256x1xf32>
    %dot_general3A_84 = arith.constant dense<0.000000e+00> : vector<2000x1xf32>
    %dot_general3A_85 = tpu.matmul %select_n3A_80, %get3A_83, %dot_general3A_84 {dimension_numbers = #tpu.dot_dimension_numbers<[1], [0], [0], [1], [0, 0, 1, 1], [], []>, transpose_lhs_hint = false} : vector<2000x256xf32>, vector<256x1xf32>, vector<2000x1xf32> -> vector<2000x1xf32>
    %get3A_86 = arith.constant 0 : index
    %get3A_87 = arith.constant 0 : index
    %get3A_88 = vector.load %arg14[%get3A_86, %get3A_87] : memref<1x1xf32, #tpu.memory_space<vmem>>, vector<1x1xf32>
    %add3A_89 = vector.broadcast %get3A_88 : vector<1x1xf32> to vector<2000x1xf32>
    %add3A_90 = arith.addf %dot_general3A_85, %add3A_89 : vector<2000x1xf32>
    %logistic3A = arith.negf %add3A_90 : vector<2000x1xf32>
    %logistic3A_91 = math.exp %logistic3A : vector<2000x1xf32>
    %logistic3A_92 = arith.constant 1.000000e+00 : f32
    %logistic3A_93 = vector.broadcast %logistic3A_92 : f32 to vector<2000x1xf32>
    %logistic3A_94 = arith.addf %logistic3A_93, %logistic3A_91 : vector<2000x1xf32>
    %logistic3A_95 = arith.divf %logistic3A_93, %logistic3A_94 : vector<2000x1xf32>
    %swap3A = arith.constant 0 : index
    %swap3A_96 = arith.constant 0 : index
    %swap3A_97 = vector.load %arg25[%swap3A, %swap3A_96] : memref<2000x1xf32, #tpu.memory_space<vmem>>, vector<2000x1xf32>
    tpu.vector_store %arg25[%swap3A, %swap3A_96], %logistic3A_95 {strides = array<i32>} : memref<2000x1xf32, #tpu.memory_space<vmem>>, vector<2000x1xf32>,
    %get3A_98 = arith.constant 0 : index
    %get3A_99 = arith.constant 0 : index
    %get3A_100 = vector.load %arg3[%get3A_98, %get3A_99] : memref<2000x1xf32, #tpu.memory_space<vmem>>, vector<2000x1xf32>
    %get3A_101 = arith.constant 0 : index
    %get3A_102 = arith.constant 0 : index
    %get3A_103 = arith.constant 0 : index
    %get3A_104 = vector.load %arg4[%get3A_101, %get3A_102, %get3A_103] : memref<2x2000x16xf32, #tpu.memory_space<vmem>>, vector<1x2000x1xf32>
    %get3A_105 = vector.shape_cast %get3A_104 : vector<1x2000x1xf32> to vector<2000x1xf32>
    %get3A_106 = arith.constant 1 : index
    %get3A_107 = arith.constant 0 : index
    %get3A_108 = arith.constant 0 : index
    %get3A_109 = vector.load %arg4[%get3A_106, %get3A_107, %get3A_108] : memref<2x2000x16xf32, #tpu.memory_space<vmem>>, vector<1x2000x1xf32>
    %get3A_110 = vector.shape_cast %get3A_109 : vector<1x2000x1xf32> to vector<2000x1xf32>
    %add3A_111 = arith.addf %get3A_105, %get3A_110 : vector<2000x1xf32>
    %add3A_112 = arith.addf %get3A_100, %add3A_111 : vector<2000x1xf32>
    %get3A_113 = arith.constant 0 : index
    %get3A_114 = arith.constant 0 : index
    %get3A_115 = vector.load %arg15[%get3A_113, %get3A_114] : memref<257x256xf32, #tpu.memory_space<vmem>>, vector<256x256xf32>
    %dot_general3A_116 = arith.constant dense<0.000000e+00> : vector<2000x256xf32>
    %dot_general3A_117 = tpu.matmul %add3A, %get3A_115, %dot_general3A_116 {dimension_numbers = #tpu.dot_dimension_numbers<[1], [0], [0], [1], [0, 0, 1, 1], [], []>, transpose_lhs_hint = false} : vector<2000x256xf32>, vector<256x256xf32>, vector<2000x256xf32> -> vector<2000x256xf32>
    %get3A_118 = arith.constant 256 : index
    %get3A_119 = arith.constant 0 : index
    %get3A_120 = vector.load %arg15[%get3A_118, %get3A_119] : memref<257x256xf32, #tpu.memory_space<vmem>>, vector<1x256xf32>
    %mul3A_121 = vector.broadcast %add3A_112 : vector<2000x1xf32> to vector<2000x256xf32>
    %mul3A_122 = vector.broadcast %get3A_120 : vector<1x256xf32> to vector<2000x256xf32>
    %mul3A_123 = arith.mulf %mul3A_121, %mul3A_122 : vector<2000x256xf32>
    %add3A_124 = arith.addf %dot_general3A_117, %mul3A_123 : vector<2000x256xf32>
    %get3A_125 = arith.constant 0 : index
    %get3A_126 = arith.constant 0 : index
    %get3A_127 = vector.load %arg16[%get3A_125, %get3A_126] : memref<1x256xf32, #tpu.memory_space<vmem>>, vector<1x256xf32>
    %add3A_128 = vector.broadcast %get3A_127 : vector<1x256xf32> to vector<2000x256xf32>
    %add3A_129 = arith.addf %add3A_124, %add3A_128 : vector<2000x256xf32>
    %max3A_130 = arith.constant 0.000000e+00 : f32
    %max3A_131 = vector.broadcast %max3A_130 : f32 to vector<2000x256xf32>
    %max3A_132 = arith.maximumf %add3A_129, %max3A_131 : vector<2000x256xf32>
    %get3A_133 = arith.constant 0 : index
    %get3A_134 = arith.constant 0 : index
    %get3A_135 = vector.load %arg17[%get3A_133, %get3A_134] : memref<256x256xf32, #tpu.memory_space<vmem>>, vector<256x256xf32>
    %dot_general3A_136 = arith.constant dense<0.000000e+00> : vector<2000x256xf32>
    %dot_general3A_137 = tpu.matmul %max3A_132, %get3A_135, %dot_general3A_136 {dimension_numbers = #tpu.dot_dimension_numbers<[1], [0], [0], [1], [0, 0, 1, 1], [], []>, transpose_lhs_hint = false} : vector<2000x256xf32>, vector<256x256xf32>, vector<2000x256xf32> -> vector<2000x256xf32>
    %get3A_138 = arith.constant 0 : index
    %get3A_139 = arith.constant 0 : index
    %get3A_140 = vector.load %arg18[%get3A_138, %get3A_139] : memref<1x256xf32, #tpu.memory_space<vmem>>, vector<1x256xf32>
    %add3A_141 = vector.broadcast %get3A_140 : vector<1x256xf32> to vector<2000x256xf32>
    %add3A_142 = arith.addf %dot_general3A_137, %add3A_141 : vector<2000x256xf32>
    %tanh3A_143 = math.tanh %add3A_142 : vector<2000x256xf32>
    %get3A_144 = arith.constant 0 : index
    %get3A_145 = arith.constant 0 : index
    %get3A_146 = vector.load %arg19[%get3A_144, %get3A_145] : memref<513x256xf32, #tpu.memory_space<vmem>>, vector<256x256xf32>
    %dot_general3A_147 = arith.constant dense<0.000000e+00> : vector<2000x256xf32>
    %dot_general3A_148 = tpu.matmul %tanh3A_143, %get3A_146, %dot_general3A_147 {dimension_numbers = #tpu.dot_dimension_numbers<[1], [0], [0], [1], [0, 0, 1, 1], [], []>, transpose_lhs_hint = false} : vector<2000x256xf32>, vector<256x256xf32>, vector<2000x256xf32> -> vector<2000x256xf32>
    %get3A_149 = arith.constant 256 : index
    %get3A_150 = arith.constant 0 : index
    %get3A_151 = vector.load %arg19[%get3A_149, %get3A_150] : memref<513x256xf32, #tpu.memory_space<vmem>>, vector<256x256xf32>
    %dot_general3A_152 = arith.constant dense<0.000000e+00> : vector<2000x256xf32>
    %dot_general3A_153 = tpu.matmul %concatenate3A, %get3A_151, %dot_general3A_152 {dimension_numbers = #tpu.dot_dimension_numbers<[1], [0], [0], [1], [0, 0, 1, 1], [], []>, transpose_lhs_hint = false} : vector<2000x256xf32>, vector<256x256xf32>, vector<2000x256xf32> -> vector<2000x256xf32>
    %add3A_154 = arith.addf %dot_general3A_148, %dot_general3A_153 : vector<2000x256xf32>
    %get3A_155 = arith.constant 512 : index
    %get3A_156 = arith.constant 0 : index
    %get3A_157 = vector.load %arg19[%get3A_155, %get3A_156] : memref<513x256xf32, #tpu.memory_space<vmem>>, vector<1x256xf32>
    %mul3A_158 = vector.broadcast %get3A_100 : vector<2000x1xf32> to vector<2000x256xf32>
    %mul3A_159 = vector.broadcast %get3A_157 : vector<1x256xf32> to vector<2000x256xf32>
    %mul3A_160 = arith.mulf %mul3A_158, %mul3A_159 : vector<2000x256xf32>
    %add3A_161 = arith.addf %add3A_154, %mul3A_160 : vector<2000x256xf32>
    %get3A_162 = arith.constant 0 : index
    %get3A_163 = arith.constant 0 : index
    %get3A_164 = vector.load %arg20[%get3A_162, %get3A_163] : memref<1x256xf32, #tpu.memory_space<vmem>>, vector<1x256xf32>
    %add3A_165 = vector.broadcast %get3A_164 : vector<1x256xf32> to vector<2000x256xf32>
    %add3A_166 = arith.addf %add3A_161, %add3A_165 : vector<2000x256xf32>
    %gt3A_167 = arith.constant 0.000000e+00 : f32
    %gt3A_168 = vector.broadcast %gt3A_167 : f32 to vector<2000x256xf32>
    %gt3A_169 = arith.cmpf ogt, %add3A_166, %gt3A_168 : vector<2000x256xf32>
    %mul3A_170 = arith.constant 2.000000e-01 : f32
    %mul3A_171 = vector.broadcast %mul3A_170 : f32 to vector<2000x256xf32>
    %mul3A_172 = arith.mulf %mul3A_171, %add3A_166 : vector<2000x256xf32>
    %select_n3A_173 = arith.select %gt3A_169, %add3A_166, %mul3A_172 : vector<2000x256xi1>, vector<2000x256xf32>
    %get3A_174 = arith.constant 0 : index
    %get3A_175 = arith.constant 0 : index
    %get3A_176 = vector.load %arg21[%get3A_174, %get3A_175] : memref<256x256xf32, #tpu.memory_space<vmem>>, vector<256x256xf32>
    %dot_general3A_177 = arith.constant dense<0.000000e+00> : vector<2000x256xf32>
    %dot_general3A_178 = tpu.matmul %select_n3A_173, %get3A_176, %dot_general3A_177 {dimension_numbers = #tpu.dot_dimension_numbers<[1], [0], [0], [1], [0, 0, 1, 1], [], []>, transpose_lhs_hint = false} : vector<2000x256xf32>, vector<256x256xf32>, vector<2000x256xf32> -> vector<2000x256xf32>
    %get3A_179 = arith.constant 0 : index
    %get3A_180 = arith.constant 0 : index
    %get3A_181 = vector.load %arg22[%get3A_179, %get3A_180] : memref<1x256xf32, #tpu.memory_space<vmem>>, vector<1x256xf32>
    %add3A_182 = vector.broadcast %get3A_181 : vector<1x256xf32> to vector<2000x256xf32>
    %add3A_183 = arith.addf %dot_general3A_178, %add3A_182 : vector<2000x256xf32>
    %gt3A_184 = arith.constant 0.000000e+00 : f32
    %gt3A_185 = vector.broadcast %gt3A_184 : f32 to vector<2000x256xf32>
    %gt3A_186 = arith.cmpf ogt, %add3A_183, %gt3A_185 : vector<2000x256xf32>
    %mul3A_187 = arith.constant 2.000000e-01 : f32
    %mul3A_188 = vector.broadcast %mul3A_187 : f32 to vector<2000x256xf32>
    %mul3A_189 = arith.mulf %mul3A_188, %add3A_183 : vector<2000x256xf32>
    %select_n3A_190 = arith.select %gt3A_186, %add3A_183, %mul3A_189 : vector<2000x256xi1>, vector<2000x256xf32>
    %get3A_191 = arith.constant 0 : index
    %get3A_192 = arith.constant 0 : index
    %get3A_193 = vector.load %arg23[%get3A_191, %get3A_192] : memref<256x1xf32, #tpu.memory_space<vmem>>, vector<256x1xf32>
    %dot_general3A_194 = arith.constant dense<0.000000e+00> : vector<2000x1xf32>
    %dot_general3A_195 = tpu.matmul %select_n3A_190, %get3A_193, %dot_general3A_194 {dimension_numbers = #tpu.dot_dimension_numbers<[1], [0], [0], [1], [0, 0, 1, 1], [], []>, transpose_lhs_hint = false} : vector<2000x256xf32>, vector<256x1xf32>, vector<2000x1xf32> -> vector<2000x1xf32>
    %get3A_196 = arith.constant 0 : index
    %get3A_197 = arith.constant 0 : index
    %get3A_198 = vector.load %arg24[%get3A_196, %get3A_197] : memref<1x1xf32, #tpu.memory_space<vmem>>, vector<1x1xf32>
    %add3A_199 = vector.broadcast %get3A_198 : vector<1x1xf32> to vector<2000x1xf32>
    %add3A_200 = arith.addf %dot_general3A_195, %add3A_199 : vector<2000x1xf32>
    %swap3A_201 = arith.constant 0 : index
    %swap3A_202 = arith.constant 0 : index
    %swap3A_203 = vector.load %arg26[%swap3A_201, %swap3A_202] : memref<2000x1xf32, #tpu.memory_space<vmem>>, vector<2000x1xf32>
    tpu.vector_store %arg26[%swap3A_201, %swap3A_202], %add3A_200 {strides = array<i32>} : memref<2000x1xf32, #tpu.memory_space<vmem>>, vector<2000x1xf32>,
    return
  }
  func.func @transform_0(%arg0: i32) -> (i32, i32, i32) {
    %c0_i32 = arith.constant 0 : i32
    %c0_i32_0 = arith.constant 0 : i32
    %c0_i32_1 = arith.constant 0 : i32
    return %c0_i32, %arg0, %c0_i32_0 : i32, i32, i32
  }
  func.func @transform_1(%arg0: i32) -> (i32, i32, i32) {
    %c0_i32 = arith.constant 0 : i32
    %c0_i32_0 = arith.constant 0 : i32
    %c0_i32_1 = arith.constant 0 : i32
    return %c0_i32, %arg0, %c0_i32_0 : i32, i32, i32
  }
  func.func @transform_2(%arg0: i32) -> (i32, i32) {
    %c0_i32 = arith.constant 0 : i32
    %c0_i32_0 = arith.constant 0 : i32
    return %arg0, %c0_i32 : i32, i32
  }
  func.func @transform_3(%arg0: i32) -> (i32, i32, i32) {
    %c0_i32 = arith.constant 0 : i32
    %c0_i32_0 = arith.constant 0 : i32
    %c0_i32_1 = arith.constant 0 : i32
    return %c0_i32, %arg0, %c0_i32_0 : i32, i32, i32
  }
  func.func @transform_4(%arg0: i32) -> (i32, i32) {
    %c0_i32 = arith.constant 0 : i32
    %c0_i32_0 = arith.constant 0 : i32
    %c0_i32_1 = arith.constant 0 : i32
    return %c0_i32, %c0_i32_0 : i32, i32
  }
  func.func @transform_5(%arg0: i32) -> (i32, i32) {
    %c0_i32 = arith.constant 0 : i32
    %c0_i32_0 = arith.constant 0 : i32
    %c0_i32_1 = arith.constant 0 : i32
    return %c0_i32, %c0_i32_0 : i32, i32
  }
  func.func @transform_6(%arg0: i32) -> (i32, i32) {
    %c0_i32 = arith.constant 0 : i32
    %c0_i32_0 = arith.constant 0 : i32
    %c0_i32_1 = arith.constant 0 : i32
    return %c0_i32, %c0_i32_0 : i32, i32
  }
  func.func @transform_7(%arg0: i32) -> (i32, i32) {
    %c0_i32 = arith.constant 0 : i32
    %c0_i32_0 = arith.constant 0 : i32
    %c0_i32_1 = arith.constant 0 : i32
    return %c0_i32, %c0_i32_0 : i32, i32
  }
  func.func @transform_8(%arg0: i32) -> (i32, i32) {
    %c0_i32 = arith.constant 0 : i32
    %c0_i32_0 = arith.constant 0 : i32
    %c0_i32_1 = arith.constant 0 : i32
    return %c0_i32, %c0_i32_0 : i32, i32
  }
  func.func @transform_9(%arg0: i32) -> (i32, i32) {
    %c0_i32 = arith.constant 0 : i32
    %c0_i32_0 = arith.constant 0 : i32
    %c0_i32_1 = arith.constant 0 : i32
    return %c0_i32, %c0_i32_0 : i32, i32
  }
  func.func @transform_10(%arg0: i32) -> (i32, i32) {
    %c0_i32 = arith.constant 0 : i32
    %c0_i32_0 = arith.constant 0 : i32
    %c0_i32_1 = arith.constant 0 : i32
    return %c0_i32, %c0_i32_0 : i32, i32
  }
  func.func @transform_11(%arg0: i32) -> (i32, i32) {
    %c0_i32 = arith.constant 0 : i32
    %c0_i32_0 = arith.constant 0 : i32
    %c0_i32_1 = arith.constant 0 : i32
    return %c0_i32, %c0_i32_0 : i32, i32
  }
  func.func @transform_12(%arg0: i32) -> (i32, i32) {
    %c0_i32 = arith.constant 0 : i32
    %c0_i32_0 = arith.constant 0 : i32
    %c0_i32_1 = arith.constant 0 : i32
    return %c0_i32, %c0_i32_0 : i32, i32
  }
  func.func @transform_13(%arg0: i32) -> (i32, i32) {
    %c0_i32 = arith.constant 0 : i32
    %c0_i32_0 = arith.constant 0 : i32
    %c0_i32_1 = arith.constant 0 : i32
    return %c0_i32, %c0_i32_0 : i32, i32
  }
  func.func @transform_14(%arg0: i32) -> (i32, i32) {
    %c0_i32 = arith.constant 0 : i32
    %c0_i32_0 = arith.constant 0 : i32
    %c0_i32_1 = arith.constant 0 : i32
    return %c0_i32, %c0_i32_0 : i32, i32
  }
  func.func @transform_15(%arg0: i32) -> (i32, i32) {
    %c0_i32 = arith.constant 0 : i32
    %c0_i32_0 = arith.constant 0 : i32
    %c0_i32_1 = arith.constant 0 : i32
    return %c0_i32, %c0_i32_0 : i32, i32
  }
  func.func @transform_16(%arg0: i32) -> (i32, i32) {
    %c0_i32 = arith.constant 0 : i32
    %c0_i32_0 = arith.constant 0 : i32
    %c0_i32_1 = arith.constant 0 : i32
    return %c0_i32, %c0_i32_0 : i32, i32
  }
  func.func @transform_17(%arg0: i32) -> (i32, i32) {
    %c0_i32 = arith.constant 0 : i32
    %c0_i32_0 = arith.constant 0 : i32
    %c0_i32_1 = arith.constant 0 : i32
    return %c0_i32, %c0_i32_0 : i32, i32
  }
  func.func @transform_18(%arg0: i32) -> (i32, i32) {
    %c0_i32 = arith.constant 0 : i32
    %c0_i32_0 = arith.constant 0 : i32
    %c0_i32_1 = arith.constant 0 : i32
    return %c0_i32, %c0_i32_0 : i32, i32
  }
  func.func @transform_19(%arg0: i32) -> (i32, i32) {
    %c0_i32 = arith.constant 0 : i32
    %c0_i32_0 = arith.constant 0 : i32
    %c0_i32_1 = arith.constant 0 : i32
    return %c0_i32, %c0_i32_0 : i32, i32
  }
  func.func @transform_20(%arg0: i32) -> (i32, i32) {
    %c0_i32 = arith.constant 0 : i32
    %c0_i32_0 = arith.constant 0 : i32
    %c0_i32_1 = arith.constant 0 : i32
    return %c0_i32, %c0_i32_0 : i32, i32
  }
  func.func @transform_21(%arg0: i32) -> (i32, i32) {
    %c0_i32 = arith.constant 0 : i32
    %c0_i32_0 = arith.constant 0 : i32
    %c0_i32_1 = arith.constant 0 : i32
    return %c0_i32, %c0_i32_0 : i32, i32
  }
  func.func @transform_22(%arg0: i32) -> (i32, i32) {
    %c0_i32 = arith.constant 0 : i32
    %c0_i32_0 = arith.constant 0 : i32
    %c0_i32_1 = arith.constant 0 : i32
    return %c0_i32, %c0_i32_0 : i32, i32
  }
  func.func @transform_23(%arg0: i32) -> (i32, i32) {
    %c0_i32 = arith.constant 0 : i32
    %c0_i32_0 = arith.constant 0 : i32
    %c0_i32_1 = arith.constant 0 : i32
    return %c0_i32, %c0_i32_0 : i32, i32
  }
  func.func @transform_24(%arg0: i32) -> (i32, i32) {
    %c0_i32 = arith.constant 0 : i32
    %c0_i32_0 = arith.constant 0 : i32
    return %arg0, %c0_i32 : i32, i32
  }
  func.func @transform_25(%arg0: i32) -> (i32, i32) {
    %c0_i32 = arith.constant 0 : i32
    %c0_i32_0 = arith.constant 0 : i32
    return %arg0, %c0_i32 : i32, i32
  }
}

</mosaic_0001>

<sc_bundles>
// kernel: kernel.5.cloned.1.call-start
scs
__scs_entry_jumppad:
0x0: {  	(pc) =	sbr.rel $0x88, $3  }
0x1: {  	(tag) =	ssettag $0x0;
	lr =	simm.s32 $0x1  }
0x2: {  	[smem:$0x3F86] =	sst lr;
	_ =	strace $0xD0000000  }
0x3: {  	_ = 	snop  }
0x4: {  	_ = 	snop  }
0x5: {  	_ = 	snop  }
0x6: {  	_ = 	snop  }
0x7: {  	_ = 	snop  }
__scs_overlays_trampoline_lowered:
0x8: {  	[smem:$0x3F95] =	sst s0  }
0x9: {  	[smem:$0x3F96] =	sst s1  }
0xa: {  	[smem:$0x3F97] =	sst s2  }
0xb: {  	[smem:$0x3F98] =	sst s3  }
0xc: {  	[smem:$0x3F99] =	sst s4  }
0xd: {  	[smem:$0x3F9A] =	sst s5  }
0xe: {  	[smem:$0x3F9B] =	sst s6  }
0xf: {  	[smem:$0x3F9C] =	sst s7  }
0x10: {  	[smem:$0x3F9D] =	sst s8  }
0x11: {  	[smem:$0x3F9E] =	sst s9;
	s0 =	simm.s32 @!p0 $0x0  }
0x12: {  	s1 =	sld [smem:$0x3F84];
	s0 =	simm.s32 @p0 $0x1  }
0x13: {  	[smem:$0x3F9F] =	sst s0;
	s0 =	simm.s32 @!p1 $0x0  }
0x14: {  	s2 =	sld [smem:$0x3F83];
	s0 =	simm.s32 @p1 $0x1  }
0x15: {  	[smem:$0x3FA0] =	sst s0;
	s0 =	simm.s32 @!p2 $0x0  }
0x16: {  	s3 =	sld [smem:$0x3FDB];
	s0 =	simm.s32 @p2 $0x1  }
0x17: {  	s4 =	simm.s32 $0x1BF5;
	[smem:$0x3FA2] =	sst s0  }
0x18: {  	s0 =	sld [smem:$0x3F85];
	_ =	swait.ge [sflag:s4], $0x0  }
0x19: {  	s7 =	sld [smem:$0x3F86]  }
0x1a: {  	s8 =	sadd.s32 $0xFFFFE003, lr  }
0x1b: {  	s9 =	sadd.s32 $0xFFFFFEF7, lr;
	s5 =	simm.s32 $0xFFFFFFFF;
	p2 =	slt.u32 s8, $0xFFFFF086  }
0x1c: {  	p1 =	slt.u32 s9, $0xF7A;
	s5 =	simm.s32 @!p2 $0x0  }
0x1d: {  	s5 =	simm.s32 @p1 $0x1;
	p0 =	seq.s32 s7, s2  }
0x1e: {  	s7 =	smul.u32 @!p0 $0xF7A, s2;
	p2 =	seq.s32 @!p0 s5, $0x0  }
0x1f: {  	s9 =	smul.u32 $0xF7A, s1;
	s8 =	simm.s32 @!p0 $0x1BF5;
	p2 =	por !p2, p0  }
0x20: {  	[sflag:s8] =	ssyncset.s32 @!p0 $0xFFFFF086;
	s6 =	sadd.s32 @!p0 s3, s7;
	s7 =	simm.s32 @!p0 $0x108  }
0x21: {  	s3 =	sadd.s32 s3, s9;
	s6 =	sadd.s32 @!p0 $0x88, s6;
	s7 =	simm.s32 @p2 $0x1082  }
0x22: {  	[simem:s7], [sflag:s8] =	dma.local @!p0 [hbm:s6], $0xF7A  }
0x23: {  	s9 =	sor.u32 $0xD0000000, s2;
	s6 =	simm.s32 $0x108;
	_ =	swait.ge @!p0 [sflag:s8], $0x0  }
0x24: {  	s3 =	sadd.s32 $0x88, s3;
	s6 =	simm.s32 @!p1 $0x1082;
	[sflag:s4] =	ssyncset.s32 $0xFFFFF086  }
0x25: {  	[simem:s6], [sflag:s4] =	dma.local [hbm:s3], $0xF7A  }
0x26: {  	[smem:$0x3F86] =	sst s1;
	(tag) =	ssettag s2;
	_ =	strace s9  }
0x27: {  	s1 =	sld [smem:$0x3F96]  }
0x28: {  	s2 =	sld [smem:$0x3F97]  }
0x29: {  	s4 =	sld [smem:$0x3F99]  }
0x2a: {  	p0 =	seq.s32 s5, $0x0;
	s5 =	sld [smem:$0x3F9A]  }
0x2b: {  	s6 =	sld [smem:$0x3F9B]  }
0x2c: {  	s7 =	sld [smem:$0x3F9C]  }
0x2d: {  	s3 =	simm.s32 $0x108;
	s8 =	sld [smem:$0x3F9D]  }
0x2e: {  	s3 =	simm.s32 @!p0 $0x1082;
	s9 =	sld [smem:$0x3F9E]  }
0x2f: {  	lr =	sadd.s32 s0, s3;
	s0 =	sld [smem:$0x3F95]  }
0x30: {  	s3 =	sld [smem:$0x3F98]  }
0x31: {  	[smem:$0x3FA1] =	sst s10  }
0x32: {  	s10 =	sld [smem:$0x3F9F];
	_ =	sdelay $0x3  }
0x33: {  	p0 =	seq.s32 s10, $0x1;
	s10 =	sld [smem:$0x3FA1];
	_ =	sdelay $0x3  }
0x34: {  	[smem:$0x3FA1] =	sst s10  }
0x35: {  	s10 =	sld [smem:$0x3FA0];
	_ =	sdelay $0x3  }
0x36: {  	p1 =	seq.s32 s10, $0x1;
	s10 =	sld [smem:$0x3FA1];
	_ =	sdelay $0x3  }
0x37: {  	[smem:$0x3FA1] =	sst s10  }
0x38: {  	s10 =	sld [smem:$0x3FA2]  }
0x39: {  	_ = 	snop;
	(pc) =	sbr.ind lr, $3  }
0x3a: {  	_ = 	snop  }
0x3b: {  	_ = 	snop  }
0x3c: {  	p2 =	seq.s32 s10, $0x1;
	s10 =	sld [smem:$0x3FA1]  }
0x3d: {  	_ =	shalt  }
0x3e: {  	_ =	shalt  }
0x3f: {  	_ =	shalt  }
0x40: {  	_ =	shalt  }
0x41: {  	_ =	shalt  }
0x42: {  	_ =	shalt  }
0x43: {  	_ =	shalt  }
0x44: {  	_ =	shalt  }
0x45: {  	_ =	shalt  }
0x46: {  	_ =	shalt  }
0x47: {  	_ =	shalt  }
0x48: {  	_ =	shalt  }
0x49: {  	_ =	shalt  }
0x4a: {  	_ =	shalt  }
0x4b: {  	_ =	shalt  }
0x4c: {  	_ =	shalt  }
0x4d: {  	_ =	shalt  }
0x4e: {  	_ =	shalt  }
0x4f: {  	_ =	shalt  }
0x50: {  	_ =	shalt  }
0x51: {  	_ =	shalt  }
0x52: {  	_ =	shalt  }
0x53: {  	_ =	shalt  }
0x54: {  	_ =	shalt  }
0x55: {  	_ =	shalt  }
0x56: {  	_ =	shalt  }
0x57: {  	_ =	shalt  }
0x58: {  	_ =	shalt  }
0x59: {  	_ =	shalt  }
0x5a: {  	_ =	shalt  }
0x5b: {  	_ =	shalt  }
0x5c: {  	_ =	shalt  }
0x5d: {  	_ =	shalt  }
0x5e: {  	_ =	shalt  }
0x5f: {  	_ =	shalt  }
0x60: {  	_ =	shalt  }
0x61: {  	_ =	shalt  }
0x62: {  	_ =	shalt  }
0x63: {  	_ =	shalt  }
0x64: {  	_ =	shalt  }
0x65: {  	_ =	shalt  }
0x66: {  	_ =	shalt  }
0x67: {  	_ =	shalt  }
0x68: {  	_ =	shalt  }
0x69: {  	_ =	shalt  }
0x6a: {  	_ =	shalt  }
0x6b: {  	_ =	shalt  }
0x6c: {  	_ =	shalt  }
0x6d: {  	_ =	shalt  }
0x6e: {  	_ =	shalt  }
0x6f: {  	_ =	shalt  }
0x70: {  	_ =	shalt  }
0x71: {  	_ =	shalt  }
0x72: {  	_ =	shalt  }
0x73: {  	_ =	shalt  }
0x74: {  	_ =	shalt  }
0x75: {  	_ =	shalt  }
0x76: {  	_ =	shalt  }
0x77: {  	_ =	shalt  }
0x78: {  	_ =	shalt  }
0x79: {  	_ =	shalt  }
0x7a: {  	_ =	shalt  }
0x7b: {  	_ =	shalt  }
0x7c: {  	_ =	shalt  }
0x7d: {  	_ =	shalt  }
0x7e: {  	_ =	shalt  }
0x7f: {  	_ =	shalt  }
0x80: {  	_ =	shalt  }
0x81: {  	_ =	shalt  }
0x82: {  	_ =	shalt  }
0x83: {  	_ =	shalt  }
0x84: {  	_ =	shalt  }
0x85: {  	_ =	shalt  }
0x86: {  	_ =	shalt  }
0x87: {  	_ =	shalt  }
.Lfunc_end0:
.L_simem_size_0:
called_computation_lowered:
.L_overlay_start_0:
0x88: {  	s2 =	sld [smem:$0x3FD9]  }
0x89: {  	s3 =	sld [smem:$0x3FFE];
	_ =	sdelay $0x1  }
0x8a: {  	s1 =	srdreg.scid  }
0x8b: {  	s0 =	sand.u32 $0x1, s1  }
0x8c: {  	s16 =	sshll.u32 s0, $0xA;
	s2 =	sadd.s32 s3, s2  }
0x8d: {  	s2 =	sadd.s32 s2, s16  }
0x8e: {  	[smem:$0x3FAD] =	sst s2  }
0x8f: {  	_ = 	snop  }
0x90: {  	(tm) =	ssettm $0x1  }
0x91: {  	s17 =	sld [smem:$0x3FFB];
	_ =	sdelay $0x3  }
0x92: {  	_ =	strace s17  }
0x93: {  	s2 =	sld [smem:$0x3FFC];
	_ =	sdelay $0x3  }
0x94: {  	_ =	strace s2  }
0x95: {  	s2 =	sld [smem:$0x3FFD];
	_ =	sdelay $0x3  }
0x96: {  	_ =	strace s2  }
0x97: {  	_ =	strace $0x8FFFFFFF  }
0x98: {  	s18 =	sld [smem:$0x3FDB];
	_ =	sdelay $0x1  }
0x99: {  	s19 =	simm.s32 $_scs_section_size  }
0x9a: {  	s4 =	simm.s32 $_size__tile_overlayer_lowered;
	s5 =	simm.s32 $_tile_overlayer_lowered  }
0x9b: {  	s22 =	simm.s32 $0x1BFF;
	s21 =	sshll.u32 s5, $0x1;
	s2 =	sadd.s32 s19, s18  }
0x9c: {  	s6 =	simm.s32 $0x0;
	s20 =	sshll.u32 s4, $0x1;
	s4 =	sadd.s32 s21, s2  }
0x9d: {  	[timem:s6], [sflag:s22] =	dma.local [hbm:s4], s20  }
0x9e: {  	_ =	swait.ge [sflag:s22], s20  }
0x9f: {  	s3 =	ssub.s32 $0x0, s20;
	[sflag:s22] =	ssyncset.done $0x0  }
0xa0: {  	[sflag:s22] =	ssyncadd.s32 s3;
	_ =	sdelay $0x1  }
0xa1: {  	s23 =	simm.s32 $0x1B8B  }
0xa2: {  	_ =	swait.ge [sflag:s23], $0x1  }
0xa3: {  	[sflag:s23] =	ssyncset.done $0x0  }
0xa4: {  	s25 =	simm.s32 $0x1B8E;
	s24 =	sld [smem:$0x3FFE];
	[sflag:s23] =	ssyncadd.s32 $0xFFFFFFFF  }
0xa5: {  	s26 =	simm.s32 $execute0_lowered;
	[smem:$0x3FD2] =	sst s25  }
0xa6: {  	s4 =	sshll.u32 s26, $0x1;
	_ =	strace $0x80000046;
	[dreg:$0x1] =	wrdreg $0xFFFFFFFF  }
0xa7: {  	s28 =	simm.s32 $_size_execute0_lowered;
	s2 =	sadd.s32 s2, s4;
	[dreg:$0x0] =	wrdreg $0x0  }
0xa8: {  	s4 =	sshll.u32 s28, $0x1;
	[dreg:$0x2] =	wrdreg s2  }
0xa9: {  	[dreg:$0x3] =	wrdreg s4  }
0xaa: {  	[dreg:$0x4] =	wrdreg $0xC0  }
0xab: {  	_ =	task [dreg:s6], $0x5FFFF  }
0xac: {  	[dreg:$0x1] =	wrdreg $0xFFFFFFFF  }
0xad: {  	[dreg:$0x0] =	wrdreg $0x60  }
0xae: {  	[dreg:$0x2] =	wrdreg s24  }
0xaf: {  	[dreg:$0x3] =	wrdreg $0x103600  }
0xb0: {  	[dreg:$0x4] =	wrdreg $0x19FA00  }
0xb1: {  	[dreg:$0x5] =	wrdreg $0x9  }
0xb2: {  	_ =	task.clear_ibuf [dreg:s6], $0x6FFFF;
	_ =	strace $0x90000046  }
0xb3: {  	s29 =	simm.s32 $0x9;
	_ =	strace $0x80000048  }
0xb4: {  	_ =	swait.ge [sflag:s29], $0x1  }
0xb5: {  	[sflag:s29] =	ssyncadd.s32 $0xFFFFFFFF  }
0xb6: {  	_ =	strace $0x90000048  }
0xb7: {  	_ =	sfence  }
0xb8: {  	s30 =	sld [smem:$0x0];
	_ =	sdelay $0x2  }
0xb9: {  	s31 =	sshll.u32 s1, $0xD;
	s1 =	sshrl.u32 s1, $0x2  }
0xba: {  	s3 =	sand.u32 $0x4000, s31;
	s1 =	sadd.s32 s1, s30  }
0xbb: {  	s0 =	sor.u32 s3, s0;
	s1 =	sshll.u32 s1, $0x11  }
0xbc: {  	s0 =	sor.u32 s1, s0  }
0xbd: {  	s0 =	sadd.s32 $0x8F2B, s0  }
0xbe: {  	[sflag:s0] =	ssyncadd.remote.s32 $0x1  }
0xbf: {  	_ =	sfence.sel $0xFFFF  }
0xc0: {  	[dreg:$0x0] =	wrdreg $0xFFFFFFFF;
	(pc) =	sbr.abs _section_cstart, $3  }
0xc1: {  	[dreg:$0x1] =	wrdreg $0xFFFFFFFF  }
0xc2: {  	_ =	task.clear_ibuf [dreg:s6], $0x2FFFF;
	_ =	strace $0x9FFFFFFF  }
0xc3: {  	(tm) =	ssettm $0x7FFFFFFF  }
tec
execute0_lowered:
.L_overlay_start_1:
0x0: {  	(tag) =	ssettag $0x1  }
0x1: {  	s0 =	rddreg [dreg:$0x0]  }
0x2: {  	s1 =	rddreg [dreg:$0x1];
	s17 =	stileid.u32  }
0x3: {  	s3 =	simm.s32 $0x0;
	s4 =	srdreg.scid;
	s7 =	smul.u32 $0x278, s17  }
0x4: {  	s29 =	simm.s32 $0x4B0;
	[smem:$0x7FF] =	sst s3;
	s10 =	smul.u32 $0x27800, s17  }
0x5: {  	s5 =	sadd.s32 $0x82E00, s0;
	s6 =	sadd.s32 $0xAA000, s0;
	s13 =	smul.u32 $0x9E00, s17  }
0x6: {  	s4 =	sand.u32 $0x1, s4;
	s8 =	sadd.s32 $0x3C00, s0;
	s20 =	smul.u32 $0x2710, s17  }
0x7: {  	s11 =	sadd.s32 $0xAF000, s0;
	s14 =	sadd.s32 $0xD6200, s0;
	s22 =	smul.u32 $0x13C00, s17  }
0x8: {  	s26 =	smul.u32 $0x2780, s17;
	s16 =	sadd.s32 $0x96680, s0;
	p1 =	seq.s32 s17, $0xF  }
0x9: {  	s2 =	rddreg [dreg:$0x2];
	_ =	strace $0x80000047;
	s21 =	smul.u32 $0x138800, s4  }
0xa: {  	s9 =	ssub.s32 $0x2, s4;
	p0 =	seq.s32 s4, $0x1;
	s4 =	smul.u32 $0x27100, s4  }
0xb: {  	[dreg:$0x1b] =	wrdreg s16;
	s12 =	sshrl.u32 s9, $0x1;
	s10 =	sshrl.u32 s10, $0x2  }
0xc: {  	s18 =	sshrl.u32 s13, $0x2;
	s7 =	sadd.s32 $0x190, s7;
	s15 =	sshrl.u32 s20, $0x3  }
0xd: {  	s13 =	simm.s32 $0x0;
	s9 =	ssub.s32 s9, s12;
	s31 =	sadd.s32 s10, s1  }
0xe: {  	s25 =	sadd.s32 s18, s2;
	s12 =	sadd.s32 s8, s15;
	[dreg:$0x8] =	wrdreg s15  }
0xf: {  	s19 =	sshll.u32 s7, $0x6;
	s23 =	sadd.s32 $0x32, s15;
	[dreg:$0x9] =	wrdreg s12  }
0x10: {  	s7 =	sshll.u32 s7, $0x4;
	s18 =	sadd.s32 $0x8A20, s0;
	[dreg:$0xa] =	wrdreg s23  }
0x11: {  	s24 =	sadd.s32 s22, s21;
	s10 =	sshrl.u32 s21, $0x4;
	[dreg:$0xc] =	wrdreg s18  }
0x12: {  	s28 =	sadd.s32 s19, s1;
	s7 =	sadd.s32 s7, s2;
	[dreg:$0x4] =	wrdreg s31  }
0x13: {  	s12 =	sadd.s32 s8, s23;
	s0 =	sadd.s32 s11, s10;
	[dreg:$0x5] =	wrdreg s25  }
0x14: {  	s19 =	smul.u32 $0x4E2, s17;
	s21 =	smax.u32 s9, $0x1;
	[dreg:$0x7] =	wrdreg s7  }
0x15: {  	s17 =	simm.s32 $0x7D0;
	[dreg:$0xb] =	wrdreg s12;
	s12 =	sshrl.u32 s24, $0x4  }
0x16: {  	s7 =	sshrl.u32 s22, $0x1;
	s0 =	sadd.s32 $0x12840, s0;
	[dreg:$0x12] =	wrdreg s21  }
0x17: {  	s22 =	sadd.s32 $0x64, s15;
	s24 =	sadd.s32 $0x96, s15;
	s21 =	simm.s32 $0x5  }
0x18: {  	[dreg:$0x6] =	wrdreg s28;
	s30 =	sadd.s32 s11, s12;
	s12 =	sadd.s32 s26, s4  }
0x19: {  	s7 =	sadd.s32 s7, s1;
	s4 =	sshrl.u32 s4, $0x3;
	[dreg:$0x10] =	wrdreg s0  }
0x1a: {  	[dreg:$0xf] =	wrdreg s19;
	s23 =	sadd.s32 s19, s8;
	s0 =	sadd.s32 s22, s18  }
0x1b: {  	s22 =	simm.s32 $0x7;
	s11 =	simm.s32 $0x3;
	[dreg:$0xd] =	wrdreg s30  }
0x1c: {  	s19 =	simm.s32 $0x2;
	[dreg:$0x13] =	wrdreg s0;
	s0 =	sadd.s32 s24, s18  }
0x1d: {  	s10 =	sshrl.u32 s12, $0x3;
	s30 =	sadd.s32 $0x26980, s2;
	[dreg:$0x14] =	wrdreg s0  }
0x1e: {  	s4 =	sadd.s32 s14, s4;
	s12 =	sadd.s32 $0x25080, s2;
	[dreg:$0x1a] =	wrdreg s30  }
0x1f: {  	s18 =	simm.s32 $0x1;
	s10 =	sadd.s32 s14, s10;
	[dreg:$0x18] =	wrdreg s12  }
0x20: {  	s24 =	simm.s32 $0xC;
	s20 =	sadd.s32 $0x4A10, s4;
	[dreg:$0xe] =	wrdreg s10  }
.Ltmp0:
0x21: {  	s0 =	sshrl.u32 @!p1 s7, $0x3;
	[dreg:$0x11] =	wrdreg s20;
	(pc) =	sbr.rel .LBB2_1-.Ltmp0, $4  }
0x22: {  	s10 =	sadd.s32 s26, s2;
	[dreg:$0x15] =	wrdreg s0;
	s26 =	sadd.s32 $0x9A600, s1  }
0x23: {  	s7 =	simm.s32 $0x190;
	s0 =	sshrl.u32 @!p1 s10, $0x3;
	[dreg:$0x19] =	wrdreg s26  }
0x24: {  	s14 =	simm.s32 $0x960;
	s10 =	sadd.s32 $0x94200, s1;
	[dreg:$0x16] =	wrdreg s0  }
0x25: {  	v0 =	vimm.s32 $0x0;
	v1 =	vimm.f32 $0.0e+00;
	s20 =	simm.s32 $0xB;
	s26 =	simm.s32 $0x320;
	[dreg:$0x17] =	wrdreg s10  }
.LBB2_13:
0x26: {  	_ =	swait.ge [sflag:s18], $0x6400  }
0x27: {  	[sflag:s18] =	ssyncset.done $0x0  }
0x28: {  	[sflag:s18] =	ssyncadd.s32 $0xFFFF9C00  }
0x29: {  	_ =	swait.ge [sflag:s11], $0x1900  }
0x2a: {  	[sflag:s11] =	ssyncset.done $0x0  }
0x2b: {  	s22 =	simm.s32 $0x7;
	[sflag:s11] =	ssyncadd.s32 $0xFFFFE700  }
0x2c: {  	_ =	swait.ge [sflag:s22], $0x190  }
0x2d: {  	[sflag:s22] =	ssyncset.done $0x0  }
0x2e: {  	[sflag:s22] =	ssyncadd.s32 $0xFFFFFE70  }
0x2f: {  	[spmem:s1] =	stream.indirect.scatter.add.s16 [tilespmem:s14], [sflag:$0xB], $0x40, s26, s7, $0xb8;
	[tilespmem:$0x1C6B0] =	vst v63  }
0x30: {  	s0 =	simm.s32 $0xD160;
	s30 =	simm.s32 $0xD  }
0x31: {  	[spmem:s2] =	stream.indirect.scatter.add.f32 [tilespmem:s0], [sflag:$0xD], $0x10, s26, s7, $0xb8;
	[tilespmem:$0x1C6B0] =	vst v63  }
0x32: {  	s29 =	simm.s32 $0x4B0;
	_ =	swait.ge [sflag:s30], $0x1900  }
0x33: {  	s17 =	simm.s32 $0x7D0;
	[sflag:s30] =	ssyncset.done $0x0;
	s13 =	rddreg [dreg:$0x1c]  }
0x34: {  	s15 =	stileid.u32;
	s31 =	rddreg [dreg:$0x4];
	[sflag:s30] =	ssyncadd.s32 $0xFFFFE700  }
.LBB2_14:
0x35: {  	_ =	swait.ge [sflag:s20], $0x6400  }
0x36: {  	[sflag:s20] =	ssyncset.done $0x0  }
0x37: {  	[sflag:s20] =	ssyncadd.s32 $0xFFFF9C00  }
0x38: {  	[bflag:$0x0] =	sbarrier.arrive $0xFFFF  }
0x39: {  	s10 =	rddreg [dreg:$0x17]  }
0x3a: {  	s4 =	simm.s32 @p1 $0x1FCF;
	s8 =	rddreg [dreg:$0x10];
	s0 =	sshrl.u32 @p1 s10, $0x3  }
0x3b: {  	[hbm:s8], [sflag:s4] =	dma.local @p1 [spmem:s0], $0x1040  }
0x3c: {  	s0 =	simm.s32 @p1 $0xF  }
0x3d: {  	_ =	swait.ge @p1 [sflag:s0], $0x1040  }
0x3e: {  	[sflag:s0] =	ssyncset.done @p1 $0x0;
	s12 =	rddreg [dreg:$0x18]  }
0x3f: {  	s9 =	rddreg [dreg:$0x11];
	[sflag:s0] =	ssyncadd.s32 @p1 $0xFFFFEFC0;
	s8 =	sshrl.u32 @p1 s12, $0x3  }
0x40: {  	[hbm:s9], [sflag:s4] =	dma.local @p1 [spmem:s8], $0x410  }
0x41: {  	_ =	swait.ge @p1 [sflag:s0], $0x410  }
0x42: {  	s4 =	sshll.u32 @!p1 s15, $0x6;
	[sflag:s0] =	ssyncset.done @p1 $0x0;
	s8 =	rddreg [dreg:$0x15]  }
0x43: {  	[sflag:s0] =	ssyncadd.s32 @p1 $0xFFFFFBF0;
	s0 =	sor.u32 @!p1 $0x1C0F, s4;
	s4 =	rddreg [dreg:$0xd]  }
0x44: {  	[hbm:s4], [sflag:s0] =	dma.local @!p1 [spmem:s8], $0x13C0  }
0x45: {  	s4 =	simm.s32 @!p1 $0xF  }
0x46: {  	_ =	swait.ge @!p1 [sflag:s4], $0x13C0  }
0x47: {  	[sflag:s4] =	ssyncset.done @!p1 $0x0;
	s8 =	rddreg [dreg:$0xe]  }
0x48: {  	s9 =	rddreg [dreg:$0x16];
	[sflag:s4] =	ssyncadd.s32 @!p1 $0xFFFFEC40  }
0x49: {  	[hbm:s8], [sflag:s0] =	dma.local @!p1 [spmem:s9], $0x4F0  }
0x4a: {  	_ =	swait.ge @!p1 [sflag:s4], $0x4F0  }
0x4b: {  	s13 =	sadd.s32 $0x1, s13;
	s30 =	rddreg [dreg:$0x12]  }
0x4c: {  	p2 =	sne.s32 s13, s30  }
.Ltmp1:
0x4d: {  	_ = 	snop;
	(pc) =	sbr.rel @!p2 .LBB2_15-.Ltmp1, $3  }
0x4e: {  	_ =	sdelay $0x1  }
0x4f: {  	[sflag:s4] =	ssyncset.done @!p1 $0x0  }
0x50: {  	[sflag:s4] =	ssyncadd.s32 @!p1 $0xFFFFFB10  }
.LBB2_1:
0x51: {  	s0 =	simm.s32 $0x980  }
0x52: {  	[tilespmem:s0+$0x0] =	vst v0  }
0x53: {  	[tilespmem:s0+$0xFFFFFFE0] =	vst v0  }
0x54: {  	[tilespmem:s0+$0x10] =	vst v0  }
0x55: {  	[dreg:$0x1c] =	wrdreg s13;
	s4 =	simm.s32 $0x40;
	s8 =	simm.s32 $0x0;
	[tilespmem:s0+$0xFFFFFFF0] =	vst v0  }
.LBB2_2:
0x56: {  	p2 =	sne.s32 s4, $0x63C0  }
0x57: {  	[tilespmem:s8+$0xD160] =	vst v1;
	s0 =	sadd.s32 $0x40, s0;
	s8 =	smov.u32 s4;
	s4 =	sadd.s32 $0x40, s4  }
.Ltmp2:
0x58: {  	[tilespmem:s0+$0x0] =	vst v0;
	(pc) =	sbr.rel @p2 .LBB2_2-.Ltmp2, $4  }
0x59: {  	_ = 	snop  }
0x5a: {  	[tilespmem:s0+$0xFFFFFFE0] =	vst v0  }
0x5b: {  	[tilespmem:s0+$0x10] =	vst v0  }
0x5c: {  	s8 =	sshra.s32 s8, $0x2;
	[tilespmem:s0+$0xFFFFFFF0] =	vst v0  }
0x5d: {  	[tilespmem:s8+$0xD160] =	vst v1;
	s0 =	simm.s32 @p1 $0x960;
	s4 =	simm.s32 @p1 $0xF  }
0x5e: {  	[spmem:s10] =	stream.linear.scatter @p1 [tilespmem:s0], [sflag:$0xF], $0x6400, $0x38;
	[tilespmem:$0x1C6B0] =	vst v63  }
0x5f: {  	_ =	swait.ge @p1 [sflag:s4], $0x6400  }
0x60: {  	[sflag:s4] =	ssyncset.done @p1 $0x0  }
0x61: {  	s8 =	simm.s32 @p1 $0xD160;
	[sflag:s4] =	ssyncadd.s32 @p1 $0xFFFF9C00  }
0x62: {  	[spmem:s12] =	stream.linear.scatter @p1 [tilespmem:s8], [sflag:$0xF], $0x1900, $0x38;
	[tilespmem:$0x1C6B0] =	vst v63  }
0x63: {  	_ =	swait.ge @p1 [sflag:s4], $0x1900  }
0x64: {  	[sflag:s4] =	ssyncset.done @p1 $0x0  }
0x65: {  	s9 =	rddreg [dreg:$0x19];
	[sflag:s4] =	ssyncadd.s32 @p1 $0xFFFFE700  }
0x66: {  	[spmem:s9] =	stream.linear.scatter @p1 [tilespmem:s0], [sflag:$0xF], $0x1E00, $0x38;
	[tilespmem:$0x1C6B0] =	vst v63  }
0x67: {  	_ =	swait.ge @p1 [sflag:s4], $0x1E00  }
0x68: {  	[sflag:s4] =	ssyncset.done @p1 $0x0  }
0x69: {  	s0 =	rddreg [dreg:$0x1a];
	[sflag:s4] =	ssyncadd.s32 @p1 $0xFFFFE200  }
0x6a: {  	[spmem:s0] =	stream.linear.scatter @p1 [tilespmem:s8], [sflag:$0xF], $0x780, $0x38;
	[tilespmem:$0x1C6B0] =	vst v63  }
0x6b: {  	_ =	swait.ge @p1 [sflag:s4], $0x780  }
0x6c: {  	[sflag:s4] =	ssyncset.done @p1 $0x0  }
0x6d: {  	s0 =	simm.s32 @!p1 $0x960;
	[sflag:s4] =	ssyncadd.s32 @p1 $0xFFFFF880;
	s4 =	simm.s32 @!p1 $0xF  }
0x6e: {  	[spmem:s31] =	stream.linear.scatter @!p1 [tilespmem:s0], [sflag:$0xF], $0x6400, $0x38;
	[tilespmem:$0x1C6B0] =	vst v63  }
0x6f: {  	_ =	swait.ge @!p1 [sflag:s4], $0x6400  }
0x70: {  	[sflag:s4] =	ssyncset.done @!p1 $0x0  }
0x71: {  	s8 =	simm.s32 @!p1 $0xD160;
	[sflag:s4] =	ssyncadd.s32 @!p1 $0xFFFF9C00  }
0x72: {  	[spmem:s25] =	stream.linear.scatter @!p1 [tilespmem:s8], [sflag:$0xF], $0x1900, $0x38;
	[tilespmem:$0x1C6B0] =	vst v63  }
0x73: {  	_ =	swait.ge @!p1 [sflag:s4], $0x1900  }
0x74: {  	[sflag:s4] =	ssyncset.done @!p1 $0x0  }
0x75: {  	[sflag:s4] =	ssyncadd.s32 @!p1 $0xFFFFE700  }
0x76: {  	[spmem:s28] =	stream.linear.scatter @!p1 [tilespmem:s0], [sflag:$0xF], $0x3A00, $0x38;
	[tilespmem:$0x1C6B0] =	vst v63  }
0x77: {  	_ =	swait.ge @!p1 [sflag:s4], $0x3A00  }
0x78: {  	[sflag:s4] =	ssyncset.done @!p1 $0x0  }
0x79: {  	s0 =	rddreg [dreg:$0x7];
	[sflag:s4] =	ssyncadd.s32 @!p1 $0xFFFFC600  }
0x7a: {  	[spmem:s0] =	stream.linear.scatter @!p1 [tilespmem:s8], [sflag:$0xF], $0xE80, $0x38;
	[tilespmem:$0x1C6B0] =	vst v63  }
0x7b: {  	_ =	swait.ge @!p1 [sflag:s4], $0xE80  }
0x7c: {  	[sflag:s4] =	ssyncset.done @!p1 $0x0  }
0x7d: {  	[sflag:s4] =	ssyncadd.s32 @!p1 $0xFFFFF180  }
0x7e: {  	[bflag:$0x0] =	sbarrier.arrive $0xFFFF  }
0x7f: {  	s15 =	simm.s32 $0xF;
	s13 =	rddreg [dreg:$0x9]  }
0x80: {  	[tilespmem:s3], [sflag:$0xF] =	stream.linear.gather [hbm4b:s13+s3], $0x190, $0x38;
	[tilespmem:$0x1C6B0] =	vst v63  }
0x81: {  	_ =	swait.ge [sflag:s15], $0x190  }
0x82: {  	[sflag:s15] =	ssyncset.done $0x0  }
0x83: {  	s31 =	rddreg [dreg:$0xb];
	[sflag:s15] =	ssyncadd.s32 $0xFFFFFE70  }
0x84: {  	[tilespmem:s7], [sflag:$0xF] =	stream.linear.gather [hbm4b:s31+s3], $0x190, $0x38;
	[tilespmem:$0x1C6B0] =	vst v63  }
0x85: {  	_ =	swait.ge [sflag:s15], $0x190  }
0x86: {  	s8 =	rddreg [dreg:$0x8]  }
0x87: {  	[sflag:s15] =	ssyncset.done $0x0;
	s9 =	rddreg [dreg:$0xc]  }
0x88: {  	s10 =	rddreg [dreg:$0xa];
	[sflag:s15] =	ssyncadd.s32 $0xFFFFFE70;
	s0 =	sadd.s32 s8, s9  }
0x89: {  	[tilespmem:s26], [sflag:$0x7] =	stream.linear.gather [hbm4b:s0+s3], $0x190, $0x38;
	[tilespmem:$0x1C6B0] =	vst v63  }
0x8a: {  	s0 =	sadd.s32 s10, s9  }
0x8b: {  	[tilespmem:s29], [sflag:$0x8] =	stream.linear.gather [hbm4b:s0+s3], $0x190, $0x38;
	[tilespmem:$0x1C6B0] =	vst v63  }
.Ltmp3:
0x8c: {  	s12 =	rddreg [dreg:$0x13];
	(pc) =	sbr.rel @!p0 .LBB2_4-.Ltmp3, $4  }
0x8d: {  	s13 =	simm.s32 $0x640;
	s31 =	rddreg [dreg:$0xf]  }
0x8e: {  	[tilespmem:s13], [sflag:$0x9] =	stream.linear.gather [hbm4b:s12+s3], $0x190, $0x38;
	[tilespmem:$0x1C6B0] =	vst v63  }
0x8f: {  	s15 =	rddreg [dreg:$0x14];
	s30 =	sadd.s32 s9, s31  }
0x90: {  	[tilespmem:s17], [sflag:$0xA] =	stream.linear.gather [hbm4b:s15+s3], $0x190, $0x38;
	[tilespmem:$0x1C6B0] =	vst v63  }
.Ltmp4:
0x91: {  	(pc) =	sbr.rel .LBB2_8-.Ltmp4, $4  }
0x92: {  	s22 =	simm.s32 $0x7D0;
	s17 =	simm.s32 $0x4B0;
	s15 =	simm.s32 $0x0  }
0x93: {  	[tilespmem:s14], [sflag:$0x1] =	stream.indirect.gather [hbm4b:s16+s7], $0x40, s15, s7, $0xb8;
	[tilespmem:$0x1C6B0] =	vst v63  }
0x94: {  	s13 =	simm.s32 $0x6D60;
	s4 =	simm.s32 $0x3;
	s31 =	simm.s32 $0x0  }
0x95: {  	[tilespmem:s13], [sflag:$0x2] =	stream.indirect.gather [hbm4b:s16+s7], $0x40, s7, s7, $0xb8;
	[tilespmem:$0x1C6B0] =	vst v63  }
.LBB2_9:
0x96: {  	[tilespmem:s3], [sflag:$0x5] =	stream.linear.gather [hbm4b:s0+s3], $0x190, $0x38;
	[tilespmem:$0x1C6B0] =	vst v63  }
0x97: {  	s13 =	simm.s32 $0x9  }
0x98: {  	_ =	swait.ge [sflag:s13], $0x190  }
0x99: {  	[sflag:s13] =	ssyncset.done $0x0  }
0x9a: {  	s8 =	simm.s32 $0x640;
	[sflag:s13] =	ssyncadd.s32 $0xFFFFFE70  }
0x9b: {  	[spmem:s1] =	stream.indirect.scatter.add.s16 [tilespmem:s14], [sflag:$0xB], $0x40, s8, s7, $0xb8;
	[tilespmem:$0x1C6B0] =	vst v63  }
0x9c: {  	_ =	swait.ge [sflag:s20], $0x6400  }
0x9d: {  	[sflag:s20] =	ssyncset.done $0x0  }
0x9e: {  	s1 =	simm.s32 $0xA;
	[sflag:s20] =	ssyncadd.s32 $0xFFFF9C00  }
.LBB2_11:
0x9f: {  	s0 =	sadd.s32 $0x12C, s29  }
0xa0: {  	[tilespmem:s8], [sflag:$0x9] =	stream.linear.gather [hbm4b:s0+s3], $0x190, $0x38;
	[tilespmem:$0x1C6B0] =	vst v63  }
.LBB2_12:
0xa1: {  	_ =	swait.ge [sflag:s21], $0x190  }
0xa2: {  	[sflag:s21] =	ssyncset.done $0x0  }
0xa3: {  	[sflag:s21] =	ssyncadd.s32 $0xFFFFFE70  }
0xa4: {  	[tilespmem:s14], [sflag:$0x1] =	stream.indirect.gather [hbm4b:s16+s7], $0x40, s3, s7, $0xb8;
	[tilespmem:$0x1C6B0] =	vst v63  }
0xa5: {  	s0 =	simm.s32 @!p3 $0x190;
	s8 =	simm.s32 @!p3 $0x0;
	s9 =	simm.s32 @!p3 $0xD160  }
0xa6: {  	[tilespmem:s9], [sflag:$0x3] =	stream.indirect.gather @!p3 [hbm4b:s6+s0], $0x10, s8, s0, $0xb8;
	[tilespmem:$0x1C6B0] =	vst v63  }
0xa7: {  	s29 =	sadd.s32 $0xFFFFFFF1, s4;
	_ =	swait.ge [sflag:s19], $0x6400  }
0xa8: {  	p3 =	sgt.u32 s29, $0xB;
	[sflag:s19] =	ssyncset.done $0x0  }
0xa9: {  	s0 =	simm.s32 @!p3 $0x4;
	[sflag:s19] =	ssyncadd.s32 $0xFFFF9C00  }
0xaa: {  	_ =	swait.ge @!p3 [sflag:s0], $0x1900  }
0xab: {  	[sflag:s0] =	ssyncset.done @!p3 $0x0  }
0xac: {  	[sflag:s0] =	ssyncadd.s32 @!p3 $0xFFFFE700;
	s0 =	sadd.s32 @!p2 s15, s23  }
0xad: {  	s8 =	simm.s32 @!p2 $0x0;
	s9 =	simm.s32 @!p2 $0x190;
	s0 =	sadd.s32 @!p2 $0xFA, s0  }
0xae: {  	[tilespmem:s9], [sflag:$0x6] =	stream.linear.gather @!p2 [hbm4b:s0+s8], $0x190, $0x38;
	[tilespmem:$0x1C6B0] =	vst v63  }
0xaf: {  	_ =	swait.ge [sflag:s1], $0x190  }
0xb0: {  	[sflag:s1] =	ssyncset.done $0x0  }
0xb1: {  	[sflag:s1] =	ssyncadd.s32 $0xFFFFFE70  }
0xb2: {  	s1 =	rddreg [dreg:$0x1]  }
0xb3: {  	[spmem:s1] =	stream.indirect.scatter.add.s16 [tilespmem:s10], [sflag:$0xC], $0x40, s22, s7, $0xb8;
	[tilespmem:$0x1C6B0] =	vst v63  }
0xb4: {  	s12 =	simm.s32 @!p3 $0xEA60;
	s0 =	simm.s32 @!p3 $0x190;
	s10 =	simm.s32 @!p3 $0x7D0  }
0xb5: {  	[spmem:s2] =	stream.indirect.scatter.add.f32 @!p3 [tilespmem:s12], [sflag:$0xE], $0x10, s10, s0, $0xb8;
	[tilespmem:$0x1C6B0] =	vst v63  }
0xb6: {  	s0 =	simm.s32 @!p3 $0xE  }
0xb7: {  	_ =	swait.ge @!p3 [sflag:s0], $0x1900  }
0xb8: {  	[sflag:s0] =	ssyncset.done @!p3 $0x0  }
0xb9: {  	[sflag:s0] =	ssyncadd.s32 @!p3 $0xFFFFE700  }
0xba: {  	_ =	swait.ge [sflag:s24], $0x6400  }
0xbb: {  	[sflag:s24] =	ssyncset.done $0x0  }
0xbc: {  	s10 =	simm.s32 @!p2 $0x7D0;
	s0 =	sadd.s32 @!p2 $0x15E, s26;
	[sflag:s24] =	ssyncadd.s32 $0xFFFF9C00  }
0xbd: {  	[tilespmem:s10], [sflag:$0xA] =	stream.linear.gather @!p2 [hbm4b:s0+s8], $0x190, $0x38;
	[tilespmem:$0x1C6B0] =	vst v63  }
0xbe: {  	s0 =	simm.s32 @!p2 $0x6  }
0xbf: {  	_ =	swait.ge @!p2 [sflag:s0], $0x190  }
0xc0: {  	p3 =	slt.u32 @!p2 s31, $0x2;
	[sflag:s0] =	ssyncset.done @!p2 $0x0  }
0xc1: {  	p3 =	por p3, p2;
	[sflag:s0] =	ssyncadd.s32 @!p2 $0xFFFFFE70;
	s0 =	simm.s32 @!p2 $0x6D60  }
0xc2: {  	[tilespmem:s0], [sflag:$0x2] =	stream.indirect.gather @!p2 [hbm4b:s16+s9], $0x40, s9, s9, $0xb8;
	[tilespmem:$0x1C6B0] =	vst v63  }
0xc3: {  	s15 =	sadd.s32 @!p2 $0xC8, s15;
	s8 =	simm.s32 @!p3 $0xEA60;
	s0 =	simm.s32 @!p3 $0x190  }
0xc4: {  	[tilespmem:s8], [sflag:$0x4] =	stream.indirect.gather @!p3 [hbm4b:s6+s0], $0x10, s0, s0, $0xb8;
	[tilespmem:$0x1C6B0] =	vst v63  }
0xc5: {  	p3 =	sne.s32 @!p2 s15, $0x4B0  }
0xc6: {  	p3 =	por p2, !p3  }
.Ltmp5:
0xc7: {  	_ = 	snop;
	(pc) =	sbr.rel @p3 .LBB2_13-.Ltmp5, $3  }
0xc8: {  	_ =	sdelay $0x1  }
0xc9: {  	s13 =	simm.s32 $0x6D60  }
0xca: {  	s4 =	sadd.s32 @!p2 $0x4, s4;
	s31 =	sadd.s32 @!p2 $0x1, s31;
	s26 =	simm.s32 $0x320  }
.LBB2_8:
0xcb: {  	_ =	swait.ge [sflag:s18], $0x6400;
	s0 =	sadd.s32 $0xFFFFFFED, s4  }
0xcc: {  	[sflag:s18] =	ssyncset.done $0x0;
	p2 =	sgt.u32 s0, $0xB  }
0xcd: {  	[sflag:s18] =	ssyncadd.s32 $0xFFFF9C00;
	s8 =	simm.s32 @!p2 $0x3  }
0xce: {  	_ =	swait.ge @!p2 [sflag:s8], $0x1900  }
0xcf: {  	s0 =	sadd.s32 s15, s23;
	[sflag:s8] =	ssyncset.done @!p2 $0x0  }
0xd0: {  	s10 =	simm.s32 $0x7;
	s9 =	sadd.s32 $0x64, s0;
	[sflag:s8] =	ssyncadd.s32 @!p2 $0xFFFFE700  }
0xd1: {  	[tilespmem:s3], [sflag:$0x5] =	stream.linear.gather [hbm4b:s9+s3], $0x190, $0x38;
	[tilespmem:$0x1C6B0] =	vst v63  }
0xd2: {  	_ =	swait.ge [sflag:s10], $0x190  }
0xd3: {  	[sflag:s10] =	ssyncset.done $0x0  }
0xd4: {  	[sflag:s10] =	ssyncadd.s32 $0xFFFFFE70  }
0xd5: {  	[spmem:s1] =	stream.indirect.scatter.add.s16 [tilespmem:s14], [sflag:$0xB], $0x40, s26, s7, $0xb8;
	[tilespmem:$0x1C6B0] =	vst v63  }
0xd6: {  	s8 =	simm.s32 @!p2 $0x190;
	s9 =	simm.s32 @!p2 $0x320;
	s10 =	simm.s32 @!p2 $0xD160  }
0xd7: {  	[spmem:s2] =	stream.indirect.scatter.add.f32 @!p2 [tilespmem:s10], [sflag:$0xD], $0x10, s9, s8, $0xb8;
	[tilespmem:$0x1C6B0] =	vst v63  }
0xd8: {  	s8 =	simm.s32 @!p2 $0xD  }
0xd9: {  	_ =	swait.ge @!p2 [sflag:s8], $0x1900  }
0xda: {  	[sflag:s8] =	ssyncset.done @!p2 $0x0  }
0xdb: {  	[sflag:s8] =	ssyncadd.s32 @!p2 $0xFFFFE700  }
0xdc: {  	_ =	swait.ge [sflag:s20], $0x6400  }
0xdd: {  	s29 =	sadd.s32 s15, s30;
	[sflag:s20] =	ssyncset.done $0x0  }
0xde: {  	s12 =	sadd.s32 $0xC8, s29;
	[sflag:s20] =	ssyncadd.s32 $0xFFFF9C00  }
0xdf: {  	[tilespmem:s26], [sflag:$0x7] =	stream.linear.gather [hbm4b:s12+s3], $0x190, $0x38;
	[tilespmem:$0x1C6B0] =	vst v63  }
0xe0: {  	_ =	swait.ge [sflag:s21], $0x190  }
0xe1: {  	[sflag:s21] =	ssyncset.done $0x0  }
0xe2: {  	p4 =	sgt.u32 s31, $0x2;
	[sflag:s21] =	ssyncadd.s32 $0xFFFFFE70  }
0xe3: {  	[tilespmem:s14], [sflag:$0x1] =	stream.indirect.gather [hbm4b:s16+s7], $0x40, s3, s7, $0xb8;
	[tilespmem:$0x1C6B0] =	vst v63  }
0xe4: {  	s9 =	simm.s32 @p4 $0x0;
	s10 =	simm.s32 @p4 $0xD160;
	s8 =	simm.s32 @p4 $0x190  }
0xe5: {  	[tilespmem:s10], [sflag:$0x3] =	stream.indirect.gather @p4 [hbm4b:s6+s8], $0x10, s9, s8, $0xb8;
	[tilespmem:$0x1C6B0] =	vst v63  }
0xe6: {  	s8 =	simm.s32 @p4 $0x2  }
0xe7: {  	_ =	swait.ge @p4 [sflag:s8], $0x6400  }
0xe8: {  	[sflag:s8] =	ssyncset.done @p4 $0x0  }
0xe9: {  	[sflag:s8] =	ssyncadd.s32 @p4 $0xFFFF9C00;
	s8 =	simm.s32 @p4 $0x4  }
0xea: {  	_ =	swait.ge @p4 [sflag:s8], $0x1900  }
0xeb: {  	[sflag:s8] =	ssyncset.done @p4 $0x0  }
0xec: {  	[sflag:s8] =	ssyncadd.s32 @p4 $0xFFFFE700;
	s8 =	simm.s32 @!p4 $0x2  }
0xed: {  	_ =	swait.ge @!p4 [sflag:s8], $0x6400  }
0xee: {  	[sflag:s8] =	ssyncset.done @!p4 $0x0  }
0xef: {  	s26 =	sadd.s32 $0x96, s0;
	s10 =	simm.s32 $0x8;
	[sflag:s8] =	ssyncadd.s32 @!p4 $0xFFFF9C00  }
0xf0: {  	[tilespmem:s7], [sflag:$0x6] =	stream.linear.gather [hbm4b:s26+s3], $0x190, $0x38;
	[tilespmem:$0x1C6B0] =	vst v63  }
0xf1: {  	_ =	swait.ge [sflag:s10], $0x190  }
0xf2: {  	s9 =	smov.u32 s2;
	[sflag:s10] =	ssyncset.done $0x0  }
0xf3: {  	p3 =	slt.u32 s31, $0x3;
	s2 =	smov.u32 s9;
	[sflag:s10] =	ssyncadd.s32 $0xFFFFFE70  }
0xf4: {  	[spmem:s1] =	stream.indirect.scatter.add.s16 [tilespmem:s13], [sflag:$0xC], $0x40, s17, s7, $0xb8;
	[tilespmem:$0x1C6B0] =	vst v63  }
0xf5: {  	s9 =	simm.s32 @!p3 $0x4B0;
	s8 =	simm.s32 @!p3 $0x190;
	s10 =	simm.s32 @!p3 $0xEA60  }
0xf6: {  	[spmem:s2] =	stream.indirect.scatter.add.f32 @!p3 [tilespmem:s10], [sflag:$0xE], $0x10, s9, s8, $0xb8;
	[tilespmem:$0x1C6B0] =	vst v63  }
0xf7: {  	s8 =	simm.s32 @!p3 $0xE  }
0xf8: {  	_ =	swait.ge @!p3 [sflag:s8], $0x1900  }
0xf9: {  	[sflag:s8] =	ssyncset.done @!p3 $0x0  }
0xfa: {  	[sflag:s8] =	ssyncadd.s32 @!p3 $0xFFFFE700  }
0xfb: {  	p2 =	seq.s32 s15, $0x3E8;
	s12 =	simm.s32 $0x6;
	_ =	swait.ge [sflag:s24], $0x6400  }
0xfc: {  	s26 =	sadd.s32 @!p2 s15, s30;
	s9 =	simm.s32 @!p2 $0x0;
	[sflag:s24] =	ssyncset.done $0x0  }
0xfd: {  	s10 =	simm.s32 @!p2 $0x4B0;
	s8 =	sadd.s32 @!p2 $0xFA, s26;
	[sflag:s24] =	ssyncadd.s32 $0xFFFF9C00  }
0xfe: {  	[tilespmem:s10], [sflag:$0x8] =	stream.linear.gather @!p2 [hbm4b:s8+s9], $0x190, $0x38;
	[tilespmem:$0x1C6B0] =	vst v63  }
0xff: {  	_ =	swait.ge [sflag:s12], $0x190  }
0x100: {  	[sflag:s12] =	ssyncset.done $0x0  }
0x101: {  	p5 =	slt.u32 s4, $0xD;
	[sflag:s12] =	ssyncadd.s32 $0xFFFFFE70  }
0x102: {  	[tilespmem:s13], [sflag:$0x2] =	stream.indirect.gather [hbm4b:s16+s7], $0x40, s7, s7, $0xb8;
	[tilespmem:$0x1C6B0] =	vst v63  }
.Ltmp6:
0x103: {  	s8 =	simm.s32 @!p5 $0x190;
	s9 =	simm.s32 @!p5 $0xEA60;
	(pc) =	sbr.rel @!p4 .LBB2_9-.Ltmp6, $4  }
0x104: {  	[tilespmem:s9], [sflag:$0x4] =	stream.indirect.gather @!p5 [hbm4b:s6+s8], $0x10, s8, s8, $0xb8;
	[tilespmem:$0x1C6B0] =	vst v63  }
0x105: {  	_ =	swait.ge [sflag:s18], $0x6400  }
0x106: {  	[sflag:s18] =	ssyncset.done $0x0  }
0x107: {  	s0 =	sadd.s32 $0xC8, s0;
	s10 =	simm.s32 $0x6D60;
	[sflag:s18] =	ssyncadd.s32 $0xFFFF9C00  }
0x108: {  	_ =	swait.ge [sflag:s11], $0x1900  }
0x109: {  	[sflag:s11] =	ssyncset.done $0x0  }
0x10a: {  	s9 =	simm.s32 $0x9;
	[sflag:s11] =	ssyncadd.s32 $0xFFFFE700  }
0x10b: {  	[tilespmem:s3], [sflag:$0x5] =	stream.linear.gather [hbm4b:s0+s3], $0x190, $0x38;
	[tilespmem:$0x1C6B0] =	vst v63  }
0x10c: {  	_ =	swait.ge [sflag:s9], $0x190  }
0x10d: {  	[sflag:s9] =	ssyncset.done $0x0  }
0x10e: {  	s8 =	simm.s32 $0x640;
	[sflag:s9] =	ssyncadd.s32 $0xFFFFFE70  }
0x10f: {  	[spmem:s1] =	stream.indirect.scatter.add.s16 [tilespmem:s14], [sflag:$0xB], $0x40, s8, s7, $0xb8;
	[tilespmem:$0x1C6B0] =	vst v63  }
0x110: {  	s12 =	simm.s32 $0xD160;
	s13 =	simm.s32 $0xD  }
0x111: {  	[spmem:s2] =	stream.indirect.scatter.add.f32 [tilespmem:s12], [sflag:$0xD], $0x10, s8, s7, $0xb8;
	[tilespmem:$0x1C6B0] =	vst v63  }
0x112: {  	_ =	swait.ge [sflag:s13], $0x1900  }
.Ltmp7:
0x113: {  	[sflag:s13] =	ssyncset.done $0x0;
	(pc) =	sbr.rel @p2 .LBB2_12-.Ltmp7, $4  }
.Ltmp8:
0x114: {  	[sflag:s13] =	ssyncadd.s32 $0xFFFFE700;
	(pc) =	sbr.rel @!p2 .LBB2_11-.Ltmp8, $4  }
0x115: {  	_ =	swait.ge [sflag:s20], $0x6400  }
0x116: {  	[sflag:s20] =	ssyncset.done $0x0  }
0x117: {  	s1 =	simm.s32 $0xA;
	[sflag:s20] =	ssyncadd.s32 $0xFFFF9C00  }
0x118: {  	_ = 	snop  }
.LBB2_4:
0x119: {  	s4 =	simm.s32 $0x0  }
0x11a: {  	[tilespmem:s14], [sflag:$0x1] =	stream.indirect.gather [hbm4b:s5+s7], $0x40, s4, s7, $0xb8;
	[tilespmem:$0x1C6B0] =	vst v63  }
0x11b: {  	s0 =	simm.s32 $0xD160  }
0x11c: {  	[tilespmem:s0], [sflag:$0x3] =	stream.indirect.gather [hbm4b:s6+s7], $0x10, s4, s7, $0xb8;
	[tilespmem:$0x1C6B0] =	vst v63  }
0x11d: {  	s25 =	simm.s32 $0x6D60;
	s28 =	simm.s32 $0xEA60;
	s15 =	simm.s32 $0x3  }
0x11e: {  	[tilespmem:s25], [sflag:$0x2] =	stream.indirect.gather [hbm4b:s5+s7], $0x40, s7, s7, $0xb8;
	[tilespmem:$0x1C6B0] =	vst v63  }
0x11f: {  	s31 =	simm.s32 $0x0;
	s11 =	simm.s32 $0x6;
	s16 =	simm.s32 $0xA  }
0x120: {  	[tilespmem:s28], [sflag:$0x4] =	stream.indirect.gather [hbm4b:s6+s7], $0x10, s7, s7, $0xb8;
	[tilespmem:$0x1C6B0] =	vst v63  }
.LBB2_5:
0x121: {  	_ =	swait.ge [sflag:s18], $0x6400  }
0x122: {  	p2 =	sgt.u32 s31, $0x3;
	[sflag:s18] =	ssyncset.done $0x0  }
0x123: {  	s0 =	simm.s32 @!p2 $0x3;
	[sflag:s18] =	ssyncadd.s32 $0xFFFF9C00  }
0x124: {  	_ =	swait.ge @!p2 [sflag:s0], $0x1900  }
0x125: {  	s9 =	sadd.s32 s4, s23;
	[sflag:s0] =	ssyncset.done @!p2 $0x0  }
0x126: {  	s17 =	sadd.s32 $0x64, s9;
	[sflag:s0] =	ssyncadd.s32 @!p2 $0xFFFFE700  }
0x127: {  	[tilespmem:s3], [sflag:$0x5] =	stream.linear.gather [hbm4b:s17+s3], $0x190, $0x38;
	[tilespmem:$0x1C6B0] =	vst v63  }
0x128: {  	_ =	swait.ge [sflag:s22], $0x190  }
0x129: {  	[sflag:s22] =	ssyncset.done $0x0  }
0x12a: {  	s13 =	simm.s32 $0x960;
	[sflag:s22] =	ssyncadd.s32 $0xFFFFFE70  }
0x12b: {  	[spmem:s1] =	stream.indirect.scatter.add.s16 [tilespmem:s13], [sflag:$0xB], $0x40, s26, s7, $0xb8;
	[tilespmem:$0x1C6B0] =	vst v63  }
0x12c: {  	s8 =	simm.s32 @!p2 $0x320;
	s10 =	simm.s32 @!p2 $0xD160;
	s0 =	simm.s32 @!p2 $0x190  }
0x12d: {  	[spmem:s2] =	stream.indirect.scatter.add.f32 @!p2 [tilespmem:s10], [sflag:$0xD], $0x10, s8, s0, $0xb8;
	[tilespmem:$0x1C6B0] =	vst v63  }
0x12e: {  	s0 =	simm.s32 @!p2 $0xD  }
0x12f: {  	_ =	swait.ge @!p2 [sflag:s0], $0x1900  }
0x130: {  	[sflag:s0] =	ssyncset.done @!p2 $0x0  }
0x131: {  	[sflag:s0] =	ssyncadd.s32 @!p2 $0xFFFFE700  }
0x132: {  	_ =	swait.ge [sflag:s20], $0x6400  }
0x133: {  	s25 =	sadd.s32 s4, s30;
	[sflag:s20] =	ssyncset.done $0x0  }
0x134: {  	s0 =	sadd.s32 $0xC8, s25;
	[sflag:s20] =	ssyncadd.s32 $0xFFFF9C00  }
0x135: {  	[tilespmem:s26], [sflag:$0x7] =	stream.linear.gather [hbm4b:s0+s3], $0x190, $0x38;
	[tilespmem:$0x1C6B0] =	vst v63  }
0x136: {  	_ =	swait.ge [sflag:s21], $0x190  }
0x137: {  	s26 =	sadd.s32 $0xFFFFFFFF, s15;
	[sflag:s21] =	ssyncset.done $0x0  }
0x138: {  	p4 =	sgt.u32 s26, $0xC;
	[sflag:s21] =	ssyncadd.s32 $0xFFFFFE70  }
0x139: {  	[tilespmem:s13], [sflag:$0x1] =	stream.indirect.gather [hbm4b:s5+s7], $0x40, s3, s7, $0xb8;
	[tilespmem:$0x1C6B0] =	vst v63  }
0x13a: {  	s0 =	simm.s32 @!p4 $0x190;
	s8 =	simm.s32 @!p4 $0x0;
	s12 =	simm.s32 @!p4 $0xD160  }
0x13b: {  	[tilespmem:s12], [sflag:$0x3] =	stream.indirect.gather @!p4 [hbm4b:s6+s0], $0x10, s8, s0, $0xb8;
	[tilespmem:$0x1C6B0] =	vst v63  }
0x13c: {  	_ =	swait.ge [sflag:s19], $0x6400  }
0x13d: {  	p3 =	sgt.u32 s31, $0x2;
	[sflag:s19] =	ssyncset.done $0x0  }
0x13e: {  	s10 =	simm.s32 @!p3 $0x4;
	[sflag:s19] =	ssyncadd.s32 $0xFFFF9C00  }
0x13f: {  	_ =	swait.ge @!p3 [sflag:s10], $0x1900  }
0x140: {  	[sflag:s10] =	ssyncset.done @!p3 $0x0  }
0x141: {  	s28 =	simm.s32 $0x8;
	s9 =	sadd.s32 $0x96, s9;
	[sflag:s10] =	ssyncadd.s32 @!p3 $0xFFFFE700  }
0x142: {  	[tilespmem:s7], [sflag:$0x6] =	stream.linear.gather [hbm4b:s9+s3], $0x190, $0x38;
	[tilespmem:$0x1C6B0] =	vst v63  }
0x143: {  	_ =	swait.ge [sflag:s28], $0x190  }
0x144: {  	[sflag:s28] =	ssyncset.done $0x0  }
0x145: {  	s14 =	simm.s32 $0x6D60;
	[sflag:s28] =	ssyncadd.s32 $0xFFFFFE70  }
0x146: {  	[spmem:s1] =	stream.indirect.scatter.add.s16 [tilespmem:s14], [sflag:$0xC], $0x40, s29, s7, $0xb8;
	[tilespmem:$0x1C6B0] =	vst v63  }
0x147: {  	s26 =	simm.s32 @!p3 $0xEA60;
	s10 =	simm.s32 @!p3 $0x4B0;
	s9 =	simm.s32 @!p3 $0x190  }
0x148: {  	[spmem:s2] =	stream.indirect.scatter.add.f32 @!p3 [tilespmem:s26], [sflag:$0xE], $0x10, s10, s9, $0xb8;
	[tilespmem:$0x1C6B0] =	vst v63  }
0x149: {  	s10 =	simm.s32 @!p3 $0xE  }
0x14a: {  	_ =	swait.ge @!p3 [sflag:s10], $0x1900  }
0x14b: {  	[sflag:s10] =	ssyncset.done @!p3 $0x0  }
0x14c: {  	[sflag:s10] =	ssyncadd.s32 @!p3 $0xFFFFE700  }
0x14d: {  	p2 =	seq.s32 s4, $0x3E8;
	_ =	swait.ge [sflag:s24], $0x6400  }
0x14e: {  	s28 =	simm.s32 @!p2 $0x4B0;
	s26 =	sadd.s32 @!p2 s4, s30;
	[sflag:s24] =	ssyncset.done $0x0  }
0x14f: {  	s29 =	simm.s32 @!p2 $0x0;
	s10 =	sadd.s32 @!p2 $0xFA, s26;
	[sflag:s24] =	ssyncadd.s32 $0xFFFF9C00  }
0x150: {  	[tilespmem:s28], [sflag:$0x8] =	stream.linear.gather @!p2 [hbm4b:s10+s29], $0x190, $0x38;
	[tilespmem:$0x1C6B0] =	vst v63  }
0x151: {  	_ =	swait.ge [sflag:s11], $0x190  }
0x152: {  	[sflag:s11] =	ssyncset.done $0x0  }
0x153: {  	p5 =	sgt.u32 s15, $0xC;
	[sflag:s11] =	ssyncadd.s32 $0xFFFFFE70  }
0x154: {  	[tilespmem:s14], [sflag:$0x2] =	stream.indirect.gather [hbm4b:s5+s7], $0x40, s7, s7, $0xb8;
	[tilespmem:$0x1C6B0] =	vst v63  }
0x155: {  	s10 =	simm.s32 @!p5 $0x190;
	s28 =	simm.s32 @!p5 $0xEA60  }
0x156: {  	[tilespmem:s28], [sflag:$0x4] =	stream.indirect.gather @!p5 [hbm4b:s6+s10], $0x10, s10, s10, $0xb8;
	[tilespmem:$0x1C6B0] =	vst v63  }
0x157: {  	_ =	swait.ge [sflag:s18], $0x6400  }
0x158: {  	s22 =	sadd.s32 @p4 s4, s23;
	[sflag:s18] =	ssyncset.done $0x0  }
0x159: {  	s17 =	simm.s32 @p4 $0x0;
	s22 =	sadd.s32 @p4 $0xC8, s22;
	[sflag:s18] =	ssyncadd.s32 $0xFFFF9C00  }
0x15a: {  	[tilespmem:s17], [sflag:$0x5] =	stream.linear.gather @p4 [hbm4b:s22+s17], $0x190, $0x38;
	[tilespmem:$0x1C6B0] =	vst v63  }
0x15b: {  	s17 =	simm.s32 @p4 $0x9  }
0x15c: {  	_ =	swait.ge @p4 [sflag:s17], $0x190  }
0x15d: {  	s25 =	simm.s32 @p4 $0x960;
	[sflag:s17] =	ssyncset.done @p4 $0x0  }
0x15e: {  	s22 =	simm.s32 @p4 $0x640;
	[sflag:s17] =	ssyncadd.s32 @p4 $0xFFFFFE70;
	s17 =	simm.s32 @p4 $0x190  }
0x15f: {  	[spmem:s1] =	stream.indirect.scatter.add.s16 @p4 [tilespmem:s25], [sflag:$0xB], $0x40, s22, s17, $0xb8;
	[tilespmem:$0x1C6B0] =	vst v63  }
0x160: {  	s17 =	simm.s32 @!p4 $0x3  }
0x161: {  	_ =	swait.ge @!p4 [sflag:s17], $0x1900  }
0x162: {  	s22 =	sadd.s32 @!p4 s4, s23;
	[sflag:s17] =	ssyncset.done @!p4 $0x0  }
0x163: {  	[sflag:s17] =	ssyncadd.s32 @!p4 $0xFFFFE700;
	s17 =	sadd.s32 @!p4 $0xC8, s22  }
0x164: {  	[tilespmem:s8], [sflag:$0x5] =	stream.linear.gather @!p4 [hbm4b:s17+s8], $0x190, $0x38;
	[tilespmem:$0x1C6B0] =	vst v63  }
0x165: {  	s8 =	simm.s32 @!p4 $0x9  }
0x166: {  	_ =	swait.ge @!p4 [sflag:s8], $0x190  }
0x167: {  	[sflag:s8] =	ssyncset.done @!p4 $0x0  }
0x168: {  	s17 =	simm.s32 @!p4 $0x960;
	[sflag:s8] =	ssyncadd.s32 @!p4 $0xFFFFFE70;
	s8 =	simm.s32 @!p4 $0x640  }
0x169: {  	[spmem:s1] =	stream.indirect.scatter.add.s16 @!p4 [tilespmem:s17], [sflag:$0xB], $0x40, s8, s0, $0xb8;
	[tilespmem:$0x1C6B0] =	vst v63  }
0x16a: {  	_ = 	snop  }
0x16b: {  	[spmem:s2] =	stream.indirect.scatter.add.f32 @!p4 [tilespmem:s12], [sflag:$0xD], $0x10, s8, s0, $0xb8;
	[tilespmem:$0x1C6B0] =	vst v63  }
0x16c: {  	s0 =	simm.s32 @!p4 $0xD  }
0x16d: {  	_ =	swait.ge @!p4 [sflag:s0], $0x1900  }
0x16e: {  	[sflag:s0] =	ssyncset.done @!p4 $0x0  }
0x16f: {  	[sflag:s0] =	ssyncadd.s32 @!p4 $0xFFFFE700  }
0x170: {  	_ =	swait.ge [sflag:s20], $0x6400  }
0x171: {  	[sflag:s20] =	ssyncset.done $0x0  }
0x172: {  	s8 =	simm.s32 @!p2 $0x640;
	s0 =	sadd.s32 @!p2 $0x12C, s26;
	[sflag:s20] =	ssyncadd.s32 $0xFFFF9C00  }
0x173: {  	[tilespmem:s8], [sflag:$0x9] =	stream.linear.gather @!p2 [hbm4b:s0+s29], $0x190, $0x38;
	[tilespmem:$0x1C6B0] =	vst v63  }
0x174: {  	_ =	swait.ge [sflag:s21], $0x190  }
0x175: {  	[sflag:s21] =	ssyncset.done $0x0  }
0x176: {  	[sflag:s21] =	ssyncadd.s32 $0xFFFFFE70  }
0x177: {  	[tilespmem:s13], [sflag:$0x1] =	stream.indirect.gather [hbm4b:s5+s7], $0x40, s3, s7, $0xb8;
	[tilespmem:$0x1C6B0] =	vst v63  }
0x178: {  	s0 =	simm.s32 @!p3 $0x0;
	s8 =	simm.s32 @!p3 $0xD160  }
0x179: {  	[tilespmem:s8], [sflag:$0x3] =	stream.indirect.gather @!p3 [hbm4b:s6+s9], $0x10, s0, s9, $0xb8;
	[tilespmem:$0x1C6B0] =	vst v63  }
0x17a: {  	_ =	swait.ge [sflag:s19], $0x6400  }
0x17b: {  	[sflag:s19] =	ssyncset.done $0x0  }
0x17c: {  	s0 =	simm.s32 @!p5 $0x4;
	[sflag:s19] =	ssyncadd.s32 $0xFFFF9C00  }
0x17d: {  	_ =	swait.ge @!p5 [sflag:s0], $0x1900  }
0x17e: {  	s8 =	sadd.s32 @!p2 s4, s23;
	[sflag:s0] =	ssyncset.done @!p5 $0x0  }
0x17f: {  	[sflag:s0] =	ssyncadd.s32 @!p5 $0xFFFFE700;
	s0 =	sadd.s32 @!p2 $0xFA, s8;
	s8 =	simm.s32 @!p2 $0x190  }
0x180: {  	[tilespmem:s8], [sflag:$0x6] =	stream.linear.gather @!p2 [hbm4b:s0+s29], $0x190, $0x38;
	[tilespmem:$0x1C6B0] =	vst v63  }
0x181: {  	_ =	swait.ge [sflag:s16], $0x190  }
0x182: {  	[sflag:s16] =	ssyncset.done $0x0  }
0x183: {  	s17 =	simm.s32 $0x7D0;
	[sflag:s16] =	ssyncadd.s32 $0xFFFFFE70  }
0x184: {  	[spmem:s1] =	stream.indirect.scatter.add.s16 [tilespmem:s14], [sflag:$0xC], $0x40, s17, s7, $0xb8;
	[tilespmem:$0x1C6B0] =	vst v63  }
0x185: {  	s0 =	simm.s32 @!p5 $0x7D0  }
0x186: {  	[spmem:s2] =	stream.indirect.scatter.add.f32 @!p5 [tilespmem:s28], [sflag:$0xE], $0x10, s0, s10, $0xb8;
	[tilespmem:$0x1C6B0] =	vst v63  }
0x187: {  	s0 =	simm.s32 @!p5 $0xE  }
0x188: {  	_ =	swait.ge @!p5 [sflag:s0], $0x1900  }
0x189: {  	[sflag:s0] =	ssyncset.done @!p5 $0x0  }
0x18a: {  	[sflag:s0] =	ssyncadd.s32 @!p5 $0xFFFFE700  }
0x18b: {  	_ =	swait.ge [sflag:s24], $0x6400  }
0x18c: {  	[sflag:s24] =	ssyncset.done $0x0  }
0x18d: {  	s9 =	simm.s32 @!p2 $0x7D0;
	s0 =	sadd.s32 @!p2 $0x15E, s26;
	[sflag:s24] =	ssyncadd.s32 $0xFFFF9C00  }
0x18e: {  	[tilespmem:s9], [sflag:$0xA] =	stream.linear.gather @!p2 [hbm4b:s0+s29], $0x190, $0x38;
	[tilespmem:$0x1C6B0] =	vst v63  }
0x18f: {  	s0 =	simm.s32 @!p2 $0x6  }
0x190: {  	_ =	swait.ge @!p2 [sflag:s0], $0x190  }
0x191: {  	p3 =	sgt.u32 @!p2 s31, $0x1;
	[sflag:s0] =	ssyncset.done @!p2 $0x0  }
0x192: {  	p3 =	por p3, p2;
	[sflag:s0] =	ssyncadd.s32 @!p2 $0xFFFFFE70;
	s0 =	simm.s32 @!p2 $0x6D60  }
0x193: {  	[tilespmem:s0], [sflag:$0x2] =	stream.indirect.gather @!p2 [hbm4b:s5+s8], $0x40, s8, s8, $0xb8;
	[tilespmem:$0x1C6B0] =	vst v63  }
0x194: {  	s4 =	sadd.s32 @!p2 $0xC8, s4;
	s0 =	simm.s32 @!p3 $0x190;
	s8 =	simm.s32 @!p3 $0xEA60  }
0x195: {  	[tilespmem:s8], [sflag:$0x4] =	stream.indirect.gather @!p3 [hbm4b:s6+s0], $0x10, s0, s0, $0xb8;
	[tilespmem:$0x1C6B0] =	vst v63  }
0x196: {  	p3 =	sne.s32 @!p2 s4, $0x4B0  }
0x197: {  	p3 =	por p2, !p3  }
.Ltmp9:
0x198: {  	_ = 	snop;
	(pc) =	sbr.rel @!p3 .LBB2_5-.Ltmp9, $3  }
0x199: {  	_ =	sdelay $0x1  }
0x19a: {  	s15 =	sadd.s32 @!p2 $0x4, s15;
	s22 =	simm.s32 $0x7;
	s12 =	simm.s32 $0x960  }
0x19b: {  	s31 =	sadd.s32 @!p2 $0x1, s31;
	s26 =	simm.s32 $0x320;
	s29 =	simm.s32 $0x4B0  }
0x19c: {  	_ =	swait.ge [sflag:s18], $0x6400  }
0x19d: {  	[sflag:s18] =	ssyncset.done $0x0  }
0x19e: {  	[sflag:s18] =	ssyncadd.s32 $0xFFFF9C00  }
0x19f: {  	_ =	swait.ge [sflag:s22], $0x190  }
0x1a0: {  	s31 =	rddreg [dreg:$0x4]  }
.Ltmp10:
0x1a1: {  	s25 =	rddreg [dreg:$0x5];
	(pc) =	sbr.rel .LBB2_14-.Ltmp10, $4  }
0x1a2: {  	s15 =	stileid.u32;
	s28 =	rddreg [dreg:$0x6]  }
0x1a3: {  	s14 =	simm.s32 $0x960;
	[sflag:s22] =	ssyncset.done $0x0;
	s16 =	rddreg [dreg:$0x1b]  }
0x1a4: {  	s11 =	simm.s32 $0x3;
	s13 =	rddreg [dreg:$0x1c];
	[sflag:s22] =	ssyncadd.s32 $0xFFFFFE70  }
0x1a5: {  	[spmem:s1] =	stream.indirect.scatter.add.s16 [tilespmem:s12], [sflag:$0xB], $0x40, s26, s7, $0xb8;
	[tilespmem:$0x1C6B0] =	vst v63  }
.LBB2_15:
0x1a6: {  	_ =	sfence.sel $0x180000  }
0x1a7: {  	[bflag:$0x0] =	sbarrier.arrive $0xFFFF  }
0x1a8: {  	_ =	strace $0x90000047  }
0x1a9: {  	[bflag:$0x2] =	sbarrier.arrive $0xFFFF  }
0x1aa: {  	p0 =	sne.s32 s15, $0x0;
	s0 =	rddreg [dreg:$0x3]  }
0x1ab: {  	s0 =	sadd.s32 @!p0 $0x100000, s0  }
0x1ac: {  	[sflag:s0] =	ssyncadd.tile.s32 @!p0 $0x1;
	_ =	shalt  }
.Lfunc_end2:
_tile_overlayer_lowered:
.L_overlay_start_2:
0x1ad: {  	(tag) =	ssettag $0x2  }
0x1ae: {  	s0 =	rddreg [dreg:$0x0];
	s2 =	stileid.u32  }
0x1af: {  	s1 =	rddreg [dreg:$0x1];
	p0 =	sne.s32 s2, $0x0  }
0x1b0: {  	s3 =	rddreg [dreg:$0x2];
	[bflag:$0x3] =	sbarrier.arrive $0xFFFF;
	s2 =	simm.s32 @!p0 $0x1C0F  }
0x1b1: {  	[timem:s3], [sflag:s2] =	dma.local @!p0 [hbm:s0], s1  }
0x1b2: {  	s0 =	simm.s32 @!p0 $0xF  }
0x1b3: {  	_ =	swait.ge @!p0 [sflag:s0], s1  }
0x1b4: {  	s1 =	ssub.s32 @!p0 $0x0, s1;
	[sflag:s0] =	ssyncset.done @!p0 $0x0  }
0x1b5: {  	[sflag:s0] =	ssyncadd.s32 @!p0 s1  }
0x1b6: {  	[bflag:$0x3] =	sbarrier.arrive $0xFFFF  }
0x1b7: {  	_ =	shalt  }

</sc_bundles>
